<compile_context>
chip_gen: v7x
topology: tpu7x:2x2x1
jax: 0.10.2.dev20260603
libtpu: 0.0.44.dev20260713+nightly
codegen_flags: <defaults>
</compile_context>

<pallas_src>
import functools

import jax
import jax.numpy as jnp
from jax import lax
from jax.experimental import pallas as pl
from jax.experimental.pallas import tpu as pltpu
from jax.experimental.pallas import tpu_sc as plsc

NUM_ROWS = 16384
NUM_COLS = 26
DIM = 32

B_TOTAL = NUM_ROWS * NUM_COLS
NUM_EMB = 1000000
NC = 2
NS = 16
NW = NC * NS
B_PER_W = B_TOTAL // NW
CHUNK = 128
N_CHUNKS = B_PER_W // CHUNK
NBUF = 4
N_GROUPS = N_CHUNKS // NBUF
G2 = N_GROUPS // 2

SB = 512
N_SLABS = NUM_EMB // SB
SLABS_PER_W = 61
TAIL0 = N_SLABS * SB
TAIL = NUM_EMB - TAIL0

_mesh = plsc.VectorSubcoreMesh(core_axis_name="c", subcore_axis_name="s")


@functools.partial(
    pl.kernel,
    out_type=jax.ShapeDtypeStruct((NUM_EMB * DIM // 128, 128), jnp.float32),
    mesh=_mesh,
    scratch_types=[
        pltpu.VMEM((DIM, SB), jnp.float32),
        pltpu.VMEM((DIM, SB), jnp.float32),
        pltpu.VMEM((DIM, TAIL), jnp.float32),
        pltpu.VMEM((SB // 4, 128), jnp.float32),
        pltpu.VMEM((SB // 4, 128), jnp.float32),
        pltpu.SemaphoreType.DMA,
        pltpu.SemaphoreType.DMA,
        pltpu.SemaphoreType.DMA,
        pltpu.SemaphoreType.DMA,
    ],
    compiler_params=pltpu.CompilerParams(use_tc_tiling_on_sc=True,
                                         needs_layout_passes=False),
)
def _transpose_table(wt_hbm, out_hbm, slab_a, slab_b, tail_slab, ot_a, ot_b,
                     isem_a, isem_b, osem_a, osem_b):
    wid = lax.axis_index("s") * NC + lax.axis_index("c")
    k0 = wid * SLABS_PER_W

    def in_slice(k):
        return wt_hbm.at[:, pl.ds(pl.multiple_of(k * SB, SB), SB)]

    def out_slice(k):
        return out_hbm.at[
            pl.ds(pl.multiple_of(k * (SB // 4), SB // 4), SB // 4)]

    def transpose_slab(width, src, ot, carry=0):
        def per_g(g, c2):
            v = g * 16 + lax.iota(jnp.int32, 16)
            row = v >> 2
            col0 = (v & 3) * DIM
            for d in range(DIM):
                plsc.store_scatter(ot, [row, col0 + d],
                                   src[d, pl.ds(g * 16, 16)])
            return c2

        return lax.fori_loop(0, width // 16, per_g, carry)

    pltpu.async_copy(in_slice(k0), slab_a, isem_a)
    pltpu.async_copy(in_slice(k0 + 1), slab_b, isem_b)

    def step(k, slab, ot, isem, osem, prefetch, drain_ot):
        pltpu.make_async_copy(in_slice(k), slab, isem).wait()

        @pl.when(drain_ot)
        def _():
            pltpu.make_async_copy(ot, out_slice(k0), osem).wait()

        transpose_slab(SB, slab, ot)
        pltpu.async_copy(ot, out_slice(k), osem)

        @pl.when(prefetch)
        def _():
            pltpu.async_copy(in_slice(k + 2), slab, isem)

    def body(p, carry):
        ka = k0 + 2 * p
        step(ka, slab_a, ot_a, isem_a, osem_a, True, p > 0)
        step(ka + 1, slab_b, ot_b, isem_b, osem_b, p < 29, p > 0)
        return carry

    lax.fori_loop(0, 30, body, 0)
    step(k0 + 60, slab_a, ot_a, isem_a, osem_a, False, True)
    pltpu.make_async_copy(ot_a, out_slice(k0), osem_a).wait()
    pltpu.make_async_copy(ot_b, out_slice(k0), osem_b).wait()

    @pl.when(wid == 0)
    def _():
        k = SLABS_PER_W * NW
        pltpu.async_copy(in_slice(k), slab_a, isem_a)
        pltpu.make_async_copy(in_slice(k), slab_a, isem_a).wait()
        transpose_slab(SB, slab_a, ot_a)
        pltpu.async_copy(ot_a, out_slice(k), osem_a).wait()
        pltpu.async_copy(wt_hbm.at[:, pl.ds(TAIL0, TAIL)], tail_slab,
                         isem_a).wait()
        transpose_slab(TAIL, tail_slab, ot_a)
        pltpu.async_copy(ot_a.at[pl.ds(0, TAIL // 4)],
                         out_hbm.at[pl.ds(TAIL0 // 4, TAIL // 4)],
                         osem_a).wait()


@functools.partial(
    pl.kernel,
    out_type=jax.ShapeDtypeStruct((B_TOTAL, DIM), jnp.float32),
    mesh=_mesh,
    scratch_types=[
        pltpu.VMEM((N_CHUNKS, CHUNK), jnp.int32),
        pltpu.VMEM((NBUF, CHUNK, DIM), jnp.float32),
        pltpu.VMEM((NBUF, CHUNK, DIM), jnp.float32),
        pltpu.SemaphoreType.DMA,
        pltpu.SemaphoreType.DMA,
        pltpu.SemaphoreType.DMA,
        pltpu.SemaphoreType.DMA,
    ],
    compiler_params=pltpu.CompilerParams(use_tc_tiling_on_sc=False),
)
def _emb_lookup(idx_hbm, table_hbm, out_hbm, idx_v, buf_a, buf_b,
                gsem_a, gsem_b, ssem_a, ssem_b):
    wid = lax.axis_index("s") * NC + lax.axis_index("c")
    base = wid * B_PER_W
    pltpu.sync_copy(idx_hbm.at[wid], idx_v)

    def fire_gathers(g, buf, gsem):
        for b in range(NBUF):
            i = g * NBUF + b
            pltpu.async_copy(table_hbm.at[idx_v.at[i]], buf.at[b], gsem)

    def drain_gathers(g, buf, gsem):
        for b in range(NBUF):
            i = g * NBUF + b
            pltpu.make_async_copy(table_hbm.at[idx_v.at[i]], buf.at[b],
                                  gsem).wait()

    def fire_stores(g, buf, ssem):
        for b in range(NBUF):
            i = g * NBUF + b
            pltpu.async_copy(buf.at[b],
                             out_hbm.at[pl.ds(base + i * CHUNK, CHUNK)], ssem)

    def drain_stores(buf, ssem):
        for b in range(NBUF):
            pltpu.make_async_copy(buf.at[b], out_hbm.at[pl.ds(base, CHUNK)],
                                  ssem).wait()

    fire_gathers(0, buf_a, gsem_a)

    def body(g2, carry):
        ga = 2 * g2
        gb = ga + 1
        drain_gathers(ga, buf_a, gsem_a)

        @pl.when(g2 > 0)
        def _():
            drain_stores(buf_b, ssem_b)

        fire_gathers(gb, buf_b, gsem_b)
        fire_stores(ga, buf_a, ssem_a)
        drain_gathers(gb, buf_b, gsem_b)
        drain_stores(buf_a, ssem_a)

        @pl.when(g2 < G2 - 1)
        def _():
            fire_gathers(ga + 2, buf_a, gsem_a)

        fire_stores(gb, buf_b, ssem_b)
        return carry

    lax.fori_loop(0, G2, body, 0)
    drain_stores(buf_b, ssem_b)


def kernel(input, weight):
    idx = jnp.swapaxes(input, 0, 1).reshape(NW, N_CHUNKS, CHUNK)
    wt = jnp.swapaxes(weight, 0, 1)
    w4 = _transpose_table(wt)
    out = _emb_lookup(idx, w4.reshape(NUM_EMB, DIM))
    out3 = out.reshape(NUM_COLS, NUM_ROWS, DIM)
    return jnp.swapaxes(out3, 0, 1)

# --- scband reference (transcript-rebuilt; emitter-appended) ---
"""Pipeline reference for scband-embedding-42915313221641 (READ-ONLY COPY).

The authoritative reference and input builder live on the scoring server;
editing this copy changes nothing except your own understanding.
"""

import jax, jax.numpy as jnp
import numpy as np

NUM_EMBEDDINGS = 1000000
EMBEDDING_DIM = 32

def setup_inputs(seed: int = 0) -> dict:
    key = jax.random.key(seed)
    k1, k2 = jax.random.split(key)
    inp = jax.random.randint(k1, (16384, 26), 0, NUM_EMBEDDINGS, dtype=jnp.int64 if jax.config.jax_enable_x64 else jnp.int32).astype(jnp.int32)
    weight = jax.random.normal(k2, (NUM_EMBEDDINGS, EMBEDDING_DIM), dtype=jnp.float32)
    return {"input": inp, "weight": weight}

def reference(input, weight):
    # embedding_forward: gather rows of weight by index
    return jnp.take(weight, input, axis=0)

if __name__ == "__main__":
    import jax
    _d = setup_inputs()
    print(jax.jit(kernel)(*tuple(_d.values())))

</pallas_src>

<mosaic_0001>
#map = affine_map<(d0, d1) -> (0, 0)>
module attributes {stable_mosaic.version = 14 : i64} {
  func.func @_transpose_table(%arg0: i32, %arg1: i32, %arg2: memref<32x1000000xf32, #tpu.memory_space<hbm>>, %arg3: memref<250000x128xf32, #tpu.memory_space<hbm>>, %arg4: memref<32x512xf32, #tpu.memory_space<vmem>>, %arg5: memref<32x512xf32, #tpu.memory_space<vmem>>, %arg6: memref<32x64xf32, #tpu.memory_space<vmem>>, %arg7: memref<128x128xf32, #tpu.memory_space<vmem>>, %arg8: memref<128x128xf32, #tpu.memory_space<vmem>>, %arg9: memref<!tpu.dma_semaphore, #tpu.memory_space<semaphore_mem>>, %arg10: memref<!tpu.dma_semaphore, #tpu.memory_space<semaphore_mem>>, %arg11: memref<!tpu.dma_semaphore, #tpu.memory_space<semaphore_mem>>, %arg12: memref<!tpu.dma_semaphore, #tpu.memory_space<semaphore_mem>>) attributes {dimension_semantics = [#tpu.dimension_semantics<core_parallel>, #tpu.dimension_semantics<subcore_parallel>], iteration_bounds = array<i64: 2, 16>, scalar_prefetch = 0 : i64, scratch_operands = 9 : i64, tpu.core_type = #tpu.core_type<sc_vector_subcore>, window_params = [{transform_indices = #map}, {transform_indices = #map}]} {
    %mul3A = arith.constant 2 : i32
    %mul3A_0 = arith.muli %arg1, %mul3A : i32
    %add3A = arith.addi %mul3A_0, %arg0 : i32
    %mul3A_1 = arith.constant 61 : i32
    %mul3A_2 = arith.muli %add3A, %mul3A_1 : i32
    %mul3A_3 = arith.constant 512 : i32
    %mul3A_4 = arith.muli %mul3A_2, %mul3A_3 : i32
    %multiple_of3A = tpu.assume_multiple %mul3A_4, 512 : i32
    %dma_start3A = arith.constant 0 : i32
    %dma_start3A_5 = tpu.memref_slice %arg2[%dma_start3A, %multiple_of3A] : memref<32x1000000xf32, #tpu.memory_space<hbm>> -> memref<32x512xf32, #tpu.memory_space<hbm>>
    %dma_start3A_6 = arith.constant 0 : i32
    %dma_start3A_7 = tpu.memref_slice %arg2[%dma_start3A_6, %multiple_of3A] : memref<32x1000000xf32, #tpu.memory_space<hbm>> -> memref<32x512xf32, #tpu.memory_space<hbm>>
    tpu.enqueue_dma source(%dma_start3A_7 : memref<32x512xf32, #tpu.memory_space<hbm>>) target(%arg4 : memref<32x512xf32, #tpu.memory_space<vmem>>) target_semaphore(%arg9 : memref<!tpu.dma_semaphore, #tpu.memory_space<semaphore_mem>>)
    %add3A_8 = arith.constant 1 : i32
    %add3A_9 = arith.addi %mul3A_2, %add3A_8 : i32
    %mul3A_10 = arith.constant 512 : i32
    %mul3A_11 = arith.muli %add3A_9, %mul3A_10 : i32
    %multiple_of3A_12 = tpu.assume_multiple %mul3A_11, 512 : i32
    %dma_start3A_13 = arith.constant 0 : i32
    %dma_start3A_14 = tpu.memref_slice %arg2[%dma_start3A_13, %multiple_of3A_12] : memref<32x1000000xf32, #tpu.memory_space<hbm>> -> memref<32x512xf32, #tpu.memory_space<hbm>>
    %dma_start3A_15 = arith.constant 0 : i32
    %dma_start3A_16 = tpu.memref_slice %arg2[%dma_start3A_15, %multiple_of3A_12] : memref<32x1000000xf32, #tpu.memory_space<hbm>> -> memref<32x512xf32, #tpu.memory_space<hbm>>
    tpu.enqueue_dma source(%dma_start3A_16 : memref<32x512xf32, #tpu.memory_space<hbm>>) target(%arg5 : memref<32x512xf32, #tpu.memory_space<vmem>>) target_semaphore(%arg10 : memref<!tpu.dma_semaphore, #tpu.memory_space<semaphore_mem>>)
    %scan3A = arith.constant 0 : i32
    %scan3A_17 = arith.constant 0 : i32
    %scan3A_18 = arith.constant 30 : i32
    %scan3A_19 = arith.addi %scan3A_17, %scan3A_18 : i32
    %scan3A_20 = arith.constant 1 : i32
    scf.for %scan3A_66 = %scan3A_17 to %scan3A_19 step %scan3A_20  : i32 {
      %mul3A_67 = arith.constant 2 : i32
      %mul3A_68 = arith.muli %mul3A_67, %scan3A_66 : i32
      %add3A_69 = arith.addi %mul3A_2, %mul3A_68 : i32
      %gt3A = arith.constant 0 : i32
      %gt3A_70 = arith.cmpi sgt, %scan3A_66, %gt3A : i32
      %mul3A_71 = arith.constant 512 : i32
      %mul3A_72 = arith.muli %add3A_69, %mul3A_71 : i32
      %multiple_of3A_73 = tpu.assume_multiple %mul3A_72, 512 : i32
      %dma_wait3A_74 = arith.constant 0 : i32
      %dma_wait3A_75 = tpu.memref_slice %arg2[%dma_wait3A_74, %multiple_of3A_73] : memref<32x1000000xf32, #tpu.memory_space<hbm>> -> memref<32x512xf32, #tpu.memory_space<hbm>>
      %dma_wait3A_76 = arith.constant 0 : i32
      %dma_wait3A_77 = tpu.memref_slice %arg2[%dma_wait3A_76, %multiple_of3A_73] : memref<32x1000000xf32, #tpu.memory_space<hbm>> -> memref<32x512xf32, #tpu.memory_space<hbm>>
      tpu.wait_dma2 semaphore(%arg9 : memref<!tpu.dma_semaphore, #tpu.memory_space<semaphore_mem>>) src(%dma_wait3A_77 : memref<32x512xf32, #tpu.memory_space<hbm>>) dst(%arg4 : memref<32x512xf32, #tpu.memory_space<vmem>>)
      %convert_element_type3A_78 = arith.extui %gt3A_70 : i1 to i32
      %cond3A_79 = arith.constant 0 : i32
      %cond3A_80 = arith.cmpi ne, %convert_element_type3A_78, %cond3A_79 : i32
      scf.if %cond3A_80 {
        %mul3A_134 = arith.constant 128 : i32
        %mul3A_135 = arith.muli %mul3A_2, %mul3A_134 : i32
        %multiple_of3A_136 = tpu.assume_multiple %mul3A_135, 128 : i32
        %dma_wait3A_137 = arith.constant 0 : i32
        %dma_wait3A_138 = tpu.memref_slice %arg3[%multiple_of3A_136, %dma_wait3A_137] : memref<250000x128xf32, #tpu.memory_space<hbm>> -> memref<128x128xf32, #tpu.memory_space<hbm>>
        %dma_wait3A_139 = arith.constant 0 : i32
        %dma_wait3A_140 = tpu.memref_slice %arg3[%multiple_of3A_136, %dma_wait3A_139] : memref<250000x128xf32, #tpu.memory_space<hbm>> -> memref<128x128xf32, #tpu.memory_space<hbm>>
        tpu.wait_dma2 semaphore(%arg11 : memref<!tpu.dma_semaphore, #tpu.memory_space<semaphore_mem>>) src(%arg7 : memref<128x128xf32, #tpu.memory_space<vmem>>) dst(%dma_wait3A_140 : memref<128x128xf32, #tpu.memory_space<hbm>>)
      } else {
      }
      %scan3A_81 = arith.constant 0 : i32
      %scan3A_82 = arith.constant 0 : i32
      %scan3A_83 = arith.constant 32 : i32
      %scan3A_84 = arith.addi %scan3A_82, %scan3A_83 : i32
      %scan3A_85 = arith.constant 1 : i32
      scf.for %scan3A_134 = %scan3A_82 to %scan3A_84 step %scan3A_85  : i32 {
        %mul3A_135 = arith.constant 16 : i32
        %mul3A_136 = arith.muli %scan3A_134, %mul3A_135 : i32
        %iota3A = tpu.iota {dimensions = array<i32: 0>} : vector<16xi32>
        %add3A_137 = vector.broadcast %mul3A_136 : i32 to vector<16xi32>
        %add3A_138 = arith.addi %add3A_137, %iota3A : vector<16xi32>
        %shift_right_arithmetic3A = arith.constant 2 : i32
        %shift_right_arithmetic3A_139 = vector.broadcast %shift_right_arithmetic3A : i32 to vector<16xi32>
        %shift_right_arithmetic3A_140 = arith.shrsi %add3A_138, %shift_right_arithmetic3A_139 : vector<16xi32>
        %and3A = arith.constant 3 : i32
        %and3A_141 = vector.broadcast %and3A : i32 to vector<16xi32>
        %and3A_142 = arith.andi %add3A_138, %and3A_141 : vector<16xi32>
        %mul3A_143 = arith.constant 32 : i32
        %mul3A_144 = vector.broadcast %mul3A_143 : i32 to vector<16xi32>
        %mul3A_145 = arith.muli %and3A_142, %mul3A_144 : vector<16xi32>
        %add3A_146 = arith.constant 0 : i32
        %add3A_147 = vector.broadcast %add3A_146 : i32 to vector<16xi32>
        %add3A_148 = arith.addi %mul3A_145, %add3A_147 : vector<16xi32>
        %mul3A_149 = arith.constant 16 : i32
        %mul3A_150 = arith.muli %scan3A_134, %mul3A_149 : i32
        %get3A = arith.constant 0 : i32
        %get3A_151 = arith.index_cast %get3A : i32 to index
        %get3A_152 = arith.index_cast %mul3A_150 : i32 to index
        %get3A_153 = tpu.vector_load %arg4[%get3A_151, %get3A_152] {strides = array<i32>} : memref<32x512xf32, #tpu.memory_space<vmem>>, vector<16xf32>,
        tpu.vector_store_idx %arg7[%shift_right_arithmetic3A_140, %add3A_148], %get3A_153 : memref<128x128xf32, #tpu.memory_space<vmem>>[vector<16xi32>, vector<16xi32>], vector<16xf32>,
        %add3A_154 = arith.constant 1 : i32
        %add3A_155 = vector.broadcast %add3A_154 : i32 to vector<16xi32>
        %add3A_156 = arith.addi %mul3A_145, %add3A_155 : vector<16xi32>
        %mul3A_157 = arith.constant 16 : i32
        %mul3A_158 = arith.muli %scan3A_134, %mul3A_157 : i32
        %get3A_159 = arith.constant 1 : i32
        %get3A_160 = arith.index_cast %get3A_159 : i32 to index
        %get3A_161 = arith.index_cast %mul3A_158 : i32 to index
        %get3A_162 = tpu.vector_load %arg4[%get3A_160, %get3A_161] {strides = array<i32>} : memref<32x512xf32, #tpu.memory_space<vmem>>, vector<16xf32>,
        tpu.vector_store_idx %arg7[%shift_right_arithmetic3A_140, %add3A_156], %get3A_162 : memref<128x128xf32, #tpu.memory_space<vmem>>[vector<16xi32>, vector<16xi32>], vector<16xf32>,
        %add3A_163 = arith.constant 2 : i32
        %add3A_164 = vector.broadcast %add3A_163 : i32 to vector<16xi32>
        %add3A_165 = arith.addi %mul3A_145, %add3A_164 : vector<16xi32>
        %mul3A_166 = arith.constant 16 : i32
        %mul3A_167 = arith.muli %scan3A_134, %mul3A_166 : i32
        %get3A_168 = arith.constant 2 : i32
        %get3A_169 = arith.index_cast %get3A_168 : i32 to index
        %get3A_170 = arith.index_cast %mul3A_167 : i32 to index
        %get3A_171 = tpu.vector_load %arg4[%get3A_169, %get3A_170] {strides = array<i32>} : memref<32x512xf32, #tpu.memory_space<vmem>>, vector<16xf32>,
        tpu.vector_store_idx %arg7[%shift_right_arithmetic3A_140, %add3A_165], %get3A_171 : memref<128x128xf32, #tpu.memory_space<vmem>>[vector<16xi32>, vector<16xi32>], vector<16xf32>,
        %add3A_172 = arith.constant 3 : i32
        %add3A_173 = vector.broadcast %add3A_172 : i32 to vector<16xi32>
        %add3A_174 = arith.addi %mul3A_145, %add3A_173 : vector<16xi32>
        %mul3A_175 = arith.constant 16 : i32
        %mul3A_176 = arith.muli %scan3A_134, %mul3A_175 : i32
        %get3A_177 = arith.constant 3 : i32
        %get3A_178 = arith.index_cast %get3A_177 : i32 to index
        %get3A_179 = arith.index_cast %mul3A_176 : i32 to index
        %get3A_180 = tpu.vector_load %arg4[%get3A_178, %get3A_179] {strides = array<i32>} : memref<32x512xf32, #tpu.memory_space<vmem>>, vector<16xf32>,
        tpu.vector_store_idx %arg7[%shift_right_arithmetic3A_140, %add3A_174], %get3A_180 : memref<128x128xf32, #tpu.memory_space<vmem>>[vector<16xi32>, vector<16xi32>], vector<16xf32>,
        %add3A_181 = arith.constant 4 : i32
        %add3A_182 = vector.broadcast %add3A_181 : i32 to vector<16xi32>
        %add3A_183 = arith.addi %mul3A_145, %add3A_182 : vector<16xi32>
        %mul3A_184 = arith.constant 16 : i32
        %mul3A_185 = arith.muli %scan3A_134, %mul3A_184 : i32
        %get3A_186 = arith.constant 4 : i32
        %get3A_187 = arith.index_cast %get3A_186 : i32 to index
        %get3A_188 = arith.index_cast %mul3A_185 : i32 to index
        %get3A_189 = tpu.vector_load %arg4[%get3A_187, %get3A_188] {strides = array<i32>} : memref<32x512xf32, #tpu.memory_space<vmem>>, vector<16xf32>,
        tpu.vector_store_idx %arg7[%shift_right_arithmetic3A_140, %add3A_183], %get3A_189 : memref<128x128xf32, #tpu.memory_space<vmem>>[vector<16xi32>, vector<16xi32>], vector<16xf32>,
        %add3A_190 = arith.constant 5 : i32
        %add3A_191 = vector.broadcast %add3A_190 : i32 to vector<16xi32>
        %add3A_192 = arith.addi %mul3A_145, %add3A_191 : vector<16xi32>
        %mul3A_193 = arith.constant 16 : i32
        %mul3A_194 = arith.muli %scan3A_134, %mul3A_193 : i32
        %get3A_195 = arith.constant 5 : i32
        %get3A_196 = arith.index_cast %get3A_195 : i32 to index
        %get3A_197 = arith.index_cast %mul3A_194 : i32 to index
        %get3A_198 = tpu.vector_load %arg4[%get3A_196, %get3A_197] {strides = array<i32>} : memref<32x512xf32, #tpu.memory_space<vmem>>, vector<16xf32>,
        tpu.vector_store_idx %arg7[%shift_right_arithmetic3A_140, %add3A_192], %get3A_198 : memref<128x128xf32, #tpu.memory_space<vmem>>[vector<16xi32>, vector<16xi32>], vector<16xf32>,
        %add3A_199 = arith.constant 6 : i32
        %add3A_200 = vector.broadcast %add3A_199 : i32 to vector<16xi32>
        %add3A_201 = arith.addi %mul3A_145, %add3A_200 : vector<16xi32>
        %mul3A_202 = arith.constant 16 : i32
        %mul3A_203 = arith.muli %scan3A_134, %mul3A_202 : i32
        %get3A_204 = arith.constant 6 : i32
        %get3A_205 = arith.index_cast %get3A_204 : i32 to index
        %get3A_206 = arith.index_cast %mul3A_203 : i32 to index
        %get3A_207 = tpu.vector_load %arg4[%get3A_205, %get3A_206] {strides = array<i32>} : memref<32x512xf32, #tpu.memory_space<vmem>>, vector<16xf32>,
        tpu.vector_store_idx %arg7[%shift_right_arithmetic3A_140, %add3A_201], %get3A_207 : memref<128x128xf32, #tpu.memory_space<vmem>>[vector<16xi32>, vector<16xi32>], vector<16xf32>,
        %add3A_208 = arith.constant 7 : i32
        %add3A_209 = vector.broadcast %add3A_208 : i32 to vector<16xi32>
        %add3A_210 = arith.addi %mul3A_145, %add3A_209 : vector<16xi32>
        %mul3A_211 = arith.constant 16 : i32
        %mul3A_212 = arith.muli %scan3A_134, %mul3A_211 : i32
        %get3A_213 = arith.constant 7 : i32
        %get3A_214 = arith.index_cast %get3A_213 : i32 to index
        %get3A_215 = arith.index_cast %mul3A_212 : i32 to index
        %get3A_216 = tpu.vector_load %arg4[%get3A_214, %get3A_215] {strides = array<i32>} : memref<32x512xf32, #tpu.memory_space<vmem>>, vector<16xf32>,
        tpu.vector_store_idx %arg7[%shift_right_arithmetic3A_140, %add3A_210], %get3A_216 : memref<128x128xf32, #tpu.memory_space<vmem>>[vector<16xi32>, vector<16xi32>], vector<16xf32>,
        %add3A_217 = arith.constant 8 : i32
        %add3A_218 = vector.broadcast %add3A_217 : i32 to vector<16xi32>
        %add3A_219 = arith.addi %mul3A_145, %add3A_218 : vector<16xi32>
        %mul3A_220 = arith.constant 16 : i32
        %mul3A_221 = arith.muli %scan3A_134, %mul3A_220 : i32
        %get3A_222 = arith.constant 8 : i32
        %get3A_223 = arith.index_cast %get3A_222 : i32 to index
        %get3A_224 = arith.index_cast %mul3A_221 : i32 to index
        %get3A_225 = tpu.vector_load %arg4[%get3A_223, %get3A_224] {strides = array<i32>} : memref<32x512xf32, #tpu.memory_space<vmem>>, vector<16xf32>,
        tpu.vector_store_idx %arg7[%shift_right_arithmetic3A_140, %add3A_219], %get3A_225 : memref<128x128xf32, #tpu.memory_space<vmem>>[vector<16xi32>, vector<16xi32>], vector<16xf32>,
        %add3A_226 = arith.constant 9 : i32
        %add3A_227 = vector.broadcast %add3A_226 : i32 to vector<16xi32>
        %add3A_228 = arith.addi %mul3A_145, %add3A_227 : vector<16xi32>
        %mul3A_229 = arith.constant 16 : i32
        %mul3A_230 = arith.muli %scan3A_134, %mul3A_229 : i32
        %get3A_231 = arith.constant 9 : i32
        %get3A_232 = arith.index_cast %get3A_231 : i32 to index
        %get3A_233 = arith.index_cast %mul3A_230 : i32 to index
        %get3A_234 = tpu.vector_load %arg4[%get3A_232, %get3A_233] {strides = array<i32>} : memref<32x512xf32, #tpu.memory_space<vmem>>, vector<16xf32>,
        tpu.vector_store_idx %arg7[%shift_right_arithmetic3A_140, %add3A_228], %get3A_234 : memref<128x128xf32, #tpu.memory_space<vmem>>[vector<16xi32>, vector<16xi32>], vector<16xf32>,
        %add3A_235 = arith.constant 10 : i32
        %add3A_236 = vector.broadcast %add3A_235 : i32 to vector<16xi32>
        %add3A_237 = arith.addi %mul3A_145, %add3A_236 : vector<16xi32>
        %mul3A_238 = arith.constant 16 : i32
        %mul3A_239 = arith.muli %scan3A_134, %mul3A_238 : i32
        %get3A_240 = arith.constant 10 : i32
        %get3A_241 = arith.index_cast %get3A_240 : i32 to index
        %get3A_242 = arith.index_cast %mul3A_239 : i32 to index
        %get3A_243 = tpu.vector_load %arg4[%get3A_241, %get3A_242] {strides = array<i32>} : memref<32x512xf32, #tpu.memory_space<vmem>>, vector<16xf32>,
        tpu.vector_store_idx %arg7[%shift_right_arithmetic3A_140, %add3A_237], %get3A_243 : memref<128x128xf32, #tpu.memory_space<vmem>>[vector<16xi32>, vector<16xi32>], vector<16xf32>,
        %add3A_244 = arith.constant 11 : i32
        %add3A_245 = vector.broadcast %add3A_244 : i32 to vector<16xi32>
        %add3A_246 = arith.addi %mul3A_145, %add3A_245 : vector<16xi32>
        %mul3A_247 = arith.constant 16 : i32
        %mul3A_248 = arith.muli %scan3A_134, %mul3A_247 : i32
        %get3A_249 = arith.constant 11 : i32
        %get3A_250 = arith.index_cast %get3A_249 : i32 to index
        %get3A_251 = arith.index_cast %mul3A_248 : i32 to index
        %get3A_252 = tpu.vector_load %arg4[%get3A_250, %get3A_251] {strides = array<i32>} : memref<32x512xf32, #tpu.memory_space<vmem>>, vector<16xf32>,
        tpu.vector_store_idx %arg7[%shift_right_arithmetic3A_140, %add3A_246], %get3A_252 : memref<128x128xf32, #tpu.memory_space<vmem>>[vector<16xi32>, vector<16xi32>], vector<16xf32>,
        %add3A_253 = arith.constant 12 : i32
        %add3A_254 = vector.broadcast %add3A_253 : i32 to vector<16xi32>
        %add3A_255 = arith.addi %mul3A_145, %add3A_254 : vector<16xi32>
        %mul3A_256 = arith.constant 16 : i32
        %mul3A_257 = arith.muli %scan3A_134, %mul3A_256 : i32
        %get3A_258 = arith.constant 12 : i32
        %get3A_259 = arith.index_cast %get3A_258 : i32 to index
        %get3A_260 = arith.index_cast %mul3A_257 : i32 to index
        %get3A_261 = tpu.vector_load %arg4[%get3A_259, %get3A_260] {strides = array<i32>} : memref<32x512xf32, #tpu.memory_space<vmem>>, vector<16xf32>,
        tpu.vector_store_idx %arg7[%shift_right_arithmetic3A_140, %add3A_255], %get3A_261 : memref<128x128xf32, #tpu.memory_space<vmem>>[vector<16xi32>, vector<16xi32>], vector<16xf32>,
        %add3A_262 = arith.constant 13 : i32
        %add3A_263 = vector.broadcast %add3A_262 : i32 to vector<16xi32>
        %add3A_264 = arith.addi %mul3A_145, %add3A_263 : vector<16xi32>
        %mul3A_265 = arith.constant 16 : i32
        %mul3A_266 = arith.muli %scan3A_134, %mul3A_265 : i32
        %get3A_267 = arith.constant 13 : i32
        %get3A_268 = arith.index_cast %get3A_267 : i32 to index
        %get3A_269 = arith.index_cast %mul3A_266 : i32 to index
        %get3A_270 = tpu.vector_load %arg4[%get3A_268, %get3A_269] {strides = array<i32>} : memref<32x512xf32, #tpu.memory_space<vmem>>, vector<16xf32>,
        tpu.vector_store_idx %arg7[%shift_right_arithmetic3A_140, %add3A_264], %get3A_270 : memref<128x128xf32, #tpu.memory_space<vmem>>[vector<16xi32>, vector<16xi32>], vector<16xf32>,
        %add3A_271 = arith.constant 14 : i32
        %add3A_272 = vector.broadcast %add3A_271 : i32 to vector<16xi32>
        %add3A_273 = arith.addi %mul3A_145, %add3A_272 : vector<16xi32>
        %mul3A_274 = arith.constant 16 : i32
        %mul3A_275 = arith.muli %scan3A_134, %mul3A_274 : i32
        %get3A_276 = arith.constant 14 : i32
        %get3A_277 = arith.index_cast %get3A_276 : i32 to index
        %get3A_278 = arith.index_cast %mul3A_275 : i32 to index
        %get3A_279 = tpu.vector_load %arg4[%get3A_277, %get3A_278] {strides = array<i32>} : memref<32x512xf32, #tpu.memory_space<vmem>>, vector<16xf32>,
        tpu.vector_store_idx %arg7[%shift_right_arithmetic3A_140, %add3A_273], %get3A_279 : memref<128x128xf32, #tpu.memory_space<vmem>>[vector<16xi32>, vector<16xi32>], vector<16xf32>,
        %add3A_280 = arith.constant 15 : i32
        %add3A_281 = vector.broadcast %add3A_280 : i32 to vector<16xi32>
        %add3A_282 = arith.addi %mul3A_145, %add3A_281 : vector<16xi32>
        %mul3A_283 = arith.constant 16 : i32
        %mul3A_284 = arith.muli %scan3A_134, %mul3A_283 : i32
        %get3A_285 = arith.constant 15 : i32
        %get3A_286 = arith.index_cast %get3A_285 : i32 to index
        %get3A_287 = arith.index_cast %mul3A_284 : i32 to index
        %get3A_288 = tpu.vector_load %arg4[%get3A_286, %get3A_287] {strides = array<i32>} : memref<32x512xf32, #tpu.memory_space<vmem>>, vector<16xf32>,
        tpu.vector_store_idx %arg7[%shift_right_arithmetic3A_140, %add3A_282], %get3A_288 : memref<128x128xf32, #tpu.memory_space<vmem>>[vector<16xi32>, vector<16xi32>], vector<16xf32>,
        %add3A_289 = arith.constant 16 : i32
        %add3A_290 = vector.broadcast %add3A_289 : i32 to vector<16xi32>
        %add3A_291 = arith.addi %mul3A_145, %add3A_290 : vector<16xi32>
        %mul3A_292 = arith.constant 16 : i32
        %mul3A_293 = arith.muli %scan3A_134, %mul3A_292 : i32
        %get3A_294 = arith.constant 16 : i32
        %get3A_295 = arith.index_cast %get3A_294 : i32 to index
        %get3A_296 = arith.index_cast %mul3A_293 : i32 to index
        %get3A_297 = tpu.vector_load %arg4[%get3A_295, %get3A_296] {strides = array<i32>} : memref<32x512xf32, #tpu.memory_space<vmem>>, vector<16xf32>,
        tpu.vector_store_idx %arg7[%shift_right_arithmetic3A_140, %add3A_291], %get3A_297 : memref<128x128xf32, #tpu.memory_space<vmem>>[vector<16xi32>, vector<16xi32>], vector<16xf32>,
        %add3A_298 = arith.constant 17 : i32
        %add3A_299 = vector.broadcast %add3A_298 : i32 to vector<16xi32>
        %add3A_300 = arith.addi %mul3A_145, %add3A_299 : vector<16xi32>
        %mul3A_301 = arith.constant 16 : i32
        %mul3A_302 = arith.muli %scan3A_134, %mul3A_301 : i32
        %get3A_303 = arith.constant 17 : i32
        %get3A_304 = arith.index_cast %get3A_303 : i32 to index
        %get3A_305 = arith.index_cast %mul3A_302 : i32 to index
        %get3A_306 = tpu.vector_load %arg4[%get3A_304, %get3A_305] {strides = array<i32>} : memref<32x512xf32, #tpu.memory_space<vmem>>, vector<16xf32>,
        tpu.vector_store_idx %arg7[%shift_right_arithmetic3A_140, %add3A_300], %get3A_306 : memref<128x128xf32, #tpu.memory_space<vmem>>[vector<16xi32>, vector<16xi32>], vector<16xf32>,
        %add3A_307 = arith.constant 18 : i32
        %add3A_308 = vector.broadcast %add3A_307 : i32 to vector<16xi32>
        %add3A_309 = arith.addi %mul3A_145, %add3A_308 : vector<16xi32>
        %mul3A_310 = arith.constant 16 : i32
        %mul3A_311 = arith.muli %scan3A_134, %mul3A_310 : i32
        %get3A_312 = arith.constant 18 : i32
        %get3A_313 = arith.index_cast %get3A_312 : i32 to index
        %get3A_314 = arith.index_cast %mul3A_311 : i32 to index
        %get3A_315 = tpu.vector_load %arg4[%get3A_313, %get3A_314] {strides = array<i32>} : memref<32x512xf32, #tpu.memory_space<vmem>>, vector<16xf32>,
        tpu.vector_store_idx %arg7[%shift_right_arithmetic3A_140, %add3A_309], %get3A_315 : memref<128x128xf32, #tpu.memory_space<vmem>>[vector<16xi32>, vector<16xi32>], vector<16xf32>,
        %add3A_316 = arith.constant 19 : i32
        %add3A_317 = vector.broadcast %add3A_316 : i32 to vector<16xi32>
        %add3A_318 = arith.addi %mul3A_145, %add3A_317 : vector<16xi32>
        %mul3A_319 = arith.constant 16 : i32
        %mul3A_320 = arith.muli %scan3A_134, %mul3A_319 : i32
        %get3A_321 = arith.constant 19 : i32
        %get3A_322 = arith.index_cast %get3A_321 : i32 to index
        %get3A_323 = arith.index_cast %mul3A_320 : i32 to index
        %get3A_324 = tpu.vector_load %arg4[%get3A_322, %get3A_323] {strides = array<i32>} : memref<32x512xf32, #tpu.memory_space<vmem>>, vector<16xf32>,
        tpu.vector_store_idx %arg7[%shift_right_arithmetic3A_140, %add3A_318], %get3A_324 : memref<128x128xf32, #tpu.memory_space<vmem>>[vector<16xi32>, vector<16xi32>], vector<16xf32>,
        %add3A_325 = arith.constant 20 : i32
        %add3A_326 = vector.broadcast %add3A_325 : i32 to vector<16xi32>
        %add3A_327 = arith.addi %mul3A_145, %add3A_326 : vector<16xi32>
        %mul3A_328 = arith.constant 16 : i32
        %mul3A_329 = arith.muli %scan3A_134, %mul3A_328 : i32
        %get3A_330 = arith.constant 20 : i32
        %get3A_331 = arith.index_cast %get3A_330 : i32 to index
        %get3A_332 = arith.index_cast %mul3A_329 : i32 to index
        %get3A_333 = tpu.vector_load %arg4[%get3A_331, %get3A_332] {strides = array<i32>} : memref<32x512xf32, #tpu.memory_space<vmem>>, vector<16xf32>,
        tpu.vector_store_idx %arg7[%shift_right_arithmetic3A_140, %add3A_327], %get3A_333 : memref<128x128xf32, #tpu.memory_space<vmem>>[vector<16xi32>, vector<16xi32>], vector<16xf32>,
        %add3A_334 = arith.constant 21 : i32
        %add3A_335 = vector.broadcast %add3A_334 : i32 to vector<16xi32>
        %add3A_336 = arith.addi %mul3A_145, %add3A_335 : vector<16xi32>
        %mul3A_337 = arith.constant 16 : i32
        %mul3A_338 = arith.muli %scan3A_134, %mul3A_337 : i32
        %get3A_339 = arith.constant 21 : i32
        %get3A_340 = arith.index_cast %get3A_339 : i32 to index
        %get3A_341 = arith.index_cast %mul3A_338 : i32 to index
        %get3A_342 = tpu.vector_load %arg4[%get3A_340, %get3A_341] {strides = array<i32>} : memref<32x512xf32, #tpu.memory_space<vmem>>, vector<16xf32>,
        tpu.vector_store_idx %arg7[%shift_right_arithmetic3A_140, %add3A_336], %get3A_342 : memref<128x128xf32, #tpu.memory_space<vmem>>[vector<16xi32>, vector<16xi32>], vector<16xf32>,
        %add3A_343 = arith.constant 22 : i32
        %add3A_344 = vector.broadcast %add3A_343 : i32 to vector<16xi32>
        %add3A_345 = arith.addi %mul3A_145, %add3A_344 : vector<16xi32>
        %mul3A_346 = arith.constant 16 : i32
        %mul3A_347 = arith.muli %scan3A_134, %mul3A_346 : i32
        %get3A_348 = arith.constant 22 : i32
        %get3A_349 = arith.index_cast %get3A_348 : i32 to index
        %get3A_350 = arith.index_cast %mul3A_347 : i32 to index
        %get3A_351 = tpu.vector_load %arg4[%get3A_349, %get3A_350] {strides = array<i32>} : memref<32x512xf32, #tpu.memory_space<vmem>>, vector<16xf32>,
        tpu.vector_store_idx %arg7[%shift_right_arithmetic3A_140, %add3A_345], %get3A_351 : memref<128x128xf32, #tpu.memory_space<vmem>>[vector<16xi32>, vector<16xi32>], vector<16xf32>,
        %add3A_352 = arith.constant 23 : i32
        %add3A_353 = vector.broadcast %add3A_352 : i32 to vector<16xi32>
        %add3A_354 = arith.addi %mul3A_145, %add3A_353 : vector<16xi32>
        %mul3A_355 = arith.constant 16 : i32
        %mul3A_356 = arith.muli %scan3A_134, %mul3A_355 : i32
        %get3A_357 = arith.constant 23 : i32
        %get3A_358 = arith.index_cast %get3A_357 : i32 to index
        %get3A_359 = arith.index_cast %mul3A_356 : i32 to index
        %get3A_360 = tpu.vector_load %arg4[%get3A_358, %get3A_359] {strides = array<i32>} : memref<32x512xf32, #tpu.memory_space<vmem>>, vector<16xf32>,
        tpu.vector_store_idx %arg7[%shift_right_arithmetic3A_140, %add3A_354], %get3A_360 : memref<128x128xf32, #tpu.memory_space<vmem>>[vector<16xi32>, vector<16xi32>], vector<16xf32>,
        %add3A_361 = arith.constant 24 : i32
        %add3A_362 = vector.broadcast %add3A_361 : i32 to vector<16xi32>
        %add3A_363 = arith.addi %mul3A_145, %add3A_362 : vector<16xi32>
        %mul3A_364 = arith.constant 16 : i32
        %mul3A_365 = arith.muli %scan3A_134, %mul3A_364 : i32
        %get3A_366 = arith.constant 24 : i32
        %get3A_367 = arith.index_cast %get3A_366 : i32 to index
        %get3A_368 = arith.index_cast %mul3A_365 : i32 to index
        %get3A_369 = tpu.vector_load %arg4[%get3A_367, %get3A_368] {strides = array<i32>} : memref<32x512xf32, #tpu.memory_space<vmem>>, vector<16xf32>,
        tpu.vector_store_idx %arg7[%shift_right_arithmetic3A_140, %add3A_363], %get3A_369 : memref<128x128xf32, #tpu.memory_space<vmem>>[vector<16xi32>, vector<16xi32>], vector<16xf32>,
        %add3A_370 = arith.constant 25 : i32
        %add3A_371 = vector.broadcast %add3A_370 : i32 to vector<16xi32>
        %add3A_372 = arith.addi %mul3A_145, %add3A_371 : vector<16xi32>
        %mul3A_373 = arith.constant 16 : i32
        %mul3A_374 = arith.muli %scan3A_134, %mul3A_373 : i32
        %get3A_375 = arith.constant 25 : i32
        %get3A_376 = arith.index_cast %get3A_375 : i32 to index
        %get3A_377 = arith.index_cast %mul3A_374 : i32 to index
        %get3A_378 = tpu.vector_load %arg4[%get3A_376, %get3A_377] {strides = array<i32>} : memref<32x512xf32, #tpu.memory_space<vmem>>, vector<16xf32>,
        tpu.vector_store_idx %arg7[%shift_right_arithmetic3A_140, %add3A_372], %get3A_378 : memref<128x128xf32, #tpu.memory_space<vmem>>[vector<16xi32>, vector<16xi32>], vector<16xf32>,
        %add3A_379 = arith.constant 26 : i32
        %add3A_380 = vector.broadcast %add3A_379 : i32 to vector<16xi32>
        %add3A_381 = arith.addi %mul3A_145, %add3A_380 : vector<16xi32>
        %mul3A_382 = arith.constant 16 : i32
        %mul3A_383 = arith.muli %scan3A_134, %mul3A_382 : i32
        %get3A_384 = arith.constant 26 : i32
        %get3A_385 = arith.index_cast %get3A_384 : i32 to index
        %get3A_386 = arith.index_cast %mul3A_383 : i32 to index
        %get3A_387 = tpu.vector_load %arg4[%get3A_385, %get3A_386] {strides = array<i32>} : memref<32x512xf32, #tpu.memory_space<vmem>>, vector<16xf32>,
        tpu.vector_store_idx %arg7[%shift_right_arithmetic3A_140, %add3A_381], %get3A_387 : memref<128x128xf32, #tpu.memory_space<vmem>>[vector<16xi32>, vector<16xi32>], vector<16xf32>,
        %add3A_388 = arith.constant 27 : i32
        %add3A_389 = vector.broadcast %add3A_388 : i32 to vector<16xi32>
        %add3A_390 = arith.addi %mul3A_145, %add3A_389 : vector<16xi32>
        %mul3A_391 = arith.constant 16 : i32
        %mul3A_392 = arith.muli %scan3A_134, %mul3A_391 : i32
        %get3A_393 = arith.constant 27 : i32
        %get3A_394 = arith.index_cast %get3A_393 : i32 to index
        %get3A_395 = arith.index_cast %mul3A_392 : i32 to index
        %get3A_396 = tpu.vector_load %arg4[%get3A_394, %get3A_395] {strides = array<i32>} : memref<32x512xf32, #tpu.memory_space<vmem>>, vector<16xf32>,
        tpu.vector_store_idx %arg7[%shift_right_arithmetic3A_140, %add3A_390], %get3A_396 : memref<128x128xf32, #tpu.memory_space<vmem>>[vector<16xi32>, vector<16xi32>], vector<16xf32>,
        %add3A_397 = arith.constant 28 : i32
        %add3A_398 = vector.broadcast %add3A_397 : i32 to vector<16xi32>
        %add3A_399 = arith.addi %mul3A_145, %add3A_398 : vector<16xi32>
        %mul3A_400 = arith.constant 16 : i32
        %mul3A_401 = arith.muli %scan3A_134, %mul3A_400 : i32
        %get3A_402 = arith.constant 28 : i32
        %get3A_403 = arith.index_cast %get3A_402 : i32 to index
        %get3A_404 = arith.index_cast %mul3A_401 : i32 to index
        %get3A_405 = tpu.vector_load %arg4[%get3A_403, %get3A_404] {strides = array<i32>} : memref<32x512xf32, #tpu.memory_space<vmem>>, vector<16xf32>,
        tpu.vector_store_idx %arg7[%shift_right_arithmetic3A_140, %add3A_399], %get3A_405 : memref<128x128xf32, #tpu.memory_space<vmem>>[vector<16xi32>, vector<16xi32>], vector<16xf32>,
        %add3A_406 = arith.constant 29 : i32
        %add3A_407 = vector.broadcast %add3A_406 : i32 to vector<16xi32>
        %add3A_408 = arith.addi %mul3A_145, %add3A_407 : vector<16xi32>
        %mul3A_409 = arith.constant 16 : i32
        %mul3A_410 = arith.muli %scan3A_134, %mul3A_409 : i32
        %get3A_411 = arith.constant 29 : i32
        %get3A_412 = arith.index_cast %get3A_411 : i32 to index
        %get3A_413 = arith.index_cast %mul3A_410 : i32 to index
        %get3A_414 = tpu.vector_load %arg4[%get3A_412, %get3A_413] {strides = array<i32>} : memref<32x512xf32, #tpu.memory_space<vmem>>, vector<16xf32>,
        tpu.vector_store_idx %arg7[%shift_right_arithmetic3A_140, %add3A_408], %get3A_414 : memref<128x128xf32, #tpu.memory_space<vmem>>[vector<16xi32>, vector<16xi32>], vector<16xf32>,
        %add3A_415 = arith.constant 30 : i32
        %add3A_416 = vector.broadcast %add3A_415 : i32 to vector<16xi32>
        %add3A_417 = arith.addi %mul3A_145, %add3A_416 : vector<16xi32>
        %mul3A_418 = arith.constant 16 : i32
        %mul3A_419 = arith.muli %scan3A_134, %mul3A_418 : i32
        %get3A_420 = arith.constant 30 : i32
        %get3A_421 = arith.index_cast %get3A_420 : i32 to index
        %get3A_422 = arith.index_cast %mul3A_419 : i32 to index
        %get3A_423 = tpu.vector_load %arg4[%get3A_421, %get3A_422] {strides = array<i32>} : memref<32x512xf32, #tpu.memory_space<vmem>>, vector<16xf32>,
        tpu.vector_store_idx %arg7[%shift_right_arithmetic3A_140, %add3A_417], %get3A_423 : memref<128x128xf32, #tpu.memory_space<vmem>>[vector<16xi32>, vector<16xi32>], vector<16xf32>,
        %add3A_424 = arith.constant 31 : i32
        %add3A_425 = vector.broadcast %add3A_424 : i32 to vector<16xi32>
        %add3A_426 = arith.addi %mul3A_145, %add3A_425 : vector<16xi32>
        %mul3A_427 = arith.constant 16 : i32
        %mul3A_428 = arith.muli %scan3A_134, %mul3A_427 : i32
        %get3A_429 = arith.constant 31 : i32
        %get3A_430 = arith.index_cast %get3A_429 : i32 to index
        %get3A_431 = arith.index_cast %mul3A_428 : i32 to index
        %get3A_432 = tpu.vector_load %arg4[%get3A_430, %get3A_431] {strides = array<i32>} : memref<32x512xf32, #tpu.memory_space<vmem>>, vector<16xf32>,
        tpu.vector_store_idx %arg7[%shift_right_arithmetic3A_140, %add3A_426], %get3A_432 : memref<128x128xf32, #tpu.memory_space<vmem>>[vector<16xi32>, vector<16xi32>], vector<16xf32>,
      }
      %scan3A_86 = arith.constant 32 : i32
      %mul3A_87 = arith.constant 128 : i32
      %mul3A_88 = arith.muli %add3A_69, %mul3A_87 : i32
      %multiple_of3A_89 = tpu.assume_multiple %mul3A_88, 128 : i32
      %dma_start3A_90 = arith.constant 0 : i32
      %dma_start3A_91 = tpu.memref_slice %arg3[%multiple_of3A_89, %dma_start3A_90] : memref<250000x128xf32, #tpu.memory_space<hbm>> -> memref<128x128xf32, #tpu.memory_space<hbm>>
      %dma_start3A_92 = arith.constant 0 : i32
      %dma_start3A_93 = tpu.memref_slice %arg3[%multiple_of3A_89, %dma_start3A_92] : memref<250000x128xf32, #tpu.memory_space<hbm>> -> memref<128x128xf32, #tpu.memory_space<hbm>>
      tpu.enqueue_dma source(%arg7 : memref<128x128xf32, #tpu.memory_space<vmem>>) target(%dma_start3A_93 : memref<128x128xf32, #tpu.memory_space<hbm>>) target_semaphore(%arg11 : memref<!tpu.dma_semaphore, #tpu.memory_space<semaphore_mem>>)
      %add3A_94 = arith.constant 2 : i32
      %add3A_95 = arith.addi %add3A_69, %add3A_94 : i32
      %mul3A_96 = arith.constant 512 : i32
      %mul3A_97 = arith.muli %add3A_95, %mul3A_96 : i32
      %multiple_of3A_98 = tpu.assume_multiple %mul3A_97, 512 : i32
      %dma_start3A_99 = arith.constant 0 : i32
      %dma_start3A_100 = tpu.memref_slice %arg2[%dma_start3A_99, %multiple_of3A_98] : memref<32x1000000xf32, #tpu.memory_space<hbm>> -> memref<32x512xf32, #tpu.memory_space<hbm>>
      %dma_start3A_101 = arith.constant 0 : i32
      %dma_start3A_102 = tpu.memref_slice %arg2[%dma_start3A_101, %multiple_of3A_98] : memref<32x1000000xf32, #tpu.memory_space<hbm>> -> memref<32x512xf32, #tpu.memory_space<hbm>>
      tpu.enqueue_dma source(%dma_start3A_102 : memref<32x512xf32, #tpu.memory_space<hbm>>) target(%arg4 : memref<32x512xf32, #tpu.memory_space<vmem>>) target_semaphore(%arg9 : memref<!tpu.dma_semaphore, #tpu.memory_space<semaphore_mem>>)
      %add3A_103 = arith.constant 1 : i32
      %add3A_104 = arith.addi %add3A_69, %add3A_103 : i32
      %lt3A = arith.constant 29 : i32
      %lt3A_105 = arith.cmpi slt, %scan3A_66, %lt3A : i32
      %gt3A_106 = arith.constant 0 : i32
      %gt3A_107 = arith.cmpi sgt, %scan3A_66, %gt3A_106 : i32
      %mul3A_108 = arith.constant 512 : i32
      %mul3A_109 = arith.muli %add3A_104, %mul3A_108 : i32
      %multiple_of3A_110 = tpu.assume_multiple %mul3A_109, 512 : i32
      %dma_wait3A_111 = arith.constant 0 : i32
      %dma_wait3A_112 = tpu.memref_slice %arg2[%dma_wait3A_111, %multiple_of3A_110] : memref<32x1000000xf32, #tpu.memory_space<hbm>> -> memref<32x512xf32, #tpu.memory_space<hbm>>
      %dma_wait3A_113 = arith.constant 0 : i32
      %dma_wait3A_114 = tpu.memref_slice %arg2[%dma_wait3A_113, %multiple_of3A_110] : memref<32x1000000xf32, #tpu.memory_space<hbm>> -> memref<32x512xf32, #tpu.memory_space<hbm>>
      tpu.wait_dma2 semaphore(%arg10 : memref<!tpu.dma_semaphore, #tpu.memory_space<semaphore_mem>>) src(%dma_wait3A_114 : memref<32x512xf32, #tpu.memory_space<hbm>>) dst(%arg5 : memref<32x512xf32, #tpu.memory_space<vmem>>)
      %convert_element_type3A_115 = arith.extui %gt3A_107 : i1 to i32
      %cond3A_116 = arith.constant 0 : i32
      %cond3A_117 = arith.cmpi ne, %convert_element_type3A_115, %cond3A_116 : i32
      scf.if %cond3A_117 {
        %mul3A_134 = arith.constant 128 : i32
        %mul3A_135 = arith.muli %mul3A_2, %mul3A_134 : i32
        %multiple_of3A_136 = tpu.assume_multiple %mul3A_135, 128 : i32
        %dma_wait3A_137 = arith.constant 0 : i32
        %dma_wait3A_138 = tpu.memref_slice %arg3[%multiple_of3A_136, %dma_wait3A_137] : memref<250000x128xf32, #tpu.memory_space<hbm>> -> memref<128x128xf32, #tpu.memory_space<hbm>>
        %dma_wait3A_139 = arith.constant 0 : i32
        %dma_wait3A_140 = tpu.memref_slice %arg3[%multiple_of3A_136, %dma_wait3A_139] : memref<250000x128xf32, #tpu.memory_space<hbm>> -> memref<128x128xf32, #tpu.memory_space<hbm>>
        tpu.wait_dma2 semaphore(%arg12 : memref<!tpu.dma_semaphore, #tpu.memory_space<semaphore_mem>>) src(%arg8 : memref<128x128xf32, #tpu.memory_space<vmem>>) dst(%dma_wait3A_140 : memref<128x128xf32, #tpu.memory_space<hbm>>)
      } else {
      }
      %scan3A_118 = arith.constant 0 : i32
      %scan3A_119 = arith.constant 0 : i32
      %scan3A_120 = arith.constant 32 : i32
      %scan3A_121 = arith.addi %scan3A_119, %scan3A_120 : i32
      %scan3A_122 = arith.constant 1 : i32
      scf.for %scan3A_134 = %scan3A_119 to %scan3A_121 step %scan3A_122  : i32 {
        %mul3A_135 = arith.constant 16 : i32
        %mul3A_136 = arith.muli %scan3A_134, %mul3A_135 : i32
        %iota3A = tpu.iota {dimensions = array<i32: 0>} : vector<16xi32>
        %add3A_137 = vector.broadcast %mul3A_136 : i32 to vector<16xi32>
        %add3A_138 = arith.addi %add3A_137, %iota3A : vector<16xi32>
        %shift_right_arithmetic3A = arith.constant 2 : i32
        %shift_right_arithmetic3A_139 = vector.broadcast %shift_right_arithmetic3A : i32 to vector<16xi32>
        %shift_right_arithmetic3A_140 = arith.shrsi %add3A_138, %shift_right_arithmetic3A_139 : vector<16xi32>
        %and3A = arith.constant 3 : i32
        %and3A_141 = vector.broadcast %and3A : i32 to vector<16xi32>
        %and3A_142 = arith.andi %add3A_138, %and3A_141 : vector<16xi32>
        %mul3A_143 = arith.constant 32 : i32
        %mul3A_144 = vector.broadcast %mul3A_143 : i32 to vector<16xi32>
        %mul3A_145 = arith.muli %and3A_142, %mul3A_144 : vector<16xi32>
        %add3A_146 = arith.constant 0 : i32
        %add3A_147 = vector.broadcast %add3A_146 : i32 to vector<16xi32>
        %add3A_148 = arith.addi %mul3A_145, %add3A_147 : vector<16xi32>
        %mul3A_149 = arith.constant 16 : i32
        %mul3A_150 = arith.muli %scan3A_134, %mul3A_149 : i32
        %get3A = arith.constant 0 : i32
        %get3A_151 = arith.index_cast %get3A : i32 to index
        %get3A_152 = arith.index_cast %mul3A_150 : i32 to index
        %get3A_153 = tpu.vector_load %arg5[%get3A_151, %get3A_152] {strides = array<i32>} : memref<32x512xf32, #tpu.memory_space<vmem>>, vector<16xf32>,
        tpu.vector_store_idx %arg8[%shift_right_arithmetic3A_140, %add3A_148], %get3A_153 : memref<128x128xf32, #tpu.memory_space<vmem>>[vector<16xi32>, vector<16xi32>], vector<16xf32>,
        %add3A_154 = arith.constant 1 : i32
        %add3A_155 = vector.broadcast %add3A_154 : i32 to vector<16xi32>
        %add3A_156 = arith.addi %mul3A_145, %add3A_155 : vector<16xi32>
        %mul3A_157 = arith.constant 16 : i32
        %mul3A_158 = arith.muli %scan3A_134, %mul3A_157 : i32
        %get3A_159 = arith.constant 1 : i32
        %get3A_160 = arith.index_cast %get3A_159 : i32 to index
        %get3A_161 = arith.index_cast %mul3A_158 : i32 to index
        %get3A_162 = tpu.vector_load %arg5[%get3A_160, %get3A_161] {strides = array<i32>} : memref<32x512xf32, #tpu.memory_space<vmem>>, vector<16xf32>,
        tpu.vector_store_idx %arg8[%shift_right_arithmetic3A_140, %add3A_156], %get3A_162 : memref<128x128xf32, #tpu.memory_space<vmem>>[vector<16xi32>, vector<16xi32>], vector<16xf32>,
        %add3A_163 = arith.constant 2 : i32
        %add3A_164 = vector.broadcast %add3A_163 : i32 to vector<16xi32>
        %add3A_165 = arith.addi %mul3A_145, %add3A_164 : vector<16xi32>
        %mul3A_166 = arith.constant 16 : i32
        %mul3A_167 = arith.muli %scan3A_134, %mul3A_166 : i32
        %get3A_168 = arith.constant 2 : i32
        %get3A_169 = arith.index_cast %get3A_168 : i32 to index
        %get3A_170 = arith.index_cast %mul3A_167 : i32 to index
        %get3A_171 = tpu.vector_load %arg5[%get3A_169, %get3A_170] {strides = array<i32>} : memref<32x512xf32, #tpu.memory_space<vmem>>, vector<16xf32>,
        tpu.vector_store_idx %arg8[%shift_right_arithmetic3A_140, %add3A_165], %get3A_171 : memref<128x128xf32, #tpu.memory_space<vmem>>[vector<16xi32>, vector<16xi32>], vector<16xf32>,
        %add3A_172 = arith.constant 3 : i32
        %add3A_173 = vector.broadcast %add3A_172 : i32 to vector<16xi32>
        %add3A_174 = arith.addi %mul3A_145, %add3A_173 : vector<16xi32>
        %mul3A_175 = arith.constant 16 : i32
        %mul3A_176 = arith.muli %scan3A_134, %mul3A_175 : i32
        %get3A_177 = arith.constant 3 : i32
        %get3A_178 = arith.index_cast %get3A_177 : i32 to index
        %get3A_179 = arith.index_cast %mul3A_176 : i32 to index
        %get3A_180 = tpu.vector_load %arg5[%get3A_178, %get3A_179] {strides = array<i32>} : memref<32x512xf32, #tpu.memory_space<vmem>>, vector<16xf32>,
        tpu.vector_store_idx %arg8[%shift_right_arithmetic3A_140, %add3A_174], %get3A_180 : memref<128x128xf32, #tpu.memory_space<vmem>>[vector<16xi32>, vector<16xi32>], vector<16xf32>,
        %add3A_181 = arith.constant 4 : i32
        %add3A_182 = vector.broadcast %add3A_181 : i32 to vector<16xi32>
        %add3A_183 = arith.addi %mul3A_145, %add3A_182 : vector<16xi32>
        %mul3A_184 = arith.constant 16 : i32
        %mul3A_185 = arith.muli %scan3A_134, %mul3A_184 : i32
        %get3A_186 = arith.constant 4 : i32
        %get3A_187 = arith.index_cast %get3A_186 : i32 to index
        %get3A_188 = arith.index_cast %mul3A_185 : i32 to index
        %get3A_189 = tpu.vector_load %arg5[%get3A_187, %get3A_188] {strides = array<i32>} : memref<32x512xf32, #tpu.memory_space<vmem>>, vector<16xf32>,
        tpu.vector_store_idx %arg8[%shift_right_arithmetic3A_140, %add3A_183], %get3A_189 : memref<128x128xf32, #tpu.memory_space<vmem>>[vector<16xi32>, vector<16xi32>], vector<16xf32>,
        %add3A_190 = arith.constant 5 : i32
        %add3A_191 = vector.broadcast %add3A_190 : i32 to vector<16xi32>
        %add3A_192 = arith.addi %mul3A_145, %add3A_191 : vector<16xi32>
        %mul3A_193 = arith.constant 16 : i32
        %mul3A_194 = arith.muli %scan3A_134, %mul3A_193 : i32
        %get3A_195 = arith.constant 5 : i32
        %get3A_196 = arith.index_cast %get3A_195 : i32 to index
        %get3A_197 = arith.index_cast %mul3A_194 : i32 to index
        %get3A_198 = tpu.vector_load %arg5[%get3A_196, %get3A_197] {strides = array<i32>} : memref<32x512xf32, #tpu.memory_space<vmem>>, vector<16xf32>,
        tpu.vector_store_idx %arg8[%shift_right_arithmetic3A_140, %add3A_192], %get3A_198 : memref<128x128xf32, #tpu.memory_space<vmem>>[vector<16xi32>, vector<16xi32>], vector<16xf32>,
        %add3A_199 = arith.constant 6 : i32
        %add3A_200 = vector.broadcast %add3A_199 : i32 to vector<16xi32>
        %add3A_201 = arith.addi %mul3A_145, %add3A_200 : vector<16xi32>
        %mul3A_202 = arith.constant 16 : i32
        %mul3A_203 = arith.muli %scan3A_134, %mul3A_202 : i32
        %get3A_204 = arith.constant 6 : i32
        %get3A_205 = arith.index_cast %get3A_204 : i32 to index
        %get3A_206 = arith.index_cast %mul3A_203 : i32 to index
        %get3A_207 = tpu.vector_load %arg5[%get3A_205, %get3A_206] {strides = array<i32>} : memref<32x512xf32, #tpu.memory_space<vmem>>, vector<16xf32>,
        tpu.vector_store_idx %arg8[%shift_right_arithmetic3A_140, %add3A_201], %get3A_207 : memref<128x128xf32, #tpu.memory_space<vmem>>[vector<16xi32>, vector<16xi32>], vector<16xf32>,
        %add3A_208 = arith.constant 7 : i32
        %add3A_209 = vector.broadcast %add3A_208 : i32 to vector<16xi32>
        %add3A_210 = arith.addi %mul3A_145, %add3A_209 : vector<16xi32>
        %mul3A_211 = arith.constant 16 : i32
        %mul3A_212 = arith.muli %scan3A_134, %mul3A_211 : i32
        %get3A_213 = arith.constant 7 : i32
        %get3A_214 = arith.index_cast %get3A_213 : i32 to index
        %get3A_215 = arith.index_cast %mul3A_212 : i32 to index
        %get3A_216 = tpu.vector_load %arg5[%get3A_214, %get3A_215] {strides = array<i32>} : memref<32x512xf32, #tpu.memory_space<vmem>>, vector<16xf32>,
        tpu.vector_store_idx %arg8[%shift_right_arithmetic3A_140, %add3A_210], %get3A_216 : memref<128x128xf32, #tpu.memory_space<vmem>>[vector<16xi32>, vector<16xi32>], vector<16xf32>,
        %add3A_217 = arith.constant 8 : i32
        %add3A_218 = vector.broadcast %add3A_217 : i32 to vector<16xi32>
        %add3A_219 = arith.addi %mul3A_145, %add3A_218 : vector<16xi32>
        %mul3A_220 = arith.constant 16 : i32
        %mul3A_221 = arith.muli %scan3A_134, %mul3A_220 : i32
        %get3A_222 = arith.constant 8 : i32
        %get3A_223 = arith.index_cast %get3A_222 : i32 to index
        %get3A_224 = arith.index_cast %mul3A_221 : i32 to index
        %get3A_225 = tpu.vector_load %arg5[%get3A_223, %get3A_224] {strides = array<i32>} : memref<32x512xf32, #tpu.memory_space<vmem>>, vector<16xf32>,
        tpu.vector_store_idx %arg8[%shift_right_arithmetic3A_140, %add3A_219], %get3A_225 : memref<128x128xf32, #tpu.memory_space<vmem>>[vector<16xi32>, vector<16xi32>], vector<16xf32>,
        %add3A_226 = arith.constant 9 : i32
        %add3A_227 = vector.broadcast %add3A_226 : i32 to vector<16xi32>
        %add3A_228 = arith.addi %mul3A_145, %add3A_227 : vector<16xi32>
        %mul3A_229 = arith.constant 16 : i32
        %mul3A_230 = arith.muli %scan3A_134, %mul3A_229 : i32
        %get3A_231 = arith.constant 9 : i32
        %get3A_232 = arith.index_cast %get3A_231 : i32 to index
        %get3A_233 = arith.index_cast %mul3A_230 : i32 to index
        %get3A_234 = tpu.vector_load %arg5[%get3A_232, %get3A_233] {strides = array<i32>} : memref<32x512xf32, #tpu.memory_space<vmem>>, vector<16xf32>,
        tpu.vector_store_idx %arg8[%shift_right_arithmetic3A_140, %add3A_228], %get3A_234 : memref<128x128xf32, #tpu.memory_space<vmem>>[vector<16xi32>, vector<16xi32>], vector<16xf32>,
        %add3A_235 = arith.constant 10 : i32
        %add3A_236 = vector.broadcast %add3A_235 : i32 to vector<16xi32>
        %add3A_237 = arith.addi %mul3A_145, %add3A_236 : vector<16xi32>
        %mul3A_238 = arith.constant 16 : i32
        %mul3A_239 = arith.muli %scan3A_134, %mul3A_238 : i32
        %get3A_240 = arith.constant 10 : i32
        %get3A_241 = arith.index_cast %get3A_240 : i32 to index
        %get3A_242 = arith.index_cast %mul3A_239 : i32 to index
        %get3A_243 = tpu.vector_load %arg5[%get3A_241, %get3A_242] {strides = array<i32>} : memref<32x512xf32, #tpu.memory_space<vmem>>, vector<16xf32>,
        tpu.vector_store_idx %arg8[%shift_right_arithmetic3A_140, %add3A_237], %get3A_243 : memref<128x128xf32, #tpu.memory_space<vmem>>[vector<16xi32>, vector<16xi32>], vector<16xf32>,
        %add3A_244 = arith.constant 11 : i32
        %add3A_245 = vector.broadcast %add3A_244 : i32 to vector<16xi32>
        %add3A_246 = arith.addi %mul3A_145, %add3A_245 : vector<16xi32>
        %mul3A_247 = arith.constant 16 : i32
        %mul3A_248 = arith.muli %scan3A_134, %mul3A_247 : i32
        %get3A_249 = arith.constant 11 : i32
        %get3A_250 = arith.index_cast %get3A_249 : i32 to index
        %get3A_251 = arith.index_cast %mul3A_248 : i32 to index
        %get3A_252 = tpu.vector_load %arg5[%get3A_250, %get3A_251] {strides = array<i32>} : memref<32x512xf32, #tpu.memory_space<vmem>>, vector<16xf32>,
        tpu.vector_store_idx %arg8[%shift_right_arithmetic3A_140, %add3A_246], %get3A_252 : memref<128x128xf32, #tpu.memory_space<vmem>>[vector<16xi32>, vector<16xi32>], vector<16xf32>,
        %add3A_253 = arith.constant 12 : i32
        %add3A_254 = vector.broadcast %add3A_253 : i32 to vector<16xi32>
        %add3A_255 = arith.addi %mul3A_145, %add3A_254 : vector<16xi32>
        %mul3A_256 = arith.constant 16 : i32
        %mul3A_257 = arith.muli %scan3A_134, %mul3A_256 : i32
        %get3A_258 = arith.constant 12 : i32
        %get3A_259 = arith.index_cast %get3A_258 : i32 to index
        %get3A_260 = arith.index_cast %mul3A_257 : i32 to index
        %get3A_261 = tpu.vector_load %arg5[%get3A_259, %get3A_260] {strides = array<i32>} : memref<32x512xf32, #tpu.memory_space<vmem>>, vector<16xf32>,
        tpu.vector_store_idx %arg8[%shift_right_arithmetic3A_140, %add3A_255], %get3A_261 : memref<128x128xf32, #tpu.memory_space<vmem>>[vector<16xi32>, vector<16xi32>], vector<16xf32>,
        %add3A_262 = arith.constant 13 : i32
        %add3A_263 = vector.broadcast %add3A_262 : i32 to vector<16xi32>
        %add3A_264 = arith.addi %mul3A_145, %add3A_263 : vector<16xi32>
        %mul3A_265 = arith.constant 16 : i32
        %mul3A_266 = arith.muli %scan3A_134, %mul3A_265 : i32
        %get3A_267 = arith.constant 13 : i32
        %get3A_268 = arith.index_cast %get3A_267 : i32 to index
        %get3A_269 = arith.index_cast %mul3A_266 : i32 to index
        %get3A_270 = tpu.vector_load %arg5[%get3A_268, %get3A_269] {strides = array<i32>} : memref<32x512xf32, #tpu.memory_space<vmem>>, vector<16xf32>,
        tpu.vector_store_idx %arg8[%shift_right_arithmetic3A_140, %add3A_264], %get3A_270 : memref<128x128xf32, #tpu.memory_space<vmem>>[vector<16xi32>, vector<16xi32>], vector<16xf32>,
        %add3A_271 = arith.constant 14 : i32
        %add3A_272 = vector.broadcast %add3A_271 : i32 to vector<16xi32>
        %add3A_273 = arith.addi %mul3A_145, %add3A_272 : vector<16xi32>
        %mul3A_274 = arith.constant 16 : i32
        %mul3A_275 = arith.muli %scan3A_134, %mul3A_274 : i32
        %get3A_276 = arith.constant 14 : i32
        %get3A_277 = arith.index_cast %get3A_276 : i32 to index
        %get3A_278 = arith.index_cast %mul3A_275 : i32 to index
        %get3A_279 = tpu.vector_load %arg5[%get3A_277, %get3A_278] {strides = array<i32>} : memref<32x512xf32, #tpu.memory_space<vmem>>, vector<16xf32>,
        tpu.vector_store_idx %arg8[%shift_right_arithmetic3A_140, %add3A_273], %get3A_279 : memref<128x128xf32, #tpu.memory_space<vmem>>[vector<16xi32>, vector<16xi32>], vector<16xf32>,
        %add3A_280 = arith.constant 15 : i32
        %add3A_281 = vector.broadcast %add3A_280 : i32 to vector<16xi32>
        %add3A_282 = arith.addi %mul3A_145, %add3A_281 : vector<16xi32>
        %mul3A_283 = arith.constant 16 : i32
        %mul3A_284 = arith.muli %scan3A_134, %mul3A_283 : i32
        %get3A_285 = arith.constant 15 : i32
        %get3A_286 = arith.index_cast %get3A_285 : i32 to index
        %get3A_287 = arith.index_cast %mul3A_284 : i32 to index
        %get3A_288 = tpu.vector_load %arg5[%get3A_286, %get3A_287] {strides = array<i32>} : memref<32x512xf32, #tpu.memory_space<vmem>>, vector<16xf32>,
        tpu.vector_store_idx %arg8[%shift_right_arithmetic3A_140, %add3A_282], %get3A_288 : memref<128x128xf32, #tpu.memory_space<vmem>>[vector<16xi32>, vector<16xi32>], vector<16xf32>,
        %add3A_289 = arith.constant 16 : i32
        %add3A_290 = vector.broadcast %add3A_289 : i32 to vector<16xi32>
        %add3A_291 = arith.addi %mul3A_145, %add3A_290 : vector<16xi32>
        %mul3A_292 = arith.constant 16 : i32
        %mul3A_293 = arith.muli %scan3A_134, %mul3A_292 : i32
        %get3A_294 = arith.constant 16 : i32
        %get3A_295 = arith.index_cast %get3A_294 : i32 to index
        %get3A_296 = arith.index_cast %mul3A_293 : i32 to index
        %get3A_297 = tpu.vector_load %arg5[%get3A_295, %get3A_296] {strides = array<i32>} : memref<32x512xf32, #tpu.memory_space<vmem>>, vector<16xf32>,
        tpu.vector_store_idx %arg8[%shift_right_arithmetic3A_140, %add3A_291], %get3A_297 : memref<128x128xf32, #tpu.memory_space<vmem>>[vector<16xi32>, vector<16xi32>], vector<16xf32>,
        %add3A_298 = arith.constant 17 : i32
        %add3A_299 = vector.broadcast %add3A_298 : i32 to vector<16xi32>
        %add3A_300 = arith.addi %mul3A_145, %add3A_299 : vector<16xi32>
        %mul3A_301 = arith.constant 16 : i32
        %mul3A_302 = arith.muli %scan3A_134, %mul3A_301 : i32
        %get3A_303 = arith.constant 17 : i32
        %get3A_304 = arith.index_cast %get3A_303 : i32 to index
        %get3A_305 = arith.index_cast %mul3A_302 : i32 to index
        %get3A_306 = tpu.vector_load %arg5[%get3A_304, %get3A_305] {strides = array<i32>} : memref<32x512xf32, #tpu.memory_space<vmem>>, vector<16xf32>,
        tpu.vector_store_idx %arg8[%shift_right_arithmetic3A_140, %add3A_300], %get3A_306 : memref<128x128xf32, #tpu.memory_space<vmem>>[vector<16xi32>, vector<16xi32>], vector<16xf32>,
        %add3A_307 = arith.constant 18 : i32
        %add3A_308 = vector.broadcast %add3A_307 : i32 to vector<16xi32>
        %add3A_309 = arith.addi %mul3A_145, %add3A_308 : vector<16xi32>
        %mul3A_310 = arith.constant 16 : i32
        %mul3A_311 = arith.muli %scan3A_134, %mul3A_310 : i32
        %get3A_312 = arith.constant 18 : i32
        %get3A_313 = arith.index_cast %get3A_312 : i32 to index
        %get3A_314 = arith.index_cast %mul3A_311 : i32 to index
        %get3A_315 = tpu.vector_load %arg5[%get3A_313, %get3A_314] {strides = array<i32>} : memref<32x512xf32, #tpu.memory_space<vmem>>, vector<16xf32>,
        tpu.vector_store_idx %arg8[%shift_right_arithmetic3A_140, %add3A_309], %get3A_315 : memref<128x128xf32, #tpu.memory_space<vmem>>[vector<16xi32>, vector<16xi32>], vector<16xf32>,
        %add3A_316 = arith.constant 19 : i32
        %add3A_317 = vector.broadcast %add3A_316 : i32 to vector<16xi32>
        %add3A_318 = arith.addi %mul3A_145, %add3A_317 : vector<16xi32>
        %mul3A_319 = arith.constant 16 : i32
        %mul3A_320 = arith.muli %scan3A_134, %mul3A_319 : i32
        %get3A_321 = arith.constant 19 : i32
        %get3A_322 = arith.index_cast %get3A_321 : i32 to index
        %get3A_323 = arith.index_cast %mul3A_320 : i32 to index
        %get3A_324 = tpu.vector_load %arg5[%get3A_322, %get3A_323] {strides = array<i32>} : memref<32x512xf32, #tpu.memory_space<vmem>>, vector<16xf32>,
        tpu.vector_store_idx %arg8[%shift_right_arithmetic3A_140, %add3A_318], %get3A_324 : memref<128x128xf32, #tpu.memory_space<vmem>>[vector<16xi32>, vector<16xi32>], vector<16xf32>,
        %add3A_325 = arith.constant 20 : i32
        %add3A_326 = vector.broadcast %add3A_325 : i32 to vector<16xi32>
        %add3A_327 = arith.addi %mul3A_145, %add3A_326 : vector<16xi32>
        %mul3A_328 = arith.constant 16 : i32
        %mul3A_329 = arith.muli %scan3A_134, %mul3A_328 : i32
        %get3A_330 = arith.constant 20 : i32
        %get3A_331 = arith.index_cast %get3A_330 : i32 to index
        %get3A_332 = arith.index_cast %mul3A_329 : i32 to index
        %get3A_333 = tpu.vector_load %arg5[%get3A_331, %get3A_332] {strides = array<i32>} : memref<32x512xf32, #tpu.memory_space<vmem>>, vector<16xf32>,
        tpu.vector_store_idx %arg8[%shift_right_arithmetic3A_140, %add3A_327], %get3A_333 : memref<128x128xf32, #tpu.memory_space<vmem>>[vector<16xi32>, vector<16xi32>], vector<16xf32>,
        %add3A_334 = arith.constant 21 : i32
        %add3A_335 = vector.broadcast %add3A_334 : i32 to vector<16xi32>
        %add3A_336 = arith.addi %mul3A_145, %add3A_335 : vector<16xi32>
        %mul3A_337 = arith.constant 16 : i32
        %mul3A_338 = arith.muli %scan3A_134, %mul3A_337 : i32
        %get3A_339 = arith.constant 21 : i32
        %get3A_340 = arith.index_cast %get3A_339 : i32 to index
        %get3A_341 = arith.index_cast %mul3A_338 : i32 to index
        %get3A_342 = tpu.vector_load %arg5[%get3A_340, %get3A_341] {strides = array<i32>} : memref<32x512xf32, #tpu.memory_space<vmem>>, vector<16xf32>,
        tpu.vector_store_idx %arg8[%shift_right_arithmetic3A_140, %add3A_336], %get3A_342 : memref<128x128xf32, #tpu.memory_space<vmem>>[vector<16xi32>, vector<16xi32>], vector<16xf32>,
        %add3A_343 = arith.constant 22 : i32
        %add3A_344 = vector.broadcast %add3A_343 : i32 to vector<16xi32>
        %add3A_345 = arith.addi %mul3A_145, %add3A_344 : vector<16xi32>
        %mul3A_346 = arith.constant 16 : i32
        %mul3A_347 = arith.muli %scan3A_134, %mul3A_346 : i32
        %get3A_348 = arith.constant 22 : i32
        %get3A_349 = arith.index_cast %get3A_348 : i32 to index
        %get3A_350 = arith.index_cast %mul3A_347 : i32 to index
        %get3A_351 = tpu.vector_load %arg5[%get3A_349, %get3A_350] {strides = array<i32>} : memref<32x512xf32, #tpu.memory_space<vmem>>, vector<16xf32>,
        tpu.vector_store_idx %arg8[%shift_right_arithmetic3A_140, %add3A_345], %get3A_351 : memref<128x128xf32, #tpu.memory_space<vmem>>[vector<16xi32>, vector<16xi32>], vector<16xf32>,
        %add3A_352 = arith.constant 23 : i32
        %add3A_353 = vector.broadcast %add3A_352 : i32 to vector<16xi32>
        %add3A_354 = arith.addi %mul3A_145, %add3A_353 : vector<16xi32>
        %mul3A_355 = arith.constant 16 : i32
        %mul3A_356 = arith.muli %scan3A_134, %mul3A_355 : i32
        %get3A_357 = arith.constant 23 : i32
        %get3A_358 = arith.index_cast %get3A_357 : i32 to index
        %get3A_359 = arith.index_cast %mul3A_356 : i32 to index
        %get3A_360 = tpu.vector_load %arg5[%get3A_358, %get3A_359] {strides = array<i32>} : memref<32x512xf32, #tpu.memory_space<vmem>>, vector<16xf32>,
        tpu.vector_store_idx %arg8[%shift_right_arithmetic3A_140, %add3A_354], %get3A_360 : memref<128x128xf32, #tpu.memory_space<vmem>>[vector<16xi32>, vector<16xi32>], vector<16xf32>,
        %add3A_361 = arith.constant 24 : i32
        %add3A_362 = vector.broadcast %add3A_361 : i32 to vector<16xi32>
        %add3A_363 = arith.addi %mul3A_145, %add3A_362 : vector<16xi32>
        %mul3A_364 = arith.constant 16 : i32
        %mul3A_365 = arith.muli %scan3A_134, %mul3A_364 : i32
        %get3A_366 = arith.constant 24 : i32
        %get3A_367 = arith.index_cast %get3A_366 : i32 to index
        %get3A_368 = arith.index_cast %mul3A_365 : i32 to index
        %get3A_369 = tpu.vector_load %arg5[%get3A_367, %get3A_368] {strides = array<i32>} : memref<32x512xf32, #tpu.memory_space<vmem>>, vector<16xf32>,
        tpu.vector_store_idx %arg8[%shift_right_arithmetic3A_140, %add3A_363], %get3A_369 : memref<128x128xf32, #tpu.memory_space<vmem>>[vector<16xi32>, vector<16xi32>], vector<16xf32>,
        %add3A_370 = arith.constant 25 : i32
        %add3A_371 = vector.broadcast %add3A_370 : i32 to vector<16xi32>
        %add3A_372 = arith.addi %mul3A_145, %add3A_371 : vector<16xi32>
        %mul3A_373 = arith.constant 16 : i32
        %mul3A_374 = arith.muli %scan3A_134, %mul3A_373 : i32
        %get3A_375 = arith.constant 25 : i32
        %get3A_376 = arith.index_cast %get3A_375 : i32 to index
        %get3A_377 = arith.index_cast %mul3A_374 : i32 to index
        %get3A_378 = tpu.vector_load %arg5[%get3A_376, %get3A_377] {strides = array<i32>} : memref<32x512xf32, #tpu.memory_space<vmem>>, vector<16xf32>,
        tpu.vector_store_idx %arg8[%shift_right_arithmetic3A_140, %add3A_372], %get3A_378 : memref<128x128xf32, #tpu.memory_space<vmem>>[vector<16xi32>, vector<16xi32>], vector<16xf32>,
        %add3A_379 = arith.constant 26 : i32
        %add3A_380 = vector.broadcast %add3A_379 : i32 to vector<16xi32>
        %add3A_381 = arith.addi %mul3A_145, %add3A_380 : vector<16xi32>
        %mul3A_382 = arith.constant 16 : i32
        %mul3A_383 = arith.muli %scan3A_134, %mul3A_382 : i32
        %get3A_384 = arith.constant 26 : i32
        %get3A_385 = arith.index_cast %get3A_384 : i32 to index
        %get3A_386 = arith.index_cast %mul3A_383 : i32 to index
        %get3A_387 = tpu.vector_load %arg5[%get3A_385, %get3A_386] {strides = array<i32>} : memref<32x512xf32, #tpu.memory_space<vmem>>, vector<16xf32>,
        tpu.vector_store_idx %arg8[%shift_right_arithmetic3A_140, %add3A_381], %get3A_387 : memref<128x128xf32, #tpu.memory_space<vmem>>[vector<16xi32>, vector<16xi32>], vector<16xf32>,
        %add3A_388 = arith.constant 27 : i32
        %add3A_389 = vector.broadcast %add3A_388 : i32 to vector<16xi32>
        %add3A_390 = arith.addi %mul3A_145, %add3A_389 : vector<16xi32>
        %mul3A_391 = arith.constant 16 : i32
        %mul3A_392 = arith.muli %scan3A_134, %mul3A_391 : i32
        %get3A_393 = arith.constant 27 : i32
        %get3A_394 = arith.index_cast %get3A_393 : i32 to index
        %get3A_395 = arith.index_cast %mul3A_392 : i32 to index
        %get3A_396 = tpu.vector_load %arg5[%get3A_394, %get3A_395] {strides = array<i32>} : memref<32x512xf32, #tpu.memory_space<vmem>>, vector<16xf32>,
        tpu.vector_store_idx %arg8[%shift_right_arithmetic3A_140, %add3A_390], %get3A_396 : memref<128x128xf32, #tpu.memory_space<vmem>>[vector<16xi32>, vector<16xi32>], vector<16xf32>,
        %add3A_397 = arith.constant 28 : i32
        %add3A_398 = vector.broadcast %add3A_397 : i32 to vector<16xi32>
        %add3A_399 = arith.addi %mul3A_145, %add3A_398 : vector<16xi32>
        %mul3A_400 = arith.constant 16 : i32
        %mul3A_401 = arith.muli %scan3A_134, %mul3A_400 : i32
        %get3A_402 = arith.constant 28 : i32
        %get3A_403 = arith.index_cast %get3A_402 : i32 to index
        %get3A_404 = arith.index_cast %mul3A_401 : i32 to index
        %get3A_405 = tpu.vector_load %arg5[%get3A_403, %get3A_404] {strides = array<i32>} : memref<32x512xf32, #tpu.memory_space<vmem>>, vector<16xf32>,
        tpu.vector_store_idx %arg8[%shift_right_arithmetic3A_140, %add3A_399], %get3A_405 : memref<128x128xf32, #tpu.memory_space<vmem>>[vector<16xi32>, vector<16xi32>], vector<16xf32>,
        %add3A_406 = arith.constant 29 : i32
        %add3A_407 = vector.broadcast %add3A_406 : i32 to vector<16xi32>
        %add3A_408 = arith.addi %mul3A_145, %add3A_407 : vector<16xi32>
        %mul3A_409 = arith.constant 16 : i32
        %mul3A_410 = arith.muli %scan3A_134, %mul3A_409 : i32
        %get3A_411 = arith.constant 29 : i32
        %get3A_412 = arith.index_cast %get3A_411 : i32 to index
        %get3A_413 = arith.index_cast %mul3A_410 : i32 to index
        %get3A_414 = tpu.vector_load %arg5[%get3A_412, %get3A_413] {strides = array<i32>} : memref<32x512xf32, #tpu.memory_space<vmem>>, vector<16xf32>,
        tpu.vector_store_idx %arg8[%shift_right_arithmetic3A_140, %add3A_408], %get3A_414 : memref<128x128xf32, #tpu.memory_space<vmem>>[vector<16xi32>, vector<16xi32>], vector<16xf32>,
        %add3A_415 = arith.constant 30 : i32
        %add3A_416 = vector.broadcast %add3A_415 : i32 to vector<16xi32>
        %add3A_417 = arith.addi %mul3A_145, %add3A_416 : vector<16xi32>
        %mul3A_418 = arith.constant 16 : i32
        %mul3A_419 = arith.muli %scan3A_134, %mul3A_418 : i32
        %get3A_420 = arith.constant 30 : i32
        %get3A_421 = arith.index_cast %get3A_420 : i32 to index
        %get3A_422 = arith.index_cast %mul3A_419 : i32 to index
        %get3A_423 = tpu.vector_load %arg5[%get3A_421, %get3A_422] {strides = array<i32>} : memref<32x512xf32, #tpu.memory_space<vmem>>, vector<16xf32>,
        tpu.vector_store_idx %arg8[%shift_right_arithmetic3A_140, %add3A_417], %get3A_423 : memref<128x128xf32, #tpu.memory_space<vmem>>[vector<16xi32>, vector<16xi32>], vector<16xf32>,
        %add3A_424 = arith.constant 31 : i32
        %add3A_425 = vector.broadcast %add3A_424 : i32 to vector<16xi32>
        %add3A_426 = arith.addi %mul3A_145, %add3A_425 : vector<16xi32>
        %mul3A_427 = arith.constant 16 : i32
        %mul3A_428 = arith.muli %scan3A_134, %mul3A_427 : i32
        %get3A_429 = arith.constant 31 : i32
        %get3A_430 = arith.index_cast %get3A_429 : i32 to index
        %get3A_431 = arith.index_cast %mul3A_428 : i32 to index
        %get3A_432 = tpu.vector_load %arg5[%get3A_430, %get3A_431] {strides = array<i32>} : memref<32x512xf32, #tpu.memory_space<vmem>>, vector<16xf32>,
        tpu.vector_store_idx %arg8[%shift_right_arithmetic3A_140, %add3A_426], %get3A_432 : memref<128x128xf32, #tpu.memory_space<vmem>>[vector<16xi32>, vector<16xi32>], vector<16xf32>,
      }
      %scan3A_123 = arith.constant 32 : i32
      %mul3A_124 = arith.constant 128 : i32
      %mul3A_125 = arith.muli %add3A_104, %mul3A_124 : i32
      %multiple_of3A_126 = tpu.assume_multiple %mul3A_125, 128 : i32
      %dma_start3A_127 = arith.constant 0 : i32
      %dma_start3A_128 = tpu.memref_slice %arg3[%multiple_of3A_126, %dma_start3A_127] : memref<250000x128xf32, #tpu.memory_space<hbm>> -> memref<128x128xf32, #tpu.memory_space<hbm>>
      %dma_start3A_129 = arith.constant 0 : i32
      %dma_start3A_130 = tpu.memref_slice %arg3[%multiple_of3A_126, %dma_start3A_129] : memref<250000x128xf32, #tpu.memory_space<hbm>> -> memref<128x128xf32, #tpu.memory_space<hbm>>
      tpu.enqueue_dma source(%arg8 : memref<128x128xf32, #tpu.memory_space<vmem>>) target(%dma_start3A_130 : memref<128x128xf32, #tpu.memory_space<hbm>>) target_semaphore(%arg12 : memref<!tpu.dma_semaphore, #tpu.memory_space<semaphore_mem>>)
      %convert_element_type3A_131 = arith.extui %lt3A_105 : i1 to i32
      %cond3A_132 = arith.constant 0 : i32
      %cond3A_133 = arith.cmpi ne, %convert_element_type3A_131, %cond3A_132 : i32
      scf.if %cond3A_133 {
        %add3A_134 = arith.constant 2 : i32
        %add3A_135 = arith.addi %add3A_104, %add3A_134 : i32
        %mul3A_136 = arith.constant 512 : i32
        %mul3A_137 = arith.muli %add3A_135, %mul3A_136 : i32
        %multiple_of3A_138 = tpu.assume_multiple %mul3A_137, 512 : i32
        %dma_start3A_139 = arith.constant 0 : i32
        %dma_start3A_140 = tpu.memref_slice %arg2[%dma_start3A_139, %multiple_of3A_138] : memref<32x1000000xf32, #tpu.memory_space<hbm>> -> memref<32x512xf32, #tpu.memory_space<hbm>>
        %dma_start3A_141 = arith.constant 0 : i32
        %dma_start3A_142 = tpu.memref_slice %arg2[%dma_start3A_141, %multiple_of3A_138] : memref<32x1000000xf32, #tpu.memory_space<hbm>> -> memref<32x512xf32, #tpu.memory_space<hbm>>
        tpu.enqueue_dma source(%dma_start3A_142 : memref<32x512xf32, #tpu.memory_space<hbm>>) target(%arg5 : memref<32x512xf32, #tpu.memory_space<vmem>>) target_semaphore(%arg10 : memref<!tpu.dma_semaphore, #tpu.memory_space<semaphore_mem>>)
      } else {
      }
    }
    %scan3A_21 = arith.constant 30 : i32
    %add3A_22 = arith.constant 60 : i32
    %add3A_23 = arith.addi %mul3A_2, %add3A_22 : i32
    %mul3A_24 = arith.constant 512 : i32
    %mul3A_25 = arith.muli %add3A_23, %mul3A_24 : i32
    %multiple_of3A_26 = tpu.assume_multiple %mul3A_25, 512 : i32
    %dma_wait3A = arith.constant 0 : i32
    %dma_wait3A_27 = tpu.memref_slice %arg2[%dma_wait3A, %multiple_of3A_26] : memref<32x1000000xf32, #tpu.memory_space<hbm>> -> memref<32x512xf32, #tpu.memory_space<hbm>>
    %dma_wait3A_28 = arith.constant 0 : i32
    %dma_wait3A_29 = tpu.memref_slice %arg2[%dma_wait3A_28, %multiple_of3A_26] : memref<32x1000000xf32, #tpu.memory_space<hbm>> -> memref<32x512xf32, #tpu.memory_space<hbm>>
    tpu.wait_dma2 semaphore(%arg9 : memref<!tpu.dma_semaphore, #tpu.memory_space<semaphore_mem>>) src(%dma_wait3A_29 : memref<32x512xf32, #tpu.memory_space<hbm>>) dst(%arg4 : memref<32x512xf32, #tpu.memory_space<vmem>>)
    %mul3A_30 = arith.constant 128 : i32
    %mul3A_31 = arith.muli %mul3A_2, %mul3A_30 : i32
    %multiple_of3A_32 = tpu.assume_multiple %mul3A_31, 128 : i32
    %dma_wait3A_33 = arith.constant 0 : i32
    %dma_wait3A_34 = tpu.memref_slice %arg3[%multiple_of3A_32, %dma_wait3A_33] : memref<250000x128xf32, #tpu.memory_space<hbm>> -> memref<128x128xf32, #tpu.memory_space<hbm>>
    %dma_wait3A_35 = arith.constant 0 : i32
    %dma_wait3A_36 = tpu.memref_slice %arg3[%multiple_of3A_32, %dma_wait3A_35] : memref<250000x128xf32, #tpu.memory_space<hbm>> -> memref<128x128xf32, #tpu.memory_space<hbm>>
    tpu.wait_dma2 semaphore(%arg11 : memref<!tpu.dma_semaphore, #tpu.memory_space<semaphore_mem>>) src(%arg7 : memref<128x128xf32, #tpu.memory_space<vmem>>) dst(%dma_wait3A_36 : memref<128x128xf32, #tpu.memory_space<hbm>>)
    %scan3A_37 = arith.constant 0 : i32
    %scan3A_38 = arith.constant 0 : i32
    %scan3A_39 = arith.constant 32 : i32
    %scan3A_40 = arith.addi %scan3A_38, %scan3A_39 : i32
    %scan3A_41 = arith.constant 1 : i32
    scf.for %scan3A_66 = %scan3A_38 to %scan3A_40 step %scan3A_41  : i32 {
      %mul3A_67 = arith.constant 16 : i32
      %mul3A_68 = arith.muli %scan3A_66, %mul3A_67 : i32
      %iota3A = tpu.iota {dimensions = array<i32: 0>} : vector<16xi32>
      %add3A_69 = vector.broadcast %mul3A_68 : i32 to vector<16xi32>
      %add3A_70 = arith.addi %add3A_69, %iota3A : vector<16xi32>
      %shift_right_arithmetic3A = arith.constant 2 : i32
      %shift_right_arithmetic3A_71 = vector.broadcast %shift_right_arithmetic3A : i32 to vector<16xi32>
      %shift_right_arithmetic3A_72 = arith.shrsi %add3A_70, %shift_right_arithmetic3A_71 : vector<16xi32>
      %and3A = arith.constant 3 : i32
      %and3A_73 = vector.broadcast %and3A : i32 to vector<16xi32>
      %and3A_74 = arith.andi %add3A_70, %and3A_73 : vector<16xi32>
      %mul3A_75 = arith.constant 32 : i32
      %mul3A_76 = vector.broadcast %mul3A_75 : i32 to vector<16xi32>
      %mul3A_77 = arith.muli %and3A_74, %mul3A_76 : vector<16xi32>
      %add3A_78 = arith.constant 0 : i32
      %add3A_79 = vector.broadcast %add3A_78 : i32 to vector<16xi32>
      %add3A_80 = arith.addi %mul3A_77, %add3A_79 : vector<16xi32>
      %mul3A_81 = arith.constant 16 : i32
      %mul3A_82 = arith.muli %scan3A_66, %mul3A_81 : i32
      %get3A = arith.constant 0 : i32
      %get3A_83 = arith.index_cast %get3A : i32 to index
      %get3A_84 = arith.index_cast %mul3A_82 : i32 to index
      %get3A_85 = tpu.vector_load %arg4[%get3A_83, %get3A_84] {strides = array<i32>} : memref<32x512xf32, #tpu.memory_space<vmem>>, vector<16xf32>,
      tpu.vector_store_idx %arg7[%shift_right_arithmetic3A_72, %add3A_80], %get3A_85 : memref<128x128xf32, #tpu.memory_space<vmem>>[vector<16xi32>, vector<16xi32>], vector<16xf32>,
      %add3A_86 = arith.constant 1 : i32
      %add3A_87 = vector.broadcast %add3A_86 : i32 to vector<16xi32>
      %add3A_88 = arith.addi %mul3A_77, %add3A_87 : vector<16xi32>
      %mul3A_89 = arith.constant 16 : i32
      %mul3A_90 = arith.muli %scan3A_66, %mul3A_89 : i32
      %get3A_91 = arith.constant 1 : i32
      %get3A_92 = arith.index_cast %get3A_91 : i32 to index
      %get3A_93 = arith.index_cast %mul3A_90 : i32 to index
      %get3A_94 = tpu.vector_load %arg4[%get3A_92, %get3A_93] {strides = array<i32>} : memref<32x512xf32, #tpu.memory_space<vmem>>, vector<16xf32>,
      tpu.vector_store_idx %arg7[%shift_right_arithmetic3A_72, %add3A_88], %get3A_94 : memref<128x128xf32, #tpu.memory_space<vmem>>[vector<16xi32>, vector<16xi32>], vector<16xf32>,
      %add3A_95 = arith.constant 2 : i32
      %add3A_96 = vector.broadcast %add3A_95 : i32 to vector<16xi32>
      %add3A_97 = arith.addi %mul3A_77, %add3A_96 : vector<16xi32>
      %mul3A_98 = arith.constant 16 : i32
      %mul3A_99 = arith.muli %scan3A_66, %mul3A_98 : i32
      %get3A_100 = arith.constant 2 : i32
      %get3A_101 = arith.index_cast %get3A_100 : i32 to index
      %get3A_102 = arith.index_cast %mul3A_99 : i32 to index
      %get3A_103 = tpu.vector_load %arg4[%get3A_101, %get3A_102] {strides = array<i32>} : memref<32x512xf32, #tpu.memory_space<vmem>>, vector<16xf32>,
      tpu.vector_store_idx %arg7[%shift_right_arithmetic3A_72, %add3A_97], %get3A_103 : memref<128x128xf32, #tpu.memory_space<vmem>>[vector<16xi32>, vector<16xi32>], vector<16xf32>,
      %add3A_104 = arith.constant 3 : i32
      %add3A_105 = vector.broadcast %add3A_104 : i32 to vector<16xi32>
      %add3A_106 = arith.addi %mul3A_77, %add3A_105 : vector<16xi32>
      %mul3A_107 = arith.constant 16 : i32
      %mul3A_108 = arith.muli %scan3A_66, %mul3A_107 : i32
      %get3A_109 = arith.constant 3 : i32
      %get3A_110 = arith.index_cast %get3A_109 : i32 to index
      %get3A_111 = arith.index_cast %mul3A_108 : i32 to index
      %get3A_112 = tpu.vector_load %arg4[%get3A_110, %get3A_111] {strides = array<i32>} : memref<32x512xf32, #tpu.memory_space<vmem>>, vector<16xf32>,
      tpu.vector_store_idx %arg7[%shift_right_arithmetic3A_72, %add3A_106], %get3A_112 : memref<128x128xf32, #tpu.memory_space<vmem>>[vector<16xi32>, vector<16xi32>], vector<16xf32>,
      %add3A_113 = arith.constant 4 : i32
      %add3A_114 = vector.broadcast %add3A_113 : i32 to vector<16xi32>
      %add3A_115 = arith.addi %mul3A_77, %add3A_114 : vector<16xi32>
      %mul3A_116 = arith.constant 16 : i32
      %mul3A_117 = arith.muli %scan3A_66, %mul3A_116 : i32
      %get3A_118 = arith.constant 4 : i32
      %get3A_119 = arith.index_cast %get3A_118 : i32 to index
      %get3A_120 = arith.index_cast %mul3A_117 : i32 to index
      %get3A_121 = tpu.vector_load %arg4[%get3A_119, %get3A_120] {strides = array<i32>} : memref<32x512xf32, #tpu.memory_space<vmem>>, vector<16xf32>,
      tpu.vector_store_idx %arg7[%shift_right_arithmetic3A_72, %add3A_115], %get3A_121 : memref<128x128xf32, #tpu.memory_space<vmem>>[vector<16xi32>, vector<16xi32>], vector<16xf32>,
      %add3A_122 = arith.constant 5 : i32
      %add3A_123 = vector.broadcast %add3A_122 : i32 to vector<16xi32>
      %add3A_124 = arith.addi %mul3A_77, %add3A_123 : vector<16xi32>
      %mul3A_125 = arith.constant 16 : i32
      %mul3A_126 = arith.muli %scan3A_66, %mul3A_125 : i32
      %get3A_127 = arith.constant 5 : i32
      %get3A_128 = arith.index_cast %get3A_127 : i32 to index
      %get3A_129 = arith.index_cast %mul3A_126 : i32 to index
      %get3A_130 = tpu.vector_load %arg4[%get3A_128, %get3A_129] {strides = array<i32>} : memref<32x512xf32, #tpu.memory_space<vmem>>, vector<16xf32>,
      tpu.vector_store_idx %arg7[%shift_right_arithmetic3A_72, %add3A_124], %get3A_130 : memref<128x128xf32, #tpu.memory_space<vmem>>[vector<16xi32>, vector<16xi32>], vector<16xf32>,
      %add3A_131 = arith.constant 6 : i32
      %add3A_132 = vector.broadcast %add3A_131 : i32 to vector<16xi32>
      %add3A_133 = arith.addi %mul3A_77, %add3A_132 : vector<16xi32>
      %mul3A_134 = arith.constant 16 : i32
      %mul3A_135 = arith.muli %scan3A_66, %mul3A_134 : i32
      %get3A_136 = arith.constant 6 : i32
      %get3A_137 = arith.index_cast %get3A_136 : i32 to index
      %get3A_138 = arith.index_cast %mul3A_135 : i32 to index
      %get3A_139 = tpu.vector_load %arg4[%get3A_137, %get3A_138] {strides = array<i32>} : memref<32x512xf32, #tpu.memory_space<vmem>>, vector<16xf32>,
      tpu.vector_store_idx %arg7[%shift_right_arithmetic3A_72, %add3A_133], %get3A_139 : memref<128x128xf32, #tpu.memory_space<vmem>>[vector<16xi32>, vector<16xi32>], vector<16xf32>,
      %add3A_140 = arith.constant 7 : i32
      %add3A_141 = vector.broadcast %add3A_140 : i32 to vector<16xi32>
      %add3A_142 = arith.addi %mul3A_77, %add3A_141 : vector<16xi32>
      %mul3A_143 = arith.constant 16 : i32
      %mul3A_144 = arith.muli %scan3A_66, %mul3A_143 : i32
      %get3A_145 = arith.constant 7 : i32
      %get3A_146 = arith.index_cast %get3A_145 : i32 to index
      %get3A_147 = arith.index_cast %mul3A_144 : i32 to index
      %get3A_148 = tpu.vector_load %arg4[%get3A_146, %get3A_147] {strides = array<i32>} : memref<32x512xf32, #tpu.memory_space<vmem>>, vector<16xf32>,
      tpu.vector_store_idx %arg7[%shift_right_arithmetic3A_72, %add3A_142], %get3A_148 : memref<128x128xf32, #tpu.memory_space<vmem>>[vector<16xi32>, vector<16xi32>], vector<16xf32>,
      %add3A_149 = arith.constant 8 : i32
      %add3A_150 = vector.broadcast %add3A_149 : i32 to vector<16xi32>
      %add3A_151 = arith.addi %mul3A_77, %add3A_150 : vector<16xi32>
      %mul3A_152 = arith.constant 16 : i32
      %mul3A_153 = arith.muli %scan3A_66, %mul3A_152 : i32
      %get3A_154 = arith.constant 8 : i32
      %get3A_155 = arith.index_cast %get3A_154 : i32 to index
      %get3A_156 = arith.index_cast %mul3A_153 : i32 to index
      %get3A_157 = tpu.vector_load %arg4[%get3A_155, %get3A_156] {strides = array<i32>} : memref<32x512xf32, #tpu.memory_space<vmem>>, vector<16xf32>,
      tpu.vector_store_idx %arg7[%shift_right_arithmetic3A_72, %add3A_151], %get3A_157 : memref<128x128xf32, #tpu.memory_space<vmem>>[vector<16xi32>, vector<16xi32>], vector<16xf32>,
      %add3A_158 = arith.constant 9 : i32
      %add3A_159 = vector.broadcast %add3A_158 : i32 to vector<16xi32>
      %add3A_160 = arith.addi %mul3A_77, %add3A_159 : vector<16xi32>
      %mul3A_161 = arith.constant 16 : i32
      %mul3A_162 = arith.muli %scan3A_66, %mul3A_161 : i32
      %get3A_163 = arith.constant 9 : i32
      %get3A_164 = arith.index_cast %get3A_163 : i32 to index
      %get3A_165 = arith.index_cast %mul3A_162 : i32 to index
      %get3A_166 = tpu.vector_load %arg4[%get3A_164, %get3A_165] {strides = array<i32>} : memref<32x512xf32, #tpu.memory_space<vmem>>, vector<16xf32>,
      tpu.vector_store_idx %arg7[%shift_right_arithmetic3A_72, %add3A_160], %get3A_166 : memref<128x128xf32, #tpu.memory_space<vmem>>[vector<16xi32>, vector<16xi32>], vector<16xf32>,
      %add3A_167 = arith.constant 10 : i32
      %add3A_168 = vector.broadcast %add3A_167 : i32 to vector<16xi32>
      %add3A_169 = arith.addi %mul3A_77, %add3A_168 : vector<16xi32>
      %mul3A_170 = arith.constant 16 : i32
      %mul3A_171 = arith.muli %scan3A_66, %mul3A_170 : i32
      %get3A_172 = arith.constant 10 : i32
      %get3A_173 = arith.index_cast %get3A_172 : i32 to index
      %get3A_174 = arith.index_cast %mul3A_171 : i32 to index
      %get3A_175 = tpu.vector_load %arg4[%get3A_173, %get3A_174] {strides = array<i32>} : memref<32x512xf32, #tpu.memory_space<vmem>>, vector<16xf32>,
      tpu.vector_store_idx %arg7[%shift_right_arithmetic3A_72, %add3A_169], %get3A_175 : memref<128x128xf32, #tpu.memory_space<vmem>>[vector<16xi32>, vector<16xi32>], vector<16xf32>,
      %add3A_176 = arith.constant 11 : i32
      %add3A_177 = vector.broadcast %add3A_176 : i32 to vector<16xi32>
      %add3A_178 = arith.addi %mul3A_77, %add3A_177 : vector<16xi32>
      %mul3A_179 = arith.constant 16 : i32
      %mul3A_180 = arith.muli %scan3A_66, %mul3A_179 : i32
      %get3A_181 = arith.constant 11 : i32
      %get3A_182 = arith.index_cast %get3A_181 : i32 to index
      %get3A_183 = arith.index_cast %mul3A_180 : i32 to index
      %get3A_184 = tpu.vector_load %arg4[%get3A_182, %get3A_183] {strides = array<i32>} : memref<32x512xf32, #tpu.memory_space<vmem>>, vector<16xf32>,
      tpu.vector_store_idx %arg7[%shift_right_arithmetic3A_72, %add3A_178], %get3A_184 : memref<128x128xf32, #tpu.memory_space<vmem>>[vector<16xi32>, vector<16xi32>], vector<16xf32>,
      %add3A_185 = arith.constant 12 : i32
      %add3A_186 = vector.broadcast %add3A_185 : i32 to vector<16xi32>
      %add3A_187 = arith.addi %mul3A_77, %add3A_186 : vector<16xi32>
      %mul3A_188 = arith.constant 16 : i32
      %mul3A_189 = arith.muli %scan3A_66, %mul3A_188 : i32
      %get3A_190 = arith.constant 12 : i32
      %get3A_191 = arith.index_cast %get3A_190 : i32 to index
      %get3A_192 = arith.index_cast %mul3A_189 : i32 to index
      %get3A_193 = tpu.vector_load %arg4[%get3A_191, %get3A_192] {strides = array<i32>} : memref<32x512xf32, #tpu.memory_space<vmem>>, vector<16xf32>,
      tpu.vector_store_idx %arg7[%shift_right_arithmetic3A_72, %add3A_187], %get3A_193 : memref<128x128xf32, #tpu.memory_space<vmem>>[vector<16xi32>, vector<16xi32>], vector<16xf32>,
      %add3A_194 = arith.constant 13 : i32
      %add3A_195 = vector.broadcast %add3A_194 : i32 to vector<16xi32>
      %add3A_196 = arith.addi %mul3A_77, %add3A_195 : vector<16xi32>
      %mul3A_197 = arith.constant 16 : i32
      %mul3A_198 = arith.muli %scan3A_66, %mul3A_197 : i32
      %get3A_199 = arith.constant 13 : i32
      %get3A_200 = arith.index_cast %get3A_199 : i32 to index
      %get3A_201 = arith.index_cast %mul3A_198 : i32 to index
      %get3A_202 = tpu.vector_load %arg4[%get3A_200, %get3A_201] {strides = array<i32>} : memref<32x512xf32, #tpu.memory_space<vmem>>, vector<16xf32>,
      tpu.vector_store_idx %arg7[%shift_right_arithmetic3A_72, %add3A_196], %get3A_202 : memref<128x128xf32, #tpu.memory_space<vmem>>[vector<16xi32>, vector<16xi32>], vector<16xf32>,
      %add3A_203 = arith.constant 14 : i32
      %add3A_204 = vector.broadcast %add3A_203 : i32 to vector<16xi32>
      %add3A_205 = arith.addi %mul3A_77, %add3A_204 : vector<16xi32>
      %mul3A_206 = arith.constant 16 : i32
      %mul3A_207 = arith.muli %scan3A_66, %mul3A_206 : i32
      %get3A_208 = arith.constant 14 : i32
      %get3A_209 = arith.index_cast %get3A_208 : i32 to index
      %get3A_210 = arith.index_cast %mul3A_207 : i32 to index
      %get3A_211 = tpu.vector_load %arg4[%get3A_209, %get3A_210] {strides = array<i32>} : memref<32x512xf32, #tpu.memory_space<vmem>>, vector<16xf32>,
      tpu.vector_store_idx %arg7[%shift_right_arithmetic3A_72, %add3A_205], %get3A_211 : memref<128x128xf32, #tpu.memory_space<vmem>>[vector<16xi32>, vector<16xi32>], vector<16xf32>,
      %add3A_212 = arith.constant 15 : i32
      %add3A_213 = vector.broadcast %add3A_212 : i32 to vector<16xi32>
      %add3A_214 = arith.addi %mul3A_77, %add3A_213 : vector<16xi32>
      %mul3A_215 = arith.constant 16 : i32
      %mul3A_216 = arith.muli %scan3A_66, %mul3A_215 : i32
      %get3A_217 = arith.constant 15 : i32
      %get3A_218 = arith.index_cast %get3A_217 : i32 to index
      %get3A_219 = arith.index_cast %mul3A_216 : i32 to index
      %get3A_220 = tpu.vector_load %arg4[%get3A_218, %get3A_219] {strides = array<i32>} : memref<32x512xf32, #tpu.memory_space<vmem>>, vector<16xf32>,
      tpu.vector_store_idx %arg7[%shift_right_arithmetic3A_72, %add3A_214], %get3A_220 : memref<128x128xf32, #tpu.memory_space<vmem>>[vector<16xi32>, vector<16xi32>], vector<16xf32>,
      %add3A_221 = arith.constant 16 : i32
      %add3A_222 = vector.broadcast %add3A_221 : i32 to vector<16xi32>
      %add3A_223 = arith.addi %mul3A_77, %add3A_222 : vector<16xi32>
      %mul3A_224 = arith.constant 16 : i32
      %mul3A_225 = arith.muli %scan3A_66, %mul3A_224 : i32
      %get3A_226 = arith.constant 16 : i32
      %get3A_227 = arith.index_cast %get3A_226 : i32 to index
      %get3A_228 = arith.index_cast %mul3A_225 : i32 to index
      %get3A_229 = tpu.vector_load %arg4[%get3A_227, %get3A_228] {strides = array<i32>} : memref<32x512xf32, #tpu.memory_space<vmem>>, vector<16xf32>,
      tpu.vector_store_idx %arg7[%shift_right_arithmetic3A_72, %add3A_223], %get3A_229 : memref<128x128xf32, #tpu.memory_space<vmem>>[vector<16xi32>, vector<16xi32>], vector<16xf32>,
      %add3A_230 = arith.constant 17 : i32
      %add3A_231 = vector.broadcast %add3A_230 : i32 to vector<16xi32>
      %add3A_232 = arith.addi %mul3A_77, %add3A_231 : vector<16xi32>
      %mul3A_233 = arith.constant 16 : i32
      %mul3A_234 = arith.muli %scan3A_66, %mul3A_233 : i32
      %get3A_235 = arith.constant 17 : i32
      %get3A_236 = arith.index_cast %get3A_235 : i32 to index
      %get3A_237 = arith.index_cast %mul3A_234 : i32 to index
      %get3A_238 = tpu.vector_load %arg4[%get3A_236, %get3A_237] {strides = array<i32>} : memref<32x512xf32, #tpu.memory_space<vmem>>, vector<16xf32>,
      tpu.vector_store_idx %arg7[%shift_right_arithmetic3A_72, %add3A_232], %get3A_238 : memref<128x128xf32, #tpu.memory_space<vmem>>[vector<16xi32>, vector<16xi32>], vector<16xf32>,
      %add3A_239 = arith.constant 18 : i32
      %add3A_240 = vector.broadcast %add3A_239 : i32 to vector<16xi32>
      %add3A_241 = arith.addi %mul3A_77, %add3A_240 : vector<16xi32>
      %mul3A_242 = arith.constant 16 : i32
      %mul3A_243 = arith.muli %scan3A_66, %mul3A_242 : i32
      %get3A_244 = arith.constant 18 : i32
      %get3A_245 = arith.index_cast %get3A_244 : i32 to index
      %get3A_246 = arith.index_cast %mul3A_243 : i32 to index
      %get3A_247 = tpu.vector_load %arg4[%get3A_245, %get3A_246] {strides = array<i32>} : memref<32x512xf32, #tpu.memory_space<vmem>>, vector<16xf32>,
      tpu.vector_store_idx %arg7[%shift_right_arithmetic3A_72, %add3A_241], %get3A_247 : memref<128x128xf32, #tpu.memory_space<vmem>>[vector<16xi32>, vector<16xi32>], vector<16xf32>,
      %add3A_248 = arith.constant 19 : i32
      %add3A_249 = vector.broadcast %add3A_248 : i32 to vector<16xi32>
      %add3A_250 = arith.addi %mul3A_77, %add3A_249 : vector<16xi32>
      %mul3A_251 = arith.constant 16 : i32
      %mul3A_252 = arith.muli %scan3A_66, %mul3A_251 : i32
      %get3A_253 = arith.constant 19 : i32
      %get3A_254 = arith.index_cast %get3A_253 : i32 to index
      %get3A_255 = arith.index_cast %mul3A_252 : i32 to index
      %get3A_256 = tpu.vector_load %arg4[%get3A_254, %get3A_255] {strides = array<i32>} : memref<32x512xf32, #tpu.memory_space<vmem>>, vector<16xf32>,
      tpu.vector_store_idx %arg7[%shift_right_arithmetic3A_72, %add3A_250], %get3A_256 : memref<128x128xf32, #tpu.memory_space<vmem>>[vector<16xi32>, vector<16xi32>], vector<16xf32>,
      %add3A_257 = arith.constant 20 : i32
      %add3A_258 = vector.broadcast %add3A_257 : i32 to vector<16xi32>
      %add3A_259 = arith.addi %mul3A_77, %add3A_258 : vector<16xi32>
      %mul3A_260 = arith.constant 16 : i32
      %mul3A_261 = arith.muli %scan3A_66, %mul3A_260 : i32
      %get3A_262 = arith.constant 20 : i32
      %get3A_263 = arith.index_cast %get3A_262 : i32 to index
      %get3A_264 = arith.index_cast %mul3A_261 : i32 to index
      %get3A_265 = tpu.vector_load %arg4[%get3A_263, %get3A_264] {strides = array<i32>} : memref<32x512xf32, #tpu.memory_space<vmem>>, vector<16xf32>,
      tpu.vector_store_idx %arg7[%shift_right_arithmetic3A_72, %add3A_259], %get3A_265 : memref<128x128xf32, #tpu.memory_space<vmem>>[vector<16xi32>, vector<16xi32>], vector<16xf32>,
      %add3A_266 = arith.constant 21 : i32
      %add3A_267 = vector.broadcast %add3A_266 : i32 to vector<16xi32>
      %add3A_268 = arith.addi %mul3A_77, %add3A_267 : vector<16xi32>
      %mul3A_269 = arith.constant 16 : i32
      %mul3A_270 = arith.muli %scan3A_66, %mul3A_269 : i32
      %get3A_271 = arith.constant 21 : i32
      %get3A_272 = arith.index_cast %get3A_271 : i32 to index
      %get3A_273 = arith.index_cast %mul3A_270 : i32 to index
      %get3A_274 = tpu.vector_load %arg4[%get3A_272, %get3A_273] {strides = array<i32>} : memref<32x512xf32, #tpu.memory_space<vmem>>, vector<16xf32>,
      tpu.vector_store_idx %arg7[%shift_right_arithmetic3A_72, %add3A_268], %get3A_274 : memref<128x128xf32, #tpu.memory_space<vmem>>[vector<16xi32>, vector<16xi32>], vector<16xf32>,
      %add3A_275 = arith.constant 22 : i32
      %add3A_276 = vector.broadcast %add3A_275 : i32 to vector<16xi32>
      %add3A_277 = arith.addi %mul3A_77, %add3A_276 : vector<16xi32>
      %mul3A_278 = arith.constant 16 : i32
      %mul3A_279 = arith.muli %scan3A_66, %mul3A_278 : i32
      %get3A_280 = arith.constant 22 : i32
      %get3A_281 = arith.index_cast %get3A_280 : i32 to index
      %get3A_282 = arith.index_cast %mul3A_279 : i32 to index
      %get3A_283 = tpu.vector_load %arg4[%get3A_281, %get3A_282] {strides = array<i32>} : memref<32x512xf32, #tpu.memory_space<vmem>>, vector<16xf32>,
      tpu.vector_store_idx %arg7[%shift_right_arithmetic3A_72, %add3A_277], %get3A_283 : memref<128x128xf32, #tpu.memory_space<vmem>>[vector<16xi32>, vector<16xi32>], vector<16xf32>,
      %add3A_284 = arith.constant 23 : i32
      %add3A_285 = vector.broadcast %add3A_284 : i32 to vector<16xi32>
      %add3A_286 = arith.addi %mul3A_77, %add3A_285 : vector<16xi32>
      %mul3A_287 = arith.constant 16 : i32
      %mul3A_288 = arith.muli %scan3A_66, %mul3A_287 : i32
      %get3A_289 = arith.constant 23 : i32
      %get3A_290 = arith.index_cast %get3A_289 : i32 to index
      %get3A_291 = arith.index_cast %mul3A_288 : i32 to index
      %get3A_292 = tpu.vector_load %arg4[%get3A_290, %get3A_291] {strides = array<i32>} : memref<32x512xf32, #tpu.memory_space<vmem>>, vector<16xf32>,
      tpu.vector_store_idx %arg7[%shift_right_arithmetic3A_72, %add3A_286], %get3A_292 : memref<128x128xf32, #tpu.memory_space<vmem>>[vector<16xi32>, vector<16xi32>], vector<16xf32>,
      %add3A_293 = arith.constant 24 : i32
      %add3A_294 = vector.broadcast %add3A_293 : i32 to vector<16xi32>
      %add3A_295 = arith.addi %mul3A_77, %add3A_294 : vector<16xi32>
      %mul3A_296 = arith.constant 16 : i32
      %mul3A_297 = arith.muli %scan3A_66, %mul3A_296 : i32
      %get3A_298 = arith.constant 24 : i32
      %get3A_299 = arith.index_cast %get3A_298 : i32 to index
      %get3A_300 = arith.index_cast %mul3A_297 : i32 to index
      %get3A_301 = tpu.vector_load %arg4[%get3A_299, %get3A_300] {strides = array<i32>} : memref<32x512xf32, #tpu.memory_space<vmem>>, vector<16xf32>,
      tpu.vector_store_idx %arg7[%shift_right_arithmetic3A_72, %add3A_295], %get3A_301 : memref<128x128xf32, #tpu.memory_space<vmem>>[vector<16xi32>, vector<16xi32>], vector<16xf32>,
      %add3A_302 = arith.constant 25 : i32
      %add3A_303 = vector.broadcast %add3A_302 : i32 to vector<16xi32>
      %add3A_304 = arith.addi %mul3A_77, %add3A_303 : vector<16xi32>
      %mul3A_305 = arith.constant 16 : i32
      %mul3A_306 = arith.muli %scan3A_66, %mul3A_305 : i32
      %get3A_307 = arith.constant 25 : i32
      %get3A_308 = arith.index_cast %get3A_307 : i32 to index
      %get3A_309 = arith.index_cast %mul3A_306 : i32 to index
      %get3A_310 = tpu.vector_load %arg4[%get3A_308, %get3A_309] {strides = array<i32>} : memref<32x512xf32, #tpu.memory_space<vmem>>, vector<16xf32>,
      tpu.vector_store_idx %arg7[%shift_right_arithmetic3A_72, %add3A_304], %get3A_310 : memref<128x128xf32, #tpu.memory_space<vmem>>[vector<16xi32>, vector<16xi32>], vector<16xf32>,
      %add3A_311 = arith.constant 26 : i32
      %add3A_312 = vector.broadcast %add3A_311 : i32 to vector<16xi32>
      %add3A_313 = arith.addi %mul3A_77, %add3A_312 : vector<16xi32>
      %mul3A_314 = arith.constant 16 : i32
      %mul3A_315 = arith.muli %scan3A_66, %mul3A_314 : i32
      %get3A_316 = arith.constant 26 : i32
      %get3A_317 = arith.index_cast %get3A_316 : i32 to index
      %get3A_318 = arith.index_cast %mul3A_315 : i32 to index
      %get3A_319 = tpu.vector_load %arg4[%get3A_317, %get3A_318] {strides = array<i32>} : memref<32x512xf32, #tpu.memory_space<vmem>>, vector<16xf32>,
      tpu.vector_store_idx %arg7[%shift_right_arithmetic3A_72, %add3A_313], %get3A_319 : memref<128x128xf32, #tpu.memory_space<vmem>>[vector<16xi32>, vector<16xi32>], vector<16xf32>,
      %add3A_320 = arith.constant 27 : i32
      %add3A_321 = vector.broadcast %add3A_320 : i32 to vector<16xi32>
      %add3A_322 = arith.addi %mul3A_77, %add3A_321 : vector<16xi32>
      %mul3A_323 = arith.constant 16 : i32
      %mul3A_324 = arith.muli %scan3A_66, %mul3A_323 : i32
      %get3A_325 = arith.constant 27 : i32
      %get3A_326 = arith.index_cast %get3A_325 : i32 to index
      %get3A_327 = arith.index_cast %mul3A_324 : i32 to index
      %get3A_328 = tpu.vector_load %arg4[%get3A_326, %get3A_327] {strides = array<i32>} : memref<32x512xf32, #tpu.memory_space<vmem>>, vector<16xf32>,
      tpu.vector_store_idx %arg7[%shift_right_arithmetic3A_72, %add3A_322], %get3A_328 : memref<128x128xf32, #tpu.memory_space<vmem>>[vector<16xi32>, vector<16xi32>], vector<16xf32>,
      %add3A_329 = arith.constant 28 : i32
      %add3A_330 = vector.broadcast %add3A_329 : i32 to vector<16xi32>
      %add3A_331 = arith.addi %mul3A_77, %add3A_330 : vector<16xi32>
      %mul3A_332 = arith.constant 16 : i32
      %mul3A_333 = arith.muli %scan3A_66, %mul3A_332 : i32
      %get3A_334 = arith.constant 28 : i32
      %get3A_335 = arith.index_cast %get3A_334 : i32 to index
      %get3A_336 = arith.index_cast %mul3A_333 : i32 to index
      %get3A_337 = tpu.vector_load %arg4[%get3A_335, %get3A_336] {strides = array<i32>} : memref<32x512xf32, #tpu.memory_space<vmem>>, vector<16xf32>,
      tpu.vector_store_idx %arg7[%shift_right_arithmetic3A_72, %add3A_331], %get3A_337 : memref<128x128xf32, #tpu.memory_space<vmem>>[vector<16xi32>, vector<16xi32>], vector<16xf32>,
      %add3A_338 = arith.constant 29 : i32
      %add3A_339 = vector.broadcast %add3A_338 : i32 to vector<16xi32>
      %add3A_340 = arith.addi %mul3A_77, %add3A_339 : vector<16xi32>
      %mul3A_341 = arith.constant 16 : i32
      %mul3A_342 = arith.muli %scan3A_66, %mul3A_341 : i32
      %get3A_343 = arith.constant 29 : i32
      %get3A_344 = arith.index_cast %get3A_343 : i32 to index
      %get3A_345 = arith.index_cast %mul3A_342 : i32 to index
      %get3A_346 = tpu.vector_load %arg4[%get3A_344, %get3A_345] {strides = array<i32>} : memref<32x512xf32, #tpu.memory_space<vmem>>, vector<16xf32>,
      tpu.vector_store_idx %arg7[%shift_right_arithmetic3A_72, %add3A_340], %get3A_346 : memref<128x128xf32, #tpu.memory_space<vmem>>[vector<16xi32>, vector<16xi32>], vector<16xf32>,
      %add3A_347 = arith.constant 30 : i32
      %add3A_348 = vector.broadcast %add3A_347 : i32 to vector<16xi32>
      %add3A_349 = arith.addi %mul3A_77, %add3A_348 : vector<16xi32>
      %mul3A_350 = arith.constant 16 : i32
      %mul3A_351 = arith.muli %scan3A_66, %mul3A_350 : i32
      %get3A_352 = arith.constant 30 : i32
      %get3A_353 = arith.index_cast %get3A_352 : i32 to index
      %get3A_354 = arith.index_cast %mul3A_351 : i32 to index
      %get3A_355 = tpu.vector_load %arg4[%get3A_353, %get3A_354] {strides = array<i32>} : memref<32x512xf32, #tpu.memory_space<vmem>>, vector<16xf32>,
      tpu.vector_store_idx %arg7[%shift_right_arithmetic3A_72, %add3A_349], %get3A_355 : memref<128x128xf32, #tpu.memory_space<vmem>>[vector<16xi32>, vector<16xi32>], vector<16xf32>,
      %add3A_356 = arith.constant 31 : i32
      %add3A_357 = vector.broadcast %add3A_356 : i32 to vector<16xi32>
      %add3A_358 = arith.addi %mul3A_77, %add3A_357 : vector<16xi32>
      %mul3A_359 = arith.constant 16 : i32
      %mul3A_360 = arith.muli %scan3A_66, %mul3A_359 : i32
      %get3A_361 = arith.constant 31 : i32
      %get3A_362 = arith.index_cast %get3A_361 : i32 to index
      %get3A_363 = arith.index_cast %mul3A_360 : i32 to index
      %get3A_364 = tpu.vector_load %arg4[%get3A_362, %get3A_363] {strides = array<i32>} : memref<32x512xf32, #tpu.memory_space<vmem>>, vector<16xf32>,
      tpu.vector_store_idx %arg7[%shift_right_arithmetic3A_72, %add3A_358], %get3A_364 : memref<128x128xf32, #tpu.memory_space<vmem>>[vector<16xi32>, vector<16xi32>], vector<16xf32>,
    }
    %scan3A_42 = arith.constant 32 : i32
    %mul3A_43 = arith.constant 128 : i32
    %mul3A_44 = arith.muli %add3A_23, %mul3A_43 : i32
    %multiple_of3A_45 = tpu.assume_multiple %mul3A_44, 128 : i32
    %dma_start3A_46 = arith.constant 0 : i32
    %dma_start3A_47 = tpu.memref_slice %arg3[%multiple_of3A_45, %dma_start3A_46] : memref<250000x128xf32, #tpu.memory_space<hbm>> -> memref<128x128xf32, #tpu.memory_space<hbm>>
    %dma_start3A_48 = arith.constant 0 : i32
    %dma_start3A_49 = tpu.memref_slice %arg3[%multiple_of3A_45, %dma_start3A_48] : memref<250000x128xf32, #tpu.memory_space<hbm>> -> memref<128x128xf32, #tpu.memory_space<hbm>>
    tpu.enqueue_dma source(%arg7 : memref<128x128xf32, #tpu.memory_space<vmem>>) target(%dma_start3A_49 : memref<128x128xf32, #tpu.memory_space<hbm>>) target_semaphore(%arg11 : memref<!tpu.dma_semaphore, #tpu.memory_space<semaphore_mem>>)
    %mul3A_50 = arith.constant 128 : i32
    %mul3A_51 = arith.muli %mul3A_2, %mul3A_50 : i32
    %multiple_of3A_52 = tpu.assume_multiple %mul3A_51, 128 : i32
    %dma_wait3A_53 = arith.constant 0 : i32
    %dma_wait3A_54 = tpu.memref_slice %arg3[%multiple_of3A_52, %dma_wait3A_53] : memref<250000x128xf32, #tpu.memory_space<hbm>> -> memref<128x128xf32, #tpu.memory_space<hbm>>
    %dma_wait3A_55 = arith.constant 0 : i32
    %dma_wait3A_56 = tpu.memref_slice %arg3[%multiple_of3A_52, %dma_wait3A_55] : memref<250000x128xf32, #tpu.memory_space<hbm>> -> memref<128x128xf32, #tpu.memory_space<hbm>>
    tpu.wait_dma2 semaphore(%arg11 : memref<!tpu.dma_semaphore, #tpu.memory_space<semaphore_mem>>) src(%arg7 : memref<128x128xf32, #tpu.memory_space<vmem>>) dst(%dma_wait3A_56 : memref<128x128xf32, #tpu.memory_space<hbm>>)
    %mul3A_57 = arith.constant 128 : i32
    %mul3A_58 = arith.muli %mul3A_2, %mul3A_57 : i32
    %multiple_of3A_59 = tpu.assume_multiple %mul3A_58, 128 : i32
    %dma_wait3A_60 = arith.constant 0 : i32
    %dma_wait3A_61 = tpu.memref_slice %arg3[%multiple_of3A_59, %dma_wait3A_60] : memref<250000x128xf32, #tpu.memory_space<hbm>> -> memref<128x128xf32, #tpu.memory_space<hbm>>
    %dma_wait3A_62 = arith.constant 0 : i32
    %dma_wait3A_63 = tpu.memref_slice %arg3[%multiple_of3A_59, %dma_wait3A_62] : memref<250000x128xf32, #tpu.memory_space<hbm>> -> memref<128x128xf32, #tpu.memory_space<hbm>>
    tpu.wait_dma2 semaphore(%arg12 : memref<!tpu.dma_semaphore, #tpu.memory_space<semaphore_mem>>) src(%arg8 : memref<128x128xf32, #tpu.memory_space<vmem>>) dst(%dma_wait3A_63 : memref<128x128xf32, #tpu.memory_space<hbm>>)
    %eq3A = arith.constant 0 : i32
    %eq3A_64 = arith.cmpi eq, %add3A, %eq3A : i32
    %convert_element_type3A = arith.extui %eq3A_64 : i1 to i32
    %cond3A = arith.constant 0 : i32
    %cond3A_65 = arith.cmpi ne, %convert_element_type3A, %cond3A : i32
    scf.if %cond3A_65 {
      %multiple_of3A_66 = arith.constant 999424 : i32
      %multiple_of3A_67 = tpu.assume_multiple %multiple_of3A_66, 512 : i32
      %dma_start3A_68 = arith.constant 0 : i32
      %dma_start3A_69 = tpu.memref_slice %arg2[%dma_start3A_68, %multiple_of3A_67] : memref<32x1000000xf32, #tpu.memory_space<hbm>> -> memref<32x512xf32, #tpu.memory_space<hbm>>
      %dma_start3A_70 = arith.constant 0 : i32
      %dma_start3A_71 = tpu.memref_slice %arg2[%dma_start3A_70, %multiple_of3A_67] : memref<32x1000000xf32, #tpu.memory_space<hbm>> -> memref<32x512xf32, #tpu.memory_space<hbm>>
      tpu.enqueue_dma source(%dma_start3A_71 : memref<32x512xf32, #tpu.memory_space<hbm>>) target(%arg4 : memref<32x512xf32, #tpu.memory_space<vmem>>) target_semaphore(%arg9 : memref<!tpu.dma_semaphore, #tpu.memory_space<semaphore_mem>>)
      %multiple_of3A_72 = arith.constant 999424 : i32
      %multiple_of3A_73 = tpu.assume_multiple %multiple_of3A_72, 512 : i32
      %dma_wait3A_74 = arith.constant 0 : i32
      %dma_wait3A_75 = tpu.memref_slice %arg2[%dma_wait3A_74, %multiple_of3A_73] : memref<32x1000000xf32, #tpu.memory_space<hbm>> -> memref<32x512xf32, #tpu.memory_space<hbm>>
      %dma_wait3A_76 = arith.constant 0 : i32
      %dma_wait3A_77 = tpu.memref_slice %arg2[%dma_wait3A_76, %multiple_of3A_73] : memref<32x1000000xf32, #tpu.memory_space<hbm>> -> memref<32x512xf32, #tpu.memory_space<hbm>>
      tpu.wait_dma2 semaphore(%arg9 : memref<!tpu.dma_semaphore, #tpu.memory_space<semaphore_mem>>) src(%dma_wait3A_77 : memref<32x512xf32, #tpu.memory_space<hbm>>) dst(%arg4 : memref<32x512xf32, #tpu.memory_space<vmem>>)
      %scan3A_78 = arith.constant 0 : i32
      %scan3A_79 = arith.constant 0 : i32
      %scan3A_80 = arith.constant 32 : i32
      %scan3A_81 = arith.addi %scan3A_79, %scan3A_80 : i32
      %scan3A_82 = arith.constant 1 : i32
      scf.for %scan3A_136 = %scan3A_79 to %scan3A_81 step %scan3A_82  : i32 {
        %mul3A_137 = arith.constant 16 : i32
        %mul3A_138 = arith.muli %scan3A_136, %mul3A_137 : i32
        %iota3A = tpu.iota {dimensions = array<i32: 0>} : vector<16xi32>
        %add3A_139 = vector.broadcast %mul3A_138 : i32 to vector<16xi32>
        %add3A_140 = arith.addi %add3A_139, %iota3A : vector<16xi32>
        %shift_right_arithmetic3A = arith.constant 2 : i32
        %shift_right_arithmetic3A_141 = vector.broadcast %shift_right_arithmetic3A : i32 to vector<16xi32>
        %shift_right_arithmetic3A_142 = arith.shrsi %add3A_140, %shift_right_arithmetic3A_141 : vector<16xi32>
        %and3A = arith.constant 3 : i32
        %and3A_143 = vector.broadcast %and3A : i32 to vector<16xi32>
        %and3A_144 = arith.andi %add3A_140, %and3A_143 : vector<16xi32>
        %mul3A_145 = arith.constant 32 : i32
        %mul3A_146 = vector.broadcast %mul3A_145 : i32 to vector<16xi32>
        %mul3A_147 = arith.muli %and3A_144, %mul3A_146 : vector<16xi32>
        %add3A_148 = arith.constant 0 : i32
        %add3A_149 = vector.broadcast %add3A_148 : i32 to vector<16xi32>
        %add3A_150 = arith.addi %mul3A_147, %add3A_149 : vector<16xi32>
        %mul3A_151 = arith.constant 16 : i32
        %mul3A_152 = arith.muli %scan3A_136, %mul3A_151 : i32
        %get3A = arith.constant 0 : i32
        %get3A_153 = arith.index_cast %get3A : i32 to index
        %get3A_154 = arith.index_cast %mul3A_152 : i32 to index
        %get3A_155 = tpu.vector_load %arg4[%get3A_153, %get3A_154] {strides = array<i32>} : memref<32x512xf32, #tpu.memory_space<vmem>>, vector<16xf32>,
        tpu.vector_store_idx %arg7[%shift_right_arithmetic3A_142, %add3A_150], %get3A_155 : memref<128x128xf32, #tpu.memory_space<vmem>>[vector<16xi32>, vector<16xi32>], vector<16xf32>,
        %add3A_156 = arith.constant 1 : i32
        %add3A_157 = vector.broadcast %add3A_156 : i32 to vector<16xi32>
        %add3A_158 = arith.addi %mul3A_147, %add3A_157 : vector<16xi32>
        %mul3A_159 = arith.constant 16 : i32
        %mul3A_160 = arith.muli %scan3A_136, %mul3A_159 : i32
        %get3A_161 = arith.constant 1 : i32
        %get3A_162 = arith.index_cast %get3A_161 : i32 to index
        %get3A_163 = arith.index_cast %mul3A_160 : i32 to index
        %get3A_164 = tpu.vector_load %arg4[%get3A_162, %get3A_163] {strides = array<i32>} : memref<32x512xf32, #tpu.memory_space<vmem>>, vector<16xf32>,
        tpu.vector_store_idx %arg7[%shift_right_arithmetic3A_142, %add3A_158], %get3A_164 : memref<128x128xf32, #tpu.memory_space<vmem>>[vector<16xi32>, vector<16xi32>], vector<16xf32>,
        %add3A_165 = arith.constant 2 : i32
        %add3A_166 = vector.broadcast %add3A_165 : i32 to vector<16xi32>
        %add3A_167 = arith.addi %mul3A_147, %add3A_166 : vector<16xi32>
        %mul3A_168 = arith.constant 16 : i32
        %mul3A_169 = arith.muli %scan3A_136, %mul3A_168 : i32
        %get3A_170 = arith.constant 2 : i32
        %get3A_171 = arith.index_cast %get3A_170 : i32 to index
        %get3A_172 = arith.index_cast %mul3A_169 : i32 to index
        %get3A_173 = tpu.vector_load %arg4[%get3A_171, %get3A_172] {strides = array<i32>} : memref<32x512xf32, #tpu.memory_space<vmem>>, vector<16xf32>,
        tpu.vector_store_idx %arg7[%shift_right_arithmetic3A_142, %add3A_167], %get3A_173 : memref<128x128xf32, #tpu.memory_space<vmem>>[vector<16xi32>, vector<16xi32>], vector<16xf32>,
        %add3A_174 = arith.constant 3 : i32
        %add3A_175 = vector.broadcast %add3A_174 : i32 to vector<16xi32>
        %add3A_176 = arith.addi %mul3A_147, %add3A_175 : vector<16xi32>
        %mul3A_177 = arith.constant 16 : i32
        %mul3A_178 = arith.muli %scan3A_136, %mul3A_177 : i32
        %get3A_179 = arith.constant 3 : i32
        %get3A_180 = arith.index_cast %get3A_179 : i32 to index
        %get3A_181 = arith.index_cast %mul3A_178 : i32 to index
        %get3A_182 = tpu.vector_load %arg4[%get3A_180, %get3A_181] {strides = array<i32>} : memref<32x512xf32, #tpu.memory_space<vmem>>, vector<16xf32>,
        tpu.vector_store_idx %arg7[%shift_right_arithmetic3A_142, %add3A_176], %get3A_182 : memref<128x128xf32, #tpu.memory_space<vmem>>[vector<16xi32>, vector<16xi32>], vector<16xf32>,
        %add3A_183 = arith.constant 4 : i32
        %add3A_184 = vector.broadcast %add3A_183 : i32 to vector<16xi32>
        %add3A_185 = arith.addi %mul3A_147, %add3A_184 : vector<16xi32>
        %mul3A_186 = arith.constant 16 : i32
        %mul3A_187 = arith.muli %scan3A_136, %mul3A_186 : i32
        %get3A_188 = arith.constant 4 : i32
        %get3A_189 = arith.index_cast %get3A_188 : i32 to index
        %get3A_190 = arith.index_cast %mul3A_187 : i32 to index
        %get3A_191 = tpu.vector_load %arg4[%get3A_189, %get3A_190] {strides = array<i32>} : memref<32x512xf32, #tpu.memory_space<vmem>>, vector<16xf32>,
        tpu.vector_store_idx %arg7[%shift_right_arithmetic3A_142, %add3A_185], %get3A_191 : memref<128x128xf32, #tpu.memory_space<vmem>>[vector<16xi32>, vector<16xi32>], vector<16xf32>,
        %add3A_192 = arith.constant 5 : i32
        %add3A_193 = vector.broadcast %add3A_192 : i32 to vector<16xi32>
        %add3A_194 = arith.addi %mul3A_147, %add3A_193 : vector<16xi32>
        %mul3A_195 = arith.constant 16 : i32
        %mul3A_196 = arith.muli %scan3A_136, %mul3A_195 : i32
        %get3A_197 = arith.constant 5 : i32
        %get3A_198 = arith.index_cast %get3A_197 : i32 to index
        %get3A_199 = arith.index_cast %mul3A_196 : i32 to index
        %get3A_200 = tpu.vector_load %arg4[%get3A_198, %get3A_199] {strides = array<i32>} : memref<32x512xf32, #tpu.memory_space<vmem>>, vector<16xf32>,
        tpu.vector_store_idx %arg7[%shift_right_arithmetic3A_142, %add3A_194], %get3A_200 : memref<128x128xf32, #tpu.memory_space<vmem>>[vector<16xi32>, vector<16xi32>], vector<16xf32>,
        %add3A_201 = arith.constant 6 : i32
        %add3A_202 = vector.broadcast %add3A_201 : i32 to vector<16xi32>
        %add3A_203 = arith.addi %mul3A_147, %add3A_202 : vector<16xi32>
        %mul3A_204 = arith.constant 16 : i32
        %mul3A_205 = arith.muli %scan3A_136, %mul3A_204 : i32
        %get3A_206 = arith.constant 6 : i32
        %get3A_207 = arith.index_cast %get3A_206 : i32 to index
        %get3A_208 = arith.index_cast %mul3A_205 : i32 to index
        %get3A_209 = tpu.vector_load %arg4[%get3A_207, %get3A_208] {strides = array<i32>} : memref<32x512xf32, #tpu.memory_space<vmem>>, vector<16xf32>,
        tpu.vector_store_idx %arg7[%shift_right_arithmetic3A_142, %add3A_203], %get3A_209 : memref<128x128xf32, #tpu.memory_space<vmem>>[vector<16xi32>, vector<16xi32>], vector<16xf32>,
        %add3A_210 = arith.constant 7 : i32
        %add3A_211 = vector.broadcast %add3A_210 : i32 to vector<16xi32>
        %add3A_212 = arith.addi %mul3A_147, %add3A_211 : vector<16xi32>
        %mul3A_213 = arith.constant 16 : i32
        %mul3A_214 = arith.muli %scan3A_136, %mul3A_213 : i32
        %get3A_215 = arith.constant 7 : i32
        %get3A_216 = arith.index_cast %get3A_215 : i32 to index
        %get3A_217 = arith.index_cast %mul3A_214 : i32 to index
        %get3A_218 = tpu.vector_load %arg4[%get3A_216, %get3A_217] {strides = array<i32>} : memref<32x512xf32, #tpu.memory_space<vmem>>, vector<16xf32>,
        tpu.vector_store_idx %arg7[%shift_right_arithmetic3A_142, %add3A_212], %get3A_218 : memref<128x128xf32, #tpu.memory_space<vmem>>[vector<16xi32>, vector<16xi32>], vector<16xf32>,
        %add3A_219 = arith.constant 8 : i32
        %add3A_220 = vector.broadcast %add3A_219 : i32 to vector<16xi32>
        %add3A_221 = arith.addi %mul3A_147, %add3A_220 : vector<16xi32>
        %mul3A_222 = arith.constant 16 : i32
        %mul3A_223 = arith.muli %scan3A_136, %mul3A_222 : i32
        %get3A_224 = arith.constant 8 : i32
        %get3A_225 = arith.index_cast %get3A_224 : i32 to index
        %get3A_226 = arith.index_cast %mul3A_223 : i32 to index
        %get3A_227 = tpu.vector_load %arg4[%get3A_225, %get3A_226] {strides = array<i32>} : memref<32x512xf32, #tpu.memory_space<vmem>>, vector<16xf32>,
        tpu.vector_store_idx %arg7[%shift_right_arithmetic3A_142, %add3A_221], %get3A_227 : memref<128x128xf32, #tpu.memory_space<vmem>>[vector<16xi32>, vector<16xi32>], vector<16xf32>,
        %add3A_228 = arith.constant 9 : i32
        %add3A_229 = vector.broadcast %add3A_228 : i32 to vector<16xi32>
        %add3A_230 = arith.addi %mul3A_147, %add3A_229 : vector<16xi32>
        %mul3A_231 = arith.constant 16 : i32
        %mul3A_232 = arith.muli %scan3A_136, %mul3A_231 : i32
        %get3A_233 = arith.constant 9 : i32
        %get3A_234 = arith.index_cast %get3A_233 : i32 to index
        %get3A_235 = arith.index_cast %mul3A_232 : i32 to index
        %get3A_236 = tpu.vector_load %arg4[%get3A_234, %get3A_235] {strides = array<i32>} : memref<32x512xf32, #tpu.memory_space<vmem>>, vector<16xf32>,
        tpu.vector_store_idx %arg7[%shift_right_arithmetic3A_142, %add3A_230], %get3A_236 : memref<128x128xf32, #tpu.memory_space<vmem>>[vector<16xi32>, vector<16xi32>], vector<16xf32>,
        %add3A_237 = arith.constant 10 : i32
        %add3A_238 = vector.broadcast %add3A_237 : i32 to vector<16xi32>
        %add3A_239 = arith.addi %mul3A_147, %add3A_238 : vector<16xi32>
        %mul3A_240 = arith.constant 16 : i32
        %mul3A_241 = arith.muli %scan3A_136, %mul3A_240 : i32
        %get3A_242 = arith.constant 10 : i32
        %get3A_243 = arith.index_cast %get3A_242 : i32 to index
        %get3A_244 = arith.index_cast %mul3A_241 : i32 to index
        %get3A_245 = tpu.vector_load %arg4[%get3A_243, %get3A_244] {strides = array<i32>} : memref<32x512xf32, #tpu.memory_space<vmem>>, vector<16xf32>,
        tpu.vector_store_idx %arg7[%shift_right_arithmetic3A_142, %add3A_239], %get3A_245 : memref<128x128xf32, #tpu.memory_space<vmem>>[vector<16xi32>, vector<16xi32>], vector<16xf32>,
        %add3A_246 = arith.constant 11 : i32
        %add3A_247 = vector.broadcast %add3A_246 : i32 to vector<16xi32>
        %add3A_248 = arith.addi %mul3A_147, %add3A_247 : vector<16xi32>
        %mul3A_249 = arith.constant 16 : i32
        %mul3A_250 = arith.muli %scan3A_136, %mul3A_249 : i32
        %get3A_251 = arith.constant 11 : i32
        %get3A_252 = arith.index_cast %get3A_251 : i32 to index
        %get3A_253 = arith.index_cast %mul3A_250 : i32 to index
        %get3A_254 = tpu.vector_load %arg4[%get3A_252, %get3A_253] {strides = array<i32>} : memref<32x512xf32, #tpu.memory_space<vmem>>, vector<16xf32>,
        tpu.vector_store_idx %arg7[%shift_right_arithmetic3A_142, %add3A_248], %get3A_254 : memref<128x128xf32, #tpu.memory_space<vmem>>[vector<16xi32>, vector<16xi32>], vector<16xf32>,
        %add3A_255 = arith.constant 12 : i32
        %add3A_256 = vector.broadcast %add3A_255 : i32 to vector<16xi32>
        %add3A_257 = arith.addi %mul3A_147, %add3A_256 : vector<16xi32>
        %mul3A_258 = arith.constant 16 : i32
        %mul3A_259 = arith.muli %scan3A_136, %mul3A_258 : i32
        %get3A_260 = arith.constant 12 : i32
        %get3A_261 = arith.index_cast %get3A_260 : i32 to index
        %get3A_262 = arith.index_cast %mul3A_259 : i32 to index
        %get3A_263 = tpu.vector_load %arg4[%get3A_261, %get3A_262] {strides = array<i32>} : memref<32x512xf32, #tpu.memory_space<vmem>>, vector<16xf32>,
        tpu.vector_store_idx %arg7[%shift_right_arithmetic3A_142, %add3A_257], %get3A_263 : memref<128x128xf32, #tpu.memory_space<vmem>>[vector<16xi32>, vector<16xi32>], vector<16xf32>,
        %add3A_264 = arith.constant 13 : i32
        %add3A_265 = vector.broadcast %add3A_264 : i32 to vector<16xi32>
        %add3A_266 = arith.addi %mul3A_147, %add3A_265 : vector<16xi32>
        %mul3A_267 = arith.constant 16 : i32
        %mul3A_268 = arith.muli %scan3A_136, %mul3A_267 : i32
        %get3A_269 = arith.constant 13 : i32
        %get3A_270 = arith.index_cast %get3A_269 : i32 to index
        %get3A_271 = arith.index_cast %mul3A_268 : i32 to index
        %get3A_272 = tpu.vector_load %arg4[%get3A_270, %get3A_271] {strides = array<i32>} : memref<32x512xf32, #tpu.memory_space<vmem>>, vector<16xf32>,
        tpu.vector_store_idx %arg7[%shift_right_arithmetic3A_142, %add3A_266], %get3A_272 : memref<128x128xf32, #tpu.memory_space<vmem>>[vector<16xi32>, vector<16xi32>], vector<16xf32>,
        %add3A_273 = arith.constant 14 : i32
        %add3A_274 = vector.broadcast %add3A_273 : i32 to vector<16xi32>
        %add3A_275 = arith.addi %mul3A_147, %add3A_274 : vector<16xi32>
        %mul3A_276 = arith.constant 16 : i32
        %mul3A_277 = arith.muli %scan3A_136, %mul3A_276 : i32
        %get3A_278 = arith.constant 14 : i32
        %get3A_279 = arith.index_cast %get3A_278 : i32 to index
        %get3A_280 = arith.index_cast %mul3A_277 : i32 to index
        %get3A_281 = tpu.vector_load %arg4[%get3A_279, %get3A_280] {strides = array<i32>} : memref<32x512xf32, #tpu.memory_space<vmem>>, vector<16xf32>,
        tpu.vector_store_idx %arg7[%shift_right_arithmetic3A_142, %add3A_275], %get3A_281 : memref<128x128xf32, #tpu.memory_space<vmem>>[vector<16xi32>, vector<16xi32>], vector<16xf32>,
        %add3A_282 = arith.constant 15 : i32
        %add3A_283 = vector.broadcast %add3A_282 : i32 to vector<16xi32>
        %add3A_284 = arith.addi %mul3A_147, %add3A_283 : vector<16xi32>
        %mul3A_285 = arith.constant 16 : i32
        %mul3A_286 = arith.muli %scan3A_136, %mul3A_285 : i32
        %get3A_287 = arith.constant 15 : i32
        %get3A_288 = arith.index_cast %get3A_287 : i32 to index
        %get3A_289 = arith.index_cast %mul3A_286 : i32 to index
        %get3A_290 = tpu.vector_load %arg4[%get3A_288, %get3A_289] {strides = array<i32>} : memref<32x512xf32, #tpu.memory_space<vmem>>, vector<16xf32>,
        tpu.vector_store_idx %arg7[%shift_right_arithmetic3A_142, %add3A_284], %get3A_290 : memref<128x128xf32, #tpu.memory_space<vmem>>[vector<16xi32>, vector<16xi32>], vector<16xf32>,
        %add3A_291 = arith.constant 16 : i32
        %add3A_292 = vector.broadcast %add3A_291 : i32 to vector<16xi32>
        %add3A_293 = arith.addi %mul3A_147, %add3A_292 : vector<16xi32>
        %mul3A_294 = arith.constant 16 : i32
        %mul3A_295 = arith.muli %scan3A_136, %mul3A_294 : i32
        %get3A_296 = arith.constant 16 : i32
        %get3A_297 = arith.index_cast %get3A_296 : i32 to index
        %get3A_298 = arith.index_cast %mul3A_295 : i32 to index
        %get3A_299 = tpu.vector_load %arg4[%get3A_297, %get3A_298] {strides = array<i32>} : memref<32x512xf32, #tpu.memory_space<vmem>>, vector<16xf32>,
        tpu.vector_store_idx %arg7[%shift_right_arithmetic3A_142, %add3A_293], %get3A_299 : memref<128x128xf32, #tpu.memory_space<vmem>>[vector<16xi32>, vector<16xi32>], vector<16xf32>,
        %add3A_300 = arith.constant 17 : i32
        %add3A_301 = vector.broadcast %add3A_300 : i32 to vector<16xi32>
        %add3A_302 = arith.addi %mul3A_147, %add3A_301 : vector<16xi32>
        %mul3A_303 = arith.constant 16 : i32
        %mul3A_304 = arith.muli %scan3A_136, %mul3A_303 : i32
        %get3A_305 = arith.constant 17 : i32
        %get3A_306 = arith.index_cast %get3A_305 : i32 to index
        %get3A_307 = arith.index_cast %mul3A_304 : i32 to index
        %get3A_308 = tpu.vector_load %arg4[%get3A_306, %get3A_307] {strides = array<i32>} : memref<32x512xf32, #tpu.memory_space<vmem>>, vector<16xf32>,
        tpu.vector_store_idx %arg7[%shift_right_arithmetic3A_142, %add3A_302], %get3A_308 : memref<128x128xf32, #tpu.memory_space<vmem>>[vector<16xi32>, vector<16xi32>], vector<16xf32>,
        %add3A_309 = arith.constant 18 : i32
        %add3A_310 = vector.broadcast %add3A_309 : i32 to vector<16xi32>
        %add3A_311 = arith.addi %mul3A_147, %add3A_310 : vector<16xi32>
        %mul3A_312 = arith.constant 16 : i32
        %mul3A_313 = arith.muli %scan3A_136, %mul3A_312 : i32
        %get3A_314 = arith.constant 18 : i32
        %get3A_315 = arith.index_cast %get3A_314 : i32 to index
        %get3A_316 = arith.index_cast %mul3A_313 : i32 to index
        %get3A_317 = tpu.vector_load %arg4[%get3A_315, %get3A_316] {strides = array<i32>} : memref<32x512xf32, #tpu.memory_space<vmem>>, vector<16xf32>,
        tpu.vector_store_idx %arg7[%shift_right_arithmetic3A_142, %add3A_311], %get3A_317 : memref<128x128xf32, #tpu.memory_space<vmem>>[vector<16xi32>, vector<16xi32>], vector<16xf32>,
        %add3A_318 = arith.constant 19 : i32
        %add3A_319 = vector.broadcast %add3A_318 : i32 to vector<16xi32>
        %add3A_320 = arith.addi %mul3A_147, %add3A_319 : vector<16xi32>
        %mul3A_321 = arith.constant 16 : i32
        %mul3A_322 = arith.muli %scan3A_136, %mul3A_321 : i32
        %get3A_323 = arith.constant 19 : i32
        %get3A_324 = arith.index_cast %get3A_323 : i32 to index
        %get3A_325 = arith.index_cast %mul3A_322 : i32 to index
        %get3A_326 = tpu.vector_load %arg4[%get3A_324, %get3A_325] {strides = array<i32>} : memref<32x512xf32, #tpu.memory_space<vmem>>, vector<16xf32>,
        tpu.vector_store_idx %arg7[%shift_right_arithmetic3A_142, %add3A_320], %get3A_326 : memref<128x128xf32, #tpu.memory_space<vmem>>[vector<16xi32>, vector<16xi32>], vector<16xf32>,
        %add3A_327 = arith.constant 20 : i32
        %add3A_328 = vector.broadcast %add3A_327 : i32 to vector<16xi32>
        %add3A_329 = arith.addi %mul3A_147, %add3A_328 : vector<16xi32>
        %mul3A_330 = arith.constant 16 : i32
        %mul3A_331 = arith.muli %scan3A_136, %mul3A_330 : i32
        %get3A_332 = arith.constant 20 : i32
        %get3A_333 = arith.index_cast %get3A_332 : i32 to index
        %get3A_334 = arith.index_cast %mul3A_331 : i32 to index
        %get3A_335 = tpu.vector_load %arg4[%get3A_333, %get3A_334] {strides = array<i32>} : memref<32x512xf32, #tpu.memory_space<vmem>>, vector<16xf32>,
        tpu.vector_store_idx %arg7[%shift_right_arithmetic3A_142, %add3A_329], %get3A_335 : memref<128x128xf32, #tpu.memory_space<vmem>>[vector<16xi32>, vector<16xi32>], vector<16xf32>,
        %add3A_336 = arith.constant 21 : i32
        %add3A_337 = vector.broadcast %add3A_336 : i32 to vector<16xi32>
        %add3A_338 = arith.addi %mul3A_147, %add3A_337 : vector<16xi32>
        %mul3A_339 = arith.constant 16 : i32
        %mul3A_340 = arith.muli %scan3A_136, %mul3A_339 : i32
        %get3A_341 = arith.constant 21 : i32
        %get3A_342 = arith.index_cast %get3A_341 : i32 to index
        %get3A_343 = arith.index_cast %mul3A_340 : i32 to index
        %get3A_344 = tpu.vector_load %arg4[%get3A_342, %get3A_343] {strides = array<i32>} : memref<32x512xf32, #tpu.memory_space<vmem>>, vector<16xf32>,
        tpu.vector_store_idx %arg7[%shift_right_arithmetic3A_142, %add3A_338], %get3A_344 : memref<128x128xf32, #tpu.memory_space<vmem>>[vector<16xi32>, vector<16xi32>], vector<16xf32>,
        %add3A_345 = arith.constant 22 : i32
        %add3A_346 = vector.broadcast %add3A_345 : i32 to vector<16xi32>
        %add3A_347 = arith.addi %mul3A_147, %add3A_346 : vector<16xi32>
        %mul3A_348 = arith.constant 16 : i32
        %mul3A_349 = arith.muli %scan3A_136, %mul3A_348 : i32
        %get3A_350 = arith.constant 22 : i32
        %get3A_351 = arith.index_cast %get3A_350 : i32 to index
        %get3A_352 = arith.index_cast %mul3A_349 : i32 to index
        %get3A_353 = tpu.vector_load %arg4[%get3A_351, %get3A_352] {strides = array<i32>} : memref<32x512xf32, #tpu.memory_space<vmem>>, vector<16xf32>,
        tpu.vector_store_idx %arg7[%shift_right_arithmetic3A_142, %add3A_347], %get3A_353 : memref<128x128xf32, #tpu.memory_space<vmem>>[vector<16xi32>, vector<16xi32>], vector<16xf32>,
        %add3A_354 = arith.constant 23 : i32
        %add3A_355 = vector.broadcast %add3A_354 : i32 to vector<16xi32>
        %add3A_356 = arith.addi %mul3A_147, %add3A_355 : vector<16xi32>
        %mul3A_357 = arith.constant 16 : i32
        %mul3A_358 = arith.muli %scan3A_136, %mul3A_357 : i32
        %get3A_359 = arith.constant 23 : i32
        %get3A_360 = arith.index_cast %get3A_359 : i32 to index
        %get3A_361 = arith.index_cast %mul3A_358 : i32 to index
        %get3A_362 = tpu.vector_load %arg4[%get3A_360, %get3A_361] {strides = array<i32>} : memref<32x512xf32, #tpu.memory_space<vmem>>, vector<16xf32>,
        tpu.vector_store_idx %arg7[%shift_right_arithmetic3A_142, %add3A_356], %get3A_362 : memref<128x128xf32, #tpu.memory_space<vmem>>[vector<16xi32>, vector<16xi32>], vector<16xf32>,
        %add3A_363 = arith.constant 24 : i32
        %add3A_364 = vector.broadcast %add3A_363 : i32 to vector<16xi32>
        %add3A_365 = arith.addi %mul3A_147, %add3A_364 : vector<16xi32>
        %mul3A_366 = arith.constant 16 : i32
        %mul3A_367 = arith.muli %scan3A_136, %mul3A_366 : i32
        %get3A_368 = arith.constant 24 : i32
        %get3A_369 = arith.index_cast %get3A_368 : i32 to index
        %get3A_370 = arith.index_cast %mul3A_367 : i32 to index
        %get3A_371 = tpu.vector_load %arg4[%get3A_369, %get3A_370] {strides = array<i32>} : memref<32x512xf32, #tpu.memory_space<vmem>>, vector<16xf32>,
        tpu.vector_store_idx %arg7[%shift_right_arithmetic3A_142, %add3A_365], %get3A_371 : memref<128x128xf32, #tpu.memory_space<vmem>>[vector<16xi32>, vector<16xi32>], vector<16xf32>,
        %add3A_372 = arith.constant 25 : i32
        %add3A_373 = vector.broadcast %add3A_372 : i32 to vector<16xi32>
        %add3A_374 = arith.addi %mul3A_147, %add3A_373 : vector<16xi32>
        %mul3A_375 = arith.constant 16 : i32
        %mul3A_376 = arith.muli %scan3A_136, %mul3A_375 : i32
        %get3A_377 = arith.constant 25 : i32
        %get3A_378 = arith.index_cast %get3A_377 : i32 to index
        %get3A_379 = arith.index_cast %mul3A_376 : i32 to index
        %get3A_380 = tpu.vector_load %arg4[%get3A_378, %get3A_379] {strides = array<i32>} : memref<32x512xf32, #tpu.memory_space<vmem>>, vector<16xf32>,
        tpu.vector_store_idx %arg7[%shift_right_arithmetic3A_142, %add3A_374], %get3A_380 : memref<128x128xf32, #tpu.memory_space<vmem>>[vector<16xi32>, vector<16xi32>], vector<16xf32>,
        %add3A_381 = arith.constant 26 : i32
        %add3A_382 = vector.broadcast %add3A_381 : i32 to vector<16xi32>
        %add3A_383 = arith.addi %mul3A_147, %add3A_382 : vector<16xi32>
        %mul3A_384 = arith.constant 16 : i32
        %mul3A_385 = arith.muli %scan3A_136, %mul3A_384 : i32
        %get3A_386 = arith.constant 26 : i32
        %get3A_387 = arith.index_cast %get3A_386 : i32 to index
        %get3A_388 = arith.index_cast %mul3A_385 : i32 to index
        %get3A_389 = tpu.vector_load %arg4[%get3A_387, %get3A_388] {strides = array<i32>} : memref<32x512xf32, #tpu.memory_space<vmem>>, vector<16xf32>,
        tpu.vector_store_idx %arg7[%shift_right_arithmetic3A_142, %add3A_383], %get3A_389 : memref<128x128xf32, #tpu.memory_space<vmem>>[vector<16xi32>, vector<16xi32>], vector<16xf32>,
        %add3A_390 = arith.constant 27 : i32
        %add3A_391 = vector.broadcast %add3A_390 : i32 to vector<16xi32>
        %add3A_392 = arith.addi %mul3A_147, %add3A_391 : vector<16xi32>
        %mul3A_393 = arith.constant 16 : i32
        %mul3A_394 = arith.muli %scan3A_136, %mul3A_393 : i32
        %get3A_395 = arith.constant 27 : i32
        %get3A_396 = arith.index_cast %get3A_395 : i32 to index
        %get3A_397 = arith.index_cast %mul3A_394 : i32 to index
        %get3A_398 = tpu.vector_load %arg4[%get3A_396, %get3A_397] {strides = array<i32>} : memref<32x512xf32, #tpu.memory_space<vmem>>, vector<16xf32>,
        tpu.vector_store_idx %arg7[%shift_right_arithmetic3A_142, %add3A_392], %get3A_398 : memref<128x128xf32, #tpu.memory_space<vmem>>[vector<16xi32>, vector<16xi32>], vector<16xf32>,
        %add3A_399 = arith.constant 28 : i32
        %add3A_400 = vector.broadcast %add3A_399 : i32 to vector<16xi32>
        %add3A_401 = arith.addi %mul3A_147, %add3A_400 : vector<16xi32>
        %mul3A_402 = arith.constant 16 : i32
        %mul3A_403 = arith.muli %scan3A_136, %mul3A_402 : i32
        %get3A_404 = arith.constant 28 : i32
        %get3A_405 = arith.index_cast %get3A_404 : i32 to index
        %get3A_406 = arith.index_cast %mul3A_403 : i32 to index
        %get3A_407 = tpu.vector_load %arg4[%get3A_405, %get3A_406] {strides = array<i32>} : memref<32x512xf32, #tpu.memory_space<vmem>>, vector<16xf32>,
        tpu.vector_store_idx %arg7[%shift_right_arithmetic3A_142, %add3A_401], %get3A_407 : memref<128x128xf32, #tpu.memory_space<vmem>>[vector<16xi32>, vector<16xi32>], vector<16xf32>,
        %add3A_408 = arith.constant 29 : i32
        %add3A_409 = vector.broadcast %add3A_408 : i32 to vector<16xi32>
        %add3A_410 = arith.addi %mul3A_147, %add3A_409 : vector<16xi32>
        %mul3A_411 = arith.constant 16 : i32
        %mul3A_412 = arith.muli %scan3A_136, %mul3A_411 : i32
        %get3A_413 = arith.constant 29 : i32
        %get3A_414 = arith.index_cast %get3A_413 : i32 to index
        %get3A_415 = arith.index_cast %mul3A_412 : i32 to index
        %get3A_416 = tpu.vector_load %arg4[%get3A_414, %get3A_415] {strides = array<i32>} : memref<32x512xf32, #tpu.memory_space<vmem>>, vector<16xf32>,
        tpu.vector_store_idx %arg7[%shift_right_arithmetic3A_142, %add3A_410], %get3A_416 : memref<128x128xf32, #tpu.memory_space<vmem>>[vector<16xi32>, vector<16xi32>], vector<16xf32>,
        %add3A_417 = arith.constant 30 : i32
        %add3A_418 = vector.broadcast %add3A_417 : i32 to vector<16xi32>
        %add3A_419 = arith.addi %mul3A_147, %add3A_418 : vector<16xi32>
        %mul3A_420 = arith.constant 16 : i32
        %mul3A_421 = arith.muli %scan3A_136, %mul3A_420 : i32
        %get3A_422 = arith.constant 30 : i32
        %get3A_423 = arith.index_cast %get3A_422 : i32 to index
        %get3A_424 = arith.index_cast %mul3A_421 : i32 to index
        %get3A_425 = tpu.vector_load %arg4[%get3A_423, %get3A_424] {strides = array<i32>} : memref<32x512xf32, #tpu.memory_space<vmem>>, vector<16xf32>,
        tpu.vector_store_idx %arg7[%shift_right_arithmetic3A_142, %add3A_419], %get3A_425 : memref<128x128xf32, #tpu.memory_space<vmem>>[vector<16xi32>, vector<16xi32>], vector<16xf32>,
        %add3A_426 = arith.constant 31 : i32
        %add3A_427 = vector.broadcast %add3A_426 : i32 to vector<16xi32>
        %add3A_428 = arith.addi %mul3A_147, %add3A_427 : vector<16xi32>
        %mul3A_429 = arith.constant 16 : i32
        %mul3A_430 = arith.muli %scan3A_136, %mul3A_429 : i32
        %get3A_431 = arith.constant 31 : i32
        %get3A_432 = arith.index_cast %get3A_431 : i32 to index
        %get3A_433 = arith.index_cast %mul3A_430 : i32 to index
        %get3A_434 = tpu.vector_load %arg4[%get3A_432, %get3A_433] {strides = array<i32>} : memref<32x512xf32, #tpu.memory_space<vmem>>, vector<16xf32>,
        tpu.vector_store_idx %arg7[%shift_right_arithmetic3A_142, %add3A_428], %get3A_434 : memref<128x128xf32, #tpu.memory_space<vmem>>[vector<16xi32>, vector<16xi32>], vector<16xf32>,
      }
      %scan3A_83 = arith.constant 32 : i32
      %multiple_of3A_84 = arith.constant 249856 : i32
      %multiple_of3A_85 = tpu.assume_multiple %multiple_of3A_84, 128 : i32
      %dma_start3A_86 = arith.constant 0 : i32
      %dma_start3A_87 = tpu.memref_slice %arg3[%multiple_of3A_85, %dma_start3A_86] : memref<250000x128xf32, #tpu.memory_space<hbm>> -> memref<128x128xf32, #tpu.memory_space<hbm>>
      %dma_start3A_88 = arith.constant 0 : i32
      %dma_start3A_89 = tpu.memref_slice %arg3[%multiple_of3A_85, %dma_start3A_88] : memref<250000x128xf32, #tpu.memory_space<hbm>> -> memref<128x128xf32, #tpu.memory_space<hbm>>
      tpu.enqueue_dma source(%arg7 : memref<128x128xf32, #tpu.memory_space<vmem>>) target(%dma_start3A_89 : memref<128x128xf32, #tpu.memory_space<hbm>>) target_semaphore(%arg11 : memref<!tpu.dma_semaphore, #tpu.memory_space<semaphore_mem>>)
      %dma_wait3A_90 = arith.constant 0 : i32
      %dma_wait3A_91 = tpu.memref_slice %arg3[%multiple_of3A_85, %dma_wait3A_90] : memref<250000x128xf32, #tpu.memory_space<hbm>> -> memref<128x128xf32, #tpu.memory_space<hbm>>
      %dma_wait3A_92 = arith.constant 0 : i32
      %dma_wait3A_93 = tpu.memref_slice %arg3[%multiple_of3A_85, %dma_wait3A_92] : memref<250000x128xf32, #tpu.memory_space<hbm>> -> memref<128x128xf32, #tpu.memory_space<hbm>>
      tpu.wait_dma2 semaphore(%arg11 : memref<!tpu.dma_semaphore, #tpu.memory_space<semaphore_mem>>) src(%arg7 : memref<128x128xf32, #tpu.memory_space<vmem>>) dst(%dma_wait3A_93 : memref<128x128xf32, #tpu.memory_space<hbm>>)
      %dma_start3A_94 = arith.constant 0 : i32
      %dma_start3A_95 = arith.constant 999936 : i32
      %dma_start3A_96 = tpu.memref_slice %arg2[%dma_start3A_94, %dma_start3A_95] : memref<32x1000000xf32, #tpu.memory_space<hbm>> -> memref<32x64xf32, #tpu.memory_space<hbm>>
      %dma_start3A_97 = arith.constant 0 : i32
      %dma_start3A_98 = arith.constant 999936 : i32
      %dma_start3A_99 = tpu.memref_slice %arg2[%dma_start3A_97, %dma_start3A_98] : memref<32x1000000xf32, #tpu.memory_space<hbm>> -> memref<32x64xf32, #tpu.memory_space<hbm>>
      tpu.enqueue_dma source(%dma_start3A_99 : memref<32x64xf32, #tpu.memory_space<hbm>>) target(%arg6 : memref<32x64xf32, #tpu.memory_space<vmem>>) target_semaphore(%arg9 : memref<!tpu.dma_semaphore, #tpu.memory_space<semaphore_mem>>)
      %dma_wait3A_100 = arith.constant 0 : i32
      %dma_wait3A_101 = arith.constant 999936 : i32
      %dma_wait3A_102 = tpu.memref_slice %arg2[%dma_wait3A_100, %dma_wait3A_101] : memref<32x1000000xf32, #tpu.memory_space<hbm>> -> memref<32x64xf32, #tpu.memory_space<hbm>>
      %dma_wait3A_103 = arith.constant 0 : i32
      %dma_wait3A_104 = arith.constant 999936 : i32
      %dma_wait3A_105 = tpu.memref_slice %arg2[%dma_wait3A_103, %dma_wait3A_104] : memref<32x1000000xf32, #tpu.memory_space<hbm>> -> memref<32x64xf32, #tpu.memory_space<hbm>>
      tpu.wait_dma2 semaphore(%arg9 : memref<!tpu.dma_semaphore, #tpu.memory_space<semaphore_mem>>) src(%dma_wait3A_105 : memref<32x64xf32, #tpu.memory_space<hbm>>) dst(%arg6 : memref<32x64xf32, #tpu.memory_space<vmem>>)
      %scan3A_106 = arith.constant 0 : i32
      %scan3A_107 = arith.constant 0 : i32
      %scan3A_108 = arith.constant 4 : i32
      %scan3A_109 = arith.addi %scan3A_107, %scan3A_108 : i32
      %scan3A_110 = arith.constant 1 : i32
      scf.for %scan3A_136 = %scan3A_107 to %scan3A_109 step %scan3A_110  : i32 {
        %mul3A_137 = arith.constant 16 : i32
        %mul3A_138 = arith.muli %scan3A_136, %mul3A_137 : i32
        %iota3A = tpu.iota {dimensions = array<i32: 0>} : vector<16xi32>
        %add3A_139 = vector.broadcast %mul3A_138 : i32 to vector<16xi32>
        %add3A_140 = arith.addi %add3A_139, %iota3A : vector<16xi32>
        %shift_right_arithmetic3A = arith.constant 2 : i32
        %shift_right_arithmetic3A_141 = vector.broadcast %shift_right_arithmetic3A : i32 to vector<16xi32>
        %shift_right_arithmetic3A_142 = arith.shrsi %add3A_140, %shift_right_arithmetic3A_141 : vector<16xi32>
        %and3A = arith.constant 3 : i32
        %and3A_143 = vector.broadcast %and3A : i32 to vector<16xi32>
        %and3A_144 = arith.andi %add3A_140, %and3A_143 : vector<16xi32>
        %mul3A_145 = arith.constant 32 : i32
        %mul3A_146 = vector.broadcast %mul3A_145 : i32 to vector<16xi32>
        %mul3A_147 = arith.muli %and3A_144, %mul3A_146 : vector<16xi32>
        %add3A_148 = arith.constant 0 : i32
        %add3A_149 = vector.broadcast %add3A_148 : i32 to vector<16xi32>
        %add3A_150 = arith.addi %mul3A_147, %add3A_149 : vector<16xi32>
        %mul3A_151 = arith.constant 16 : i32
        %mul3A_152 = arith.muli %scan3A_136, %mul3A_151 : i32
        %get3A = arith.constant 0 : i32
        %get3A_153 = arith.index_cast %get3A : i32 to index
        %get3A_154 = arith.index_cast %mul3A_152 : i32 to index
        %get3A_155 = tpu.vector_load %arg6[%get3A_153, %get3A_154] {strides = array<i32>} : memref<32x64xf32, #tpu.memory_space<vmem>>, vector<16xf32>,
        tpu.vector_store_idx %arg7[%shift_right_arithmetic3A_142, %add3A_150], %get3A_155 : memref<128x128xf32, #tpu.memory_space<vmem>>[vector<16xi32>, vector<16xi32>], vector<16xf32>,
        %add3A_156 = arith.constant 1 : i32
        %add3A_157 = vector.broadcast %add3A_156 : i32 to vector<16xi32>
        %add3A_158 = arith.addi %mul3A_147, %add3A_157 : vector<16xi32>
        %mul3A_159 = arith.constant 16 : i32
        %mul3A_160 = arith.muli %scan3A_136, %mul3A_159 : i32
        %get3A_161 = arith.constant 1 : i32
        %get3A_162 = arith.index_cast %get3A_161 : i32 to index
        %get3A_163 = arith.index_cast %mul3A_160 : i32 to index
        %get3A_164 = tpu.vector_load %arg6[%get3A_162, %get3A_163] {strides = array<i32>} : memref<32x64xf32, #tpu.memory_space<vmem>>, vector<16xf32>,
        tpu.vector_store_idx %arg7[%shift_right_arithmetic3A_142, %add3A_158], %get3A_164 : memref<128x128xf32, #tpu.memory_space<vmem>>[vector<16xi32>, vector<16xi32>], vector<16xf32>,
        %add3A_165 = arith.constant 2 : i32
        %add3A_166 = vector.broadcast %add3A_165 : i32 to vector<16xi32>
        %add3A_167 = arith.addi %mul3A_147, %add3A_166 : vector<16xi32>
        %mul3A_168 = arith.constant 16 : i32
        %mul3A_169 = arith.muli %scan3A_136, %mul3A_168 : i32
        %get3A_170 = arith.constant 2 : i32
        %get3A_171 = arith.index_cast %get3A_170 : i32 to index
        %get3A_172 = arith.index_cast %mul3A_169 : i32 to index
        %get3A_173 = tpu.vector_load %arg6[%get3A_171, %get3A_172] {strides = array<i32>} : memref<32x64xf32, #tpu.memory_space<vmem>>, vector<16xf32>,
        tpu.vector_store_idx %arg7[%shift_right_arithmetic3A_142, %add3A_167], %get3A_173 : memref<128x128xf32, #tpu.memory_space<vmem>>[vector<16xi32>, vector<16xi32>], vector<16xf32>,
        %add3A_174 = arith.constant 3 : i32
        %add3A_175 = vector.broadcast %add3A_174 : i32 to vector<16xi32>
        %add3A_176 = arith.addi %mul3A_147, %add3A_175 : vector<16xi32>
        %mul3A_177 = arith.constant 16 : i32
        %mul3A_178 = arith.muli %scan3A_136, %mul3A_177 : i32
        %get3A_179 = arith.constant 3 : i32
        %get3A_180 = arith.index_cast %get3A_179 : i32 to index
        %get3A_181 = arith.index_cast %mul3A_178 : i32 to index
        %get3A_182 = tpu.vector_load %arg6[%get3A_180, %get3A_181] {strides = array<i32>} : memref<32x64xf32, #tpu.memory_space<vmem>>, vector<16xf32>,
        tpu.vector_store_idx %arg7[%shift_right_arithmetic3A_142, %add3A_176], %get3A_182 : memref<128x128xf32, #tpu.memory_space<vmem>>[vector<16xi32>, vector<16xi32>], vector<16xf32>,
        %add3A_183 = arith.constant 4 : i32
        %add3A_184 = vector.broadcast %add3A_183 : i32 to vector<16xi32>
        %add3A_185 = arith.addi %mul3A_147, %add3A_184 : vector<16xi32>
        %mul3A_186 = arith.constant 16 : i32
        %mul3A_187 = arith.muli %scan3A_136, %mul3A_186 : i32
        %get3A_188 = arith.constant 4 : i32
        %get3A_189 = arith.index_cast %get3A_188 : i32 to index
        %get3A_190 = arith.index_cast %mul3A_187 : i32 to index
        %get3A_191 = tpu.vector_load %arg6[%get3A_189, %get3A_190] {strides = array<i32>} : memref<32x64xf32, #tpu.memory_space<vmem>>, vector<16xf32>,
        tpu.vector_store_idx %arg7[%shift_right_arithmetic3A_142, %add3A_185], %get3A_191 : memref<128x128xf32, #tpu.memory_space<vmem>>[vector<16xi32>, vector<16xi32>], vector<16xf32>,
        %add3A_192 = arith.constant 5 : i32
        %add3A_193 = vector.broadcast %add3A_192 : i32 to vector<16xi32>
        %add3A_194 = arith.addi %mul3A_147, %add3A_193 : vector<16xi32>
        %mul3A_195 = arith.constant 16 : i32
        %mul3A_196 = arith.muli %scan3A_136, %mul3A_195 : i32
        %get3A_197 = arith.constant 5 : i32
        %get3A_198 = arith.index_cast %get3A_197 : i32 to index
        %get3A_199 = arith.index_cast %mul3A_196 : i32 to index
        %get3A_200 = tpu.vector_load %arg6[%get3A_198, %get3A_199] {strides = array<i32>} : memref<32x64xf32, #tpu.memory_space<vmem>>, vector<16xf32>,
        tpu.vector_store_idx %arg7[%shift_right_arithmetic3A_142, %add3A_194], %get3A_200 : memref<128x128xf32, #tpu.memory_space<vmem>>[vector<16xi32>, vector<16xi32>], vector<16xf32>,
        %add3A_201 = arith.constant 6 : i32
        %add3A_202 = vector.broadcast %add3A_201 : i32 to vector<16xi32>
        %add3A_203 = arith.addi %mul3A_147, %add3A_202 : vector<16xi32>
        %mul3A_204 = arith.constant 16 : i32
        %mul3A_205 = arith.muli %scan3A_136, %mul3A_204 : i32
        %get3A_206 = arith.constant 6 : i32
        %get3A_207 = arith.index_cast %get3A_206 : i32 to index
        %get3A_208 = arith.index_cast %mul3A_205 : i32 to index
        %get3A_209 = tpu.vector_load %arg6[%get3A_207, %get3A_208] {strides = array<i32>} : memref<32x64xf32, #tpu.memory_space<vmem>>, vector<16xf32>,
        tpu.vector_store_idx %arg7[%shift_right_arithmetic3A_142, %add3A_203], %get3A_209 : memref<128x128xf32, #tpu.memory_space<vmem>>[vector<16xi32>, vector<16xi32>], vector<16xf32>,
        %add3A_210 = arith.constant 7 : i32
        %add3A_211 = vector.broadcast %add3A_210 : i32 to vector<16xi32>
        %add3A_212 = arith.addi %mul3A_147, %add3A_211 : vector<16xi32>
        %mul3A_213 = arith.constant 16 : i32
        %mul3A_214 = arith.muli %scan3A_136, %mul3A_213 : i32
        %get3A_215 = arith.constant 7 : i32
        %get3A_216 = arith.index_cast %get3A_215 : i32 to index
        %get3A_217 = arith.index_cast %mul3A_214 : i32 to index
        %get3A_218 = tpu.vector_load %arg6[%get3A_216, %get3A_217] {strides = array<i32>} : memref<32x64xf32, #tpu.memory_space<vmem>>, vector<16xf32>,
        tpu.vector_store_idx %arg7[%shift_right_arithmetic3A_142, %add3A_212], %get3A_218 : memref<128x128xf32, #tpu.memory_space<vmem>>[vector<16xi32>, vector<16xi32>], vector<16xf32>,
        %add3A_219 = arith.constant 8 : i32
        %add3A_220 = vector.broadcast %add3A_219 : i32 to vector<16xi32>
        %add3A_221 = arith.addi %mul3A_147, %add3A_220 : vector<16xi32>
        %mul3A_222 = arith.constant 16 : i32
        %mul3A_223 = arith.muli %scan3A_136, %mul3A_222 : i32
        %get3A_224 = arith.constant 8 : i32
        %get3A_225 = arith.index_cast %get3A_224 : i32 to index
        %get3A_226 = arith.index_cast %mul3A_223 : i32 to index
        %get3A_227 = tpu.vector_load %arg6[%get3A_225, %get3A_226] {strides = array<i32>} : memref<32x64xf32, #tpu.memory_space<vmem>>, vector<16xf32>,
        tpu.vector_store_idx %arg7[%shift_right_arithmetic3A_142, %add3A_221], %get3A_227 : memref<128x128xf32, #tpu.memory_space<vmem>>[vector<16xi32>, vector<16xi32>], vector<16xf32>,
        %add3A_228 = arith.constant 9 : i32
        %add3A_229 = vector.broadcast %add3A_228 : i32 to vector<16xi32>
        %add3A_230 = arith.addi %mul3A_147, %add3A_229 : vector<16xi32>
        %mul3A_231 = arith.constant 16 : i32
        %mul3A_232 = arith.muli %scan3A_136, %mul3A_231 : i32
        %get3A_233 = arith.constant 9 : i32
        %get3A_234 = arith.index_cast %get3A_233 : i32 to index
        %get3A_235 = arith.index_cast %mul3A_232 : i32 to index
        %get3A_236 = tpu.vector_load %arg6[%get3A_234, %get3A_235] {strides = array<i32>} : memref<32x64xf32, #tpu.memory_space<vmem>>, vector<16xf32>,
        tpu.vector_store_idx %arg7[%shift_right_arithmetic3A_142, %add3A_230], %get3A_236 : memref<128x128xf32, #tpu.memory_space<vmem>>[vector<16xi32>, vector<16xi32>], vector<16xf32>,
        %add3A_237 = arith.constant 10 : i32
        %add3A_238 = vector.broadcast %add3A_237 : i32 to vector<16xi32>
        %add3A_239 = arith.addi %mul3A_147, %add3A_238 : vector<16xi32>
        %mul3A_240 = arith.constant 16 : i32
        %mul3A_241 = arith.muli %scan3A_136, %mul3A_240 : i32
        %get3A_242 = arith.constant 10 : i32
        %get3A_243 = arith.index_cast %get3A_242 : i32 to index
        %get3A_244 = arith.index_cast %mul3A_241 : i32 to index
        %get3A_245 = tpu.vector_load %arg6[%get3A_243, %get3A_244] {strides = array<i32>} : memref<32x64xf32, #tpu.memory_space<vmem>>, vector<16xf32>,
        tpu.vector_store_idx %arg7[%shift_right_arithmetic3A_142, %add3A_239], %get3A_245 : memref<128x128xf32, #tpu.memory_space<vmem>>[vector<16xi32>, vector<16xi32>], vector<16xf32>,
        %add3A_246 = arith.constant 11 : i32
        %add3A_247 = vector.broadcast %add3A_246 : i32 to vector<16xi32>
        %add3A_248 = arith.addi %mul3A_147, %add3A_247 : vector<16xi32>
        %mul3A_249 = arith.constant 16 : i32
        %mul3A_250 = arith.muli %scan3A_136, %mul3A_249 : i32
        %get3A_251 = arith.constant 11 : i32
        %get3A_252 = arith.index_cast %get3A_251 : i32 to index
        %get3A_253 = arith.index_cast %mul3A_250 : i32 to index
        %get3A_254 = tpu.vector_load %arg6[%get3A_252, %get3A_253] {strides = array<i32>} : memref<32x64xf32, #tpu.memory_space<vmem>>, vector<16xf32>,
        tpu.vector_store_idx %arg7[%shift_right_arithmetic3A_142, %add3A_248], %get3A_254 : memref<128x128xf32, #tpu.memory_space<vmem>>[vector<16xi32>, vector<16xi32>], vector<16xf32>,
        %add3A_255 = arith.constant 12 : i32
        %add3A_256 = vector.broadcast %add3A_255 : i32 to vector<16xi32>
        %add3A_257 = arith.addi %mul3A_147, %add3A_256 : vector<16xi32>
        %mul3A_258 = arith.constant 16 : i32
        %mul3A_259 = arith.muli %scan3A_136, %mul3A_258 : i32
        %get3A_260 = arith.constant 12 : i32
        %get3A_261 = arith.index_cast %get3A_260 : i32 to index
        %get3A_262 = arith.index_cast %mul3A_259 : i32 to index
        %get3A_263 = tpu.vector_load %arg6[%get3A_261, %get3A_262] {strides = array<i32>} : memref<32x64xf32, #tpu.memory_space<vmem>>, vector<16xf32>,
        tpu.vector_store_idx %arg7[%shift_right_arithmetic3A_142, %add3A_257], %get3A_263 : memref<128x128xf32, #tpu.memory_space<vmem>>[vector<16xi32>, vector<16xi32>], vector<16xf32>,
        %add3A_264 = arith.constant 13 : i32
        %add3A_265 = vector.broadcast %add3A_264 : i32 to vector<16xi32>
        %add3A_266 = arith.addi %mul3A_147, %add3A_265 : vector<16xi32>
        %mul3A_267 = arith.constant 16 : i32
        %mul3A_268 = arith.muli %scan3A_136, %mul3A_267 : i32
        %get3A_269 = arith.constant 13 : i32
        %get3A_270 = arith.index_cast %get3A_269 : i32 to index
        %get3A_271 = arith.index_cast %mul3A_268 : i32 to index
        %get3A_272 = tpu.vector_load %arg6[%get3A_270, %get3A_271] {strides = array<i32>} : memref<32x64xf32, #tpu.memory_space<vmem>>, vector<16xf32>,
        tpu.vector_store_idx %arg7[%shift_right_arithmetic3A_142, %add3A_266], %get3A_272 : memref<128x128xf32, #tpu.memory_space<vmem>>[vector<16xi32>, vector<16xi32>], vector<16xf32>,
        %add3A_273 = arith.constant 14 : i32
        %add3A_274 = vector.broadcast %add3A_273 : i32 to vector<16xi32>
        %add3A_275 = arith.addi %mul3A_147, %add3A_274 : vector<16xi32>
        %mul3A_276 = arith.constant 16 : i32
        %mul3A_277 = arith.muli %scan3A_136, %mul3A_276 : i32
        %get3A_278 = arith.constant 14 : i32
        %get3A_279 = arith.index_cast %get3A_278 : i32 to index
        %get3A_280 = arith.index_cast %mul3A_277 : i32 to index
        %get3A_281 = tpu.vector_load %arg6[%get3A_279, %get3A_280] {strides = array<i32>} : memref<32x64xf32, #tpu.memory_space<vmem>>, vector<16xf32>,
        tpu.vector_store_idx %arg7[%shift_right_arithmetic3A_142, %add3A_275], %get3A_281 : memref<128x128xf32, #tpu.memory_space<vmem>>[vector<16xi32>, vector<16xi32>], vector<16xf32>,
        %add3A_282 = arith.constant 15 : i32
        %add3A_283 = vector.broadcast %add3A_282 : i32 to vector<16xi32>
        %add3A_284 = arith.addi %mul3A_147, %add3A_283 : vector<16xi32>
        %mul3A_285 = arith.constant 16 : i32
        %mul3A_286 = arith.muli %scan3A_136, %mul3A_285 : i32
        %get3A_287 = arith.constant 15 : i32
        %get3A_288 = arith.index_cast %get3A_287 : i32 to index
        %get3A_289 = arith.index_cast %mul3A_286 : i32 to index
        %get3A_290 = tpu.vector_load %arg6[%get3A_288, %get3A_289] {strides = array<i32>} : memref<32x64xf32, #tpu.memory_space<vmem>>, vector<16xf32>,
        tpu.vector_store_idx %arg7[%shift_right_arithmetic3A_142, %add3A_284], %get3A_290 : memref<128x128xf32, #tpu.memory_space<vmem>>[vector<16xi32>, vector<16xi32>], vector<16xf32>,
        %add3A_291 = arith.constant 16 : i32
        %add3A_292 = vector.broadcast %add3A_291 : i32 to vector<16xi32>
        %add3A_293 = arith.addi %mul3A_147, %add3A_292 : vector<16xi32>
        %mul3A_294 = arith.constant 16 : i32
        %mul3A_295 = arith.muli %scan3A_136, %mul3A_294 : i32
        %get3A_296 = arith.constant 16 : i32
        %get3A_297 = arith.index_cast %get3A_296 : i32 to index
        %get3A_298 = arith.index_cast %mul3A_295 : i32 to index
        %get3A_299 = tpu.vector_load %arg6[%get3A_297, %get3A_298] {strides = array<i32>} : memref<32x64xf32, #tpu.memory_space<vmem>>, vector<16xf32>,
        tpu.vector_store_idx %arg7[%shift_right_arithmetic3A_142, %add3A_293], %get3A_299 : memref<128x128xf32, #tpu.memory_space<vmem>>[vector<16xi32>, vector<16xi32>], vector<16xf32>,
        %add3A_300 = arith.constant 17 : i32
        %add3A_301 = vector.broadcast %add3A_300 : i32 to vector<16xi32>
        %add3A_302 = arith.addi %mul3A_147, %add3A_301 : vector<16xi32>
        %mul3A_303 = arith.constant 16 : i32
        %mul3A_304 = arith.muli %scan3A_136, %mul3A_303 : i32
        %get3A_305 = arith.constant 17 : i32
        %get3A_306 = arith.index_cast %get3A_305 : i32 to index
        %get3A_307 = arith.index_cast %mul3A_304 : i32 to index
        %get3A_308 = tpu.vector_load %arg6[%get3A_306, %get3A_307] {strides = array<i32>} : memref<32x64xf32, #tpu.memory_space<vmem>>, vector<16xf32>,
        tpu.vector_store_idx %arg7[%shift_right_arithmetic3A_142, %add3A_302], %get3A_308 : memref<128x128xf32, #tpu.memory_space<vmem>>[vector<16xi32>, vector<16xi32>], vector<16xf32>,
        %add3A_309 = arith.constant 18 : i32
        %add3A_310 = vector.broadcast %add3A_309 : i32 to vector<16xi32>
        %add3A_311 = arith.addi %mul3A_147, %add3A_310 : vector<16xi32>
        %mul3A_312 = arith.constant 16 : i32
        %mul3A_313 = arith.muli %scan3A_136, %mul3A_312 : i32
        %get3A_314 = arith.constant 18 : i32
        %get3A_315 = arith.index_cast %get3A_314 : i32 to index
        %get3A_316 = arith.index_cast %mul3A_313 : i32 to index
        %get3A_317 = tpu.vector_load %arg6[%get3A_315, %get3A_316] {strides = array<i32>} : memref<32x64xf32, #tpu.memory_space<vmem>>, vector<16xf32>,
        tpu.vector_store_idx %arg7[%shift_right_arithmetic3A_142, %add3A_311], %get3A_317 : memref<128x128xf32, #tpu.memory_space<vmem>>[vector<16xi32>, vector<16xi32>], vector<16xf32>,
        %add3A_318 = arith.constant 19 : i32
        %add3A_319 = vector.broadcast %add3A_318 : i32 to vector<16xi32>
        %add3A_320 = arith.addi %mul3A_147, %add3A_319 : vector<16xi32>
        %mul3A_321 = arith.constant 16 : i32
        %mul3A_322 = arith.muli %scan3A_136, %mul3A_321 : i32
        %get3A_323 = arith.constant 19 : i32
        %get3A_324 = arith.index_cast %get3A_323 : i32 to index
        %get3A_325 = arith.index_cast %mul3A_322 : i32 to index
        %get3A_326 = tpu.vector_load %arg6[%get3A_324, %get3A_325] {strides = array<i32>} : memref<32x64xf32, #tpu.memory_space<vmem>>, vector<16xf32>,
        tpu.vector_store_idx %arg7[%shift_right_arithmetic3A_142, %add3A_320], %get3A_326 : memref<128x128xf32, #tpu.memory_space<vmem>>[vector<16xi32>, vector<16xi32>], vector<16xf32>,
        %add3A_327 = arith.constant 20 : i32
        %add3A_328 = vector.broadcast %add3A_327 : i32 to vector<16xi32>
        %add3A_329 = arith.addi %mul3A_147, %add3A_328 : vector<16xi32>
        %mul3A_330 = arith.constant 16 : i32
        %mul3A_331 = arith.muli %scan3A_136, %mul3A_330 : i32
        %get3A_332 = arith.constant 20 : i32
        %get3A_333 = arith.index_cast %get3A_332 : i32 to index
        %get3A_334 = arith.index_cast %mul3A_331 : i32 to index
        %get3A_335 = tpu.vector_load %arg6[%get3A_333, %get3A_334] {strides = array<i32>} : memref<32x64xf32, #tpu.memory_space<vmem>>, vector<16xf32>,
        tpu.vector_store_idx %arg7[%shift_right_arithmetic3A_142, %add3A_329], %get3A_335 : memref<128x128xf32, #tpu.memory_space<vmem>>[vector<16xi32>, vector<16xi32>], vector<16xf32>,
        %add3A_336 = arith.constant 21 : i32
        %add3A_337 = vector.broadcast %add3A_336 : i32 to vector<16xi32>
        %add3A_338 = arith.addi %mul3A_147, %add3A_337 : vector<16xi32>
        %mul3A_339 = arith.constant 16 : i32
        %mul3A_340 = arith.muli %scan3A_136, %mul3A_339 : i32
        %get3A_341 = arith.constant 21 : i32
        %get3A_342 = arith.index_cast %get3A_341 : i32 to index
        %get3A_343 = arith.index_cast %mul3A_340 : i32 to index
        %get3A_344 = tpu.vector_load %arg6[%get3A_342, %get3A_343] {strides = array<i32>} : memref<32x64xf32, #tpu.memory_space<vmem>>, vector<16xf32>,
        tpu.vector_store_idx %arg7[%shift_right_arithmetic3A_142, %add3A_338], %get3A_344 : memref<128x128xf32, #tpu.memory_space<vmem>>[vector<16xi32>, vector<16xi32>], vector<16xf32>,
        %add3A_345 = arith.constant 22 : i32
        %add3A_346 = vector.broadcast %add3A_345 : i32 to vector<16xi32>
        %add3A_347 = arith.addi %mul3A_147, %add3A_346 : vector<16xi32>
        %mul3A_348 = arith.constant 16 : i32
        %mul3A_349 = arith.muli %scan3A_136, %mul3A_348 : i32
        %get3A_350 = arith.constant 22 : i32
        %get3A_351 = arith.index_cast %get3A_350 : i32 to index
        %get3A_352 = arith.index_cast %mul3A_349 : i32 to index
        %get3A_353 = tpu.vector_load %arg6[%get3A_351, %get3A_352] {strides = array<i32>} : memref<32x64xf32, #tpu.memory_space<vmem>>, vector<16xf32>,
        tpu.vector_store_idx %arg7[%shift_right_arithmetic3A_142, %add3A_347], %get3A_353 : memref<128x128xf32, #tpu.memory_space<vmem>>[vector<16xi32>, vector<16xi32>], vector<16xf32>,
        %add3A_354 = arith.constant 23 : i32
        %add3A_355 = vector.broadcast %add3A_354 : i32 to vector<16xi32>
        %add3A_356 = arith.addi %mul3A_147, %add3A_355 : vector<16xi32>
        %mul3A_357 = arith.constant 16 : i32
        %mul3A_358 = arith.muli %scan3A_136, %mul3A_357 : i32
        %get3A_359 = arith.constant 23 : i32
        %get3A_360 = arith.index_cast %get3A_359 : i32 to index
        %get3A_361 = arith.index_cast %mul3A_358 : i32 to index
        %get3A_362 = tpu.vector_load %arg6[%get3A_360, %get3A_361] {strides = array<i32>} : memref<32x64xf32, #tpu.memory_space<vmem>>, vector<16xf32>,
        tpu.vector_store_idx %arg7[%shift_right_arithmetic3A_142, %add3A_356], %get3A_362 : memref<128x128xf32, #tpu.memory_space<vmem>>[vector<16xi32>, vector<16xi32>], vector<16xf32>,
        %add3A_363 = arith.constant 24 : i32
        %add3A_364 = vector.broadcast %add3A_363 : i32 to vector<16xi32>
        %add3A_365 = arith.addi %mul3A_147, %add3A_364 : vector<16xi32>
        %mul3A_366 = arith.constant 16 : i32
        %mul3A_367 = arith.muli %scan3A_136, %mul3A_366 : i32
        %get3A_368 = arith.constant 24 : i32
        %get3A_369 = arith.index_cast %get3A_368 : i32 to index
        %get3A_370 = arith.index_cast %mul3A_367 : i32 to index
        %get3A_371 = tpu.vector_load %arg6[%get3A_369, %get3A_370] {strides = array<i32>} : memref<32x64xf32, #tpu.memory_space<vmem>>, vector<16xf32>,
        tpu.vector_store_idx %arg7[%shift_right_arithmetic3A_142, %add3A_365], %get3A_371 : memref<128x128xf32, #tpu.memory_space<vmem>>[vector<16xi32>, vector<16xi32>], vector<16xf32>,
        %add3A_372 = arith.constant 25 : i32
        %add3A_373 = vector.broadcast %add3A_372 : i32 to vector<16xi32>
        %add3A_374 = arith.addi %mul3A_147, %add3A_373 : vector<16xi32>
        %mul3A_375 = arith.constant 16 : i32
        %mul3A_376 = arith.muli %scan3A_136, %mul3A_375 : i32
        %get3A_377 = arith.constant 25 : i32
        %get3A_378 = arith.index_cast %get3A_377 : i32 to index
        %get3A_379 = arith.index_cast %mul3A_376 : i32 to index
        %get3A_380 = tpu.vector_load %arg6[%get3A_378, %get3A_379] {strides = array<i32>} : memref<32x64xf32, #tpu.memory_space<vmem>>, vector<16xf32>,
        tpu.vector_store_idx %arg7[%shift_right_arithmetic3A_142, %add3A_374], %get3A_380 : memref<128x128xf32, #tpu.memory_space<vmem>>[vector<16xi32>, vector<16xi32>], vector<16xf32>,
        %add3A_381 = arith.constant 26 : i32
        %add3A_382 = vector.broadcast %add3A_381 : i32 to vector<16xi32>
        %add3A_383 = arith.addi %mul3A_147, %add3A_382 : vector<16xi32>
        %mul3A_384 = arith.constant 16 : i32
        %mul3A_385 = arith.muli %scan3A_136, %mul3A_384 : i32
        %get3A_386 = arith.constant 26 : i32
        %get3A_387 = arith.index_cast %get3A_386 : i32 to index
        %get3A_388 = arith.index_cast %mul3A_385 : i32 to index
        %get3A_389 = tpu.vector_load %arg6[%get3A_387, %get3A_388] {strides = array<i32>} : memref<32x64xf32, #tpu.memory_space<vmem>>, vector<16xf32>,
        tpu.vector_store_idx %arg7[%shift_right_arithmetic3A_142, %add3A_383], %get3A_389 : memref<128x128xf32, #tpu.memory_space<vmem>>[vector<16xi32>, vector<16xi32>], vector<16xf32>,
        %add3A_390 = arith.constant 27 : i32
        %add3A_391 = vector.broadcast %add3A_390 : i32 to vector<16xi32>
        %add3A_392 = arith.addi %mul3A_147, %add3A_391 : vector<16xi32>
        %mul3A_393 = arith.constant 16 : i32
        %mul3A_394 = arith.muli %scan3A_136, %mul3A_393 : i32
        %get3A_395 = arith.constant 27 : i32
        %get3A_396 = arith.index_cast %get3A_395 : i32 to index
        %get3A_397 = arith.index_cast %mul3A_394 : i32 to index
        %get3A_398 = tpu.vector_load %arg6[%get3A_396, %get3A_397] {strides = array<i32>} : memref<32x64xf32, #tpu.memory_space<vmem>>, vector<16xf32>,
        tpu.vector_store_idx %arg7[%shift_right_arithmetic3A_142, %add3A_392], %get3A_398 : memref<128x128xf32, #tpu.memory_space<vmem>>[vector<16xi32>, vector<16xi32>], vector<16xf32>,
        %add3A_399 = arith.constant 28 : i32
        %add3A_400 = vector.broadcast %add3A_399 : i32 to vector<16xi32>
        %add3A_401 = arith.addi %mul3A_147, %add3A_400 : vector<16xi32>
        %mul3A_402 = arith.constant 16 : i32
        %mul3A_403 = arith.muli %scan3A_136, %mul3A_402 : i32
        %get3A_404 = arith.constant 28 : i32
        %get3A_405 = arith.index_cast %get3A_404 : i32 to index
        %get3A_406 = arith.index_cast %mul3A_403 : i32 to index
        %get3A_407 = tpu.vector_load %arg6[%get3A_405, %get3A_406] {strides = array<i32>} : memref<32x64xf32, #tpu.memory_space<vmem>>, vector<16xf32>,
        tpu.vector_store_idx %arg7[%shift_right_arithmetic3A_142, %add3A_401], %get3A_407 : memref<128x128xf32, #tpu.memory_space<vmem>>[vector<16xi32>, vector<16xi32>], vector<16xf32>,
        %add3A_408 = arith.constant 29 : i32
        %add3A_409 = vector.broadcast %add3A_408 : i32 to vector<16xi32>
        %add3A_410 = arith.addi %mul3A_147, %add3A_409 : vector<16xi32>
        %mul3A_411 = arith.constant 16 : i32
        %mul3A_412 = arith.muli %scan3A_136, %mul3A_411 : i32
        %get3A_413 = arith.constant 29 : i32
        %get3A_414 = arith.index_cast %get3A_413 : i32 to index
        %get3A_415 = arith.index_cast %mul3A_412 : i32 to index
        %get3A_416 = tpu.vector_load %arg6[%get3A_414, %get3A_415] {strides = array<i32>} : memref<32x64xf32, #tpu.memory_space<vmem>>, vector<16xf32>,
        tpu.vector_store_idx %arg7[%shift_right_arithmetic3A_142, %add3A_410], %get3A_416 : memref<128x128xf32, #tpu.memory_space<vmem>>[vector<16xi32>, vector<16xi32>], vector<16xf32>,
        %add3A_417 = arith.constant 30 : i32
        %add3A_418 = vector.broadcast %add3A_417 : i32 to vector<16xi32>
        %add3A_419 = arith.addi %mul3A_147, %add3A_418 : vector<16xi32>
        %mul3A_420 = arith.constant 16 : i32
        %mul3A_421 = arith.muli %scan3A_136, %mul3A_420 : i32
        %get3A_422 = arith.constant 30 : i32
        %get3A_423 = arith.index_cast %get3A_422 : i32 to index
        %get3A_424 = arith.index_cast %mul3A_421 : i32 to index
        %get3A_425 = tpu.vector_load %arg6[%get3A_423, %get3A_424] {strides = array<i32>} : memref<32x64xf32, #tpu.memory_space<vmem>>, vector<16xf32>,
        tpu.vector_store_idx %arg7[%shift_right_arithmetic3A_142, %add3A_419], %get3A_425 : memref<128x128xf32, #tpu.memory_space<vmem>>[vector<16xi32>, vector<16xi32>], vector<16xf32>,
        %add3A_426 = arith.constant 31 : i32
        %add3A_427 = vector.broadcast %add3A_426 : i32 to vector<16xi32>
        %add3A_428 = arith.addi %mul3A_147, %add3A_427 : vector<16xi32>
        %mul3A_429 = arith.constant 16 : i32
        %mul3A_430 = arith.muli %scan3A_136, %mul3A_429 : i32
        %get3A_431 = arith.constant 31 : i32
        %get3A_432 = arith.index_cast %get3A_431 : i32 to index
        %get3A_433 = arith.index_cast %mul3A_430 : i32 to index
        %get3A_434 = tpu.vector_load %arg6[%get3A_432, %get3A_433] {strides = array<i32>} : memref<32x64xf32, #tpu.memory_space<vmem>>, vector<16xf32>,
        tpu.vector_store_idx %arg7[%shift_right_arithmetic3A_142, %add3A_428], %get3A_434 : memref<128x128xf32, #tpu.memory_space<vmem>>[vector<16xi32>, vector<16xi32>], vector<16xf32>,
      }
      %scan3A_111 = arith.constant 4 : i32
      %dma_start3A_112 = arith.constant 0 : i32
      %dma_start3A_113 = arith.constant 0 : i32
      %dma_start3A_114 = tpu.memref_slice %arg7[%dma_start3A_112, %dma_start3A_113] : memref<128x128xf32, #tpu.memory_space<vmem>> -> memref<16x128xf32, #tpu.memory_space<vmem>>
      %dma_start3A_115 = arith.constant 249984 : i32
      %dma_start3A_116 = arith.constant 0 : i32
      %dma_start3A_117 = tpu.memref_slice %arg3[%dma_start3A_115, %dma_start3A_116] : memref<250000x128xf32, #tpu.memory_space<hbm>> -> memref<16x128xf32, #tpu.memory_space<hbm>>
      %dma_start3A_118 = arith.constant 249984 : i32
      %dma_start3A_119 = arith.constant 0 : i32
      %dma_start3A_120 = tpu.memref_slice %arg3[%dma_start3A_118, %dma_start3A_119] : memref<250000x128xf32, #tpu.memory_space<hbm>> -> memref<16x128xf32, #tpu.memory_space<hbm>>
      %dma_start3A_121 = arith.constant 0 : i32
      %dma_start3A_122 = arith.constant 0 : i32
      %dma_start3A_123 = tpu.memref_slice %arg7[%dma_start3A_121, %dma_start3A_122] : memref<128x128xf32, #tpu.memory_space<vmem>> -> memref<16x128xf32, #tpu.memory_space<vmem>>
      tpu.enqueue_dma source(%dma_start3A_123 : memref<16x128xf32, #tpu.memory_space<vmem>>) target(%dma_start3A_120 : memref<16x128xf32, #tpu.memory_space<hbm>>) target_semaphore(%arg11 : memref<!tpu.dma_semaphore, #tpu.memory_space<semaphore_mem>>)
      %dma_wait3A_124 = arith.constant 0 : i32
      %dma_wait3A_125 = arith.constant 0 : i32
      %dma_wait3A_126 = tpu.memref_slice %arg7[%dma_wait3A_124, %dma_wait3A_125] : memref<128x128xf32, #tpu.memory_space<vmem>> -> memref<16x128xf32, #tpu.memory_space<vmem>>
      %dma_wait3A_127 = arith.constant 249984 : i32
      %dma_wait3A_128 = arith.constant 0 : i32
      %dma_wait3A_129 = tpu.memref_slice %arg3[%dma_wait3A_127, %dma_wait3A_128] : memref<250000x128xf32, #tpu.memory_space<hbm>> -> memref<16x128xf32, #tpu.memory_space<hbm>>
      %dma_wait3A_130 = arith.constant 249984 : i32
      %dma_wait3A_131 = arith.constant 0 : i32
      %dma_wait3A_132 = tpu.memref_slice %arg3[%dma_wait3A_130, %dma_wait3A_131] : memref<250000x128xf32, #tpu.memory_space<hbm>> -> memref<16x128xf32, #tpu.memory_space<hbm>>
      %dma_wait3A_133 = arith.constant 0 : i32
      %dma_wait3A_134 = arith.constant 0 : i32
      %dma_wait3A_135 = tpu.memref_slice %arg7[%dma_wait3A_133, %dma_wait3A_134] : memref<128x128xf32, #tpu.memory_space<vmem>> -> memref<16x128xf32, #tpu.memory_space<vmem>>
      tpu.wait_dma2 semaphore(%arg11 : memref<!tpu.dma_semaphore, #tpu.memory_space<semaphore_mem>>) src(%dma_wait3A_135 : memref<16x128xf32, #tpu.memory_space<vmem>>) dst(%dma_wait3A_132 : memref<16x128xf32, #tpu.memory_space<hbm>>)
    } else {
    }
    return
  }
}

#map = affine_map<(d0, d1) -> (0, 0, 0)>
#map1 = affine_map<(d0, d1) -> (0, 0)>
module attributes {stable_mosaic.version = 14 : i64} {
  func.func @_emb_lookup(%arg0: i32, %arg1: i32, %arg2: memref<32x104x128xi32, #tpu.memory_space<hbm>>, %arg3: memref<1000000x32xf32, #tpu.memory_space<hbm>>, %arg4: memref<425984x32xf32, #tpu.memory_space<hbm>>, %arg5: memref<104x128xi32, #tpu.memory_space<vmem>>, %arg6: memref<4x128x32xf32, #tpu.memory_space<vmem>>, %arg7: memref<4x128x32xf32, #tpu.memory_space<vmem>>, %arg8: memref<!tpu.dma_semaphore, #tpu.memory_space<semaphore_mem>>, %arg9: memref<!tpu.dma_semaphore, #tpu.memory_space<semaphore_mem>>, %arg10: memref<!tpu.dma_semaphore, #tpu.memory_space<semaphore_mem>>, %arg11: memref<!tpu.dma_semaphore, #tpu.memory_space<semaphore_mem>>) attributes {dimension_semantics = [#tpu.dimension_semantics<core_parallel>, #tpu.dimension_semantics<subcore_parallel>], iteration_bounds = array<i64: 2, 16>, scalar_prefetch = 0 : i64, scratch_operands = 7 : i64, tpu.core_type = #tpu.core_type<sc_vector_subcore>, window_params = [{transform_indices = #map}, {transform_indices = #map1}, {transform_indices = #map1}]} {
    %mul3A = arith.constant 2 : i32
    %mul3A_0 = arith.muli %arg1, %mul3A : i32
    %add3A = arith.addi %mul3A_0, %arg0 : i32
    %mul3A_1 = arith.constant 13312 : i32
    %mul3A_2 = arith.muli %add3A, %mul3A_1 : i32
    "tpu.region"() ({
      %run_scoped3A = tpu.sem_alloc : memref<!tpu.dma_semaphore, #tpu.memory_space<semaphore_mem>>
      %dma_start3A_106 = arith.constant 0 : i32
      %dma_start3A_107 = arith.constant 0 : i32
      %dma_start3A_108 = tpu.memref_slice %arg2[%add3A, %dma_start3A_106, %dma_start3A_107] : memref<32x104x128xi32, #tpu.memory_space<hbm>> -> memref<1x104x128xi32, #tpu.memory_space<hbm>>
      %dma_start3A_109 = tpu.memref_squeeze %dma_start3A_108 : memref<1x104x128xi32, #tpu.memory_space<hbm>> -> memref<104x128xi32, #tpu.memory_space<hbm>>
      %dma_start3A_110 = arith.constant 0 : i32
      %dma_start3A_111 = arith.constant 0 : i32
      %dma_start3A_112 = tpu.memref_slice %arg2[%add3A, %dma_start3A_110, %dma_start3A_111] : memref<32x104x128xi32, #tpu.memory_space<hbm>> -> memref<1x104x128xi32, #tpu.memory_space<hbm>>
      %dma_start3A_113 = tpu.memref_squeeze %dma_start3A_112 : memref<1x104x128xi32, #tpu.memory_space<hbm>> -> memref<104x128xi32, #tpu.memory_space<hbm>>
      tpu.enqueue_dma source(%dma_start3A_113 : memref<104x128xi32, #tpu.memory_space<hbm>>) target(%arg5 : memref<104x128xi32, #tpu.memory_space<vmem>>) target_semaphore(%run_scoped3A : memref<!tpu.dma_semaphore, #tpu.memory_space<semaphore_mem>>)
      %dma_wait3A_114 = arith.constant 0 : i32
      %dma_wait3A_115 = arith.constant 0 : i32
      %dma_wait3A_116 = tpu.memref_slice %arg2[%add3A, %dma_wait3A_114, %dma_wait3A_115] : memref<32x104x128xi32, #tpu.memory_space<hbm>> -> memref<1x104x128xi32, #tpu.memory_space<hbm>>
      %dma_wait3A_117 = tpu.memref_squeeze %dma_wait3A_116 : memref<1x104x128xi32, #tpu.memory_space<hbm>> -> memref<104x128xi32, #tpu.memory_space<hbm>>
      %dma_wait3A_118 = arith.constant 0 : i32
      %dma_wait3A_119 = arith.constant 0 : i32
      %dma_wait3A_120 = tpu.memref_slice %arg2[%add3A, %dma_wait3A_118, %dma_wait3A_119] : memref<32x104x128xi32, #tpu.memory_space<hbm>> -> memref<1x104x128xi32, #tpu.memory_space<hbm>>
      %dma_wait3A_121 = tpu.memref_squeeze %dma_wait3A_120 : memref<1x104x128xi32, #tpu.memory_space<hbm>> -> memref<104x128xi32, #tpu.memory_space<hbm>>
      tpu.wait_dma2 semaphore(%run_scoped3A : memref<!tpu.dma_semaphore, #tpu.memory_space<semaphore_mem>>) src(%dma_wait3A_121 : memref<104x128xi32, #tpu.memory_space<hbm>>) dst(%arg5 : memref<104x128xi32, #tpu.memory_space<vmem>>)
      tpu.yield
    }) : () -> ()
    %dma_start3A = arith.constant 0 : i32
    %dma_start3A_3 = arith.constant 0 : i32
    %dma_start3A_4 = arith.constant 0 : i32
    %dma_start3A_5 = arith.constant 0 : i32
    %dma_start3A_6 = tpu.memref_slice %arg6[%dma_start3A_3, %dma_start3A_4, %dma_start3A_5] : memref<4x128x32xf32, #tpu.memory_space<vmem>> -> memref<1x128x32xf32, #tpu.memory_space<vmem>>
    %dma_start3A_7 = tpu.memref_squeeze %dma_start3A_6 : memref<1x128x32xf32, #tpu.memory_space<vmem>> -> memref<128x32xf32, #tpu.memory_space<vmem>>
    %dma_start3A_8 = arith.constant 0 : i32
    %dma_start3A_9 = tpu.memref_slice %arg5[%dma_start3A, %dma_start3A_8] : memref<104x128xi32, #tpu.memory_space<vmem>> -> memref<1x128xi32, #tpu.memory_space<vmem>>
    %dma_start3A_10 = tpu.memref_squeeze %dma_start3A_9 : memref<1x128xi32, #tpu.memory_space<vmem>> -> memref<128xi32, #tpu.memory_space<vmem>>
    %dma_start3A_11 = arith.constant 0 : i32
    %dma_start3A_12 = arith.constant 0 : i32
    %dma_start3A_13 = tpu.memref_slice %arg3[%dma_start3A_11, %dma_start3A_12] : memref<1000000x32xf32, #tpu.memory_space<hbm>> -> memref<1000000x32xf32, #tpu.memory_space<hbm>>
    tpu.enqueue_indirect_dma source(%dma_start3A_13 : memref<1000000x32xf32, #tpu.memory_space<hbm>>) target(%dma_start3A_7 : memref<128x32xf32, #tpu.memory_space<vmem>>) offsets(%dma_start3A_10 : memref<128xi32, #tpu.memory_space<vmem>>) semaphore(%arg8 : memref<!tpu.dma_semaphore, #tpu.memory_space<semaphore_mem>>)
    %dma_start3A_14 = arith.constant 1 : i32
    %dma_start3A_15 = arith.constant 1 : i32
    %dma_start3A_16 = arith.constant 0 : i32
    %dma_start3A_17 = arith.constant 0 : i32
    %dma_start3A_18 = tpu.memref_slice %arg6[%dma_start3A_15, %dma_start3A_16, %dma_start3A_17] : memref<4x128x32xf32, #tpu.memory_space<vmem>> -> memref<1x128x32xf32, #tpu.memory_space<vmem>>
    %dma_start3A_19 = tpu.memref_squeeze %dma_start3A_18 : memref<1x128x32xf32, #tpu.memory_space<vmem>> -> memref<128x32xf32, #tpu.memory_space<vmem>>
    %dma_start3A_20 = arith.constant 0 : i32
    %dma_start3A_21 = tpu.memref_slice %arg5[%dma_start3A_14, %dma_start3A_20] : memref<104x128xi32, #tpu.memory_space<vmem>> -> memref<1x128xi32, #tpu.memory_space<vmem>>
    %dma_start3A_22 = tpu.memref_squeeze %dma_start3A_21 : memref<1x128xi32, #tpu.memory_space<vmem>> -> memref<128xi32, #tpu.memory_space<vmem>>
    %dma_start3A_23 = arith.constant 0 : i32
    %dma_start3A_24 = arith.constant 0 : i32
    %dma_start3A_25 = tpu.memref_slice %arg3[%dma_start3A_23, %dma_start3A_24] : memref<1000000x32xf32, #tpu.memory_space<hbm>> -> memref<1000000x32xf32, #tpu.memory_space<hbm>>
    tpu.enqueue_indirect_dma source(%dma_start3A_25 : memref<1000000x32xf32, #tpu.memory_space<hbm>>) target(%dma_start3A_19 : memref<128x32xf32, #tpu.memory_space<vmem>>) offsets(%dma_start3A_22 : memref<128xi32, #tpu.memory_space<vmem>>) semaphore(%arg8 : memref<!tpu.dma_semaphore, #tpu.memory_space<semaphore_mem>>)
    %dma_start3A_26 = arith.constant 2 : i32
    %dma_start3A_27 = arith.constant 2 : i32
    %dma_start3A_28 = arith.constant 0 : i32
    %dma_start3A_29 = arith.constant 0 : i32
    %dma_start3A_30 = tpu.memref_slice %arg6[%dma_start3A_27, %dma_start3A_28, %dma_start3A_29] : memref<4x128x32xf32, #tpu.memory_space<vmem>> -> memref<1x128x32xf32, #tpu.memory_space<vmem>>
    %dma_start3A_31 = tpu.memref_squeeze %dma_start3A_30 : memref<1x128x32xf32, #tpu.memory_space<vmem>> -> memref<128x32xf32, #tpu.memory_space<vmem>>
    %dma_start3A_32 = arith.constant 0 : i32
    %dma_start3A_33 = tpu.memref_slice %arg5[%dma_start3A_26, %dma_start3A_32] : memref<104x128xi32, #tpu.memory_space<vmem>> -> memref<1x128xi32, #tpu.memory_space<vmem>>
    %dma_start3A_34 = tpu.memref_squeeze %dma_start3A_33 : memref<1x128xi32, #tpu.memory_space<vmem>> -> memref<128xi32, #tpu.memory_space<vmem>>
    %dma_start3A_35 = arith.constant 0 : i32
    %dma_start3A_36 = arith.constant 0 : i32
    %dma_start3A_37 = tpu.memref_slice %arg3[%dma_start3A_35, %dma_start3A_36] : memref<1000000x32xf32, #tpu.memory_space<hbm>> -> memref<1000000x32xf32, #tpu.memory_space<hbm>>
    tpu.enqueue_indirect_dma source(%dma_start3A_37 : memref<1000000x32xf32, #tpu.memory_space<hbm>>) target(%dma_start3A_31 : memref<128x32xf32, #tpu.memory_space<vmem>>) offsets(%dma_start3A_34 : memref<128xi32, #tpu.memory_space<vmem>>) semaphore(%arg8 : memref<!tpu.dma_semaphore, #tpu.memory_space<semaphore_mem>>)
    %dma_start3A_38 = arith.constant 3 : i32
    %dma_start3A_39 = arith.constant 3 : i32
    %dma_start3A_40 = arith.constant 0 : i32
    %dma_start3A_41 = arith.constant 0 : i32
    %dma_start3A_42 = tpu.memref_slice %arg6[%dma_start3A_39, %dma_start3A_40, %dma_start3A_41] : memref<4x128x32xf32, #tpu.memory_space<vmem>> -> memref<1x128x32xf32, #tpu.memory_space<vmem>>
    %dma_start3A_43 = tpu.memref_squeeze %dma_start3A_42 : memref<1x128x32xf32, #tpu.memory_space<vmem>> -> memref<128x32xf32, #tpu.memory_space<vmem>>
    %dma_start3A_44 = arith.constant 0 : i32
    %dma_start3A_45 = tpu.memref_slice %arg5[%dma_start3A_38, %dma_start3A_44] : memref<104x128xi32, #tpu.memory_space<vmem>> -> memref<1x128xi32, #tpu.memory_space<vmem>>
    %dma_start3A_46 = tpu.memref_squeeze %dma_start3A_45 : memref<1x128xi32, #tpu.memory_space<vmem>> -> memref<128xi32, #tpu.memory_space<vmem>>
    %dma_start3A_47 = arith.constant 0 : i32
    %dma_start3A_48 = arith.constant 0 : i32
    %dma_start3A_49 = tpu.memref_slice %arg3[%dma_start3A_47, %dma_start3A_48] : memref<1000000x32xf32, #tpu.memory_space<hbm>> -> memref<1000000x32xf32, #tpu.memory_space<hbm>>
    tpu.enqueue_indirect_dma source(%dma_start3A_49 : memref<1000000x32xf32, #tpu.memory_space<hbm>>) target(%dma_start3A_43 : memref<128x32xf32, #tpu.memory_space<vmem>>) offsets(%dma_start3A_46 : memref<128xi32, #tpu.memory_space<vmem>>) semaphore(%arg8 : memref<!tpu.dma_semaphore, #tpu.memory_space<semaphore_mem>>)
    %scan3A = arith.constant 0 : i32
    %scan3A_50 = arith.constant 0 : i32
    %scan3A_51 = arith.constant 13 : i32
    %scan3A_52 = arith.addi %scan3A_50, %scan3A_51 : i32
    %scan3A_53 = arith.constant 1 : i32
    scf.for %scan3A_106 = %scan3A_50 to %scan3A_52 step %scan3A_53  : i32 {
      %mul3A_107 = arith.constant 2 : i32
      %mul3A_108 = arith.muli %mul3A_107, %scan3A_106 : i32
      %add3A_109 = arith.constant 1 : i32
      %add3A_110 = arith.addi %mul3A_108, %add3A_109 : i32
      %mul3A_111 = arith.constant 4 : i32
      %mul3A_112 = arith.muli %mul3A_108, %mul3A_111 : i32
      %add3A_113 = arith.constant 0 : i32
      %add3A_114 = arith.addi %mul3A_112, %add3A_113 : i32
      %dma_wait3A_115 = arith.constant 0 : i32
      %dma_wait3A_116 = arith.constant 0 : i32
      %dma_wait3A_117 = arith.constant 0 : i32
      %dma_wait3A_118 = tpu.memref_slice %arg6[%dma_wait3A_115, %dma_wait3A_116, %dma_wait3A_117] : memref<4x128x32xf32, #tpu.memory_space<vmem>> -> memref<1x128x32xf32, #tpu.memory_space<vmem>>
      %dma_wait3A_119 = tpu.memref_squeeze %dma_wait3A_118 : memref<1x128x32xf32, #tpu.memory_space<vmem>> -> memref<128x32xf32, #tpu.memory_space<vmem>>
      %dma_wait3A_120 = arith.constant 0 : i32
      %dma_wait3A_121 = tpu.memref_slice %arg5[%add3A_114, %dma_wait3A_120] : memref<104x128xi32, #tpu.memory_space<vmem>> -> memref<1x128xi32, #tpu.memory_space<vmem>>
      %dma_wait3A_122 = tpu.memref_squeeze %dma_wait3A_121 : memref<1x128xi32, #tpu.memory_space<vmem>> -> memref<128xi32, #tpu.memory_space<vmem>>
      %dma_wait3A_123 = arith.constant 0 : i32
      %dma_wait3A_124 = arith.constant 0 : i32
      %dma_wait3A_125 = tpu.memref_slice %arg3[%dma_wait3A_123, %dma_wait3A_124] : memref<1000000x32xf32, #tpu.memory_space<hbm>> -> memref<1000000x32xf32, #tpu.memory_space<hbm>>
      tpu.wait_indirect_dma semaphore(%arg8 : memref<!tpu.dma_semaphore, #tpu.memory_space<semaphore_mem>>) src(%dma_wait3A_125 : memref<1000000x32xf32, #tpu.memory_space<hbm>>) dst(%dma_wait3A_119 : memref<128x32xf32, #tpu.memory_space<vmem>>)
      %mul3A_126 = arith.constant 4 : i32
      %mul3A_127 = arith.muli %mul3A_108, %mul3A_126 : i32
      %add3A_128 = arith.constant 1 : i32
      %add3A_129 = arith.addi %mul3A_127, %add3A_128 : i32
      %dma_wait3A_130 = arith.constant 1 : i32
      %dma_wait3A_131 = arith.constant 0 : i32
      %dma_wait3A_132 = arith.constant 0 : i32
      %dma_wait3A_133 = tpu.memref_slice %arg6[%dma_wait3A_130, %dma_wait3A_131, %dma_wait3A_132] : memref<4x128x32xf32, #tpu.memory_space<vmem>> -> memref<1x128x32xf32, #tpu.memory_space<vmem>>
      %dma_wait3A_134 = tpu.memref_squeeze %dma_wait3A_133 : memref<1x128x32xf32, #tpu.memory_space<vmem>> -> memref<128x32xf32, #tpu.memory_space<vmem>>
      %dma_wait3A_135 = arith.constant 0 : i32
      %dma_wait3A_136 = tpu.memref_slice %arg5[%add3A_129, %dma_wait3A_135] : memref<104x128xi32, #tpu.memory_space<vmem>> -> memref<1x128xi32, #tpu.memory_space<vmem>>
      %dma_wait3A_137 = tpu.memref_squeeze %dma_wait3A_136 : memref<1x128xi32, #tpu.memory_space<vmem>> -> memref<128xi32, #tpu.memory_space<vmem>>
      %dma_wait3A_138 = arith.constant 0 : i32
      %dma_wait3A_139 = arith.constant 0 : i32
      %dma_wait3A_140 = tpu.memref_slice %arg3[%dma_wait3A_138, %dma_wait3A_139] : memref<1000000x32xf32, #tpu.memory_space<hbm>> -> memref<1000000x32xf32, #tpu.memory_space<hbm>>
      tpu.wait_indirect_dma semaphore(%arg8 : memref<!tpu.dma_semaphore, #tpu.memory_space<semaphore_mem>>) src(%dma_wait3A_140 : memref<1000000x32xf32, #tpu.memory_space<hbm>>) dst(%dma_wait3A_134 : memref<128x32xf32, #tpu.memory_space<vmem>>)
      %mul3A_141 = arith.constant 4 : i32
      %mul3A_142 = arith.muli %mul3A_108, %mul3A_141 : i32
      %add3A_143 = arith.constant 2 : i32
      %add3A_144 = arith.addi %mul3A_142, %add3A_143 : i32
      %dma_wait3A_145 = arith.constant 2 : i32
      %dma_wait3A_146 = arith.constant 0 : i32
      %dma_wait3A_147 = arith.constant 0 : i32
      %dma_wait3A_148 = tpu.memref_slice %arg6[%dma_wait3A_145, %dma_wait3A_146, %dma_wait3A_147] : memref<4x128x32xf32, #tpu.memory_space<vmem>> -> memref<1x128x32xf32, #tpu.memory_space<vmem>>
      %dma_wait3A_149 = tpu.memref_squeeze %dma_wait3A_148 : memref<1x128x32xf32, #tpu.memory_space<vmem>> -> memref<128x32xf32, #tpu.memory_space<vmem>>
      %dma_wait3A_150 = arith.constant 0 : i32
      %dma_wait3A_151 = tpu.memref_slice %arg5[%add3A_144, %dma_wait3A_150] : memref<104x128xi32, #tpu.memory_space<vmem>> -> memref<1x128xi32, #tpu.memory_space<vmem>>
      %dma_wait3A_152 = tpu.memref_squeeze %dma_wait3A_151 : memref<1x128xi32, #tpu.memory_space<vmem>> -> memref<128xi32, #tpu.memory_space<vmem>>
      %dma_wait3A_153 = arith.constant 0 : i32
      %dma_wait3A_154 = arith.constant 0 : i32
      %dma_wait3A_155 = tpu.memref_slice %arg3[%dma_wait3A_153, %dma_wait3A_154] : memref<1000000x32xf32, #tpu.memory_space<hbm>> -> memref<1000000x32xf32, #tpu.memory_space<hbm>>
      tpu.wait_indirect_dma semaphore(%arg8 : memref<!tpu.dma_semaphore, #tpu.memory_space<semaphore_mem>>) src(%dma_wait3A_155 : memref<1000000x32xf32, #tpu.memory_space<hbm>>) dst(%dma_wait3A_149 : memref<128x32xf32, #tpu.memory_space<vmem>>)
      %mul3A_156 = arith.constant 4 : i32
      %mul3A_157 = arith.muli %mul3A_108, %mul3A_156 : i32
      %add3A_158 = arith.constant 3 : i32
      %add3A_159 = arith.addi %mul3A_157, %add3A_158 : i32
      %dma_wait3A_160 = arith.constant 3 : i32
      %dma_wait3A_161 = arith.constant 0 : i32
      %dma_wait3A_162 = arith.constant 0 : i32
      %dma_wait3A_163 = tpu.memref_slice %arg6[%dma_wait3A_160, %dma_wait3A_161, %dma_wait3A_162] : memref<4x128x32xf32, #tpu.memory_space<vmem>> -> memref<1x128x32xf32, #tpu.memory_space<vmem>>
      %dma_wait3A_164 = tpu.memref_squeeze %dma_wait3A_163 : memref<1x128x32xf32, #tpu.memory_space<vmem>> -> memref<128x32xf32, #tpu.memory_space<vmem>>
      %dma_wait3A_165 = arith.constant 0 : i32
      %dma_wait3A_166 = tpu.memref_slice %arg5[%add3A_159, %dma_wait3A_165] : memref<104x128xi32, #tpu.memory_space<vmem>> -> memref<1x128xi32, #tpu.memory_space<vmem>>
      %dma_wait3A_167 = tpu.memref_squeeze %dma_wait3A_166 : memref<1x128xi32, #tpu.memory_space<vmem>> -> memref<128xi32, #tpu.memory_space<vmem>>
      %dma_wait3A_168 = arith.constant 0 : i32
      %dma_wait3A_169 = arith.constant 0 : i32
      %dma_wait3A_170 = tpu.memref_slice %arg3[%dma_wait3A_168, %dma_wait3A_169] : memref<1000000x32xf32, #tpu.memory_space<hbm>> -> memref<1000000x32xf32, #tpu.memory_space<hbm>>
      tpu.wait_indirect_dma semaphore(%arg8 : memref<!tpu.dma_semaphore, #tpu.memory_space<semaphore_mem>>) src(%dma_wait3A_170 : memref<1000000x32xf32, #tpu.memory_space<hbm>>) dst(%dma_wait3A_164 : memref<128x32xf32, #tpu.memory_space<vmem>>)
      %gt3A = arith.constant 0 : i32
      %gt3A_171 = arith.cmpi sgt, %scan3A_106, %gt3A : i32
      %convert_element_type3A = arith.extui %gt3A_171 : i1 to i32
      %cond3A = arith.constant 0 : i32
      %cond3A_172 = arith.cmpi ne, %convert_element_type3A, %cond3A : i32
      scf.if %cond3A_172 {
        %dma_wait3A_509 = arith.constant 0 : i32
        %dma_wait3A_510 = arith.constant 0 : i32
        %dma_wait3A_511 = arith.constant 0 : i32
        %dma_wait3A_512 = tpu.memref_slice %arg7[%dma_wait3A_509, %dma_wait3A_510, %dma_wait3A_511] : memref<4x128x32xf32, #tpu.memory_space<vmem>> -> memref<1x128x32xf32, #tpu.memory_space<vmem>>
        %dma_wait3A_513 = tpu.memref_squeeze %dma_wait3A_512 : memref<1x128x32xf32, #tpu.memory_space<vmem>> -> memref<128x32xf32, #tpu.memory_space<vmem>>
        %dma_wait3A_514 = arith.constant 0 : i32
        %dma_wait3A_515 = tpu.memref_slice %arg4[%mul3A_2, %dma_wait3A_514] : memref<425984x32xf32, #tpu.memory_space<hbm>> -> memref<128x32xf32, #tpu.memory_space<hbm>>
        %dma_wait3A_516 = arith.constant 0 : i32
        %dma_wait3A_517 = tpu.memref_slice %arg4[%mul3A_2, %dma_wait3A_516] : memref<425984x32xf32, #tpu.memory_space<hbm>> -> memref<128x32xf32, #tpu.memory_space<hbm>>
        %dma_wait3A_518 = arith.constant 0 : i32
        %dma_wait3A_519 = arith.constant 0 : i32
        %dma_wait3A_520 = tpu.memref_slice %arg7[%dma_wait3A_509, %dma_wait3A_518, %dma_wait3A_519] : memref<4x128x32xf32, #tpu.memory_space<vmem>> -> memref<1x128x32xf32, #tpu.memory_space<vmem>>
        %dma_wait3A_521 = tpu.memref_squeeze %dma_wait3A_520 : memref<1x128x32xf32, #tpu.memory_space<vmem>> -> memref<128x32xf32, #tpu.memory_space<vmem>>
        tpu.wait_dma2 semaphore(%arg11 : memref<!tpu.dma_semaphore, #tpu.memory_space<semaphore_mem>>) src(%dma_wait3A_521 : memref<128x32xf32, #tpu.memory_space<vmem>>) dst(%dma_wait3A_517 : memref<128x32xf32, #tpu.memory_space<hbm>>)
        %dma_wait3A_522 = arith.constant 1 : i32
        %dma_wait3A_523 = arith.constant 0 : i32
        %dma_wait3A_524 = arith.constant 0 : i32
        %dma_wait3A_525 = tpu.memref_slice %arg7[%dma_wait3A_522, %dma_wait3A_523, %dma_wait3A_524] : memref<4x128x32xf32, #tpu.memory_space<vmem>> -> memref<1x128x32xf32, #tpu.memory_space<vmem>>
        %dma_wait3A_526 = tpu.memref_squeeze %dma_wait3A_525 : memref<1x128x32xf32, #tpu.memory_space<vmem>> -> memref<128x32xf32, #tpu.memory_space<vmem>>
        %dma_wait3A_527 = arith.constant 0 : i32
        %dma_wait3A_528 = tpu.memref_slice %arg4[%mul3A_2, %dma_wait3A_527] : memref<425984x32xf32, #tpu.memory_space<hbm>> -> memref<128x32xf32, #tpu.memory_space<hbm>>
        %dma_wait3A_529 = arith.constant 0 : i32
        %dma_wait3A_530 = tpu.memref_slice %arg4[%mul3A_2, %dma_wait3A_529] : memref<425984x32xf32, #tpu.memory_space<hbm>> -> memref<128x32xf32, #tpu.memory_space<hbm>>
        %dma_wait3A_531 = arith.constant 0 : i32
        %dma_wait3A_532 = arith.constant 0 : i32
        %dma_wait3A_533 = tpu.memref_slice %arg7[%dma_wait3A_522, %dma_wait3A_531, %dma_wait3A_532] : memref<4x128x32xf32, #tpu.memory_space<vmem>> -> memref<1x128x32xf32, #tpu.memory_space<vmem>>
        %dma_wait3A_534 = tpu.memref_squeeze %dma_wait3A_533 : memref<1x128x32xf32, #tpu.memory_space<vmem>> -> memref<128x32xf32, #tpu.memory_space<vmem>>
        tpu.wait_dma2 semaphore(%arg11 : memref<!tpu.dma_semaphore, #tpu.memory_space<semaphore_mem>>) src(%dma_wait3A_534 : memref<128x32xf32, #tpu.memory_space<vmem>>) dst(%dma_wait3A_530 : memref<128x32xf32, #tpu.memory_space<hbm>>)
        %dma_wait3A_535 = arith.constant 2 : i32
        %dma_wait3A_536 = arith.constant 0 : i32
        %dma_wait3A_537 = arith.constant 0 : i32
        %dma_wait3A_538 = tpu.memref_slice %arg7[%dma_wait3A_535, %dma_wait3A_536, %dma_wait3A_537] : memref<4x128x32xf32, #tpu.memory_space<vmem>> -> memref<1x128x32xf32, #tpu.memory_space<vmem>>
        %dma_wait3A_539 = tpu.memref_squeeze %dma_wait3A_538 : memref<1x128x32xf32, #tpu.memory_space<vmem>> -> memref<128x32xf32, #tpu.memory_space<vmem>>
        %dma_wait3A_540 = arith.constant 0 : i32
        %dma_wait3A_541 = tpu.memref_slice %arg4[%mul3A_2, %dma_wait3A_540] : memref<425984x32xf32, #tpu.memory_space<hbm>> -> memref<128x32xf32, #tpu.memory_space<hbm>>
        %dma_wait3A_542 = arith.constant 0 : i32
        %dma_wait3A_543 = tpu.memref_slice %arg4[%mul3A_2, %dma_wait3A_542] : memref<425984x32xf32, #tpu.memory_space<hbm>> -> memref<128x32xf32, #tpu.memory_space<hbm>>
        %dma_wait3A_544 = arith.constant 0 : i32
        %dma_wait3A_545 = arith.constant 0 : i32
        %dma_wait3A_546 = tpu.memref_slice %arg7[%dma_wait3A_535, %dma_wait3A_544, %dma_wait3A_545] : memref<4x128x32xf32, #tpu.memory_space<vmem>> -> memref<1x128x32xf32, #tpu.memory_space<vmem>>
        %dma_wait3A_547 = tpu.memref_squeeze %dma_wait3A_546 : memref<1x128x32xf32, #tpu.memory_space<vmem>> -> memref<128x32xf32, #tpu.memory_space<vmem>>
        tpu.wait_dma2 semaphore(%arg11 : memref<!tpu.dma_semaphore, #tpu.memory_space<semaphore_mem>>) src(%dma_wait3A_547 : memref<128x32xf32, #tpu.memory_space<vmem>>) dst(%dma_wait3A_543 : memref<128x32xf32, #tpu.memory_space<hbm>>)
        %dma_wait3A_548 = arith.constant 3 : i32
        %dma_wait3A_549 = arith.constant 0 : i32
        %dma_wait3A_550 = arith.constant 0 : i32
        %dma_wait3A_551 = tpu.memref_slice %arg7[%dma_wait3A_548, %dma_wait3A_549, %dma_wait3A_550] : memref<4x128x32xf32, #tpu.memory_space<vmem>> -> memref<1x128x32xf32, #tpu.memory_space<vmem>>
        %dma_wait3A_552 = tpu.memref_squeeze %dma_wait3A_551 : memref<1x128x32xf32, #tpu.memory_space<vmem>> -> memref<128x32xf32, #tpu.memory_space<vmem>>
        %dma_wait3A_553 = arith.constant 0 : i32
        %dma_wait3A_554 = tpu.memref_slice %arg4[%mul3A_2, %dma_wait3A_553] : memref<425984x32xf32, #tpu.memory_space<hbm>> -> memref<128x32xf32, #tpu.memory_space<hbm>>
        %dma_wait3A_555 = arith.constant 0 : i32
        %dma_wait3A_556 = tpu.memref_slice %arg4[%mul3A_2, %dma_wait3A_555] : memref<425984x32xf32, #tpu.memory_space<hbm>> -> memref<128x32xf32, #tpu.memory_space<hbm>>
        %dma_wait3A_557 = arith.constant 0 : i32
        %dma_wait3A_558 = arith.constant 0 : i32
        %dma_wait3A_559 = tpu.memref_slice %arg7[%dma_wait3A_548, %dma_wait3A_557, %dma_wait3A_558] : memref<4x128x32xf32, #tpu.memory_space<vmem>> -> memref<1x128x32xf32, #tpu.memory_space<vmem>>
        %dma_wait3A_560 = tpu.memref_squeeze %dma_wait3A_559 : memref<1x128x32xf32, #tpu.memory_space<vmem>> -> memref<128x32xf32, #tpu.memory_space<vmem>>
        tpu.wait_dma2 semaphore(%arg11 : memref<!tpu.dma_semaphore, #tpu.memory_space<semaphore_mem>>) src(%dma_wait3A_560 : memref<128x32xf32, #tpu.memory_space<vmem>>) dst(%dma_wait3A_556 : memref<128x32xf32, #tpu.memory_space<hbm>>)
      } else {
      }
      %mul3A_173 = arith.constant 4 : i32
      %mul3A_174 = arith.muli %add3A_110, %mul3A_173 : i32
      %add3A_175 = arith.constant 0 : i32
      %add3A_176 = arith.addi %mul3A_174, %add3A_175 : i32
      %dma_start3A_177 = arith.constant 0 : i32
      %dma_start3A_178 = arith.constant 0 : i32
      %dma_start3A_179 = arith.constant 0 : i32
      %dma_start3A_180 = tpu.memref_slice %arg7[%dma_start3A_177, %dma_start3A_178, %dma_start3A_179] : memref<4x128x32xf32, #tpu.memory_space<vmem>> -> memref<1x128x32xf32, #tpu.memory_space<vmem>>
      %dma_start3A_181 = tpu.memref_squeeze %dma_start3A_180 : memref<1x128x32xf32, #tpu.memory_space<vmem>> -> memref<128x32xf32, #tpu.memory_space<vmem>>
      %dma_start3A_182 = arith.constant 0 : i32
      %dma_start3A_183 = tpu.memref_slice %arg5[%add3A_176, %dma_start3A_182] : memref<104x128xi32, #tpu.memory_space<vmem>> -> memref<1x128xi32, #tpu.memory_space<vmem>>
      %dma_start3A_184 = tpu.memref_squeeze %dma_start3A_183 : memref<1x128xi32, #tpu.memory_space<vmem>> -> memref<128xi32, #tpu.memory_space<vmem>>
      %dma_start3A_185 = arith.constant 0 : i32
      %dma_start3A_186 = arith.constant 0 : i32
      %dma_start3A_187 = tpu.memref_slice %arg3[%dma_start3A_185, %dma_start3A_186] : memref<1000000x32xf32, #tpu.memory_space<hbm>> -> memref<1000000x32xf32, #tpu.memory_space<hbm>>
      tpu.enqueue_indirect_dma source(%dma_start3A_187 : memref<1000000x32xf32, #tpu.memory_space<hbm>>) target(%dma_start3A_181 : memref<128x32xf32, #tpu.memory_space<vmem>>) offsets(%dma_start3A_184 : memref<128xi32, #tpu.memory_space<vmem>>) semaphore(%arg9 : memref<!tpu.dma_semaphore, #tpu.memory_space<semaphore_mem>>)
      %mul3A_188 = arith.constant 4 : i32
      %mul3A_189 = arith.muli %add3A_110, %mul3A_188 : i32
      %add3A_190 = arith.constant 1 : i32
      %add3A_191 = arith.addi %mul3A_189, %add3A_190 : i32
      %dma_start3A_192 = arith.constant 1 : i32
      %dma_start3A_193 = arith.constant 0 : i32
      %dma_start3A_194 = arith.constant 0 : i32
      %dma_start3A_195 = tpu.memref_slice %arg7[%dma_start3A_192, %dma_start3A_193, %dma_start3A_194] : memref<4x128x32xf32, #tpu.memory_space<vmem>> -> memref<1x128x32xf32, #tpu.memory_space<vmem>>
      %dma_start3A_196 = tpu.memref_squeeze %dma_start3A_195 : memref<1x128x32xf32, #tpu.memory_space<vmem>> -> memref<128x32xf32, #tpu.memory_space<vmem>>
      %dma_start3A_197 = arith.constant 0 : i32
      %dma_start3A_198 = tpu.memref_slice %arg5[%add3A_191, %dma_start3A_197] : memref<104x128xi32, #tpu.memory_space<vmem>> -> memref<1x128xi32, #tpu.memory_space<vmem>>
      %dma_start3A_199 = tpu.memref_squeeze %dma_start3A_198 : memref<1x128xi32, #tpu.memory_space<vmem>> -> memref<128xi32, #tpu.memory_space<vmem>>
      %dma_start3A_200 = arith.constant 0 : i32
      %dma_start3A_201 = arith.constant 0 : i32
      %dma_start3A_202 = tpu.memref_slice %arg3[%dma_start3A_200, %dma_start3A_201] : memref<1000000x32xf32, #tpu.memory_space<hbm>> -> memref<1000000x32xf32, #tpu.memory_space<hbm>>
      tpu.enqueue_indirect_dma source(%dma_start3A_202 : memref<1000000x32xf32, #tpu.memory_space<hbm>>) target(%dma_start3A_196 : memref<128x32xf32, #tpu.memory_space<vmem>>) offsets(%dma_start3A_199 : memref<128xi32, #tpu.memory_space<vmem>>) semaphore(%arg9 : memref<!tpu.dma_semaphore, #tpu.memory_space<semaphore_mem>>)
      %mul3A_203 = arith.constant 4 : i32
      %mul3A_204 = arith.muli %add3A_110, %mul3A_203 : i32
      %add3A_205 = arith.constant 2 : i32
      %add3A_206 = arith.addi %mul3A_204, %add3A_205 : i32
      %dma_start3A_207 = arith.constant 2 : i32
      %dma_start3A_208 = arith.constant 0 : i32
      %dma_start3A_209 = arith.constant 0 : i32
      %dma_start3A_210 = tpu.memref_slice %arg7[%dma_start3A_207, %dma_start3A_208, %dma_start3A_209] : memref<4x128x32xf32, #tpu.memory_space<vmem>> -> memref<1x128x32xf32, #tpu.memory_space<vmem>>
      %dma_start3A_211 = tpu.memref_squeeze %dma_start3A_210 : memref<1x128x32xf32, #tpu.memory_space<vmem>> -> memref<128x32xf32, #tpu.memory_space<vmem>>
      %dma_start3A_212 = arith.constant 0 : i32
      %dma_start3A_213 = tpu.memref_slice %arg5[%add3A_206, %dma_start3A_212] : memref<104x128xi32, #tpu.memory_space<vmem>> -> memref<1x128xi32, #tpu.memory_space<vmem>>
      %dma_start3A_214 = tpu.memref_squeeze %dma_start3A_213 : memref<1x128xi32, #tpu.memory_space<vmem>> -> memref<128xi32, #tpu.memory_space<vmem>>
      %dma_start3A_215 = arith.constant 0 : i32
      %dma_start3A_216 = arith.constant 0 : i32
      %dma_start3A_217 = tpu.memref_slice %arg3[%dma_start3A_215, %dma_start3A_216] : memref<1000000x32xf32, #tpu.memory_space<hbm>> -> memref<1000000x32xf32, #tpu.memory_space<hbm>>
      tpu.enqueue_indirect_dma source(%dma_start3A_217 : memref<1000000x32xf32, #tpu.memory_space<hbm>>) target(%dma_start3A_211 : memref<128x32xf32, #tpu.memory_space<vmem>>) offsets(%dma_start3A_214 : memref<128xi32, #tpu.memory_space<vmem>>) semaphore(%arg9 : memref<!tpu.dma_semaphore, #tpu.memory_space<semaphore_mem>>)
      %mul3A_218 = arith.constant 4 : i32
      %mul3A_219 = arith.muli %add3A_110, %mul3A_218 : i32
      %add3A_220 = arith.constant 3 : i32
      %add3A_221 = arith.addi %mul3A_219, %add3A_220 : i32
      %dma_start3A_222 = arith.constant 3 : i32
      %dma_start3A_223 = arith.constant 0 : i32
      %dma_start3A_224 = arith.constant 0 : i32
      %dma_start3A_225 = tpu.memref_slice %arg7[%dma_start3A_222, %dma_start3A_223, %dma_start3A_224] : memref<4x128x32xf32, #tpu.memory_space<vmem>> -> memref<1x128x32xf32, #tpu.memory_space<vmem>>
      %dma_start3A_226 = tpu.memref_squeeze %dma_start3A_225 : memref<1x128x32xf32, #tpu.memory_space<vmem>> -> memref<128x32xf32, #tpu.memory_space<vmem>>
      %dma_start3A_227 = arith.constant 0 : i32
      %dma_start3A_228 = tpu.memref_slice %arg5[%add3A_221, %dma_start3A_227] : memref<104x128xi32, #tpu.memory_space<vmem>> -> memref<1x128xi32, #tpu.memory_space<vmem>>
      %dma_start3A_229 = tpu.memref_squeeze %dma_start3A_228 : memref<1x128xi32, #tpu.memory_space<vmem>> -> memref<128xi32, #tpu.memory_space<vmem>>
      %dma_start3A_230 = arith.constant 0 : i32
      %dma_start3A_231 = arith.constant 0 : i32
      %dma_start3A_232 = tpu.memref_slice %arg3[%dma_start3A_230, %dma_start3A_231] : memref<1000000x32xf32, #tpu.memory_space<hbm>> -> memref<1000000x32xf32, #tpu.memory_space<hbm>>
      tpu.enqueue_indirect_dma source(%dma_start3A_232 : memref<1000000x32xf32, #tpu.memory_space<hbm>>) target(%dma_start3A_226 : memref<128x32xf32, #tpu.memory_space<vmem>>) offsets(%dma_start3A_229 : memref<128xi32, #tpu.memory_space<vmem>>) semaphore(%arg9 : memref<!tpu.dma_semaphore, #tpu.memory_space<semaphore_mem>>)
      %mul3A_233 = arith.constant 4 : i32
      %mul3A_234 = arith.muli %mul3A_108, %mul3A_233 : i32
      %add3A_235 = arith.constant 0 : i32
      %add3A_236 = arith.addi %mul3A_234, %add3A_235 : i32
      %mul3A_237 = arith.constant 128 : i32
      %mul3A_238 = arith.muli %add3A_236, %mul3A_237 : i32
      %add3A_239 = arith.addi %mul3A_2, %mul3A_238 : i32
      %dma_start3A_240 = arith.constant 0 : i32
      %dma_start3A_241 = arith.constant 0 : i32
      %dma_start3A_242 = arith.constant 0 : i32
      %dma_start3A_243 = tpu.memref_slice %arg6[%dma_start3A_240, %dma_start3A_241, %dma_start3A_242] : memref<4x128x32xf32, #tpu.memory_space<vmem>> -> memref<1x128x32xf32, #tpu.memory_space<vmem>>
      %dma_start3A_244 = tpu.memref_squeeze %dma_start3A_243 : memref<1x128x32xf32, #tpu.memory_space<vmem>> -> memref<128x32xf32, #tpu.memory_space<vmem>>
      %dma_start3A_245 = arith.constant 0 : i32
      %dma_start3A_246 = tpu.memref_slice %arg4[%add3A_239, %dma_start3A_245] : memref<425984x32xf32, #tpu.memory_space<hbm>> -> memref<128x32xf32, #tpu.memory_space<hbm>>
      %dma_start3A_247 = arith.constant 0 : i32
      %dma_start3A_248 = tpu.memref_slice %arg4[%add3A_239, %dma_start3A_247] : memref<425984x32xf32, #tpu.memory_space<hbm>> -> memref<128x32xf32, #tpu.memory_space<hbm>>
      %dma_start3A_249 = arith.constant 0 : i32
      %dma_start3A_250 = arith.constant 0 : i32
      %dma_start3A_251 = tpu.memref_slice %arg6[%dma_start3A_240, %dma_start3A_249, %dma_start3A_250] : memref<4x128x32xf32, #tpu.memory_space<vmem>> -> memref<1x128x32xf32, #tpu.memory_space<vmem>>
      %dma_start3A_252 = tpu.memref_squeeze %dma_start3A_251 : memref<1x128x32xf32, #tpu.memory_space<vmem>> -> memref<128x32xf32, #tpu.memory_space<vmem>>
      tpu.enqueue_dma source(%dma_start3A_252 : memref<128x32xf32, #tpu.memory_space<vmem>>) target(%dma_start3A_248 : memref<128x32xf32, #tpu.memory_space<hbm>>) target_semaphore(%arg10 : memref<!tpu.dma_semaphore, #tpu.memory_space<semaphore_mem>>)
      %mul3A_253 = arith.constant 4 : i32
      %mul3A_254 = arith.muli %mul3A_108, %mul3A_253 : i32
      %add3A_255 = arith.constant 1 : i32
      %add3A_256 = arith.addi %mul3A_254, %add3A_255 : i32
      %mul3A_257 = arith.constant 128 : i32
      %mul3A_258 = arith.muli %add3A_256, %mul3A_257 : i32
      %add3A_259 = arith.addi %mul3A_2, %mul3A_258 : i32
      %dma_start3A_260 = arith.constant 1 : i32
      %dma_start3A_261 = arith.constant 0 : i32
      %dma_start3A_262 = arith.constant 0 : i32
      %dma_start3A_263 = tpu.memref_slice %arg6[%dma_start3A_260, %dma_start3A_261, %dma_start3A_262] : memref<4x128x32xf32, #tpu.memory_space<vmem>> -> memref<1x128x32xf32, #tpu.memory_space<vmem>>
      %dma_start3A_264 = tpu.memref_squeeze %dma_start3A_263 : memref<1x128x32xf32, #tpu.memory_space<vmem>> -> memref<128x32xf32, #tpu.memory_space<vmem>>
      %dma_start3A_265 = arith.constant 0 : i32
      %dma_start3A_266 = tpu.memref_slice %arg4[%add3A_259, %dma_start3A_265] : memref<425984x32xf32, #tpu.memory_space<hbm>> -> memref<128x32xf32, #tpu.memory_space<hbm>>
      %dma_start3A_267 = arith.constant 0 : i32
      %dma_start3A_268 = tpu.memref_slice %arg4[%add3A_259, %dma_start3A_267] : memref<425984x32xf32, #tpu.memory_space<hbm>> -> memref<128x32xf32, #tpu.memory_space<hbm>>
      %dma_start3A_269 = arith.constant 0 : i32
      %dma_start3A_270 = arith.constant 0 : i32
      %dma_start3A_271 = tpu.memref_slice %arg6[%dma_start3A_260, %dma_start3A_269, %dma_start3A_270] : memref<4x128x32xf32, #tpu.memory_space<vmem>> -> memref<1x128x32xf32, #tpu.memory_space<vmem>>
      %dma_start3A_272 = tpu.memref_squeeze %dma_start3A_271 : memref<1x128x32xf32, #tpu.memory_space<vmem>> -> memref<128x32xf32, #tpu.memory_space<vmem>>
      tpu.enqueue_dma source(%dma_start3A_272 : memref<128x32xf32, #tpu.memory_space<vmem>>) target(%dma_start3A_268 : memref<128x32xf32, #tpu.memory_space<hbm>>) target_semaphore(%arg10 : memref<!tpu.dma_semaphore, #tpu.memory_space<semaphore_mem>>)
      %mul3A_273 = arith.constant 4 : i32
      %mul3A_274 = arith.muli %mul3A_108, %mul3A_273 : i32
      %add3A_275 = arith.constant 2 : i32
      %add3A_276 = arith.addi %mul3A_274, %add3A_275 : i32
      %mul3A_277 = arith.constant 128 : i32
      %mul3A_278 = arith.muli %add3A_276, %mul3A_277 : i32
      %add3A_279 = arith.addi %mul3A_2, %mul3A_278 : i32
      %dma_start3A_280 = arith.constant 2 : i32
      %dma_start3A_281 = arith.constant 0 : i32
      %dma_start3A_282 = arith.constant 0 : i32
      %dma_start3A_283 = tpu.memref_slice %arg6[%dma_start3A_280, %dma_start3A_281, %dma_start3A_282] : memref<4x128x32xf32, #tpu.memory_space<vmem>> -> memref<1x128x32xf32, #tpu.memory_space<vmem>>
      %dma_start3A_284 = tpu.memref_squeeze %dma_start3A_283 : memref<1x128x32xf32, #tpu.memory_space<vmem>> -> memref<128x32xf32, #tpu.memory_space<vmem>>
      %dma_start3A_285 = arith.constant 0 : i32
      %dma_start3A_286 = tpu.memref_slice %arg4[%add3A_279, %dma_start3A_285] : memref<425984x32xf32, #tpu.memory_space<hbm>> -> memref<128x32xf32, #tpu.memory_space<hbm>>
      %dma_start3A_287 = arith.constant 0 : i32
      %dma_start3A_288 = tpu.memref_slice %arg4[%add3A_279, %dma_start3A_287] : memref<425984x32xf32, #tpu.memory_space<hbm>> -> memref<128x32xf32, #tpu.memory_space<hbm>>
      %dma_start3A_289 = arith.constant 0 : i32
      %dma_start3A_290 = arith.constant 0 : i32
      %dma_start3A_291 = tpu.memref_slice %arg6[%dma_start3A_280, %dma_start3A_289, %dma_start3A_290] : memref<4x128x32xf32, #tpu.memory_space<vmem>> -> memref<1x128x32xf32, #tpu.memory_space<vmem>>
      %dma_start3A_292 = tpu.memref_squeeze %dma_start3A_291 : memref<1x128x32xf32, #tpu.memory_space<vmem>> -> memref<128x32xf32, #tpu.memory_space<vmem>>
      tpu.enqueue_dma source(%dma_start3A_292 : memref<128x32xf32, #tpu.memory_space<vmem>>) target(%dma_start3A_288 : memref<128x32xf32, #tpu.memory_space<hbm>>) target_semaphore(%arg10 : memref<!tpu.dma_semaphore, #tpu.memory_space<semaphore_mem>>)
      %mul3A_293 = arith.constant 4 : i32
      %mul3A_294 = arith.muli %mul3A_108, %mul3A_293 : i32
      %add3A_295 = arith.constant 3 : i32
      %add3A_296 = arith.addi %mul3A_294, %add3A_295 : i32
      %mul3A_297 = arith.constant 128 : i32
      %mul3A_298 = arith.muli %add3A_296, %mul3A_297 : i32
      %add3A_299 = arith.addi %mul3A_2, %mul3A_298 : i32
      %dma_start3A_300 = arith.constant 3 : i32
      %dma_start3A_301 = arith.constant 0 : i32
      %dma_start3A_302 = arith.constant 0 : i32
      %dma_start3A_303 = tpu.memref_slice %arg6[%dma_start3A_300, %dma_start3A_301, %dma_start3A_302] : memref<4x128x32xf32, #tpu.memory_space<vmem>> -> memref<1x128x32xf32, #tpu.memory_space<vmem>>
      %dma_start3A_304 = tpu.memref_squeeze %dma_start3A_303 : memref<1x128x32xf32, #tpu.memory_space<vmem>> -> memref<128x32xf32, #tpu.memory_space<vmem>>
      %dma_start3A_305 = arith.constant 0 : i32
      %dma_start3A_306 = tpu.memref_slice %arg4[%add3A_299, %dma_start3A_305] : memref<425984x32xf32, #tpu.memory_space<hbm>> -> memref<128x32xf32, #tpu.memory_space<hbm>>
      %dma_start3A_307 = arith.constant 0 : i32
      %dma_start3A_308 = tpu.memref_slice %arg4[%add3A_299, %dma_start3A_307] : memref<425984x32xf32, #tpu.memory_space<hbm>> -> memref<128x32xf32, #tpu.memory_space<hbm>>
      %dma_start3A_309 = arith.constant 0 : i32
      %dma_start3A_310 = arith.constant 0 : i32
      %dma_start3A_311 = tpu.memref_slice %arg6[%dma_start3A_300, %dma_start3A_309, %dma_start3A_310] : memref<4x128x32xf32, #tpu.memory_space<vmem>> -> memref<1x128x32xf32, #tpu.memory_space<vmem>>
      %dma_start3A_312 = tpu.memref_squeeze %dma_start3A_311 : memref<1x128x32xf32, #tpu.memory_space<vmem>> -> memref<128x32xf32, #tpu.memory_space<vmem>>
      tpu.enqueue_dma source(%dma_start3A_312 : memref<128x32xf32, #tpu.memory_space<vmem>>) target(%dma_start3A_308 : memref<128x32xf32, #tpu.memory_space<hbm>>) target_semaphore(%arg10 : memref<!tpu.dma_semaphore, #tpu.memory_space<semaphore_mem>>)
      %mul3A_313 = arith.constant 4 : i32
      %mul3A_314 = arith.muli %add3A_110, %mul3A_313 : i32
      %add3A_315 = arith.constant 0 : i32
      %add3A_316 = arith.addi %mul3A_314, %add3A_315 : i32
      %dma_wait3A_317 = arith.constant 0 : i32
      %dma_wait3A_318 = arith.constant 0 : i32
      %dma_wait3A_319 = arith.constant 0 : i32
      %dma_wait3A_320 = tpu.memref_slice %arg7[%dma_wait3A_317, %dma_wait3A_318, %dma_wait3A_319] : memref<4x128x32xf32, #tpu.memory_space<vmem>> -> memref<1x128x32xf32, #tpu.memory_space<vmem>>
      %dma_wait3A_321 = tpu.memref_squeeze %dma_wait3A_320 : memref<1x128x32xf32, #tpu.memory_space<vmem>> -> memref<128x32xf32, #tpu.memory_space<vmem>>
      %dma_wait3A_322 = arith.constant 0 : i32
      %dma_wait3A_323 = tpu.memref_slice %arg5[%add3A_316, %dma_wait3A_322] : memref<104x128xi32, #tpu.memory_space<vmem>> -> memref<1x128xi32, #tpu.memory_space<vmem>>
      %dma_wait3A_324 = tpu.memref_squeeze %dma_wait3A_323 : memref<1x128xi32, #tpu.memory_space<vmem>> -> memref<128xi32, #tpu.memory_space<vmem>>
      %dma_wait3A_325 = arith.constant 0 : i32
      %dma_wait3A_326 = arith.constant 0 : i32
      %dma_wait3A_327 = tpu.memref_slice %arg3[%dma_wait3A_325, %dma_wait3A_326] : memref<1000000x32xf32, #tpu.memory_space<hbm>> -> memref<1000000x32xf32, #tpu.memory_space<hbm>>
      tpu.wait_indirect_dma semaphore(%arg9 : memref<!tpu.dma_semaphore, #tpu.memory_space<semaphore_mem>>) src(%dma_wait3A_327 : memref<1000000x32xf32, #tpu.memory_space<hbm>>) dst(%dma_wait3A_321 : memref<128x32xf32, #tpu.memory_space<vmem>>)
      %mul3A_328 = arith.constant 4 : i32
      %mul3A_329 = arith.muli %add3A_110, %mul3A_328 : i32
      %add3A_330 = arith.constant 1 : i32
      %add3A_331 = arith.addi %mul3A_329, %add3A_330 : i32
      %dma_wait3A_332 = arith.constant 1 : i32
      %dma_wait3A_333 = arith.constant 0 : i32
      %dma_wait3A_334 = arith.constant 0 : i32
      %dma_wait3A_335 = tpu.memref_slice %arg7[%dma_wait3A_332, %dma_wait3A_333, %dma_wait3A_334] : memref<4x128x32xf32, #tpu.memory_space<vmem>> -> memref<1x128x32xf32, #tpu.memory_space<vmem>>
      %dma_wait3A_336 = tpu.memref_squeeze %dma_wait3A_335 : memref<1x128x32xf32, #tpu.memory_space<vmem>> -> memref<128x32xf32, #tpu.memory_space<vmem>>
      %dma_wait3A_337 = arith.constant 0 : i32
      %dma_wait3A_338 = tpu.memref_slice %arg5[%add3A_331, %dma_wait3A_337] : memref<104x128xi32, #tpu.memory_space<vmem>> -> memref<1x128xi32, #tpu.memory_space<vmem>>
      %dma_wait3A_339 = tpu.memref_squeeze %dma_wait3A_338 : memref<1x128xi32, #tpu.memory_space<vmem>> -> memref<128xi32, #tpu.memory_space<vmem>>
      %dma_wait3A_340 = arith.constant 0 : i32
      %dma_wait3A_341 = arith.constant 0 : i32
      %dma_wait3A_342 = tpu.memref_slice %arg3[%dma_wait3A_340, %dma_wait3A_341] : memref<1000000x32xf32, #tpu.memory_space<hbm>> -> memref<1000000x32xf32, #tpu.memory_space<hbm>>
      tpu.wait_indirect_dma semaphore(%arg9 : memref<!tpu.dma_semaphore, #tpu.memory_space<semaphore_mem>>) src(%dma_wait3A_342 : memref<1000000x32xf32, #tpu.memory_space<hbm>>) dst(%dma_wait3A_336 : memref<128x32xf32, #tpu.memory_space<vmem>>)
      %mul3A_343 = arith.constant 4 : i32
      %mul3A_344 = arith.muli %add3A_110, %mul3A_343 : i32
      %add3A_345 = arith.constant 2 : i32
      %add3A_346 = arith.addi %mul3A_344, %add3A_345 : i32
      %dma_wait3A_347 = arith.constant 2 : i32
      %dma_wait3A_348 = arith.constant 0 : i32
      %dma_wait3A_349 = arith.constant 0 : i32
      %dma_wait3A_350 = tpu.memref_slice %arg7[%dma_wait3A_347, %dma_wait3A_348, %dma_wait3A_349] : memref<4x128x32xf32, #tpu.memory_space<vmem>> -> memref<1x128x32xf32, #tpu.memory_space<vmem>>
      %dma_wait3A_351 = tpu.memref_squeeze %dma_wait3A_350 : memref<1x128x32xf32, #tpu.memory_space<vmem>> -> memref<128x32xf32, #tpu.memory_space<vmem>>
      %dma_wait3A_352 = arith.constant 0 : i32
      %dma_wait3A_353 = tpu.memref_slice %arg5[%add3A_346, %dma_wait3A_352] : memref<104x128xi32, #tpu.memory_space<vmem>> -> memref<1x128xi32, #tpu.memory_space<vmem>>
      %dma_wait3A_354 = tpu.memref_squeeze %dma_wait3A_353 : memref<1x128xi32, #tpu.memory_space<vmem>> -> memref<128xi32, #tpu.memory_space<vmem>>
      %dma_wait3A_355 = arith.constant 0 : i32
      %dma_wait3A_356 = arith.constant 0 : i32
      %dma_wait3A_357 = tpu.memref_slice %arg3[%dma_wait3A_355, %dma_wait3A_356] : memref<1000000x32xf32, #tpu.memory_space<hbm>> -> memref<1000000x32xf32, #tpu.memory_space<hbm>>
      tpu.wait_indirect_dma semaphore(%arg9 : memref<!tpu.dma_semaphore, #tpu.memory_space<semaphore_mem>>) src(%dma_wait3A_357 : memref<1000000x32xf32, #tpu.memory_space<hbm>>) dst(%dma_wait3A_351 : memref<128x32xf32, #tpu.memory_space<vmem>>)
      %mul3A_358 = arith.constant 4 : i32
      %mul3A_359 = arith.muli %add3A_110, %mul3A_358 : i32
      %add3A_360 = arith.constant 3 : i32
      %add3A_361 = arith.addi %mul3A_359, %add3A_360 : i32
      %dma_wait3A_362 = arith.constant 3 : i32
      %dma_wait3A_363 = arith.constant 0 : i32
      %dma_wait3A_364 = arith.constant 0 : i32
      %dma_wait3A_365 = tpu.memref_slice %arg7[%dma_wait3A_362, %dma_wait3A_363, %dma_wait3A_364] : memref<4x128x32xf32, #tpu.memory_space<vmem>> -> memref<1x128x32xf32, #tpu.memory_space<vmem>>
      %dma_wait3A_366 = tpu.memref_squeeze %dma_wait3A_365 : memref<1x128x32xf32, #tpu.memory_space<vmem>> -> memref<128x32xf32, #tpu.memory_space<vmem>>
      %dma_wait3A_367 = arith.constant 0 : i32
      %dma_wait3A_368 = tpu.memref_slice %arg5[%add3A_361, %dma_wait3A_367] : memref<104x128xi32, #tpu.memory_space<vmem>> -> memref<1x128xi32, #tpu.memory_space<vmem>>
      %dma_wait3A_369 = tpu.memref_squeeze %dma_wait3A_368 : memref<1x128xi32, #tpu.memory_space<vmem>> -> memref<128xi32, #tpu.memory_space<vmem>>
      %dma_wait3A_370 = arith.constant 0 : i32
      %dma_wait3A_371 = arith.constant 0 : i32
      %dma_wait3A_372 = tpu.memref_slice %arg3[%dma_wait3A_370, %dma_wait3A_371] : memref<1000000x32xf32, #tpu.memory_space<hbm>> -> memref<1000000x32xf32, #tpu.memory_space<hbm>>
      tpu.wait_indirect_dma semaphore(%arg9 : memref<!tpu.dma_semaphore, #tpu.memory_space<semaphore_mem>>) src(%dma_wait3A_372 : memref<1000000x32xf32, #tpu.memory_space<hbm>>) dst(%dma_wait3A_366 : memref<128x32xf32, #tpu.memory_space<vmem>>)
      %dma_wait3A_373 = arith.constant 0 : i32
      %dma_wait3A_374 = arith.constant 0 : i32
      %dma_wait3A_375 = arith.constant 0 : i32
      %dma_wait3A_376 = tpu.memref_slice %arg6[%dma_wait3A_373, %dma_wait3A_374, %dma_wait3A_375] : memref<4x128x32xf32, #tpu.memory_space<vmem>> -> memref<1x128x32xf32, #tpu.memory_space<vmem>>
      %dma_wait3A_377 = tpu.memref_squeeze %dma_wait3A_376 : memref<1x128x32xf32, #tpu.memory_space<vmem>> -> memref<128x32xf32, #tpu.memory_space<vmem>>
      %dma_wait3A_378 = arith.constant 0 : i32
      %dma_wait3A_379 = tpu.memref_slice %arg4[%mul3A_2, %dma_wait3A_378] : memref<425984x32xf32, #tpu.memory_space<hbm>> -> memref<128x32xf32, #tpu.memory_space<hbm>>
      %dma_wait3A_380 = arith.constant 0 : i32
      %dma_wait3A_381 = tpu.memref_slice %arg4[%mul3A_2, %dma_wait3A_380] : memref<425984x32xf32, #tpu.memory_space<hbm>> -> memref<128x32xf32, #tpu.memory_space<hbm>>
      %dma_wait3A_382 = arith.constant 0 : i32
      %dma_wait3A_383 = arith.constant 0 : i32
      %dma_wait3A_384 = tpu.memref_slice %arg6[%dma_wait3A_373, %dma_wait3A_382, %dma_wait3A_383] : memref<4x128x32xf32, #tpu.memory_space<vmem>> -> memref<1x128x32xf32, #tpu.memory_space<vmem>>
      %dma_wait3A_385 = tpu.memref_squeeze %dma_wait3A_384 : memref<1x128x32xf32, #tpu.memory_space<vmem>> -> memref<128x32xf32, #tpu.memory_space<vmem>>
      tpu.wait_dma2 semaphore(%arg10 : memref<!tpu.dma_semaphore, #tpu.memory_space<semaphore_mem>>) src(%dma_wait3A_385 : memref<128x32xf32, #tpu.memory_space<vmem>>) dst(%dma_wait3A_381 : memref<128x32xf32, #tpu.memory_space<hbm>>)
      %dma_wait3A_386 = arith.constant 1 : i32
      %dma_wait3A_387 = arith.constant 0 : i32
      %dma_wait3A_388 = arith.constant 0 : i32
      %dma_wait3A_389 = tpu.memref_slice %arg6[%dma_wait3A_386, %dma_wait3A_387, %dma_wait3A_388] : memref<4x128x32xf32, #tpu.memory_space<vmem>> -> memref<1x128x32xf32, #tpu.memory_space<vmem>>
      %dma_wait3A_390 = tpu.memref_squeeze %dma_wait3A_389 : memref<1x128x32xf32, #tpu.memory_space<vmem>> -> memref<128x32xf32, #tpu.memory_space<vmem>>
      %dma_wait3A_391 = arith.constant 0 : i32
      %dma_wait3A_392 = tpu.memref_slice %arg4[%mul3A_2, %dma_wait3A_391] : memref<425984x32xf32, #tpu.memory_space<hbm>> -> memref<128x32xf32, #tpu.memory_space<hbm>>
      %dma_wait3A_393 = arith.constant 0 : i32
      %dma_wait3A_394 = tpu.memref_slice %arg4[%mul3A_2, %dma_wait3A_393] : memref<425984x32xf32, #tpu.memory_space<hbm>> -> memref<128x32xf32, #tpu.memory_space<hbm>>
      %dma_wait3A_395 = arith.constant 0 : i32
      %dma_wait3A_396 = arith.constant 0 : i32
      %dma_wait3A_397 = tpu.memref_slice %arg6[%dma_wait3A_386, %dma_wait3A_395, %dma_wait3A_396] : memref<4x128x32xf32, #tpu.memory_space<vmem>> -> memref<1x128x32xf32, #tpu.memory_space<vmem>>
      %dma_wait3A_398 = tpu.memref_squeeze %dma_wait3A_397 : memref<1x128x32xf32, #tpu.memory_space<vmem>> -> memref<128x32xf32, #tpu.memory_space<vmem>>
      tpu.wait_dma2 semaphore(%arg10 : memref<!tpu.dma_semaphore, #tpu.memory_space<semaphore_mem>>) src(%dma_wait3A_398 : memref<128x32xf32, #tpu.memory_space<vmem>>) dst(%dma_wait3A_394 : memref<128x32xf32, #tpu.memory_space<hbm>>)
      %dma_wait3A_399 = arith.constant 2 : i32
      %dma_wait3A_400 = arith.constant 0 : i32
      %dma_wait3A_401 = arith.constant 0 : i32
      %dma_wait3A_402 = tpu.memref_slice %arg6[%dma_wait3A_399, %dma_wait3A_400, %dma_wait3A_401] : memref<4x128x32xf32, #tpu.memory_space<vmem>> -> memref<1x128x32xf32, #tpu.memory_space<vmem>>
      %dma_wait3A_403 = tpu.memref_squeeze %dma_wait3A_402 : memref<1x128x32xf32, #tpu.memory_space<vmem>> -> memref<128x32xf32, #tpu.memory_space<vmem>>
      %dma_wait3A_404 = arith.constant 0 : i32
      %dma_wait3A_405 = tpu.memref_slice %arg4[%mul3A_2, %dma_wait3A_404] : memref<425984x32xf32, #tpu.memory_space<hbm>> -> memref<128x32xf32, #tpu.memory_space<hbm>>
      %dma_wait3A_406 = arith.constant 0 : i32
      %dma_wait3A_407 = tpu.memref_slice %arg4[%mul3A_2, %dma_wait3A_406] : memref<425984x32xf32, #tpu.memory_space<hbm>> -> memref<128x32xf32, #tpu.memory_space<hbm>>
      %dma_wait3A_408 = arith.constant 0 : i32
      %dma_wait3A_409 = arith.constant 0 : i32
      %dma_wait3A_410 = tpu.memref_slice %arg6[%dma_wait3A_399, %dma_wait3A_408, %dma_wait3A_409] : memref<4x128x32xf32, #tpu.memory_space<vmem>> -> memref<1x128x32xf32, #tpu.memory_space<vmem>>
      %dma_wait3A_411 = tpu.memref_squeeze %dma_wait3A_410 : memref<1x128x32xf32, #tpu.memory_space<vmem>> -> memref<128x32xf32, #tpu.memory_space<vmem>>
      tpu.wait_dma2 semaphore(%arg10 : memref<!tpu.dma_semaphore, #tpu.memory_space<semaphore_mem>>) src(%dma_wait3A_411 : memref<128x32xf32, #tpu.memory_space<vmem>>) dst(%dma_wait3A_407 : memref<128x32xf32, #tpu.memory_space<hbm>>)
      %dma_wait3A_412 = arith.constant 3 : i32
      %dma_wait3A_413 = arith.constant 0 : i32
      %dma_wait3A_414 = arith.constant 0 : i32
      %dma_wait3A_415 = tpu.memref_slice %arg6[%dma_wait3A_412, %dma_wait3A_413, %dma_wait3A_414] : memref<4x128x32xf32, #tpu.memory_space<vmem>> -> memref<1x128x32xf32, #tpu.memory_space<vmem>>
      %dma_wait3A_416 = tpu.memref_squeeze %dma_wait3A_415 : memref<1x128x32xf32, #tpu.memory_space<vmem>> -> memref<128x32xf32, #tpu.memory_space<vmem>>
      %dma_wait3A_417 = arith.constant 0 : i32
      %dma_wait3A_418 = tpu.memref_slice %arg4[%mul3A_2, %dma_wait3A_417] : memref<425984x32xf32, #tpu.memory_space<hbm>> -> memref<128x32xf32, #tpu.memory_space<hbm>>
      %dma_wait3A_419 = arith.constant 0 : i32
      %dma_wait3A_420 = tpu.memref_slice %arg4[%mul3A_2, %dma_wait3A_419] : memref<425984x32xf32, #tpu.memory_space<hbm>> -> memref<128x32xf32, #tpu.memory_space<hbm>>
      %dma_wait3A_421 = arith.constant 0 : i32
      %dma_wait3A_422 = arith.constant 0 : i32
      %dma_wait3A_423 = tpu.memref_slice %arg6[%dma_wait3A_412, %dma_wait3A_421, %dma_wait3A_422] : memref<4x128x32xf32, #tpu.memory_space<vmem>> -> memref<1x128x32xf32, #tpu.memory_space<vmem>>
      %dma_wait3A_424 = tpu.memref_squeeze %dma_wait3A_423 : memref<1x128x32xf32, #tpu.memory_space<vmem>> -> memref<128x32xf32, #tpu.memory_space<vmem>>
      tpu.wait_dma2 semaphore(%arg10 : memref<!tpu.dma_semaphore, #tpu.memory_space<semaphore_mem>>) src(%dma_wait3A_424 : memref<128x32xf32, #tpu.memory_space<vmem>>) dst(%dma_wait3A_420 : memref<128x32xf32, #tpu.memory_space<hbm>>)
      %lt3A = arith.constant 12 : i32
      %lt3A_425 = arith.cmpi slt, %scan3A_106, %lt3A : i32
      %convert_element_type3A_426 = arith.extui %lt3A_425 : i1 to i32
      %cond3A_427 = arith.constant 0 : i32
      %cond3A_428 = arith.cmpi ne, %convert_element_type3A_426, %cond3A_427 : i32
      scf.if %cond3A_428 {
        %add3A_509 = arith.constant 2 : i32
        %add3A_510 = arith.addi %mul3A_108, %add3A_509 : i32
        %mul3A_511 = arith.constant 4 : i32
        %mul3A_512 = arith.muli %add3A_510, %mul3A_511 : i32
        %add3A_513 = arith.constant 0 : i32
        %add3A_514 = arith.addi %mul3A_512, %add3A_513 : i32
        %dma_start3A_515 = arith.constant 0 : i32
        %dma_start3A_516 = arith.constant 0 : i32
        %dma_start3A_517 = arith.constant 0 : i32
        %dma_start3A_518 = tpu.memref_slice %arg6[%dma_start3A_515, %dma_start3A_516, %dma_start3A_517] : memref<4x128x32xf32, #tpu.memory_space<vmem>> -> memref<1x128x32xf32, #tpu.memory_space<vmem>>
        %dma_start3A_519 = tpu.memref_squeeze %dma_start3A_518 : memref<1x128x32xf32, #tpu.memory_space<vmem>> -> memref<128x32xf32, #tpu.memory_space<vmem>>
        %dma_start3A_520 = arith.constant 0 : i32
        %dma_start3A_521 = tpu.memref_slice %arg5[%add3A_514, %dma_start3A_520] : memref<104x128xi32, #tpu.memory_space<vmem>> -> memref<1x128xi32, #tpu.memory_space<vmem>>
        %dma_start3A_522 = tpu.memref_squeeze %dma_start3A_521 : memref<1x128xi32, #tpu.memory_space<vmem>> -> memref<128xi32, #tpu.memory_space<vmem>>
        %dma_start3A_523 = arith.constant 0 : i32
        %dma_start3A_524 = arith.constant 0 : i32
        %dma_start3A_525 = tpu.memref_slice %arg3[%dma_start3A_523, %dma_start3A_524] : memref<1000000x32xf32, #tpu.memory_space<hbm>> -> memref<1000000x32xf32, #tpu.memory_space<hbm>>
        tpu.enqueue_indirect_dma source(%dma_start3A_525 : memref<1000000x32xf32, #tpu.memory_space<hbm>>) target(%dma_start3A_519 : memref<128x32xf32, #tpu.memory_space<vmem>>) offsets(%dma_start3A_522 : memref<128xi32, #tpu.memory_space<vmem>>) semaphore(%arg8 : memref<!tpu.dma_semaphore, #tpu.memory_space<semaphore_mem>>)
        %mul3A_526 = arith.constant 4 : i32
        %mul3A_527 = arith.muli %add3A_510, %mul3A_526 : i32
        %add3A_528 = arith.constant 1 : i32
        %add3A_529 = arith.addi %mul3A_527, %add3A_528 : i32
        %dma_start3A_530 = arith.constant 1 : i32
        %dma_start3A_531 = arith.constant 0 : i32
        %dma_start3A_532 = arith.constant 0 : i32
        %dma_start3A_533 = tpu.memref_slice %arg6[%dma_start3A_530, %dma_start3A_531, %dma_start3A_532] : memref<4x128x32xf32, #tpu.memory_space<vmem>> -> memref<1x128x32xf32, #tpu.memory_space<vmem>>
        %dma_start3A_534 = tpu.memref_squeeze %dma_start3A_533 : memref<1x128x32xf32, #tpu.memory_space<vmem>> -> memref<128x32xf32, #tpu.memory_space<vmem>>
        %dma_start3A_535 = arith.constant 0 : i32
        %dma_start3A_536 = tpu.memref_slice %arg5[%add3A_529, %dma_start3A_535] : memref<104x128xi32, #tpu.memory_space<vmem>> -> memref<1x128xi32, #tpu.memory_space<vmem>>
        %dma_start3A_537 = tpu.memref_squeeze %dma_start3A_536 : memref<1x128xi32, #tpu.memory_space<vmem>> -> memref<128xi32, #tpu.memory_space<vmem>>
        %dma_start3A_538 = arith.constant 0 : i32
        %dma_start3A_539 = arith.constant 0 : i32
        %dma_start3A_540 = tpu.memref_slice %arg3[%dma_start3A_538, %dma_start3A_539] : memref<1000000x32xf32, #tpu.memory_space<hbm>> -> memref<1000000x32xf32, #tpu.memory_space<hbm>>
        tpu.enqueue_indirect_dma source(%dma_start3A_540 : memref<1000000x32xf32, #tpu.memory_space<hbm>>) target(%dma_start3A_534 : memref<128x32xf32, #tpu.memory_space<vmem>>) offsets(%dma_start3A_537 : memref<128xi32, #tpu.memory_space<vmem>>) semaphore(%arg8 : memref<!tpu.dma_semaphore, #tpu.memory_space<semaphore_mem>>)
        %mul3A_541 = arith.constant 4 : i32
        %mul3A_542 = arith.muli %add3A_510, %mul3A_541 : i32
        %add3A_543 = arith.constant 2 : i32
        %add3A_544 = arith.addi %mul3A_542, %add3A_543 : i32
        %dma_start3A_545 = arith.constant 2 : i32
        %dma_start3A_546 = arith.constant 0 : i32
        %dma_start3A_547 = arith.constant 0 : i32
        %dma_start3A_548 = tpu.memref_slice %arg6[%dma_start3A_545, %dma_start3A_546, %dma_start3A_547] : memref<4x128x32xf32, #tpu.memory_space<vmem>> -> memref<1x128x32xf32, #tpu.memory_space<vmem>>
        %dma_start3A_549 = tpu.memref_squeeze %dma_start3A_548 : memref<1x128x32xf32, #tpu.memory_space<vmem>> -> memref<128x32xf32, #tpu.memory_space<vmem>>
        %dma_start3A_550 = arith.constant 0 : i32
        %dma_start3A_551 = tpu.memref_slice %arg5[%add3A_544, %dma_start3A_550] : memref<104x128xi32, #tpu.memory_space<vmem>> -> memref<1x128xi32, #tpu.memory_space<vmem>>
        %dma_start3A_552 = tpu.memref_squeeze %dma_start3A_551 : memref<1x128xi32, #tpu.memory_space<vmem>> -> memref<128xi32, #tpu.memory_space<vmem>>
        %dma_start3A_553 = arith.constant 0 : i32
        %dma_start3A_554 = arith.constant 0 : i32
        %dma_start3A_555 = tpu.memref_slice %arg3[%dma_start3A_553, %dma_start3A_554] : memref<1000000x32xf32, #tpu.memory_space<hbm>> -> memref<1000000x32xf32, #tpu.memory_space<hbm>>
        tpu.enqueue_indirect_dma source(%dma_start3A_555 : memref<1000000x32xf32, #tpu.memory_space<hbm>>) target(%dma_start3A_549 : memref<128x32xf32, #tpu.memory_space<vmem>>) offsets(%dma_start3A_552 : memref<128xi32, #tpu.memory_space<vmem>>) semaphore(%arg8 : memref<!tpu.dma_semaphore, #tpu.memory_space<semaphore_mem>>)
        %mul3A_556 = arith.constant 4 : i32
        %mul3A_557 = arith.muli %add3A_510, %mul3A_556 : i32
        %add3A_558 = arith.constant 3 : i32
        %add3A_559 = arith.addi %mul3A_557, %add3A_558 : i32
        %dma_start3A_560 = arith.constant 3 : i32
        %dma_start3A_561 = arith.constant 0 : i32
        %dma_start3A_562 = arith.constant 0 : i32
        %dma_start3A_563 = tpu.memref_slice %arg6[%dma_start3A_560, %dma_start3A_561, %dma_start3A_562] : memref<4x128x32xf32, #tpu.memory_space<vmem>> -> memref<1x128x32xf32, #tpu.memory_space<vmem>>
        %dma_start3A_564 = tpu.memref_squeeze %dma_start3A_563 : memref<1x128x32xf32, #tpu.memory_space<vmem>> -> memref<128x32xf32, #tpu.memory_space<vmem>>
        %dma_start3A_565 = arith.constant 0 : i32
        %dma_start3A_566 = tpu.memref_slice %arg5[%add3A_559, %dma_start3A_565] : memref<104x128xi32, #tpu.memory_space<vmem>> -> memref<1x128xi32, #tpu.memory_space<vmem>>
        %dma_start3A_567 = tpu.memref_squeeze %dma_start3A_566 : memref<1x128xi32, #tpu.memory_space<vmem>> -> memref<128xi32, #tpu.memory_space<vmem>>
        %dma_start3A_568 = arith.constant 0 : i32
        %dma_start3A_569 = arith.constant 0 : i32
        %dma_start3A_570 = tpu.memref_slice %arg3[%dma_start3A_568, %dma_start3A_569] : memref<1000000x32xf32, #tpu.memory_space<hbm>> -> memref<1000000x32xf32, #tpu.memory_space<hbm>>
        tpu.enqueue_indirect_dma source(%dma_start3A_570 : memref<1000000x32xf32, #tpu.memory_space<hbm>>) target(%dma_start3A_564 : memref<128x32xf32, #tpu.memory_space<vmem>>) offsets(%dma_start3A_567 : memref<128xi32, #tpu.memory_space<vmem>>) semaphore(%arg8 : memref<!tpu.dma_semaphore, #tpu.memory_space<semaphore_mem>>)
      } else {
      }
      %mul3A_429 = arith.constant 4 : i32
      %mul3A_430 = arith.muli %add3A_110, %mul3A_429 : i32
      %add3A_431 = arith.constant 0 : i32
      %add3A_432 = arith.addi %mul3A_430, %add3A_431 : i32
      %mul3A_433 = arith.constant 128 : i32
      %mul3A_434 = arith.muli %add3A_432, %mul3A_433 : i32
      %add3A_435 = arith.addi %mul3A_2, %mul3A_434 : i32
      %dma_start3A_436 = arith.constant 0 : i32
      %dma_start3A_437 = arith.constant 0 : i32
      %dma_start3A_438 = arith.constant 0 : i32
      %dma_start3A_439 = tpu.memref_slice %arg7[%dma_start3A_436, %dma_start3A_437, %dma_start3A_438] : memref<4x128x32xf32, #tpu.memory_space<vmem>> -> memref<1x128x32xf32, #tpu.memory_space<vmem>>
      %dma_start3A_440 = tpu.memref_squeeze %dma_start3A_439 : memref<1x128x32xf32, #tpu.memory_space<vmem>> -> memref<128x32xf32, #tpu.memory_space<vmem>>
      %dma_start3A_441 = arith.constant 0 : i32
      %dma_start3A_442 = tpu.memref_slice %arg4[%add3A_435, %dma_start3A_441] : memref<425984x32xf32, #tpu.memory_space<hbm>> -> memref<128x32xf32, #tpu.memory_space<hbm>>
      %dma_start3A_443 = arith.constant 0 : i32
      %dma_start3A_444 = tpu.memref_slice %arg4[%add3A_435, %dma_start3A_443] : memref<425984x32xf32, #tpu.memory_space<hbm>> -> memref<128x32xf32, #tpu.memory_space<hbm>>
      %dma_start3A_445 = arith.constant 0 : i32
      %dma_start3A_446 = arith.constant 0 : i32
      %dma_start3A_447 = tpu.memref_slice %arg7[%dma_start3A_436, %dma_start3A_445, %dma_start3A_446] : memref<4x128x32xf32, #tpu.memory_space<vmem>> -> memref<1x128x32xf32, #tpu.memory_space<vmem>>
      %dma_start3A_448 = tpu.memref_squeeze %dma_start3A_447 : memref<1x128x32xf32, #tpu.memory_space<vmem>> -> memref<128x32xf32, #tpu.memory_space<vmem>>
      tpu.enqueue_dma source(%dma_start3A_448 : memref<128x32xf32, #tpu.memory_space<vmem>>) target(%dma_start3A_444 : memref<128x32xf32, #tpu.memory_space<hbm>>) target_semaphore(%arg11 : memref<!tpu.dma_semaphore, #tpu.memory_space<semaphore_mem>>)
      %mul3A_449 = arith.constant 4 : i32
      %mul3A_450 = arith.muli %add3A_110, %mul3A_449 : i32
      %add3A_451 = arith.constant 1 : i32
      %add3A_452 = arith.addi %mul3A_450, %add3A_451 : i32
      %mul3A_453 = arith.constant 128 : i32
      %mul3A_454 = arith.muli %add3A_452, %mul3A_453 : i32
      %add3A_455 = arith.addi %mul3A_2, %mul3A_454 : i32
      %dma_start3A_456 = arith.constant 1 : i32
      %dma_start3A_457 = arith.constant 0 : i32
      %dma_start3A_458 = arith.constant 0 : i32
      %dma_start3A_459 = tpu.memref_slice %arg7[%dma_start3A_456, %dma_start3A_457, %dma_start3A_458] : memref<4x128x32xf32, #tpu.memory_space<vmem>> -> memref<1x128x32xf32, #tpu.memory_space<vmem>>
      %dma_start3A_460 = tpu.memref_squeeze %dma_start3A_459 : memref<1x128x32xf32, #tpu.memory_space<vmem>> -> memref<128x32xf32, #tpu.memory_space<vmem>>
      %dma_start3A_461 = arith.constant 0 : i32
      %dma_start3A_462 = tpu.memref_slice %arg4[%add3A_455, %dma_start3A_461] : memref<425984x32xf32, #tpu.memory_space<hbm>> -> memref<128x32xf32, #tpu.memory_space<hbm>>
      %dma_start3A_463 = arith.constant 0 : i32
      %dma_start3A_464 = tpu.memref_slice %arg4[%add3A_455, %dma_start3A_463] : memref<425984x32xf32, #tpu.memory_space<hbm>> -> memref<128x32xf32, #tpu.memory_space<hbm>>
      %dma_start3A_465 = arith.constant 0 : i32
      %dma_start3A_466 = arith.constant 0 : i32
      %dma_start3A_467 = tpu.memref_slice %arg7[%dma_start3A_456, %dma_start3A_465, %dma_start3A_466] : memref<4x128x32xf32, #tpu.memory_space<vmem>> -> memref<1x128x32xf32, #tpu.memory_space<vmem>>
      %dma_start3A_468 = tpu.memref_squeeze %dma_start3A_467 : memref<1x128x32xf32, #tpu.memory_space<vmem>> -> memref<128x32xf32, #tpu.memory_space<vmem>>
      tpu.enqueue_dma source(%dma_start3A_468 : memref<128x32xf32, #tpu.memory_space<vmem>>) target(%dma_start3A_464 : memref<128x32xf32, #tpu.memory_space<hbm>>) target_semaphore(%arg11 : memref<!tpu.dma_semaphore, #tpu.memory_space<semaphore_mem>>)
      %mul3A_469 = arith.constant 4 : i32
      %mul3A_470 = arith.muli %add3A_110, %mul3A_469 : i32
      %add3A_471 = arith.constant 2 : i32
      %add3A_472 = arith.addi %mul3A_470, %add3A_471 : i32
      %mul3A_473 = arith.constant 128 : i32
      %mul3A_474 = arith.muli %add3A_472, %mul3A_473 : i32
      %add3A_475 = arith.addi %mul3A_2, %mul3A_474 : i32
      %dma_start3A_476 = arith.constant 2 : i32
      %dma_start3A_477 = arith.constant 0 : i32
      %dma_start3A_478 = arith.constant 0 : i32
      %dma_start3A_479 = tpu.memref_slice %arg7[%dma_start3A_476, %dma_start3A_477, %dma_start3A_478] : memref<4x128x32xf32, #tpu.memory_space<vmem>> -> memref<1x128x32xf32, #tpu.memory_space<vmem>>
      %dma_start3A_480 = tpu.memref_squeeze %dma_start3A_479 : memref<1x128x32xf32, #tpu.memory_space<vmem>> -> memref<128x32xf32, #tpu.memory_space<vmem>>
      %dma_start3A_481 = arith.constant 0 : i32
      %dma_start3A_482 = tpu.memref_slice %arg4[%add3A_475, %dma_start3A_481] : memref<425984x32xf32, #tpu.memory_space<hbm>> -> memref<128x32xf32, #tpu.memory_space<hbm>>
      %dma_start3A_483 = arith.constant 0 : i32
      %dma_start3A_484 = tpu.memref_slice %arg4[%add3A_475, %dma_start3A_483] : memref<425984x32xf32, #tpu.memory_space<hbm>> -> memref<128x32xf32, #tpu.memory_space<hbm>>
      %dma_start3A_485 = arith.constant 0 : i32
      %dma_start3A_486 = arith.constant 0 : i32
      %dma_start3A_487 = tpu.memref_slice %arg7[%dma_start3A_476, %dma_start3A_485, %dma_start3A_486] : memref<4x128x32xf32, #tpu.memory_space<vmem>> -> memref<1x128x32xf32, #tpu.memory_space<vmem>>
      %dma_start3A_488 = tpu.memref_squeeze %dma_start3A_487 : memref<1x128x32xf32, #tpu.memory_space<vmem>> -> memref<128x32xf32, #tpu.memory_space<vmem>>
      tpu.enqueue_dma source(%dma_start3A_488 : memref<128x32xf32, #tpu.memory_space<vmem>>) target(%dma_start3A_484 : memref<128x32xf32, #tpu.memory_space<hbm>>) target_semaphore(%arg11 : memref<!tpu.dma_semaphore, #tpu.memory_space<semaphore_mem>>)
      %mul3A_489 = arith.constant 4 : i32
      %mul3A_490 = arith.muli %add3A_110, %mul3A_489 : i32
      %add3A_491 = arith.constant 3 : i32
      %add3A_492 = arith.addi %mul3A_490, %add3A_491 : i32
      %mul3A_493 = arith.constant 128 : i32
      %mul3A_494 = arith.muli %add3A_492, %mul3A_493 : i32
      %add3A_495 = arith.addi %mul3A_2, %mul3A_494 : i32
      %dma_start3A_496 = arith.constant 3 : i32
      %dma_start3A_497 = arith.constant 0 : i32
      %dma_start3A_498 = arith.constant 0 : i32
      %dma_start3A_499 = tpu.memref_slice %arg7[%dma_start3A_496, %dma_start3A_497, %dma_start3A_498] : memref<4x128x32xf32, #tpu.memory_space<vmem>> -> memref<1x128x32xf32, #tpu.memory_space<vmem>>
      %dma_start3A_500 = tpu.memref_squeeze %dma_start3A_499 : memref<1x128x32xf32, #tpu.memory_space<vmem>> -> memref<128x32xf32, #tpu.memory_space<vmem>>
      %dma_start3A_501 = arith.constant 0 : i32
      %dma_start3A_502 = tpu.memref_slice %arg4[%add3A_495, %dma_start3A_501] : memref<425984x32xf32, #tpu.memory_space<hbm>> -> memref<128x32xf32, #tpu.memory_space<hbm>>
      %dma_start3A_503 = arith.constant 0 : i32
      %dma_start3A_504 = tpu.memref_slice %arg4[%add3A_495, %dma_start3A_503] : memref<425984x32xf32, #tpu.memory_space<hbm>> -> memref<128x32xf32, #tpu.memory_space<hbm>>
      %dma_start3A_505 = arith.constant 0 : i32
      %dma_start3A_506 = arith.constant 0 : i32
      %dma_start3A_507 = tpu.memref_slice %arg7[%dma_start3A_496, %dma_start3A_505, %dma_start3A_506] : memref<4x128x32xf32, #tpu.memory_space<vmem>> -> memref<1x128x32xf32, #tpu.memory_space<vmem>>
      %dma_start3A_508 = tpu.memref_squeeze %dma_start3A_507 : memref<1x128x32xf32, #tpu.memory_space<vmem>> -> memref<128x32xf32, #tpu.memory_space<vmem>>
      tpu.enqueue_dma source(%dma_start3A_508 : memref<128x32xf32, #tpu.memory_space<vmem>>) target(%dma_start3A_504 : memref<128x32xf32, #tpu.memory_space<hbm>>) target_semaphore(%arg11 : memref<!tpu.dma_semaphore, #tpu.memory_space<semaphore_mem>>)
    }
    %scan3A_54 = arith.constant 13 : i32
    %dma_wait3A = arith.constant 0 : i32
    %dma_wait3A_55 = arith.constant 0 : i32
    %dma_wait3A_56 = arith.constant 0 : i32
    %dma_wait3A_57 = tpu.memref_slice %arg7[%dma_wait3A, %dma_wait3A_55, %dma_wait3A_56] : memref<4x128x32xf32, #tpu.memory_space<vmem>> -> memref<1x128x32xf32, #tpu.memory_space<vmem>>
    %dma_wait3A_58 = tpu.memref_squeeze %dma_wait3A_57 : memref<1x128x32xf32, #tpu.memory_space<vmem>> -> memref<128x32xf32, #tpu.memory_space<vmem>>
    %dma_wait3A_59 = arith.constant 0 : i32
    %dma_wait3A_60 = tpu.memref_slice %arg4[%mul3A_2, %dma_wait3A_59] : memref<425984x32xf32, #tpu.memory_space<hbm>> -> memref<128x32xf32, #tpu.memory_space<hbm>>
    %dma_wait3A_61 = arith.constant 0 : i32
    %dma_wait3A_62 = tpu.memref_slice %arg4[%mul3A_2, %dma_wait3A_61] : memref<425984x32xf32, #tpu.memory_space<hbm>> -> memref<128x32xf32, #tpu.memory_space<hbm>>
    %dma_wait3A_63 = arith.constant 0 : i32
    %dma_wait3A_64 = arith.constant 0 : i32
    %dma_wait3A_65 = tpu.memref_slice %arg7[%dma_wait3A, %dma_wait3A_63, %dma_wait3A_64] : memref<4x128x32xf32, #tpu.memory_space<vmem>> -> memref<1x128x32xf32, #tpu.memory_space<vmem>>
    %dma_wait3A_66 = tpu.memref_squeeze %dma_wait3A_65 : memref<1x128x32xf32, #tpu.memory_space<vmem>> -> memref<128x32xf32, #tpu.memory_space<vmem>>
    tpu.wait_dma2 semaphore(%arg11 : memref<!tpu.dma_semaphore, #tpu.memory_space<semaphore_mem>>) src(%dma_wait3A_66 : memref<128x32xf32, #tpu.memory_space<vmem>>) dst(%dma_wait3A_62 : memref<128x32xf32, #tpu.memory_space<hbm>>)
    %dma_wait3A_67 = arith.constant 1 : i32
    %dma_wait3A_68 = arith.constant 0 : i32
    %dma_wait3A_69 = arith.constant 0 : i32
    %dma_wait3A_70 = tpu.memref_slice %arg7[%dma_wait3A_67, %dma_wait3A_68, %dma_wait3A_69] : memref<4x128x32xf32, #tpu.memory_space<vmem>> -> memref<1x128x32xf32, #tpu.memory_space<vmem>>
    %dma_wait3A_71 = tpu.memref_squeeze %dma_wait3A_70 : memref<1x128x32xf32, #tpu.memory_space<vmem>> -> memref<128x32xf32, #tpu.memory_space<vmem>>
    %dma_wait3A_72 = arith.constant 0 : i32
    %dma_wait3A_73 = tpu.memref_slice %arg4[%mul3A_2, %dma_wait3A_72] : memref<425984x32xf32, #tpu.memory_space<hbm>> -> memref<128x32xf32, #tpu.memory_space<hbm>>
    %dma_wait3A_74 = arith.constant 0 : i32
    %dma_wait3A_75 = tpu.memref_slice %arg4[%mul3A_2, %dma_wait3A_74] : memref<425984x32xf32, #tpu.memory_space<hbm>> -> memref<128x32xf32, #tpu.memory_space<hbm>>
    %dma_wait3A_76 = arith.constant 0 : i32
    %dma_wait3A_77 = arith.constant 0 : i32
    %dma_wait3A_78 = tpu.memref_slice %arg7[%dma_wait3A_67, %dma_wait3A_76, %dma_wait3A_77] : memref<4x128x32xf32, #tpu.memory_space<vmem>> -> memref<1x128x32xf32, #tpu.memory_space<vmem>>
    %dma_wait3A_79 = tpu.memref_squeeze %dma_wait3A_78 : memref<1x128x32xf32, #tpu.memory_space<vmem>> -> memref<128x32xf32, #tpu.memory_space<vmem>>
    tpu.wait_dma2 semaphore(%arg11 : memref<!tpu.dma_semaphore, #tpu.memory_space<semaphore_mem>>) src(%dma_wait3A_79 : memref<128x32xf32, #tpu.memory_space<vmem>>) dst(%dma_wait3A_75 : memref<128x32xf32, #tpu.memory_space<hbm>>)
    %dma_wait3A_80 = arith.constant 2 : i32
    %dma_wait3A_81 = arith.constant 0 : i32
    %dma_wait3A_82 = arith.constant 0 : i32
    %dma_wait3A_83 = tpu.memref_slice %arg7[%dma_wait3A_80, %dma_wait3A_81, %dma_wait3A_82] : memref<4x128x32xf32, #tpu.memory_space<vmem>> -> memref<1x128x32xf32, #tpu.memory_space<vmem>>
    %dma_wait3A_84 = tpu.memref_squeeze %dma_wait3A_83 : memref<1x128x32xf32, #tpu.memory_space<vmem>> -> memref<128x32xf32, #tpu.memory_space<vmem>>
    %dma_wait3A_85 = arith.constant 0 : i32
    %dma_wait3A_86 = tpu.memref_slice %arg4[%mul3A_2, %dma_wait3A_85] : memref<425984x32xf32, #tpu.memory_space<hbm>> -> memref<128x32xf32, #tpu.memory_space<hbm>>
    %dma_wait3A_87 = arith.constant 0 : i32
    %dma_wait3A_88 = tpu.memref_slice %arg4[%mul3A_2, %dma_wait3A_87] : memref<425984x32xf32, #tpu.memory_space<hbm>> -> memref<128x32xf32, #tpu.memory_space<hbm>>
    %dma_wait3A_89 = arith.constant 0 : i32
    %dma_wait3A_90 = arith.constant 0 : i32
    %dma_wait3A_91 = tpu.memref_slice %arg7[%dma_wait3A_80, %dma_wait3A_89, %dma_wait3A_90] : memref<4x128x32xf32, #tpu.memory_space<vmem>> -> memref<1x128x32xf32, #tpu.memory_space<vmem>>
    %dma_wait3A_92 = tpu.memref_squeeze %dma_wait3A_91 : memref<1x128x32xf32, #tpu.memory_space<vmem>> -> memref<128x32xf32, #tpu.memory_space<vmem>>
    tpu.wait_dma2 semaphore(%arg11 : memref<!tpu.dma_semaphore, #tpu.memory_space<semaphore_mem>>) src(%dma_wait3A_92 : memref<128x32xf32, #tpu.memory_space<vmem>>) dst(%dma_wait3A_88 : memref<128x32xf32, #tpu.memory_space<hbm>>)
    %dma_wait3A_93 = arith.constant 3 : i32
    %dma_wait3A_94 = arith.constant 0 : i32
    %dma_wait3A_95 = arith.constant 0 : i32
    %dma_wait3A_96 = tpu.memref_slice %arg7[%dma_wait3A_93, %dma_wait3A_94, %dma_wait3A_95] : memref<4x128x32xf32, #tpu.memory_space<vmem>> -> memref<1x128x32xf32, #tpu.memory_space<vmem>>
    %dma_wait3A_97 = tpu.memref_squeeze %dma_wait3A_96 : memref<1x128x32xf32, #tpu.memory_space<vmem>> -> memref<128x32xf32, #tpu.memory_space<vmem>>
    %dma_wait3A_98 = arith.constant 0 : i32
    %dma_wait3A_99 = tpu.memref_slice %arg4[%mul3A_2, %dma_wait3A_98] : memref<425984x32xf32, #tpu.memory_space<hbm>> -> memref<128x32xf32, #tpu.memory_space<hbm>>
    %dma_wait3A_100 = arith.constant 0 : i32
    %dma_wait3A_101 = tpu.memref_slice %arg4[%mul3A_2, %dma_wait3A_100] : memref<425984x32xf32, #tpu.memory_space<hbm>> -> memref<128x32xf32, #tpu.memory_space<hbm>>
    %dma_wait3A_102 = arith.constant 0 : i32
    %dma_wait3A_103 = arith.constant 0 : i32
    %dma_wait3A_104 = tpu.memref_slice %arg7[%dma_wait3A_93, %dma_wait3A_102, %dma_wait3A_103] : memref<4x128x32xf32, #tpu.memory_space<vmem>> -> memref<1x128x32xf32, #tpu.memory_space<vmem>>
    %dma_wait3A_105 = tpu.memref_squeeze %dma_wait3A_104 : memref<1x128x32xf32, #tpu.memory_space<vmem>> -> memref<128x32xf32, #tpu.memory_space<vmem>>
    tpu.wait_dma2 semaphore(%arg11 : memref<!tpu.dma_semaphore, #tpu.memory_space<semaphore_mem>>) src(%dma_wait3A_105 : memref<128x32xf32, #tpu.memory_space<vmem>>) dst(%dma_wait3A_101 : memref<128x32xf32, #tpu.memory_space<hbm>>)
    return
  }
}

</mosaic_0001>

<sc_bundles>
// kernel: kernel.4.cloned.1.call-start
scs
__scs_entry_jumppad:
0x0: {  	(pc) =	sbr.rel $0x88, $3  }
0x1: {  	(tag) =	ssettag $0x0;
	lr =	simm.s32 $0x1  }
0x2: {  	[smem:$0x3F9F] =	sst lr;
	_ =	strace $0xD0000000  }
0x3: {  	_ = 	snop  }
0x4: {  	_ = 	snop  }
0x5: {  	_ = 	snop  }
0x6: {  	_ = 	snop  }
0x7: {  	_ = 	snop  }
__scs_overlays_trampoline_lowered:
0x8: {  	[smem:$0x3FAE] =	sst s0  }
0x9: {  	[smem:$0x3FAF] =	sst s1  }
0xa: {  	[smem:$0x3FB0] =	sst s2  }
0xb: {  	[smem:$0x3FB1] =	sst s3  }
0xc: {  	[smem:$0x3FB2] =	sst s4  }
0xd: {  	[smem:$0x3FB3] =	sst s5  }
0xe: {  	[smem:$0x3FB4] =	sst s6  }
0xf: {  	[smem:$0x3FB5] =	sst s7  }
0x10: {  	[smem:$0x3FB6] =	sst s8  }
0x11: {  	[smem:$0x3FB7] =	sst s9;
	s0 =	simm.s32 @!p0 $0x0  }
0x12: {  	s1 =	sld [smem:$0x3F9D];
	s0 =	simm.s32 @p0 $0x1  }
0x13: {  	[smem:$0x3FB8] =	sst s0;
	s0 =	simm.s32 @!p1 $0x0  }
0x14: {  	s2 =	sld [smem:$0x3F9C];
	s0 =	simm.s32 @p1 $0x1  }
0x15: {  	[smem:$0x3FB9] =	sst s0;
	s0 =	simm.s32 @!p2 $0x0  }
0x16: {  	s3 =	sld [smem:$0x3FDB];
	s0 =	simm.s32 @p2 $0x1  }
0x17: {  	s4 =	simm.s32 $0x1BF5;
	[smem:$0x3FBB] =	sst s0  }
0x18: {  	s0 =	sld [smem:$0x3F9E];
	_ =	swait.ge [sflag:s4], $0x0  }
0x19: {  	s7 =	sld [smem:$0x3F9F]  }
0x1a: {  	s8 =	sadd.s32 $0xFFFFE003, lr  }
0x1b: {  	s9 =	sadd.s32 $0xFFFFFEF7, lr;
	s5 =	simm.s32 $0xFFFFFFFF;
	p2 =	slt.u32 s8, $0xFFFFF086  }
0x1c: {  	p1 =	slt.u32 s9, $0xF7A;
	s5 =	simm.s32 @!p2 $0x0  }
0x1d: {  	s5 =	simm.s32 @p1 $0x1;
	p0 =	seq.s32 s7, s2  }
0x1e: {  	s7 =	smul.u32 @!p0 $0xF7A, s2;
	p2 =	seq.s32 @!p0 s5, $0x0  }
0x1f: {  	s9 =	smul.u32 $0xF7A, s1;
	s8 =	simm.s32 @!p0 $0x1BF5;
	p2 =	por !p2, p0  }
0x20: {  	[sflag:s8] =	ssyncset.s32 @!p0 $0xFFFFF086;
	s6 =	sadd.s32 @!p0 s3, s7;
	s7 =	simm.s32 @!p0 $0x108  }
0x21: {  	s3 =	sadd.s32 s3, s9;
	s6 =	sadd.s32 @!p0 $0x88, s6;
	s7 =	simm.s32 @p2 $0x1082  }
0x22: {  	[simem:s7], [sflag:s8] =	dma.local @!p0 [hbm:s6], $0xF7A  }
0x23: {  	s9 =	sor.u32 $0xD0000000, s2;
	s6 =	simm.s32 $0x108;
	_ =	swait.ge @!p0 [sflag:s8], $0x0  }
0x24: {  	s3 =	sadd.s32 $0x88, s3;
	s6 =	simm.s32 @!p1 $0x1082;
	[sflag:s4] =	ssyncset.s32 $0xFFFFF086  }
0x25: {  	[simem:s6], [sflag:s4] =	dma.local [hbm:s3], $0xF7A  }
0x26: {  	[smem:$0x3F9F] =	sst s1;
	(tag) =	ssettag s2;
	_ =	strace s9  }
0x27: {  	s1 =	sld [smem:$0x3FAF]  }
0x28: {  	s2 =	sld [smem:$0x3FB0]  }
0x29: {  	s4 =	sld [smem:$0x3FB2]  }
0x2a: {  	p0 =	seq.s32 s5, $0x0;
	s5 =	sld [smem:$0x3FB3]  }
0x2b: {  	s6 =	sld [smem:$0x3FB4]  }
0x2c: {  	s7 =	sld [smem:$0x3FB5]  }
0x2d: {  	s3 =	simm.s32 $0x108;
	s8 =	sld [smem:$0x3FB6]  }
0x2e: {  	s3 =	simm.s32 @!p0 $0x1082;
	s9 =	sld [smem:$0x3FB7]  }
0x2f: {  	lr =	sadd.s32 s0, s3;
	s0 =	sld [smem:$0x3FAE]  }
0x30: {  	s3 =	sld [smem:$0x3FB1]  }
0x31: {  	[smem:$0x3FBA] =	sst s10  }
0x32: {  	s10 =	sld [smem:$0x3FB8];
	_ =	sdelay $0x3  }
0x33: {  	p0 =	seq.s32 s10, $0x1;
	s10 =	sld [smem:$0x3FBA];
	_ =	sdelay $0x3  }
0x34: {  	[smem:$0x3FBA] =	sst s10  }
0x35: {  	s10 =	sld [smem:$0x3FB9];
	_ =	sdelay $0x3  }
0x36: {  	p1 =	seq.s32 s10, $0x1;
	s10 =	sld [smem:$0x3FBA];
	_ =	sdelay $0x3  }
0x37: {  	[smem:$0x3FBA] =	sst s10  }
0x38: {  	s10 =	sld [smem:$0x3FBB]  }
0x39: {  	_ = 	snop;
	(pc) =	sbr.ind lr, $3  }
0x3a: {  	_ = 	snop  }
0x3b: {  	_ = 	snop  }
0x3c: {  	p2 =	seq.s32 s10, $0x1;
	s10 =	sld [smem:$0x3FBA]  }
0x3d: {  	_ =	shalt  }
0x3e: {  	_ =	shalt  }
0x3f: {  	_ =	shalt  }
0x40: {  	_ =	shalt  }
0x41: {  	_ =	shalt  }
0x42: {  	_ =	shalt  }
0x43: {  	_ =	shalt  }
0x44: {  	_ =	shalt  }
0x45: {  	_ =	shalt  }
0x46: {  	_ =	shalt  }
0x47: {  	_ =	shalt  }
0x48: {  	_ =	shalt  }
0x49: {  	_ =	shalt  }
0x4a: {  	_ =	shalt  }
0x4b: {  	_ =	shalt  }
0x4c: {  	_ =	shalt  }
0x4d: {  	_ =	shalt  }
0x4e: {  	_ =	shalt  }
0x4f: {  	_ =	shalt  }
0x50: {  	_ =	shalt  }
0x51: {  	_ =	shalt  }
0x52: {  	_ =	shalt  }
0x53: {  	_ =	shalt  }
0x54: {  	_ =	shalt  }
0x55: {  	_ =	shalt  }
0x56: {  	_ =	shalt  }
0x57: {  	_ =	shalt  }
0x58: {  	_ =	shalt  }
0x59: {  	_ =	shalt  }
0x5a: {  	_ =	shalt  }
0x5b: {  	_ =	shalt  }
0x5c: {  	_ =	shalt  }
0x5d: {  	_ =	shalt  }
0x5e: {  	_ =	shalt  }
0x5f: {  	_ =	shalt  }
0x60: {  	_ =	shalt  }
0x61: {  	_ =	shalt  }
0x62: {  	_ =	shalt  }
0x63: {  	_ =	shalt  }
0x64: {  	_ =	shalt  }
0x65: {  	_ =	shalt  }
0x66: {  	_ =	shalt  }
0x67: {  	_ =	shalt  }
0x68: {  	_ =	shalt  }
0x69: {  	_ =	shalt  }
0x6a: {  	_ =	shalt  }
0x6b: {  	_ =	shalt  }
0x6c: {  	_ =	shalt  }
0x6d: {  	_ =	shalt  }
0x6e: {  	_ =	shalt  }
0x6f: {  	_ =	shalt  }
0x70: {  	_ =	shalt  }
0x71: {  	_ =	shalt  }
0x72: {  	_ =	shalt  }
0x73: {  	_ =	shalt  }
0x74: {  	_ =	shalt  }
0x75: {  	_ =	shalt  }
0x76: {  	_ =	shalt  }
0x77: {  	_ =	shalt  }
0x78: {  	_ =	shalt  }
0x79: {  	_ =	shalt  }
0x7a: {  	_ =	shalt  }
0x7b: {  	_ =	shalt  }
0x7c: {  	_ =	shalt  }
0x7d: {  	_ =	shalt  }
0x7e: {  	_ =	shalt  }
0x7f: {  	_ =	shalt  }
0x80: {  	_ =	shalt  }
0x81: {  	_ =	shalt  }
0x82: {  	_ =	shalt  }
0x83: {  	_ =	shalt  }
0x84: {  	_ =	shalt  }
0x85: {  	_ =	shalt  }
0x86: {  	_ =	shalt  }
0x87: {  	_ =	shalt  }
.Lfunc_end0:
.L_simem_size_0:
called_computation.1_lowered:
.L_overlay_start_0:
0x88: {  	s2 =	sld [smem:$0x3FD9]  }
0x89: {  	s3 =	sld [smem:$0x3FFE];
	_ =	sdelay $0x1  }
0x8a: {  	s1 =	srdreg.scid  }
0x8b: {  	s0 =	sand.u32 $0x1, s1  }
0x8c: {  	s17 =	sshll.u32 s0, $0xA;
	s2 =	sadd.s32 s3, s2  }
0x8d: {  	s2 =	sadd.s32 s2, s17  }
0x8e: {  	[smem:$0x3FC6] =	sst s2  }
0x8f: {  	_ = 	snop  }
0x90: {  	s2 =	sld [smem:$0x3FC8];
	(tm) =	ssettm $0x1  }
0x91: {  	s18 =	sld [smem:$0x3FFB];
	_ =	sdelay $0x3  }
0x92: {  	_ =	strace s18  }
0x93: {  	s3 =	sld [smem:$0x3FFC];
	_ =	sdelay $0x3  }
0x94: {  	_ =	strace s3  }
0x95: {  	s3 =	sld [smem:$0x3FFD];
	_ =	sdelay $0x3  }
0x96: {  	_ =	strace s3  }
0x97: {  	_ =	strace $0x8FFFFFFF  }
0x98: {  	s19 =	sld [smem:$0x3FDB];
	_ =	sdelay $0x1  }
0x99: {  	s4 =	simm.s32 $_scs_section_size  }
0x9a: {  	s5 =	simm.s32 $_size__tile_overlayer_lowered;
	s6 =	simm.s32 $_tile_overlayer_lowered  }
0x9b: {  	s22 =	simm.s32 $0x1BFF;
	s21 =	sshll.u32 s6, $0x1;
	s3 =	sadd.s32 s4, s19  }
0x9c: {  	s7 =	simm.s32 $0x0;
	s20 =	sshll.u32 s5, $0x1;
	s5 =	sadd.s32 s21, s3  }
0x9d: {  	[timem:s7], [sflag:s22] =	dma.local [hbm:s5], s20  }
0x9e: {  	_ =	swait.ge [sflag:s22], s20  }
0x9f: {  	s4 =	ssub.s32 $0x0, s20;
	[sflag:s22] =	ssyncset.done $0x0  }
0xa0: {  	[sflag:s22] =	ssyncadd.s32 s4;
	_ =	sdelay $0x1  }
0xa1: {  	s23 =	simm.s32 $0x1B8B  }
0xa2: {  	_ =	swait.ge [sflag:s23], $0x1  }
0xa3: {  	[sflag:s23] =	ssyncset.done $0x0  }
0xa4: {  	s25 =	simm.s32 $0x1B8E;
	s24 =	sld [smem:$0x3FFE];
	[sflag:s23] =	ssyncadd.s32 $0xFFFFFFFF  }
0xa5: {  	s26 =	simm.s32 $execute0_lowered;
	[smem:$0x3FD2] =	sst s25  }
0xa6: {  	s5 =	sshll.u32 s26, $0x1;
	_ =	strace $0x80000046;
	[dreg:$0x1] =	wrdreg $0xFFFFFFFF  }
0xa7: {  	s28 =	simm.s32 $_size_execute0_lowered;
	s3 =	sadd.s32 s3, s5;
	[dreg:$0x0] =	wrdreg $0x0  }
0xa8: {  	s5 =	sshll.u32 s28, $0x1;
	[dreg:$0x2] =	wrdreg s3  }
0xa9: {  	[dreg:$0x3] =	wrdreg s5  }
0xaa: {  	[dreg:$0x4] =	wrdreg $0xC0  }
0xab: {  	_ =	task [dreg:s7], $0x5FFFF  }
0xac: {  	[dreg:$0x1] =	wrdreg $0xFFFFFFFF  }
0xad: {  	[dreg:$0x0] =	wrdreg $0x60  }
0xae: {  	[dreg:$0x2] =	wrdreg s2  }
0xaf: {  	[dreg:$0x3] =	wrdreg s24  }
0xb0: {  	[dreg:$0x4] =	wrdreg $0x9  }
0xb1: {  	_ =	task.clear_ibuf [dreg:s7], $0x5FFFF;
	_ =	strace $0x90000046  }
0xb2: {  	s29 =	simm.s32 $0x9;
	_ =	strace $0x80000048  }
0xb3: {  	_ =	swait.ge [sflag:s29], $0x1  }
0xb4: {  	[sflag:s29] =	ssyncadd.s32 $0xFFFFFFFF  }
0xb5: {  	_ =	strace $0x90000048  }
0xb6: {  	_ =	sfence  }
0xb7: {  	s30 =	sld [smem:$0x0];
	_ =	sdelay $0x2  }
0xb8: {  	s31 =	sshll.u32 s1, $0xD;
	s1 =	sshrl.u32 s1, $0x2  }
0xb9: {  	s3 =	sand.u32 $0x4000, s31;
	s1 =	sadd.s32 s1, s30  }
0xba: {  	s0 =	sor.u32 s3, s0;
	s1 =	sshll.u32 s1, $0x11  }
0xbb: {  	s0 =	sor.u32 s1, s0  }
0xbc: {  	s0 =	sadd.s32 $0x8F2B, s0  }
0xbd: {  	[sflag:s0] =	ssyncadd.remote.s32 $0x1  }
0xbe: {  	_ =	sfence.sel $0xFFFF  }
0xbf: {  	[dreg:$0x0] =	wrdreg $0xFFFFFFFF;
	(pc) =	sbr.abs _section_cstart, $3  }
0xc0: {  	[dreg:$0x1] =	wrdreg $0xFFFFFFFF  }
0xc1: {  	_ =	task.clear_ibuf [dreg:s7], $0x2FFFF;
	_ =	strace $0x9FFFFFFF  }
0xc2: {  	(tm) =	ssettm $0x7FFFFFFF  }
0xc3: {  	_ =	shalt  }
tec
execute0_lowered:
.L_overlay_start_1:
0x0: {  	(tag) =	ssettag $0x1  }
0x1: {  	s1 =	rddreg [dreg:$0x0];
	s0 =	srdreg.scid  }
0x2: {  	s2 =	stileid.u32;
	s14 =	rddreg [dreg:$0x1];
	v1 =	vlaneseq.u32  }
0x3: {  	s16 =	simm.s32 $0x1000;
	s17 =	simm.s32 $0x7A1400;
	s18 =	simm.s32 $0x4000;
	v0 =	vand.u32 $0x3, v1  }
0x4: {  	s19 =	simm.s32 $0x1;
	s20 =	simm.s32 $0x9000;
	s21 =	simm.s32 $0x2;
	v0 =	vmul.u32 $0x20, v0  }
0x5: {  	s22 =	simm.s32 $0xD000;
	s23 =	simm.s32 $0x3;
	s24 =	simm.s32 $0x4  }
0x6: {  	s28 =	simm.s32 $0x0;
	s4 =	sand.u32 $0x1, s0;
	s31 =	sshll.u32 s2, $0x1;
	v1 =	vmul.u32 $0x20, v1;
	v2 =	vor.u32 $0x1, v0  }
0x7: {  	s2 =	simm.s32 $0x0;
	s3 =	sadd.s32 $0xE00, s14;
	s0 =	sor.u32 s4, s31;
	v3 =	vor.u32 $0x2, v0;
	v4 =	vor.u32 $0x3, v0;
	v5 =	vor.u32 $0x4, v0  }
0x8: {  	s10 =	sadd.s32 $0xF4000, s1;
	s12 =	sadd.s32 $0x3D0E00, s14;
	s5 =	smul.u32 $0x3D000, s0;
	v6 =	vor.u32 $0x5, v0;
	v7 =	vor.u32 $0x6, v0;
	v8 =	vor.u32 $0x7, v0  }
0x9: {  	s13 =	sadd.s32 $0xF4200, s1;
	s4 =	ssub.s32 $0x2, s4;
	s7 =	smul.u32 $0xF4000, s0;
	v9 =	vor.u32 $0x8, v0;
	v10 =	vor.u32 $0x9, v0;
	v11 =	vor.u32 $0xA, v0  }
0xa: {  	[smem:$0x7FF] =	sst s2;
	s6 =	sshrl.u32 s4, $0x1;
	s11 =	smul.u32 $0x7A00, s0;
	v12 =	vor.u32 $0xB, v0;
	v13 =	vor.u32 $0xC, v0;
	v14 =	vor.u32 $0xD, v0  }
0xb: {  	_ =	strace $0x80000047;
	s15 =	ssub.s32 s4, s6;
	s4 =	smul.u32 $0x3D, s0;
	v15 =	vor.u32 $0xE, v0;
	v16 =	vor.u32 $0xF, v0;
	v17 =	vor.u32 $0x10, v0  }
.Ltmp0:
0xc: {  	[dreg:$0x3] =	wrdreg s10;
	p0 =	sne.s32 s0, $0x0;
	v18 =	vor.u32 $0x11, v0;
	v19 =	vor.u32 $0x12, v0;
	v20 =	vor.u32 $0x13, v0;
	(pc) =	sbr.rel .LBB2_1-.Ltmp0, $4  }
0xd: {  	s6 =	sadd.s32 $0x400, s1;
	v21 =	vor.u32 $0x14, v0;
	v22 =	vor.u32 $0x15, v0;
	v23 =	vor.u32 $0x16, v0;
	s5 =	sshrl.u32 s5, $0x3;
	s8 =	sshrl.u32 s7, $0x3  }
0xe: {  	v24 =	vor.u32 $0x17, v0;
	v25 =	vor.u32 $0x18, v0;
	v26 =	vor.u32 $0x19, v0;
	s7 =	sadd.s32 $0x1600, s14;
	s11 =	sadd.s32 s1, s11;
	s14 =	sadd.s32 $0x3D1600, s14  }
0xf: {  	v27 =	vor.u32 $0x1A, v0;
	v28 =	vor.u32 $0x1B, v0;
	v29 =	vor.u32 $0x1C, v0;
	s15 =	smax.u32 s15, $0x1;
	s5 =	sadd.s32 s1, s5;
	s9 =	sadd.s32 s3, s8  }
0x10: {  	v30 =	vor.u32 $0x1D, v0;
	v31 =	vor.u32 $0x1E, v0;
	v32 =	vor.u32 $0x1F, v0;
	s8 =	sadd.s32 $0x600, s1;
	s5 =	sadd.s32 $0x200, s5;
	s9 =	sadd.s32 $0x1E000, s9  }
.LBB2_16:
0x11: {  	s28 =	sadd.s32 $0x1, s28  }
0x12: {  	p1 =	sne.s32 s28, s15  }
.Ltmp1:
0x13: {  	_ = 	snop;
	(pc) =	sbr.rel @!p1 .LBB2_17-.Ltmp1, $1  }
0x14: {  	_ =	sdelay $0x3  }
.LBB2_1:
0x15: {  	[tilespmem:s2], [sflag:$0x1] =	stream.strided.gather [hbm4b:s11+s16], $0x4000, s17, s16, $0x38;
	[tilespmem:$0x11000] =	vst v63  }
0x16: {  	s29 =	simm.s32 $0x0  }
0x17: {  	[tilespmem:s18], [sflag:$0x2] =	stream.strided.gather [hbm4b:s5+s16], $0x4000, s17, s16, $0x38;
	[tilespmem:$0x11000] =	vst v63  }
.LBB2_2:
0x18: {  	_ =	swait.ge [sflag:s19], $0x4000  }
0x19: {  	p1 =	seq.s32 s29, $0x0;
	s30 =	simm.s32 $0x0;
	[sflag:s19] =	ssyncset.done $0x0  }
0x1a: {  	s0 =	simm.s32 @!p1 $0x3;
	v33 =	vmov s30;
	[sflag:s19] =	ssyncadd.s32 $0xFFFFC000  }
0x1b: {  	v33 =	vshll.u32 v33, $0x5;
	_ =	swait.ge @!p1 [sflag:s0], $0x4000  }
0x1c: {  	s1 =	sand.u32 $0x70, s30;
	s25 =	sand.u32 $0xC00, s30;
	v33 =	vor.u32 v1, v33;
	[sflag:s0] =	ssyncset.done @!p1 $0x0  }
0x1d: {  	s10 =	sor.u32 s1, s25;
	v33 =	vand.u32 $0x3F80, v33;
	[sflag:s0] =	ssyncadd.s32 @!p1 $0xFFFFC000  }
0x1e: {  	v35 =	vor.u32 v0, v33;
	v34 =	vld [tilespmem:s10+$0x0];
	_ =	sdelay $0x4  }
0x1f: {  	[tilespmem:v35+s20+$0x0] =	vst.idx.msk $0xffff, v34  }
0x20: {  	v62 =	vor.u32 v2, v33;
	v34 =	vld [tilespmem:s10+$0x80];
	_ =	sdelay $0x4  }
0x21: {  	[tilespmem:v62+s20+$0x0] =	vst.idx.msk $0xffff, v34  }
0x22: {  	v63 =	vor.u32 v3, v33;
	v34 =	vld [tilespmem:s10+$0x100];
	_ =	sdelay $0x4  }
0x23: {  	[tilespmem:v63+s20+$0x0] =	vst.idx.msk $0xffff, v34  }
0x24: {  	v36 =	vor.u32 v4, v33;
	v34 =	vld [tilespmem:s10+$0x180];
	_ =	sdelay $0x4  }
0x25: {  	[tilespmem:v36+s20+$0x0] =	vst.idx.msk $0xffff, v34  }
0x26: {  	v37 =	vor.u32 v5, v33;
	v34 =	vld [tilespmem:s10+$0x200];
	_ =	sdelay $0x4  }
0x27: {  	[tilespmem:v37+s20+$0x0] =	vst.idx.msk $0xffff, v34  }
0x28: {  	v38 =	vor.u32 v6, v33;
	v34 =	vld [tilespmem:s10+$0x280];
	_ =	sdelay $0x4  }
0x29: {  	[tilespmem:v38+s20+$0x0] =	vst.idx.msk $0xffff, v34  }
0x2a: {  	v39 =	vor.u32 v7, v33;
	v34 =	vld [tilespmem:s10+$0x300];
	_ =	sdelay $0x3  }
0x2b: {  	s25 =	sor.u32 s30, s30  }
0x2c: {  	s1 =	sor.u32 $0x380, s25;
	[tilespmem:v39+s20+$0x0] =	vst.idx.msk $0xffff, v34  }
0x2d: {  	v40 =	vor.u32 v8, v33;
	v34 =	vld [tilespmem:s1+$0x0];
	_ =	sdelay $0x4  }
0x2e: {  	[tilespmem:v40+s20+$0x0] =	vst.idx.msk $0xffff, v34  }
0x2f: {  	v41 =	vor.u32 v9, v33;
	v34 =	vld [tilespmem:s10+$0x1000];
	_ =	sdelay $0x4  }
0x30: {  	[tilespmem:v41+s20+$0x0] =	vst.idx.msk $0xffff, v34  }
0x31: {  	v42 =	vor.u32 v10, v33;
	v34 =	vld [tilespmem:s10+$0x1080];
	_ =	sdelay $0x4  }
0x32: {  	[tilespmem:v42+s20+$0x0] =	vst.idx.msk $0xffff, v34  }
0x33: {  	v43 =	vor.u32 v11, v33;
	v34 =	vld [tilespmem:s10+$0x1100];
	_ =	sdelay $0x4  }
0x34: {  	[tilespmem:v43+s20+$0x0] =	vst.idx.msk $0xffff, v34  }
0x35: {  	v44 =	vor.u32 v12, v33;
	v34 =	vld [tilespmem:s10+$0x1180];
	_ =	sdelay $0x4  }
0x36: {  	[tilespmem:v44+s20+$0x0] =	vst.idx.msk $0xffff, v34  }
0x37: {  	v45 =	vor.u32 v13, v33;
	v34 =	vld [tilespmem:s10+$0x1200];
	_ =	sdelay $0x4  }
0x38: {  	[tilespmem:v45+s20+$0x0] =	vst.idx.msk $0xffff, v34  }
0x39: {  	v46 =	vor.u32 v14, v33;
	v34 =	vld [tilespmem:s10+$0x1280];
	_ =	sdelay $0x4  }
0x3a: {  	[tilespmem:v46+s20+$0x0] =	vst.idx.msk $0xffff, v34  }
0x3b: {  	v47 =	vor.u32 v15, v33;
	v34 =	vld [tilespmem:s10+$0x1300];
	_ =	sdelay $0x4  }
0x3c: {  	[tilespmem:v47+s20+$0x0] =	vst.idx.msk $0xffff, v34  }
0x3d: {  	v48 =	vor.u32 v16, v33;
	v34 =	vld [tilespmem:s10+$0x1380];
	_ =	sdelay $0x4  }
0x3e: {  	[tilespmem:v48+s20+$0x0] =	vst.idx.msk $0xffff, v34  }
0x3f: {  	v49 =	vor.u32 v17, v33;
	v34 =	vld [tilespmem:s10+$0x2000];
	_ =	sdelay $0x4  }
0x40: {  	[tilespmem:v49+s20+$0x0] =	vst.idx.msk $0xffff, v34  }
0x41: {  	v50 =	vor.u32 v18, v33;
	v34 =	vld [tilespmem:s10+$0x2080];
	_ =	sdelay $0x4  }
0x42: {  	[tilespmem:v50+s20+$0x0] =	vst.idx.msk $0xffff, v34  }
0x43: {  	v51 =	vor.u32 v19, v33;
	v34 =	vld [tilespmem:s10+$0x2100];
	_ =	sdelay $0x4  }
0x44: {  	[tilespmem:v51+s20+$0x0] =	vst.idx.msk $0xffff, v34  }
0x45: {  	v52 =	vor.u32 v20, v33;
	v34 =	vld [tilespmem:s10+$0x2180];
	_ =	sdelay $0x4  }
0x46: {  	[tilespmem:v52+s20+$0x0] =	vst.idx.msk $0xffff, v34  }
0x47: {  	v53 =	vor.u32 v21, v33;
	v34 =	vld [tilespmem:s10+$0x2200];
	_ =	sdelay $0x4  }
0x48: {  	[tilespmem:v53+s20+$0x0] =	vst.idx.msk $0xffff, v34  }
0x49: {  	v54 =	vor.u32 v22, v33;
	v34 =	vld [tilespmem:s10+$0x2280];
	_ =	sdelay $0x4  }
0x4a: {  	[tilespmem:v54+s20+$0x0] =	vst.idx.msk $0xffff, v34  }
0x4b: {  	v55 =	vor.u32 v23, v33;
	v34 =	vld [tilespmem:s10+$0x2300];
	_ =	sdelay $0x4  }
0x4c: {  	[tilespmem:v55+s20+$0x0] =	vst.idx.msk $0xffff, v34  }
0x4d: {  	v56 =	vor.u32 v24, v33;
	v34 =	vld [tilespmem:s10+$0x2380];
	_ =	sdelay $0x4  }
0x4e: {  	[tilespmem:v56+s20+$0x0] =	vst.idx.msk $0xffff, v34  }
0x4f: {  	v57 =	vor.u32 v25, v33;
	v34 =	vld [tilespmem:s10+$0x3000];
	_ =	sdelay $0x4  }
0x50: {  	[tilespmem:v57+s20+$0x0] =	vst.idx.msk $0xffff, v34  }
0x51: {  	v58 =	vor.u32 v26, v33;
	v34 =	vld [tilespmem:s10+$0x3080];
	_ =	sdelay $0x4  }
0x52: {  	[tilespmem:v58+s20+$0x0] =	vst.idx.msk $0xffff, v34  }
0x53: {  	v59 =	vor.u32 v27, v33;
	v34 =	vld [tilespmem:s10+$0x3100];
	_ =	sdelay $0x4  }
0x54: {  	[tilespmem:v59+s20+$0x0] =	vst.idx.msk $0xffff, v34  }
0x55: {  	v60 =	vor.u32 v28, v33;
	v34 =	vld [tilespmem:s10+$0x3180];
	_ =	sdelay $0x4  }
0x56: {  	[tilespmem:v60+s20+$0x0] =	vst.idx.msk $0xffff, v34  }
0x57: {  	v61 =	vor.u32 v29, v33;
	v34 =	vld [tilespmem:s10+$0x3200];
	_ =	sdelay $0x4  }
0x58: {  	[tilespmem:v61+s20+$0x0] =	vst.idx.msk $0xffff, v34  }
0x59: {  	v62 =	vor.u32 v30, v33;
	v34 =	vld [tilespmem:s10+$0x3280];
	_ =	sdelay $0x4  }
0x5a: {  	[tilespmem:v62+s20+$0x0] =	vst.idx.msk $0xffff, v34  }
0x5b: {  	v63 =	vor.u32 v31, v33;
	v34 =	vld [tilespmem:s10+$0x3300];
	_ =	sdelay $0x4  }
0x5c: {  	[tilespmem:v63+s20+$0x0] =	vst.idx.msk $0xffff, v34  }
0x5d: {  	v35 =	vor.u32 v32, v33;
	v34 =	vld [tilespmem:s10+$0x3380]  }
0x5e: {  	s26 =	sshll.u32 s29, $0x1;
	s31 =	simm.s32 $0x10  }
0x5f: {  	s0 =	simm.s32 $0x20;
	v33 =	vmov s31;
	s1 =	sadd.s32 s4, s26  }
.LBB2_3:
0x60: {  	p2 =	sne.s32 s0, $0x1F0;
	v33 =	vshll.u32 v33, $0x5;
	s30 =	sadd.s32 $0x80, s30  }
0x61: {  	s25 =	sand.u32 $0x70, s31;
	s26 =	sand.u32 $0xC00, s30;
	v33 =	vor.u32 v1, v33  }
0x62: {  	s25 =	sor.u32 s25, s26;
	v33 =	vand.u32 $0x3F80, v33;
	[tilespmem:v35+s20+$0x0] =	vst.idx.msk $0xffff, v34  }
0x63: {  	v34 =	vld [tilespmem:s25+$0x0];
	v35 =	vor.u32 v0, v33;
	_ =	sdelay $0x4  }
0x64: {  	[tilespmem:v35+s20+$0x0] =	vst.idx.msk $0xffff, v34  }
0x65: {  	v35 =	vor.u32 v2, v33;
	v34 =	vld [tilespmem:s25+$0x80];
	_ =	sdelay $0x4  }
0x66: {  	[tilespmem:v35+s20+$0x0] =	vst.idx.msk $0xffff, v34  }
0x67: {  	v35 =	vor.u32 v3, v33;
	v34 =	vld [tilespmem:s25+$0x100];
	_ =	sdelay $0x4  }
0x68: {  	[tilespmem:v35+s20+$0x0] =	vst.idx.msk $0xffff, v34  }
0x69: {  	v35 =	vor.u32 v4, v33;
	v34 =	vld [tilespmem:s25+$0x180];
	_ =	sdelay $0x4  }
0x6a: {  	[tilespmem:v35+s20+$0x0] =	vst.idx.msk $0xffff, v34  }
0x6b: {  	v35 =	vor.u32 v5, v33;
	v34 =	vld [tilespmem:s25+$0x200];
	_ =	sdelay $0x4  }
0x6c: {  	[tilespmem:v35+s20+$0x0] =	vst.idx.msk $0xffff, v34  }
0x6d: {  	v35 =	vor.u32 v6, v33;
	v34 =	vld [tilespmem:s25+$0x280];
	_ =	sdelay $0x4  }
0x6e: {  	[tilespmem:v35+s20+$0x0] =	vst.idx.msk $0xffff, v34  }
0x6f: {  	v35 =	vor.u32 v7, v33;
	v34 =	vld [tilespmem:s25+$0x300];
	_ =	sdelay $0x3  }
0x70: {  	s26 =	sor.u32 s30, s31;
	s31 =	smov.u32 s0  }
0x71: {  	s26 =	sor.u32 $0x380, s26;
	[tilespmem:v35+s20+$0x0] =	vst.idx.msk $0xffff, v34  }
0x72: {  	v35 =	vor.u32 v8, v33;
	v34 =	vld [tilespmem:s26+$0x0];
	_ =	sdelay $0x4  }
0x73: {  	[tilespmem:v35+s20+$0x0] =	vst.idx.msk $0xffff, v34  }
0x74: {  	v35 =	vor.u32 v9, v33;
	v34 =	vld [tilespmem:s25+$0x1000];
	_ =	sdelay $0x4  }
0x75: {  	[tilespmem:v35+s20+$0x0] =	vst.idx.msk $0xffff, v34  }
0x76: {  	v35 =	vor.u32 v10, v33;
	v34 =	vld [tilespmem:s25+$0x1080];
	_ =	sdelay $0x4  }
0x77: {  	[tilespmem:v35+s20+$0x0] =	vst.idx.msk $0xffff, v34  }
0x78: {  	v35 =	vor.u32 v11, v33;
	v34 =	vld [tilespmem:s25+$0x1100];
	_ =	sdelay $0x4  }
0x79: {  	[tilespmem:v35+s20+$0x0] =	vst.idx.msk $0xffff, v34  }
0x7a: {  	v35 =	vor.u32 v12, v33;
	v34 =	vld [tilespmem:s25+$0x1180];
	_ =	sdelay $0x4  }
0x7b: {  	[tilespmem:v35+s20+$0x0] =	vst.idx.msk $0xffff, v34  }
0x7c: {  	v35 =	vor.u32 v13, v33;
	v34 =	vld [tilespmem:s25+$0x1200];
	_ =	sdelay $0x4  }
0x7d: {  	[tilespmem:v35+s20+$0x0] =	vst.idx.msk $0xffff, v34  }
0x7e: {  	v35 =	vor.u32 v14, v33;
	v34 =	vld [tilespmem:s25+$0x1280];
	_ =	sdelay $0x4  }
0x7f: {  	[tilespmem:v35+s20+$0x0] =	vst.idx.msk $0xffff, v34  }
0x80: {  	v35 =	vor.u32 v15, v33;
	v34 =	vld [tilespmem:s25+$0x1300];
	_ =	sdelay $0x4  }
0x81: {  	[tilespmem:v35+s20+$0x0] =	vst.idx.msk $0xffff, v34  }
0x82: {  	v35 =	vor.u32 v16, v33;
	v34 =	vld [tilespmem:s25+$0x1380];
	_ =	sdelay $0x4  }
0x83: {  	[tilespmem:v35+s20+$0x0] =	vst.idx.msk $0xffff, v34  }
0x84: {  	v35 =	vor.u32 v17, v33;
	v34 =	vld [tilespmem:s25+$0x2000];
	_ =	sdelay $0x4  }
0x85: {  	[tilespmem:v35+s20+$0x0] =	vst.idx.msk $0xffff, v34  }
0x86: {  	v35 =	vor.u32 v18, v33;
	v34 =	vld [tilespmem:s25+$0x2080];
	_ =	sdelay $0x4  }
0x87: {  	[tilespmem:v35+s20+$0x0] =	vst.idx.msk $0xffff, v34  }
0x88: {  	v35 =	vor.u32 v19, v33;
	v34 =	vld [tilespmem:s25+$0x2100];
	_ =	sdelay $0x4  }
0x89: {  	[tilespmem:v35+s20+$0x0] =	vst.idx.msk $0xffff, v34  }
0x8a: {  	v35 =	vor.u32 v20, v33;
	v34 =	vld [tilespmem:s25+$0x2180];
	_ =	sdelay $0x4  }
0x8b: {  	[tilespmem:v35+s20+$0x0] =	vst.idx.msk $0xffff, v34  }
0x8c: {  	v35 =	vor.u32 v21, v33;
	v34 =	vld [tilespmem:s25+$0x2200];
	_ =	sdelay $0x4  }
0x8d: {  	[tilespmem:v35+s20+$0x0] =	vst.idx.msk $0xffff, v34  }
0x8e: {  	v35 =	vor.u32 v22, v33;
	v34 =	vld [tilespmem:s25+$0x2280];
	_ =	sdelay $0x4  }
0x8f: {  	[tilespmem:v35+s20+$0x0] =	vst.idx.msk $0xffff, v34  }
0x90: {  	v35 =	vor.u32 v23, v33;
	v34 =	vld [tilespmem:s25+$0x2300];
	_ =	sdelay $0x4  }
0x91: {  	[tilespmem:v35+s20+$0x0] =	vst.idx.msk $0xffff, v34  }
0x92: {  	v35 =	vor.u32 v24, v33;
	v34 =	vld [tilespmem:s25+$0x2380];
	_ =	sdelay $0x4  }
0x93: {  	[tilespmem:v35+s20+$0x0] =	vst.idx.msk $0xffff, v34  }
0x94: {  	v35 =	vor.u32 v25, v33;
	v34 =	vld [tilespmem:s25+$0x3000];
	_ =	sdelay $0x4  }
0x95: {  	[tilespmem:v35+s20+$0x0] =	vst.idx.msk $0xffff, v34  }
0x96: {  	v35 =	vor.u32 v26, v33;
	v34 =	vld [tilespmem:s25+$0x3080];
	_ =	sdelay $0x4  }
0x97: {  	[tilespmem:v35+s20+$0x0] =	vst.idx.msk $0xffff, v34  }
0x98: {  	v35 =	vor.u32 v27, v33;
	v34 =	vld [tilespmem:s25+$0x3100];
	_ =	sdelay $0x4  }
0x99: {  	[tilespmem:v35+s20+$0x0] =	vst.idx.msk $0xffff, v34  }
0x9a: {  	v35 =	vor.u32 v28, v33;
	v34 =	vld [tilespmem:s25+$0x3180];
	_ =	sdelay $0x4  }
0x9b: {  	[tilespmem:v35+s20+$0x0] =	vst.idx.msk $0xffff, v34  }
0x9c: {  	v35 =	vor.u32 v29, v33;
	v34 =	vld [tilespmem:s25+$0x3200];
	_ =	sdelay $0x4  }
0x9d: {  	[tilespmem:v35+s20+$0x0] =	vst.idx.msk $0xffff, v34  }
0x9e: {  	v35 =	vor.u32 v30, v33;
	v34 =	vld [tilespmem:s25+$0x3280];
	_ =	sdelay $0x4  }
0x9f: {  	[tilespmem:v35+s20+$0x0] =	vst.idx.msk $0xffff, v34  }
0xa0: {  	v35 =	vor.u32 v31, v33;
	v34 =	vld [tilespmem:s25+$0x3300];
	_ =	sdelay $0x3  }
.Ltmp2:
0xa1: {  	(pc) =	sbr.rel @p2 .LBB2_3-.Ltmp2, $3  }
0xa2: {  	[tilespmem:v35+s20+$0x0] =	vst.idx.msk $0xffff, v34  }
0xa3: {  	v35 =	vor.u32 v32, v33;
	v34 =	vld [tilespmem:s25+$0x3380];
	_ =	sdelay $0x1  }
0xa4: {  	s0 =	sadd.s32 $0x10, s0;
	v33 =	vmov s31  }
0xa5: {  	_ =	sdelay $0x1  }
0xa6: {  	v33 =	vshll.u32 v33, $0x5;
	s25 =	sadd.s32 $0x80, s30  }
0xa7: {  	s0 =	sand.u32 $0x70, s31;
	s26 =	sand.u32 $0xC00, s25;
	v33 =	vor.u32 v1, v33  }
0xa8: {  	s0 =	sor.u32 s0, s26;
	v33 =	vand.u32 $0x3F80, v33;
	[tilespmem:v35+s20+$0x0] =	vst.idx.msk $0xffff, v34  }
0xa9: {  	v34 =	vld [tilespmem:s0+$0x0];
	v56 =	vor.u32 v0, v33;
	_ =	sdelay $0x4  }
0xaa: {  	[tilespmem:v56+s20+$0x0] =	vst.idx.msk $0xffff, v34  }
0xab: {  	v57 =	vor.u32 v2, v33;
	v34 =	vld [tilespmem:s0+$0x80];
	_ =	sdelay $0x4  }
0xac: {  	[tilespmem:v57+s20+$0x0] =	vst.idx.msk $0xffff, v34  }
0xad: {  	v58 =	vor.u32 v3, v33;
	v34 =	vld [tilespmem:s0+$0x100];
	_ =	sdelay $0x4  }
0xae: {  	[tilespmem:v58+s20+$0x0] =	vst.idx.msk $0xffff, v34  }
0xaf: {  	v59 =	vor.u32 v4, v33;
	v34 =	vld [tilespmem:s0+$0x180];
	_ =	sdelay $0x4  }
0xb0: {  	[tilespmem:v59+s20+$0x0] =	vst.idx.msk $0xffff, v34  }
0xb1: {  	v60 =	vor.u32 v5, v33;
	v34 =	vld [tilespmem:s0+$0x200];
	_ =	sdelay $0x4  }
0xb2: {  	[tilespmem:v60+s20+$0x0] =	vst.idx.msk $0xffff, v34  }
0xb3: {  	v61 =	vor.u32 v6, v33;
	v34 =	vld [tilespmem:s0+$0x280];
	_ =	sdelay $0x4  }
0xb4: {  	[tilespmem:v61+s20+$0x0] =	vst.idx.msk $0xffff, v34  }
0xb5: {  	v62 =	vor.u32 v7, v33;
	v34 =	vld [tilespmem:s0+$0x300];
	_ =	sdelay $0x3  }
0xb6: {  	s25 =	sor.u32 s25, s31  }
0xb7: {  	s25 =	sor.u32 $0x380, s25;
	[tilespmem:v62+s20+$0x0] =	vst.idx.msk $0xffff, v34  }
0xb8: {  	v63 =	vor.u32 v8, v33;
	v34 =	vld [tilespmem:s25+$0x0];
	_ =	sdelay $0x4  }
0xb9: {  	[tilespmem:v63+s20+$0x0] =	vst.idx.msk $0xffff, v34  }
0xba: {  	v36 =	vor.u32 v9, v33;
	v34 =	vld [tilespmem:s0+$0x1000];
	_ =	sdelay $0x4  }
0xbb: {  	[tilespmem:v36+s20+$0x0] =	vst.idx.msk $0xffff, v34  }
0xbc: {  	v37 =	vor.u32 v10, v33;
	v34 =	vld [tilespmem:s0+$0x1080];
	_ =	sdelay $0x4  }
0xbd: {  	[tilespmem:v37+s20+$0x0] =	vst.idx.msk $0xffff, v34  }
0xbe: {  	v38 =	vor.u32 v11, v33;
	v34 =	vld [tilespmem:s0+$0x1100];
	_ =	sdelay $0x4  }
0xbf: {  	[tilespmem:v38+s20+$0x0] =	vst.idx.msk $0xffff, v34  }
0xc0: {  	v39 =	vor.u32 v12, v33;
	v34 =	vld [tilespmem:s0+$0x1180];
	_ =	sdelay $0x4  }
0xc1: {  	[tilespmem:v39+s20+$0x0] =	vst.idx.msk $0xffff, v34  }
0xc2: {  	v40 =	vor.u32 v13, v33;
	v34 =	vld [tilespmem:s0+$0x1200];
	_ =	sdelay $0x4  }
0xc3: {  	[tilespmem:v40+s20+$0x0] =	vst.idx.msk $0xffff, v34  }
0xc4: {  	v41 =	vor.u32 v14, v33;
	v34 =	vld [tilespmem:s0+$0x1280];
	_ =	sdelay $0x4  }
0xc5: {  	[tilespmem:v41+s20+$0x0] =	vst.idx.msk $0xffff, v34  }
0xc6: {  	v42 =	vor.u32 v15, v33;
	v34 =	vld [tilespmem:s0+$0x1300];
	_ =	sdelay $0x4  }
0xc7: {  	[tilespmem:v42+s20+$0x0] =	vst.idx.msk $0xffff, v34  }
0xc8: {  	v43 =	vor.u32 v16, v33;
	v34 =	vld [tilespmem:s0+$0x1380];
	_ =	sdelay $0x4  }
0xc9: {  	[tilespmem:v43+s20+$0x0] =	vst.idx.msk $0xffff, v34  }
0xca: {  	v44 =	vor.u32 v17, v33;
	v34 =	vld [tilespmem:s0+$0x2000];
	_ =	sdelay $0x4  }
0xcb: {  	[tilespmem:v44+s20+$0x0] =	vst.idx.msk $0xffff, v34  }
0xcc: {  	v45 =	vor.u32 v18, v33;
	v34 =	vld [tilespmem:s0+$0x2080];
	_ =	sdelay $0x4  }
0xcd: {  	[tilespmem:v45+s20+$0x0] =	vst.idx.msk $0xffff, v34  }
0xce: {  	v46 =	vor.u32 v19, v33;
	v34 =	vld [tilespmem:s0+$0x2100];
	_ =	sdelay $0x4  }
0xcf: {  	[tilespmem:v46+s20+$0x0] =	vst.idx.msk $0xffff, v34  }
0xd0: {  	v47 =	vor.u32 v20, v33;
	v34 =	vld [tilespmem:s0+$0x2180];
	_ =	sdelay $0x4  }
0xd1: {  	[tilespmem:v47+s20+$0x0] =	vst.idx.msk $0xffff, v34  }
0xd2: {  	v48 =	vor.u32 v21, v33;
	v34 =	vld [tilespmem:s0+$0x2200];
	_ =	sdelay $0x4  }
0xd3: {  	[tilespmem:v48+s20+$0x0] =	vst.idx.msk $0xffff, v34  }
0xd4: {  	v49 =	vor.u32 v22, v33;
	v34 =	vld [tilespmem:s0+$0x2280];
	_ =	sdelay $0x4  }
0xd5: {  	[tilespmem:v49+s20+$0x0] =	vst.idx.msk $0xffff, v34  }
0xd6: {  	v50 =	vor.u32 v23, v33;
	v34 =	vld [tilespmem:s0+$0x2300];
	_ =	sdelay $0x4  }
0xd7: {  	[tilespmem:v50+s20+$0x0] =	vst.idx.msk $0xffff, v34  }
0xd8: {  	v51 =	vor.u32 v24, v33;
	v34 =	vld [tilespmem:s0+$0x2380];
	_ =	sdelay $0x4  }
0xd9: {  	[tilespmem:v51+s20+$0x0] =	vst.idx.msk $0xffff, v34  }
0xda: {  	v52 =	vor.u32 v25, v33;
	v34 =	vld [tilespmem:s0+$0x3000];
	_ =	sdelay $0x4  }
0xdb: {  	[tilespmem:v52+s20+$0x0] =	vst.idx.msk $0xffff, v34  }
0xdc: {  	v53 =	vor.u32 v26, v33;
	v34 =	vld [tilespmem:s0+$0x3080];
	_ =	sdelay $0x4  }
0xdd: {  	[tilespmem:v53+s20+$0x0] =	vst.idx.msk $0xffff, v34  }
0xde: {  	v54 =	vor.u32 v27, v33;
	v34 =	vld [tilespmem:s0+$0x3100];
	_ =	sdelay $0x4  }
0xdf: {  	[tilespmem:v54+s20+$0x0] =	vst.idx.msk $0xffff, v34  }
0xe0: {  	v55 =	vor.u32 v28, v33;
	v34 =	vld [tilespmem:s0+$0x3180];
	_ =	sdelay $0x4  }
0xe1: {  	[tilespmem:v55+s20+$0x0] =	vst.idx.msk $0xffff, v34  }
0xe2: {  	v56 =	vor.u32 v29, v33;
	v34 =	vld [tilespmem:s0+$0x3200];
	_ =	sdelay $0x4  }
0xe3: {  	[tilespmem:v56+s20+$0x0] =	vst.idx.msk $0xffff, v34  }
0xe4: {  	v57 =	vor.u32 v30, v33;
	v34 =	vld [tilespmem:s0+$0x3280];
	_ =	sdelay $0x4  }
0xe5: {  	[tilespmem:v57+s20+$0x0] =	vst.idx.msk $0xffff, v34  }
0xe6: {  	v58 =	vor.u32 v31, v33;
	v34 =	vld [tilespmem:s0+$0x3300];
	_ =	sdelay $0x4  }
0xe7: {  	[tilespmem:v58+s20+$0x0] =	vst.idx.msk $0xffff, v34  }
0xe8: {  	v33 =	vor.u32 v32, v33;
	v34 =	vld [tilespmem:s0+$0x3380];
	_ =	sdelay $0x3  }
0xe9: {  	s31 =	sshll.u32 s1, $0xB  }
0xea: {  	s30 =	sshll.u32 s1, $0x9;
	s10 =	sadd.s32 s3, s31;
	[tilespmem:v33+s20+$0x0] =	vst.idx.msk $0xffff, v34  }
0xeb: {  	[hbm4b:s10+s2] =	stream.linear.scatter [tilespmem:s20], [sflag:$0x3], $0x4000, $0x38;
	[tilespmem:$0x11000] =	vst v63  }
0xec: {  	s25 =	sadd.s32 s30, s6  }
0xed: {  	[tilespmem:s2], [sflag:$0x1] =	stream.strided.gather [hbm4b:s25+s16], $0x4000, s17, s16, $0x38;
	[tilespmem:$0x11000] =	vst v63  }
0xee: {  	_ =	swait.ge [sflag:s21], $0x4000  }
0xef: {  	s1 =	simm.s32 $0x0;
	[sflag:s21] =	ssyncset.done $0x0  }
0xf0: {  	v59 =	vmov s1;
	s0 =	simm.s32 @!p1 $0x4;
	[sflag:s21] =	ssyncadd.s32 $0xFFFFC000  }
0xf1: {  	v33 =	vshll.u32 v59, $0x5;
	_ =	swait.ge @!p1 [sflag:s0], $0x4000  }
0xf2: {  	s26 =	sand.u32 $0x70, s1;
	s10 =	sand.u32 $0xC00, s1;
	v33 =	vor.u32 v1, v33;
	[sflag:s0] =	ssyncset.done @!p1 $0x0  }
0xf3: {  	v33 =	vand.u32 $0x3F80, v33;
	s25 =	sor.u32 s26, s10;
	[sflag:s0] =	ssyncadd.s32 @!p1 $0xFFFFC000  }
0xf4: {  	v61 =	vor.u32 v0, v33;
	v60 =	vld [tilespmem:s25+$0x4000];
	_ =	sdelay $0x4  }
0xf5: {  	[tilespmem:v61+s22+$0x0] =	vst.idx.msk $0xffff, v60  }
0xf6: {  	v62 =	vor.u32 v2, v33;
	v34 =	vld [tilespmem:s25+$0x4080];
	_ =	sdelay $0x4  }
0xf7: {  	[tilespmem:v62+s22+$0x0] =	vst.idx.msk $0xffff, v34  }
0xf8: {  	v63 =	vor.u32 v3, v33;
	v34 =	vld [tilespmem:s25+$0x4100];
	_ =	sdelay $0x4  }
0xf9: {  	[tilespmem:v63+s22+$0x0] =	vst.idx.msk $0xffff, v34  }
0xfa: {  	v36 =	vor.u32 v4, v33;
	v34 =	vld [tilespmem:s25+$0x4180];
	_ =	sdelay $0x4  }
0xfb: {  	[tilespmem:v36+s22+$0x0] =	vst.idx.msk $0xffff, v34  }
0xfc: {  	v37 =	vor.u32 v5, v33;
	v34 =	vld [tilespmem:s25+$0x4200];
	_ =	sdelay $0x4  }
0xfd: {  	[tilespmem:v37+s22+$0x0] =	vst.idx.msk $0xffff, v34  }
0xfe: {  	v38 =	vor.u32 v6, v33;
	v34 =	vld [tilespmem:s25+$0x4280];
	_ =	sdelay $0x4  }
0xff: {  	[tilespmem:v38+s22+$0x0] =	vst.idx.msk $0xffff, v34  }
0x100: {  	v39 =	vor.u32 v7, v33;
	v34 =	vld [tilespmem:s25+$0x4300];
	_ =	sdelay $0x3  }
0x101: {  	s26 =	sor.u32 s1, s1  }
0x102: {  	s0 =	sor.u32 $0x380, s26;
	[tilespmem:v39+s22+$0x0] =	vst.idx.msk $0xffff, v34  }
0x103: {  	v40 =	vor.u32 v8, v33;
	v34 =	vld [tilespmem:s0+$0x4000];
	_ =	sdelay $0x4  }
0x104: {  	[tilespmem:v40+s22+$0x0] =	vst.idx.msk $0xffff, v34  }
0x105: {  	v41 =	vor.u32 v9, v33;
	v34 =	vld [tilespmem:s25+$0x5000];
	_ =	sdelay $0x4  }
0x106: {  	[tilespmem:v41+s22+$0x0] =	vst.idx.msk $0xffff, v34  }
0x107: {  	v42 =	vor.u32 v10, v33;
	v34 =	vld [tilespmem:s25+$0x5080];
	_ =	sdelay $0x4  }
0x108: {  	[tilespmem:v42+s22+$0x0] =	vst.idx.msk $0xffff, v34  }
0x109: {  	v43 =	vor.u32 v11, v33;
	v34 =	vld [tilespmem:s25+$0x5100];
	_ =	sdelay $0x4  }
0x10a: {  	[tilespmem:v43+s22+$0x0] =	vst.idx.msk $0xffff, v34  }
0x10b: {  	v44 =	vor.u32 v12, v33;
	v34 =	vld [tilespmem:s25+$0x5180];
	_ =	sdelay $0x4  }
0x10c: {  	[tilespmem:v44+s22+$0x0] =	vst.idx.msk $0xffff, v34  }
0x10d: {  	v45 =	vor.u32 v13, v33;
	v34 =	vld [tilespmem:s25+$0x5200];
	_ =	sdelay $0x4  }
0x10e: {  	[tilespmem:v45+s22+$0x0] =	vst.idx.msk $0xffff, v34  }
0x10f: {  	v46 =	vor.u32 v14, v33;
	v34 =	vld [tilespmem:s25+$0x5280];
	_ =	sdelay $0x4  }
0x110: {  	[tilespmem:v46+s22+$0x0] =	vst.idx.msk $0xffff, v34  }
0x111: {  	v47 =	vor.u32 v15, v33;
	v34 =	vld [tilespmem:s25+$0x5300];
	_ =	sdelay $0x4  }
0x112: {  	[tilespmem:v47+s22+$0x0] =	vst.idx.msk $0xffff, v34  }
0x113: {  	v48 =	vor.u32 v16, v33;
	v34 =	vld [tilespmem:s25+$0x5380];
	_ =	sdelay $0x4  }
0x114: {  	[tilespmem:v48+s22+$0x0] =	vst.idx.msk $0xffff, v34  }
0x115: {  	v49 =	vor.u32 v17, v33;
	v34 =	vld [tilespmem:s25+$0x6000];
	_ =	sdelay $0x4  }
0x116: {  	[tilespmem:v49+s22+$0x0] =	vst.idx.msk $0xffff, v34  }
0x117: {  	v50 =	vor.u32 v18, v33;
	v34 =	vld [tilespmem:s25+$0x6080];
	_ =	sdelay $0x4  }
0x118: {  	[tilespmem:v50+s22+$0x0] =	vst.idx.msk $0xffff, v34  }
0x119: {  	v51 =	vor.u32 v19, v33;
	v34 =	vld [tilespmem:s25+$0x6100];
	_ =	sdelay $0x4  }
0x11a: {  	[tilespmem:v51+s22+$0x0] =	vst.idx.msk $0xffff, v34  }
0x11b: {  	v52 =	vor.u32 v20, v33;
	v34 =	vld [tilespmem:s25+$0x6180];
	_ =	sdelay $0x4  }
0x11c: {  	[tilespmem:v52+s22+$0x0] =	vst.idx.msk $0xffff, v34  }
0x11d: {  	v53 =	vor.u32 v21, v33;
	v34 =	vld [tilespmem:s25+$0x6200];
	_ =	sdelay $0x4  }
0x11e: {  	[tilespmem:v53+s22+$0x0] =	vst.idx.msk $0xffff, v34  }
0x11f: {  	v54 =	vor.u32 v22, v33;
	v34 =	vld [tilespmem:s25+$0x6280];
	_ =	sdelay $0x4  }
0x120: {  	[tilespmem:v54+s22+$0x0] =	vst.idx.msk $0xffff, v34  }
0x121: {  	v55 =	vor.u32 v23, v33;
	v34 =	vld [tilespmem:s25+$0x6300];
	_ =	sdelay $0x4  }
0x122: {  	[tilespmem:v55+s22+$0x0] =	vst.idx.msk $0xffff, v34  }
0x123: {  	v56 =	vor.u32 v24, v33;
	v34 =	vld [tilespmem:s25+$0x6380];
	_ =	sdelay $0x4  }
0x124: {  	[tilespmem:v56+s22+$0x0] =	vst.idx.msk $0xffff, v34  }
0x125: {  	v57 =	vor.u32 v25, v33;
	v34 =	vld [tilespmem:s25+$0x7000];
	_ =	sdelay $0x4  }
0x126: {  	[tilespmem:v57+s22+$0x0] =	vst.idx.msk $0xffff, v34  }
0x127: {  	v58 =	vor.u32 v26, v33;
	v34 =	vld [tilespmem:s25+$0x7080];
	_ =	sdelay $0x4  }
0x128: {  	[tilespmem:v58+s22+$0x0] =	vst.idx.msk $0xffff, v34  }
0x129: {  	v59 =	vor.u32 v27, v33;
	v34 =	vld [tilespmem:s25+$0x7100];
	_ =	sdelay $0x4  }
0x12a: {  	[tilespmem:v59+s22+$0x0] =	vst.idx.msk $0xffff, v34  }
0x12b: {  	v60 =	vor.u32 v28, v33;
	v34 =	vld [tilespmem:s25+$0x7180];
	_ =	sdelay $0x4  }
0x12c: {  	[tilespmem:v60+s22+$0x0] =	vst.idx.msk $0xffff, v34  }
0x12d: {  	v61 =	vor.u32 v29, v33;
	v34 =	vld [tilespmem:s25+$0x7200];
	_ =	sdelay $0x4  }
0x12e: {  	[tilespmem:v61+s22+$0x0] =	vst.idx.msk $0xffff, v34  }
0x12f: {  	v62 =	vor.u32 v30, v33;
	v34 =	vld [tilespmem:s25+$0x7280];
	_ =	sdelay $0x4  }
0x130: {  	[tilespmem:v62+s22+$0x0] =	vst.idx.msk $0xffff, v34  }
0x131: {  	v63 =	vor.u32 v31, v33;
	v34 =	vld [tilespmem:s25+$0x7300];
	_ =	sdelay $0x4  }
0x132: {  	[tilespmem:v63+s22+$0x0] =	vst.idx.msk $0xffff, v34  }
0x133: {  	v35 =	vor.u32 v32, v33;
	v34 =	vld [tilespmem:s25+$0x7380]  }
0x134: {  	s0 =	simm.s32 $0x10  }
0x135: {  	v33 =	vmov s0;
	s25 =	simm.s32 $0x20  }
.LBB2_5:
0x136: {  	p1 =	sne.s32 s25, $0x1F0;
	v33 =	vshll.u32 v33, $0x5;
	s1 =	sadd.s32 $0x80, s1  }
0x137: {  	s26 =	sand.u32 $0x70, s0;
	s10 =	sand.u32 $0xC00, s1;
	v33 =	vor.u32 v1, v33  }
0x138: {  	s26 =	sor.u32 s26, s10;
	v33 =	vand.u32 $0x3F80, v33;
	[tilespmem:v35+s22+$0x0] =	vst.idx.msk $0xffff, v34  }
0x139: {  	v34 =	vld [tilespmem:s26+$0x4000];
	v35 =	vor.u32 v0, v33;
	_ =	sdelay $0x4  }
0x13a: {  	[tilespmem:v35+s22+$0x0] =	vst.idx.msk $0xffff, v34  }
0x13b: {  	v35 =	vor.u32 v2, v33;
	v34 =	vld [tilespmem:s26+$0x4080];
	_ =	sdelay $0x4  }
0x13c: {  	[tilespmem:v35+s22+$0x0] =	vst.idx.msk $0xffff, v34  }
0x13d: {  	v35 =	vor.u32 v3, v33;
	v34 =	vld [tilespmem:s26+$0x4100];
	_ =	sdelay $0x4  }
0x13e: {  	[tilespmem:v35+s22+$0x0] =	vst.idx.msk $0xffff, v34  }
0x13f: {  	v35 =	vor.u32 v4, v33;
	v34 =	vld [tilespmem:s26+$0x4180];
	_ =	sdelay $0x4  }
0x140: {  	[tilespmem:v35+s22+$0x0] =	vst.idx.msk $0xffff, v34  }
0x141: {  	v35 =	vor.u32 v5, v33;
	v34 =	vld [tilespmem:s26+$0x4200];
	_ =	sdelay $0x4  }
0x142: {  	[tilespmem:v35+s22+$0x0] =	vst.idx.msk $0xffff, v34  }
0x143: {  	v35 =	vor.u32 v6, v33;
	v34 =	vld [tilespmem:s26+$0x4280];
	_ =	sdelay $0x4  }
0x144: {  	[tilespmem:v35+s22+$0x0] =	vst.idx.msk $0xffff, v34  }
0x145: {  	v35 =	vor.u32 v7, v33;
	v34 =	vld [tilespmem:s26+$0x4300];
	_ =	sdelay $0x3  }
0x146: {  	s10 =	sor.u32 s1, s0;
	s0 =	smov.u32 s25  }
0x147: {  	s10 =	sor.u32 $0x380, s10;
	[tilespmem:v35+s22+$0x0] =	vst.idx.msk $0xffff, v34  }
0x148: {  	v35 =	vor.u32 v8, v33;
	v34 =	vld [tilespmem:s10+$0x4000];
	_ =	sdelay $0x4  }
0x149: {  	[tilespmem:v35+s22+$0x0] =	vst.idx.msk $0xffff, v34  }
0x14a: {  	v35 =	vor.u32 v9, v33;
	v34 =	vld [tilespmem:s26+$0x5000];
	_ =	sdelay $0x4  }
0x14b: {  	[tilespmem:v35+s22+$0x0] =	vst.idx.msk $0xffff, v34  }
0x14c: {  	v35 =	vor.u32 v10, v33;
	v34 =	vld [tilespmem:s26+$0x5080];
	_ =	sdelay $0x4  }
0x14d: {  	[tilespmem:v35+s22+$0x0] =	vst.idx.msk $0xffff, v34  }
0x14e: {  	v35 =	vor.u32 v11, v33;
	v34 =	vld [tilespmem:s26+$0x5100];
	_ =	sdelay $0x4  }
0x14f: {  	[tilespmem:v35+s22+$0x0] =	vst.idx.msk $0xffff, v34  }
0x150: {  	v35 =	vor.u32 v12, v33;
	v34 =	vld [tilespmem:s26+$0x5180];
	_ =	sdelay $0x4  }
0x151: {  	[tilespmem:v35+s22+$0x0] =	vst.idx.msk $0xffff, v34  }
0x152: {  	v35 =	vor.u32 v13, v33;
	v34 =	vld [tilespmem:s26+$0x5200];
	_ =	sdelay $0x4  }
0x153: {  	[tilespmem:v35+s22+$0x0] =	vst.idx.msk $0xffff, v34  }
0x154: {  	v35 =	vor.u32 v14, v33;
	v34 =	vld [tilespmem:s26+$0x5280];
	_ =	sdelay $0x4  }
0x155: {  	[tilespmem:v35+s22+$0x0] =	vst.idx.msk $0xffff, v34  }
0x156: {  	v35 =	vor.u32 v15, v33;
	v34 =	vld [tilespmem:s26+$0x5300];
	_ =	sdelay $0x4  }
0x157: {  	[tilespmem:v35+s22+$0x0] =	vst.idx.msk $0xffff, v34  }
0x158: {  	v35 =	vor.u32 v16, v33;
	v34 =	vld [tilespmem:s26+$0x5380];
	_ =	sdelay $0x4  }
0x159: {  	[tilespmem:v35+s22+$0x0] =	vst.idx.msk $0xffff, v34  }
0x15a: {  	v35 =	vor.u32 v17, v33;
	v34 =	vld [tilespmem:s26+$0x6000];
	_ =	sdelay $0x4  }
0x15b: {  	[tilespmem:v35+s22+$0x0] =	vst.idx.msk $0xffff, v34  }
0x15c: {  	v35 =	vor.u32 v18, v33;
	v34 =	vld [tilespmem:s26+$0x6080];
	_ =	sdelay $0x4  }
0x15d: {  	[tilespmem:v35+s22+$0x0] =	vst.idx.msk $0xffff, v34  }
0x15e: {  	v35 =	vor.u32 v19, v33;
	v34 =	vld [tilespmem:s26+$0x6100];
	_ =	sdelay $0x4  }
0x15f: {  	[tilespmem:v35+s22+$0x0] =	vst.idx.msk $0xffff, v34  }
0x160: {  	v35 =	vor.u32 v20, v33;
	v34 =	vld [tilespmem:s26+$0x6180];
	_ =	sdelay $0x4  }
0x161: {  	[tilespmem:v35+s22+$0x0] =	vst.idx.msk $0xffff, v34  }
0x162: {  	v35 =	vor.u32 v21, v33;
	v34 =	vld [tilespmem:s26+$0x6200];
	_ =	sdelay $0x4  }
0x163: {  	[tilespmem:v35+s22+$0x0] =	vst.idx.msk $0xffff, v34  }
0x164: {  	v35 =	vor.u32 v22, v33;
	v34 =	vld [tilespmem:s26+$0x6280];
	_ =	sdelay $0x4  }
0x165: {  	[tilespmem:v35+s22+$0x0] =	vst.idx.msk $0xffff, v34  }
0x166: {  	v35 =	vor.u32 v23, v33;
	v34 =	vld [tilespmem:s26+$0x6300];
	_ =	sdelay $0x4  }
0x167: {  	[tilespmem:v35+s22+$0x0] =	vst.idx.msk $0xffff, v34  }
0x168: {  	v35 =	vor.u32 v24, v33;
	v34 =	vld [tilespmem:s26+$0x6380];
	_ =	sdelay $0x4  }
0x169: {  	[tilespmem:v35+s22+$0x0] =	vst.idx.msk $0xffff, v34  }
0x16a: {  	v35 =	vor.u32 v25, v33;
	v34 =	vld [tilespmem:s26+$0x7000];
	_ =	sdelay $0x4  }
0x16b: {  	[tilespmem:v35+s22+$0x0] =	vst.idx.msk $0xffff, v34  }
0x16c: {  	v35 =	vor.u32 v26, v33;
	v34 =	vld [tilespmem:s26+$0x7080];
	_ =	sdelay $0x4  }
0x16d: {  	[tilespmem:v35+s22+$0x0] =	vst.idx.msk $0xffff, v34  }
0x16e: {  	v35 =	vor.u32 v27, v33;
	v34 =	vld [tilespmem:s26+$0x7100];
	_ =	sdelay $0x4  }
0x16f: {  	[tilespmem:v35+s22+$0x0] =	vst.idx.msk $0xffff, v34  }
0x170: {  	v35 =	vor.u32 v28, v33;
	v34 =	vld [tilespmem:s26+$0x7180];
	_ =	sdelay $0x4  }
0x171: {  	[tilespmem:v35+s22+$0x0] =	vst.idx.msk $0xffff, v34  }
0x172: {  	v35 =	vor.u32 v29, v33;
	v34 =	vld [tilespmem:s26+$0x7200];
	_ =	sdelay $0x4  }
0x173: {  	[tilespmem:v35+s22+$0x0] =	vst.idx.msk $0xffff, v34  }
0x174: {  	v35 =	vor.u32 v30, v33;
	v34 =	vld [tilespmem:s26+$0x7280];
	_ =	sdelay $0x4  }
0x175: {  	[tilespmem:v35+s22+$0x0] =	vst.idx.msk $0xffff, v34  }
0x176: {  	v35 =	vor.u32 v31, v33;
	v34 =	vld [tilespmem:s26+$0x7300];
	_ =	sdelay $0x3  }
.Ltmp3:
0x177: {  	(pc) =	sbr.rel @p1 .LBB2_5-.Ltmp3, $3  }
0x178: {  	[tilespmem:v35+s22+$0x0] =	vst.idx.msk $0xffff, v34  }
0x179: {  	v35 =	vor.u32 v32, v33;
	v34 =	vld [tilespmem:s26+$0x7380];
	_ =	sdelay $0x1  }
0x17a: {  	s25 =	sadd.s32 $0x10, s25;
	v33 =	vmov s0  }
0x17b: {  	_ =	sdelay $0x1  }
0x17c: {  	v33 =	vshll.u32 v33, $0x5;
	s10 =	sadd.s32 $0x80, s1  }
0x17d: {  	s26 =	sand.u32 $0x70, s0;
	s25 =	sand.u32 $0xC00, s10;
	v33 =	vor.u32 v1, v33  }
0x17e: {  	s1 =	sor.u32 s26, s25;
	v33 =	vand.u32 $0x3F80, v33;
	[tilespmem:v35+s22+$0x0] =	vst.idx.msk $0xffff, v34  }
0x17f: {  	v34 =	vld [tilespmem:s1+$0x4000];
	v61 =	vor.u32 v0, v33;
	_ =	sdelay $0x4  }
0x180: {  	[tilespmem:v61+s22+$0x0] =	vst.idx.msk $0xffff, v34  }
0x181: {  	v62 =	vor.u32 v2, v33;
	v34 =	vld [tilespmem:s1+$0x4080];
	_ =	sdelay $0x4  }
0x182: {  	[tilespmem:v62+s22+$0x0] =	vst.idx.msk $0xffff, v34  }
0x183: {  	v63 =	vor.u32 v3, v33;
	v34 =	vld [tilespmem:s1+$0x4100];
	_ =	sdelay $0x4  }
0x184: {  	[tilespmem:v63+s22+$0x0] =	vst.idx.msk $0xffff, v34  }
0x185: {  	v36 =	vor.u32 v4, v33;
	v34 =	vld [tilespmem:s1+$0x4180];
	_ =	sdelay $0x4  }
0x186: {  	[tilespmem:v36+s22+$0x0] =	vst.idx.msk $0xffff, v34  }
0x187: {  	v37 =	vor.u32 v5, v33;
	v34 =	vld [tilespmem:s1+$0x4200];
	_ =	sdelay $0x4  }
0x188: {  	[tilespmem:v37+s22+$0x0] =	vst.idx.msk $0xffff, v34  }
0x189: {  	v38 =	vor.u32 v6, v33;
	v34 =	vld [tilespmem:s1+$0x4280];
	_ =	sdelay $0x4  }
0x18a: {  	[tilespmem:v38+s22+$0x0] =	vst.idx.msk $0xffff, v34  }
0x18b: {  	v39 =	vor.u32 v7, v33;
	v34 =	vld [tilespmem:s1+$0x4300];
	_ =	sdelay $0x3  }
0x18c: {  	s26 =	sor.u32 s10, s0  }
0x18d: {  	s0 =	sor.u32 $0x380, s26;
	[tilespmem:v39+s22+$0x0] =	vst.idx.msk $0xffff, v34  }
0x18e: {  	v40 =	vor.u32 v8, v33;
	v34 =	vld [tilespmem:s0+$0x4000];
	_ =	sdelay $0x4  }
0x18f: {  	[tilespmem:v40+s22+$0x0] =	vst.idx.msk $0xffff, v34  }
0x190: {  	v41 =	vor.u32 v9, v33;
	v34 =	vld [tilespmem:s1+$0x5000];
	_ =	sdelay $0x4  }
0x191: {  	[tilespmem:v41+s22+$0x0] =	vst.idx.msk $0xffff, v34  }
0x192: {  	v42 =	vor.u32 v10, v33;
	v34 =	vld [tilespmem:s1+$0x5080];
	_ =	sdelay $0x4  }
0x193: {  	[tilespmem:v42+s22+$0x0] =	vst.idx.msk $0xffff, v34  }
0x194: {  	v43 =	vor.u32 v11, v33;
	v34 =	vld [tilespmem:s1+$0x5100];
	_ =	sdelay $0x4  }
0x195: {  	[tilespmem:v43+s22+$0x0] =	vst.idx.msk $0xffff, v34  }
0x196: {  	v44 =	vor.u32 v12, v33;
	v34 =	vld [tilespmem:s1+$0x5180];
	_ =	sdelay $0x4  }
0x197: {  	[tilespmem:v44+s22+$0x0] =	vst.idx.msk $0xffff, v34  }
0x198: {  	v45 =	vor.u32 v13, v33;
	v34 =	vld [tilespmem:s1+$0x5200];
	_ =	sdelay $0x4  }
0x199: {  	[tilespmem:v45+s22+$0x0] =	vst.idx.msk $0xffff, v34  }
0x19a: {  	v46 =	vor.u32 v14, v33;
	v34 =	vld [tilespmem:s1+$0x5280];
	_ =	sdelay $0x4  }
0x19b: {  	[tilespmem:v46+s22+$0x0] =	vst.idx.msk $0xffff, v34  }
0x19c: {  	v47 =	vor.u32 v15, v33;
	v34 =	vld [tilespmem:s1+$0x5300];
	_ =	sdelay $0x4  }
0x19d: {  	[tilespmem:v47+s22+$0x0] =	vst.idx.msk $0xffff, v34  }
0x19e: {  	v48 =	vor.u32 v16, v33;
	v34 =	vld [tilespmem:s1+$0x5380];
	_ =	sdelay $0x4  }
0x19f: {  	[tilespmem:v48+s22+$0x0] =	vst.idx.msk $0xffff, v34  }
0x1a0: {  	v49 =	vor.u32 v17, v33;
	v34 =	vld [tilespmem:s1+$0x6000];
	_ =	sdelay $0x4  }
0x1a1: {  	[tilespmem:v49+s22+$0x0] =	vst.idx.msk $0xffff, v34  }
0x1a2: {  	v50 =	vor.u32 v18, v33;
	v34 =	vld [tilespmem:s1+$0x6080];
	_ =	sdelay $0x4  }
0x1a3: {  	[tilespmem:v50+s22+$0x0] =	vst.idx.msk $0xffff, v34  }
0x1a4: {  	v51 =	vor.u32 v19, v33;
	v34 =	vld [tilespmem:s1+$0x6100];
	_ =	sdelay $0x4  }
0x1a5: {  	[tilespmem:v51+s22+$0x0] =	vst.idx.msk $0xffff, v34  }
0x1a6: {  	v52 =	vor.u32 v20, v33;
	v34 =	vld [tilespmem:s1+$0x6180];
	_ =	sdelay $0x4  }
0x1a7: {  	[tilespmem:v52+s22+$0x0] =	vst.idx.msk $0xffff, v34  }
0x1a8: {  	v53 =	vor.u32 v21, v33;
	v34 =	vld [tilespmem:s1+$0x6200];
	_ =	sdelay $0x4  }
0x1a9: {  	[tilespmem:v53+s22+$0x0] =	vst.idx.msk $0xffff, v34  }
0x1aa: {  	v54 =	vor.u32 v22, v33;
	v34 =	vld [tilespmem:s1+$0x6280];
	_ =	sdelay $0x4  }
0x1ab: {  	[tilespmem:v54+s22+$0x0] =	vst.idx.msk $0xffff, v34  }
0x1ac: {  	v55 =	vor.u32 v23, v33;
	v34 =	vld [tilespmem:s1+$0x6300];
	_ =	sdelay $0x4  }
0x1ad: {  	[tilespmem:v55+s22+$0x0] =	vst.idx.msk $0xffff, v34  }
0x1ae: {  	v56 =	vor.u32 v24, v33;
	v34 =	vld [tilespmem:s1+$0x6380];
	_ =	sdelay $0x4  }
0x1af: {  	[tilespmem:v56+s22+$0x0] =	vst.idx.msk $0xffff, v34  }
0x1b0: {  	v57 =	vor.u32 v25, v33;
	v34 =	vld [tilespmem:s1+$0x7000];
	_ =	sdelay $0x4  }
0x1b1: {  	[tilespmem:v57+s22+$0x0] =	vst.idx.msk $0xffff, v34  }
0x1b2: {  	v58 =	vor.u32 v26, v33;
	v34 =	vld [tilespmem:s1+$0x7080];
	_ =	sdelay $0x4  }
0x1b3: {  	[tilespmem:v58+s22+$0x0] =	vst.idx.msk $0xffff, v34  }
0x1b4: {  	v59 =	vor.u32 v27, v33;
	v34 =	vld [tilespmem:s1+$0x7100];
	_ =	sdelay $0x4  }
0x1b5: {  	[tilespmem:v59+s22+$0x0] =	vst.idx.msk $0xffff, v34  }
0x1b6: {  	v60 =	vor.u32 v28, v33;
	v34 =	vld [tilespmem:s1+$0x7180];
	_ =	sdelay $0x4  }
0x1b7: {  	[tilespmem:v60+s22+$0x0] =	vst.idx.msk $0xffff, v34  }
0x1b8: {  	v61 =	vor.u32 v29, v33;
	v34 =	vld [tilespmem:s1+$0x7200];
	_ =	sdelay $0x4  }
0x1b9: {  	[tilespmem:v61+s22+$0x0] =	vst.idx.msk $0xffff, v34  }
0x1ba: {  	v62 =	vor.u32 v30, v33;
	v34 =	vld [tilespmem:s1+$0x7280];
	_ =	sdelay $0x4  }
0x1bb: {  	[tilespmem:v62+s22+$0x0] =	vst.idx.msk $0xffff, v34  }
0x1bc: {  	v63 =	vor.u32 v31, v33;
	v34 =	vld [tilespmem:s1+$0x7300];
	_ =	sdelay $0x4  }
0x1bd: {  	[tilespmem:v63+s22+$0x0] =	vst.idx.msk $0xffff, v34  }
0x1be: {  	v33 =	vor.u32 v32, v33;
	v34 =	vld [tilespmem:s1+$0x7380]  }
0x1bf: {  	p1 =	seq.s32 s29, $0x1D  }
.Ltmp4:
0x1c0: {  	_ = 	snop;
	(pc) =	sbr.rel @p1 .LBB2_8-.Ltmp4, $3  }
0x1c1: {  	_ =	sdelay $0x1  }
0x1c2: {  	s31 =	sadd.s32 s31, s7;
	[tilespmem:v33+s22+$0x0] =	vst.idx.msk $0xffff, v34  }
0x1c3: {  	[hbm4b:s31+s2] =	stream.linear.scatter [tilespmem:s22], [sflag:$0x4], $0x4000, $0x38;
	[tilespmem:$0x11000] =	vst v63  }
.Ltmp5:
0x1c4: {  	(pc) =	sbr.rel .LBB2_2-.Ltmp5, $3  }
0x1c5: {  	_ =	sdelay $0x1  }
0x1c6: {  	s0 =	sadd.s32 s30, s8;
	s29 =	sadd.s32 $0x1, s29  }
0x1c7: {  	[tilespmem:s18], [sflag:$0x2] =	stream.strided.gather [hbm4b:s0+s16], $0x4000, s17, s16, $0x38;
	[tilespmem:$0x11000] =	vst v63  }
.LBB2_8:
0x1c8: {  	_ =	swait.ge [sflag:s19], $0x4000  }
0x1c9: {  	s1 =	simm.s32 $0x0;
	[sflag:s19] =	ssyncset.done $0x0  }
0x1ca: {  	v33 =	vmov s1;
	[sflag:s19] =	ssyncadd.s32 $0xFFFFC000  }
0x1cb: {  	v33 =	vshll.u32 v33, $0x5;
	_ =	swait.ge [sflag:s23], $0x4000  }
0x1cc: {  	s0 =	sand.u32 $0x70, s1;
	s10 =	sand.u32 $0xC00, s1;
	v33 =	vor.u32 v1, v33;
	[sflag:s23] =	ssyncset.done $0x0  }
0x1cd: {  	s25 =	sor.u32 s0, s10;
	v33 =	vand.u32 $0x3F80, v33;
	[sflag:s23] =	ssyncadd.s32 $0xFFFFC000  }
0x1ce: {  	v35 =	vor.u32 v0, v33;
	v34 =	vld [tilespmem:s25+$0x0];
	_ =	sdelay $0x4  }
0x1cf: {  	[tilespmem:v35+s20+$0x0] =	vst.idx.msk $0xffff, v34  }
0x1d0: {  	v62 =	vor.u32 v2, v33;
	v34 =	vld [tilespmem:s25+$0x80];
	_ =	sdelay $0x4  }
0x1d1: {  	[tilespmem:v62+s20+$0x0] =	vst.idx.msk $0xffff, v34  }
0x1d2: {  	v63 =	vor.u32 v3, v33;
	v34 =	vld [tilespmem:s25+$0x100];
	_ =	sdelay $0x4  }
0x1d3: {  	[tilespmem:v63+s20+$0x0] =	vst.idx.msk $0xffff, v34  }
0x1d4: {  	v36 =	vor.u32 v4, v33;
	v34 =	vld [tilespmem:s25+$0x180];
	_ =	sdelay $0x4  }
0x1d5: {  	[tilespmem:v36+s20+$0x0] =	vst.idx.msk $0xffff, v34  }
0x1d6: {  	v37 =	vor.u32 v5, v33;
	v34 =	vld [tilespmem:s25+$0x200];
	_ =	sdelay $0x4  }
0x1d7: {  	[tilespmem:v37+s20+$0x0] =	vst.idx.msk $0xffff, v34  }
0x1d8: {  	v38 =	vor.u32 v6, v33;
	v34 =	vld [tilespmem:s25+$0x280];
	_ =	sdelay $0x4  }
0x1d9: {  	[tilespmem:v38+s20+$0x0] =	vst.idx.msk $0xffff, v34  }
0x1da: {  	v39 =	vor.u32 v7, v33;
	v34 =	vld [tilespmem:s25+$0x300];
	_ =	sdelay $0x3  }
0x1db: {  	s31 =	sor.u32 s1, s1  }
0x1dc: {  	s0 =	sor.u32 $0x380, s31;
	[tilespmem:v39+s20+$0x0] =	vst.idx.msk $0xffff, v34  }
0x1dd: {  	v40 =	vor.u32 v8, v33;
	v34 =	vld [tilespmem:s0+$0x0];
	_ =	sdelay $0x4  }
0x1de: {  	[tilespmem:v40+s20+$0x0] =	vst.idx.msk $0xffff, v34  }
0x1df: {  	v41 =	vor.u32 v9, v33;
	v34 =	vld [tilespmem:s25+$0x1000];
	_ =	sdelay $0x4  }
0x1e0: {  	[tilespmem:v41+s20+$0x0] =	vst.idx.msk $0xffff, v34  }
0x1e1: {  	v42 =	vor.u32 v10, v33;
	v34 =	vld [tilespmem:s25+$0x1080];
	_ =	sdelay $0x4  }
0x1e2: {  	[tilespmem:v42+s20+$0x0] =	vst.idx.msk $0xffff, v34  }
0x1e3: {  	v43 =	vor.u32 v11, v33;
	v34 =	vld [tilespmem:s25+$0x1100];
	_ =	sdelay $0x4  }
0x1e4: {  	[tilespmem:v43+s20+$0x0] =	vst.idx.msk $0xffff, v34  }
0x1e5: {  	v44 =	vor.u32 v12, v33;
	v34 =	vld [tilespmem:s25+$0x1180];
	_ =	sdelay $0x4  }
0x1e6: {  	[tilespmem:v44+s20+$0x0] =	vst.idx.msk $0xffff, v34  }
0x1e7: {  	v45 =	vor.u32 v13, v33;
	v34 =	vld [tilespmem:s25+$0x1200];
	_ =	sdelay $0x4  }
0x1e8: {  	[tilespmem:v45+s20+$0x0] =	vst.idx.msk $0xffff, v34  }
0x1e9: {  	v46 =	vor.u32 v14, v33;
	v34 =	vld [tilespmem:s25+$0x1280];
	_ =	sdelay $0x4  }
0x1ea: {  	[tilespmem:v46+s20+$0x0] =	vst.idx.msk $0xffff, v34  }
0x1eb: {  	v47 =	vor.u32 v15, v33;
	v34 =	vld [tilespmem:s25+$0x1300];
	_ =	sdelay $0x4  }
0x1ec: {  	[tilespmem:v47+s20+$0x0] =	vst.idx.msk $0xffff, v34  }
0x1ed: {  	v48 =	vor.u32 v16, v33;
	v34 =	vld [tilespmem:s25+$0x1380];
	_ =	sdelay $0x4  }
0x1ee: {  	[tilespmem:v48+s20+$0x0] =	vst.idx.msk $0xffff, v34  }
0x1ef: {  	v49 =	vor.u32 v17, v33;
	v34 =	vld [tilespmem:s25+$0x2000];
	_ =	sdelay $0x4  }
0x1f0: {  	[tilespmem:v49+s20+$0x0] =	vst.idx.msk $0xffff, v34  }
0x1f1: {  	v50 =	vor.u32 v18, v33;
	v34 =	vld [tilespmem:s25+$0x2080];
	_ =	sdelay $0x4  }
0x1f2: {  	[tilespmem:v50+s20+$0x0] =	vst.idx.msk $0xffff, v34  }
0x1f3: {  	v51 =	vor.u32 v19, v33;
	v34 =	vld [tilespmem:s25+$0x2100];
	_ =	sdelay $0x4  }
0x1f4: {  	[tilespmem:v51+s20+$0x0] =	vst.idx.msk $0xffff, v34  }
0x1f5: {  	v52 =	vor.u32 v20, v33;
	v34 =	vld [tilespmem:s25+$0x2180];
	_ =	sdelay $0x4  }
0x1f6: {  	[tilespmem:v52+s20+$0x0] =	vst.idx.msk $0xffff, v34  }
0x1f7: {  	v53 =	vor.u32 v21, v33;
	v34 =	vld [tilespmem:s25+$0x2200];
	_ =	sdelay $0x4  }
0x1f8: {  	[tilespmem:v53+s20+$0x0] =	vst.idx.msk $0xffff, v34  }
0x1f9: {  	v54 =	vor.u32 v22, v33;
	v34 =	vld [tilespmem:s25+$0x2280];
	_ =	sdelay $0x4  }
0x1fa: {  	[tilespmem:v54+s20+$0x0] =	vst.idx.msk $0xffff, v34  }
0x1fb: {  	v55 =	vor.u32 v23, v33;
	v34 =	vld [tilespmem:s25+$0x2300];
	_ =	sdelay $0x4  }
0x1fc: {  	[tilespmem:v55+s20+$0x0] =	vst.idx.msk $0xffff, v34  }
0x1fd: {  	v56 =	vor.u32 v24, v33;
	v34 =	vld [tilespmem:s25+$0x2380];
	_ =	sdelay $0x4  }
0x1fe: {  	[tilespmem:v56+s20+$0x0] =	vst.idx.msk $0xffff, v34  }
0x1ff: {  	v57 =	vor.u32 v25, v33;
	v34 =	vld [tilespmem:s25+$0x3000];
	_ =	sdelay $0x4  }
0x200: {  	[tilespmem:v57+s20+$0x0] =	vst.idx.msk $0xffff, v34  }
0x201: {  	v58 =	vor.u32 v26, v33;
	v34 =	vld [tilespmem:s25+$0x3080];
	_ =	sdelay $0x4  }
0x202: {  	[tilespmem:v58+s20+$0x0] =	vst.idx.msk $0xffff, v34  }
0x203: {  	v59 =	vor.u32 v27, v33;
	v34 =	vld [tilespmem:s25+$0x3100];
	_ =	sdelay $0x4  }
0x204: {  	[tilespmem:v59+s20+$0x0] =	vst.idx.msk $0xffff, v34  }
0x205: {  	v60 =	vor.u32 v28, v33;
	v34 =	vld [tilespmem:s25+$0x3180];
	_ =	sdelay $0x4  }
0x206: {  	[tilespmem:v60+s20+$0x0] =	vst.idx.msk $0xffff, v34  }
0x207: {  	v61 =	vor.u32 v29, v33;
	v34 =	vld [tilespmem:s25+$0x3200];
	_ =	sdelay $0x4  }
0x208: {  	[tilespmem:v61+s20+$0x0] =	vst.idx.msk $0xffff, v34  }
0x209: {  	v62 =	vor.u32 v30, v33;
	v34 =	vld [tilespmem:s25+$0x3280];
	_ =	sdelay $0x4  }
0x20a: {  	[tilespmem:v62+s20+$0x0] =	vst.idx.msk $0xffff, v34  }
0x20b: {  	v63 =	vor.u32 v31, v33;
	v34 =	vld [tilespmem:s25+$0x3300];
	_ =	sdelay $0x4  }
0x20c: {  	[tilespmem:v63+s20+$0x0] =	vst.idx.msk $0xffff, v34  }
0x20d: {  	v35 =	vor.u32 v32, v33;
	v34 =	vld [tilespmem:s25+$0x3380]  }
0x20e: {  	s0 =	simm.s32 $0x10  }
0x20f: {  	v33 =	vmov s0;
	s25 =	simm.s32 $0x20  }
.LBB2_9:
0x210: {  	p1 =	sne.s32 s25, $0x1F0;
	v33 =	vshll.u32 v33, $0x5;
	s1 =	sadd.s32 $0x80, s1  }
0x211: {  	s10 =	sand.u32 $0x70, s0;
	s26 =	sand.u32 $0xC00, s1;
	v33 =	vor.u32 v1, v33  }
0x212: {  	s26 =	sor.u32 s10, s26;
	v33 =	vand.u32 $0x3F80, v33;
	[tilespmem:v35+s20+$0x0] =	vst.idx.msk $0xffff, v34  }
0x213: {  	v34 =	vld [tilespmem:s26+$0x0];
	v35 =	vor.u32 v0, v33;
	_ =	sdelay $0x4  }
0x214: {  	[tilespmem:v35+s20+$0x0] =	vst.idx.msk $0xffff, v34  }
0x215: {  	v35 =	vor.u32 v2, v33;
	v34 =	vld [tilespmem:s26+$0x80];
	_ =	sdelay $0x4  }
0x216: {  	[tilespmem:v35+s20+$0x0] =	vst.idx.msk $0xffff, v34  }
0x217: {  	v35 =	vor.u32 v3, v33;
	v34 =	vld [tilespmem:s26+$0x100];
	_ =	sdelay $0x4  }
0x218: {  	[tilespmem:v35+s20+$0x0] =	vst.idx.msk $0xffff, v34  }
0x219: {  	v35 =	vor.u32 v4, v33;
	v34 =	vld [tilespmem:s26+$0x180];
	_ =	sdelay $0x4  }
0x21a: {  	[tilespmem:v35+s20+$0x0] =	vst.idx.msk $0xffff, v34  }
0x21b: {  	v35 =	vor.u32 v5, v33;
	v34 =	vld [tilespmem:s26+$0x200];
	_ =	sdelay $0x4  }
0x21c: {  	[tilespmem:v35+s20+$0x0] =	vst.idx.msk $0xffff, v34  }
0x21d: {  	v35 =	vor.u32 v6, v33;
	v34 =	vld [tilespmem:s26+$0x280];
	_ =	sdelay $0x4  }
0x21e: {  	[tilespmem:v35+s20+$0x0] =	vst.idx.msk $0xffff, v34  }
0x21f: {  	v35 =	vor.u32 v7, v33;
	v34 =	vld [tilespmem:s26+$0x300];
	_ =	sdelay $0x3  }
0x220: {  	s10 =	sor.u32 s1, s0;
	s0 =	smov.u32 s25  }
0x221: {  	s10 =	sor.u32 $0x380, s10;
	[tilespmem:v35+s20+$0x0] =	vst.idx.msk $0xffff, v34  }
0x222: {  	v35 =	vor.u32 v8, v33;
	v34 =	vld [tilespmem:s10+$0x0];
	_ =	sdelay $0x4  }
0x223: {  	[tilespmem:v35+s20+$0x0] =	vst.idx.msk $0xffff, v34  }
0x224: {  	v35 =	vor.u32 v9, v33;
	v34 =	vld [tilespmem:s26+$0x1000];
	_ =	sdelay $0x4  }
0x225: {  	[tilespmem:v35+s20+$0x0] =	vst.idx.msk $0xffff, v34  }
0x226: {  	v35 =	vor.u32 v10, v33;
	v34 =	vld [tilespmem:s26+$0x1080];
	_ =	sdelay $0x4  }
0x227: {  	[tilespmem:v35+s20+$0x0] =	vst.idx.msk $0xffff, v34  }
0x228: {  	v35 =	vor.u32 v11, v33;
	v34 =	vld [tilespmem:s26+$0x1100];
	_ =	sdelay $0x4  }
0x229: {  	[tilespmem:v35+s20+$0x0] =	vst.idx.msk $0xffff, v34  }
0x22a: {  	v35 =	vor.u32 v12, v33;
	v34 =	vld [tilespmem:s26+$0x1180];
	_ =	sdelay $0x4  }
0x22b: {  	[tilespmem:v35+s20+$0x0] =	vst.idx.msk $0xffff, v34  }
0x22c: {  	v35 =	vor.u32 v13, v33;
	v34 =	vld [tilespmem:s26+$0x1200];
	_ =	sdelay $0x4  }
0x22d: {  	[tilespmem:v35+s20+$0x0] =	vst.idx.msk $0xffff, v34  }
0x22e: {  	v35 =	vor.u32 v14, v33;
	v34 =	vld [tilespmem:s26+$0x1280];
	_ =	sdelay $0x4  }
0x22f: {  	[tilespmem:v35+s20+$0x0] =	vst.idx.msk $0xffff, v34  }
0x230: {  	v35 =	vor.u32 v15, v33;
	v34 =	vld [tilespmem:s26+$0x1300];
	_ =	sdelay $0x4  }
0x231: {  	[tilespmem:v35+s20+$0x0] =	vst.idx.msk $0xffff, v34  }
0x232: {  	v35 =	vor.u32 v16, v33;
	v34 =	vld [tilespmem:s26+$0x1380];
	_ =	sdelay $0x4  }
0x233: {  	[tilespmem:v35+s20+$0x0] =	vst.idx.msk $0xffff, v34  }
0x234: {  	v35 =	vor.u32 v17, v33;
	v34 =	vld [tilespmem:s26+$0x2000];
	_ =	sdelay $0x4  }
0x235: {  	[tilespmem:v35+s20+$0x0] =	vst.idx.msk $0xffff, v34  }
0x236: {  	v35 =	vor.u32 v18, v33;
	v34 =	vld [tilespmem:s26+$0x2080];
	_ =	sdelay $0x4  }
0x237: {  	[tilespmem:v35+s20+$0x0] =	vst.idx.msk $0xffff, v34  }
0x238: {  	v35 =	vor.u32 v19, v33;
	v34 =	vld [tilespmem:s26+$0x2100];
	_ =	sdelay $0x4  }
0x239: {  	[tilespmem:v35+s20+$0x0] =	vst.idx.msk $0xffff, v34  }
0x23a: {  	v35 =	vor.u32 v20, v33;
	v34 =	vld [tilespmem:s26+$0x2180];
	_ =	sdelay $0x4  }
0x23b: {  	[tilespmem:v35+s20+$0x0] =	vst.idx.msk $0xffff, v34  }
0x23c: {  	v35 =	vor.u32 v21, v33;
	v34 =	vld [tilespmem:s26+$0x2200];
	_ =	sdelay $0x4  }
0x23d: {  	[tilespmem:v35+s20+$0x0] =	vst.idx.msk $0xffff, v34  }
0x23e: {  	v35 =	vor.u32 v22, v33;
	v34 =	vld [tilespmem:s26+$0x2280];
	_ =	sdelay $0x4  }
0x23f: {  	[tilespmem:v35+s20+$0x0] =	vst.idx.msk $0xffff, v34  }
0x240: {  	v35 =	vor.u32 v23, v33;
	v34 =	vld [tilespmem:s26+$0x2300];
	_ =	sdelay $0x4  }
0x241: {  	[tilespmem:v35+s20+$0x0] =	vst.idx.msk $0xffff, v34  }
0x242: {  	v35 =	vor.u32 v24, v33;
	v34 =	vld [tilespmem:s26+$0x2380];
	_ =	sdelay $0x4  }
0x243: {  	[tilespmem:v35+s20+$0x0] =	vst.idx.msk $0xffff, v34  }
0x244: {  	v35 =	vor.u32 v25, v33;
	v34 =	vld [tilespmem:s26+$0x3000];
	_ =	sdelay $0x4  }
0x245: {  	[tilespmem:v35+s20+$0x0] =	vst.idx.msk $0xffff, v34  }
0x246: {  	v35 =	vor.u32 v26, v33;
	v34 =	vld [tilespmem:s26+$0x3080];
	_ =	sdelay $0x4  }
0x247: {  	[tilespmem:v35+s20+$0x0] =	vst.idx.msk $0xffff, v34  }
0x248: {  	v35 =	vor.u32 v27, v33;
	v34 =	vld [tilespmem:s26+$0x3100];
	_ =	sdelay $0x4  }
0x249: {  	[tilespmem:v35+s20+$0x0] =	vst.idx.msk $0xffff, v34  }
0x24a: {  	v35 =	vor.u32 v28, v33;
	v34 =	vld [tilespmem:s26+$0x3180];
	_ =	sdelay $0x4  }
0x24b: {  	[tilespmem:v35+s20+$0x0] =	vst.idx.msk $0xffff, v34  }
0x24c: {  	v35 =	vor.u32 v29, v33;
	v34 =	vld [tilespmem:s26+$0x3200];
	_ =	sdelay $0x4  }
0x24d: {  	[tilespmem:v35+s20+$0x0] =	vst.idx.msk $0xffff, v34  }
0x24e: {  	v35 =	vor.u32 v30, v33;
	v34 =	vld [tilespmem:s26+$0x3280];
	_ =	sdelay $0x4  }
0x24f: {  	[tilespmem:v35+s20+$0x0] =	vst.idx.msk $0xffff, v34  }
0x250: {  	v35 =	vor.u32 v31, v33;
	v34 =	vld [tilespmem:s26+$0x3300];
	_ =	sdelay $0x3  }
.Ltmp6:
0x251: {  	(pc) =	sbr.rel @p1 .LBB2_9-.Ltmp6, $3  }
0x252: {  	[tilespmem:v35+s20+$0x0] =	vst.idx.msk $0xffff, v34  }
0x253: {  	v35 =	vor.u32 v32, v33;
	v34 =	vld [tilespmem:s26+$0x3380];
	_ =	sdelay $0x1  }
0x254: {  	s25 =	sadd.s32 $0x10, s25;
	v33 =	vmov s0  }
0x255: {  	_ =	sdelay $0x1  }
0x256: {  	v33 =	vshll.u32 v33, $0x5;
	s10 =	sadd.s32 $0x80, s1  }
0x257: {  	s30 =	sand.u32 $0x70, s0;
	s25 =	sand.u32 $0xC00, s10;
	v33 =	vor.u32 v1, v33  }
0x258: {  	s1 =	sor.u32 s30, s25;
	v33 =	vand.u32 $0x3F80, v33;
	[tilespmem:v35+s20+$0x0] =	vst.idx.msk $0xffff, v34  }
0x259: {  	v34 =	vld [tilespmem:s1+$0x0];
	v61 =	vor.u32 v0, v33;
	_ =	sdelay $0x4  }
0x25a: {  	[tilespmem:v61+s20+$0x0] =	vst.idx.msk $0xffff, v34  }
0x25b: {  	v62 =	vor.u32 v2, v33;
	v34 =	vld [tilespmem:s1+$0x80];
	_ =	sdelay $0x4  }
0x25c: {  	[tilespmem:v62+s20+$0x0] =	vst.idx.msk $0xffff, v34  }
0x25d: {  	v63 =	vor.u32 v3, v33;
	v34 =	vld [tilespmem:s1+$0x100];
	_ =	sdelay $0x4  }
0x25e: {  	[tilespmem:v63+s20+$0x0] =	vst.idx.msk $0xffff, v34  }
0x25f: {  	v36 =	vor.u32 v4, v33;
	v34 =	vld [tilespmem:s1+$0x180];
	_ =	sdelay $0x4  }
0x260: {  	[tilespmem:v36+s20+$0x0] =	vst.idx.msk $0xffff, v34  }
0x261: {  	v37 =	vor.u32 v5, v33;
	v34 =	vld [tilespmem:s1+$0x200];
	_ =	sdelay $0x4  }
0x262: {  	[tilespmem:v37+s20+$0x0] =	vst.idx.msk $0xffff, v34  }
0x263: {  	v38 =	vor.u32 v6, v33;
	v34 =	vld [tilespmem:s1+$0x280];
	_ =	sdelay $0x4  }
0x264: {  	[tilespmem:v38+s20+$0x0] =	vst.idx.msk $0xffff, v34  }
0x265: {  	v39 =	vor.u32 v7, v33;
	v34 =	vld [tilespmem:s1+$0x300];
	_ =	sdelay $0x3  }
0x266: {  	s31 =	sor.u32 s10, s0  }
0x267: {  	s0 =	sor.u32 $0x380, s31;
	[tilespmem:v39+s20+$0x0] =	vst.idx.msk $0xffff, v34  }
0x268: {  	v40 =	vor.u32 v8, v33;
	v34 =	vld [tilespmem:s0+$0x0];
	_ =	sdelay $0x4  }
0x269: {  	[tilespmem:v40+s20+$0x0] =	vst.idx.msk $0xffff, v34  }
0x26a: {  	v41 =	vor.u32 v9, v33;
	v34 =	vld [tilespmem:s1+$0x1000];
	_ =	sdelay $0x4  }
0x26b: {  	[tilespmem:v41+s20+$0x0] =	vst.idx.msk $0xffff, v34  }
0x26c: {  	v42 =	vor.u32 v10, v33;
	v34 =	vld [tilespmem:s1+$0x1080];
	_ =	sdelay $0x4  }
0x26d: {  	[tilespmem:v42+s20+$0x0] =	vst.idx.msk $0xffff, v34  }
0x26e: {  	v43 =	vor.u32 v11, v33;
	v34 =	vld [tilespmem:s1+$0x1100];
	_ =	sdelay $0x4  }
0x26f: {  	[tilespmem:v43+s20+$0x0] =	vst.idx.msk $0xffff, v34  }
0x270: {  	v44 =	vor.u32 v12, v33;
	v34 =	vld [tilespmem:s1+$0x1180];
	_ =	sdelay $0x4  }
0x271: {  	[tilespmem:v44+s20+$0x0] =	vst.idx.msk $0xffff, v34  }
0x272: {  	v45 =	vor.u32 v13, v33;
	v34 =	vld [tilespmem:s1+$0x1200];
	_ =	sdelay $0x4  }
0x273: {  	[tilespmem:v45+s20+$0x0] =	vst.idx.msk $0xffff, v34  }
0x274: {  	v46 =	vor.u32 v14, v33;
	v34 =	vld [tilespmem:s1+$0x1280];
	_ =	sdelay $0x4  }
0x275: {  	[tilespmem:v46+s20+$0x0] =	vst.idx.msk $0xffff, v34  }
0x276: {  	v47 =	vor.u32 v15, v33;
	v34 =	vld [tilespmem:s1+$0x1300];
	_ =	sdelay $0x4  }
0x277: {  	[tilespmem:v47+s20+$0x0] =	vst.idx.msk $0xffff, v34  }
0x278: {  	v48 =	vor.u32 v16, v33;
	v34 =	vld [tilespmem:s1+$0x1380];
	_ =	sdelay $0x4  }
0x279: {  	[tilespmem:v48+s20+$0x0] =	vst.idx.msk $0xffff, v34  }
0x27a: {  	v49 =	vor.u32 v17, v33;
	v34 =	vld [tilespmem:s1+$0x2000];
	_ =	sdelay $0x4  }
0x27b: {  	[tilespmem:v49+s20+$0x0] =	vst.idx.msk $0xffff, v34  }
0x27c: {  	v50 =	vor.u32 v18, v33;
	v34 =	vld [tilespmem:s1+$0x2080];
	_ =	sdelay $0x4  }
0x27d: {  	[tilespmem:v50+s20+$0x0] =	vst.idx.msk $0xffff, v34  }
0x27e: {  	v51 =	vor.u32 v19, v33;
	v34 =	vld [tilespmem:s1+$0x2100];
	_ =	sdelay $0x4  }
0x27f: {  	[tilespmem:v51+s20+$0x0] =	vst.idx.msk $0xffff, v34  }
0x280: {  	v52 =	vor.u32 v20, v33;
	v34 =	vld [tilespmem:s1+$0x2180];
	_ =	sdelay $0x4  }
0x281: {  	[tilespmem:v52+s20+$0x0] =	vst.idx.msk $0xffff, v34  }
0x282: {  	v53 =	vor.u32 v21, v33;
	v34 =	vld [tilespmem:s1+$0x2200];
	_ =	sdelay $0x4  }
0x283: {  	[tilespmem:v53+s20+$0x0] =	vst.idx.msk $0xffff, v34  }
0x284: {  	v54 =	vor.u32 v22, v33;
	v34 =	vld [tilespmem:s1+$0x2280];
	_ =	sdelay $0x4  }
0x285: {  	[tilespmem:v54+s20+$0x0] =	vst.idx.msk $0xffff, v34  }
0x286: {  	v55 =	vor.u32 v23, v33;
	v34 =	vld [tilespmem:s1+$0x2300];
	_ =	sdelay $0x4  }
0x287: {  	[tilespmem:v55+s20+$0x0] =	vst.idx.msk $0xffff, v34  }
0x288: {  	v56 =	vor.u32 v24, v33;
	v34 =	vld [tilespmem:s1+$0x2380];
	_ =	sdelay $0x4  }
0x289: {  	[tilespmem:v56+s20+$0x0] =	vst.idx.msk $0xffff, v34  }
0x28a: {  	v57 =	vor.u32 v25, v33;
	v34 =	vld [tilespmem:s1+$0x3000];
	_ =	sdelay $0x4  }
0x28b: {  	[tilespmem:v57+s20+$0x0] =	vst.idx.msk $0xffff, v34  }
0x28c: {  	v58 =	vor.u32 v26, v33;
	v34 =	vld [tilespmem:s1+$0x3080];
	_ =	sdelay $0x4  }
0x28d: {  	[tilespmem:v58+s20+$0x0] =	vst.idx.msk $0xffff, v34  }
0x28e: {  	v59 =	vor.u32 v27, v33;
	v34 =	vld [tilespmem:s1+$0x3100];
	_ =	sdelay $0x4  }
0x28f: {  	[tilespmem:v59+s20+$0x0] =	vst.idx.msk $0xffff, v34  }
0x290: {  	v60 =	vor.u32 v28, v33;
	v34 =	vld [tilespmem:s1+$0x3180];
	_ =	sdelay $0x4  }
0x291: {  	[tilespmem:v60+s20+$0x0] =	vst.idx.msk $0xffff, v34  }
0x292: {  	v61 =	vor.u32 v29, v33;
	v34 =	vld [tilespmem:s1+$0x3200];
	_ =	sdelay $0x4  }
0x293: {  	[tilespmem:v61+s20+$0x0] =	vst.idx.msk $0xffff, v34  }
0x294: {  	v62 =	vor.u32 v30, v33;
	v34 =	vld [tilespmem:s1+$0x3280];
	_ =	sdelay $0x4  }
0x295: {  	[tilespmem:v62+s20+$0x0] =	vst.idx.msk $0xffff, v34  }
0x296: {  	v63 =	vor.u32 v31, v33;
	v34 =	vld [tilespmem:s1+$0x3300];
	_ =	sdelay $0x4  }
0x297: {  	[tilespmem:v63+s20+$0x0] =	vst.idx.msk $0xffff, v34  }
0x298: {  	v33 =	vor.u32 v32, v33;
	v34 =	vld [tilespmem:s1+$0x3380];
	_ =	sdelay $0x4  }
0x299: {  	[tilespmem:v33+s20+$0x0] =	vst.idx.msk $0xffff, v34  }
0x29a: {  	[hbm4b:s9+s2] =	stream.linear.scatter [tilespmem:s20], [sflag:$0x3], $0x4000, $0x38;
	[tilespmem:$0x11000] =	vst v63  }
0x29b: {  	_ =	swait.ge [sflag:s23], $0x4000  }
.Ltmp7:
0x29c: {  	[sflag:s23] =	ssyncset.done $0x0;
	(pc) =	sbr.rel @p0 .LBB2_16-.Ltmp7, $4  }
0x29d: {  	[sflag:s23] =	ssyncadd.s32 $0xFFFFC000  }
0x29e: {  	_ =	swait.ge [sflag:s24], $0x4000  }
0x29f: {  	[sflag:s24] =	ssyncset.done $0x0  }
0x2a0: {  	[sflag:s24] =	ssyncadd.s32 $0xFFFFC000  }
0x2a1: {  	s1 =	simm.s32 $0x0;
	s0 =	rddreg [dreg:$0x3]  }
0x2a2: {  	[tilespmem:s1], [sflag:$0x1] =	stream.strided.gather [hbm4b:s0+s16], $0x4000, s17, s16, $0x38;
	v33 =	vmov s1;
	[tilespmem:$0x11000] =	vst v63  }
0x2a3: {  	_ =	swait.ge [sflag:s19], $0x4000;
	v33 =	vshll.u32 v33, $0x5  }
0x2a4: {  	s30 =	sand.u32 $0x70, s1;
	s10 =	sand.u32 $0xC00, s1;
	[sflag:s19] =	ssyncset.done $0x0;
	v33 =	vor.u32 v1, v33  }
0x2a5: {  	s25 =	sor.u32 s30, s10;
	[sflag:s19] =	ssyncadd.s32 $0xFFFFC000;
	v33 =	vand.u32 $0x3F80, v33  }
0x2a6: {  	v34 =	vld [tilespmem:s25+$0x0];
	v35 =	vor.u32 v0, v33;
	_ =	sdelay $0x4  }
0x2a7: {  	[tilespmem:v35+s20+$0x0] =	vst.idx.msk $0xffff, v34  }
0x2a8: {  	v62 =	vor.u32 v2, v33;
	v34 =	vld [tilespmem:s25+$0x80];
	_ =	sdelay $0x4  }
0x2a9: {  	[tilespmem:v62+s20+$0x0] =	vst.idx.msk $0xffff, v34  }
0x2aa: {  	v63 =	vor.u32 v3, v33;
	v34 =	vld [tilespmem:s25+$0x100];
	_ =	sdelay $0x4  }
0x2ab: {  	[tilespmem:v63+s20+$0x0] =	vst.idx.msk $0xffff, v34  }
0x2ac: {  	v36 =	vor.u32 v4, v33;
	v34 =	vld [tilespmem:s25+$0x180];
	_ =	sdelay $0x4  }
0x2ad: {  	[tilespmem:v36+s20+$0x0] =	vst.idx.msk $0xffff, v34  }
0x2ae: {  	v37 =	vor.u32 v5, v33;
	v34 =	vld [tilespmem:s25+$0x200];
	_ =	sdelay $0x4  }
0x2af: {  	[tilespmem:v37+s20+$0x0] =	vst.idx.msk $0xffff, v34  }
0x2b0: {  	v38 =	vor.u32 v6, v33;
	v34 =	vld [tilespmem:s25+$0x280];
	_ =	sdelay $0x4  }
0x2b1: {  	[tilespmem:v38+s20+$0x0] =	vst.idx.msk $0xffff, v34  }
0x2b2: {  	v39 =	vor.u32 v7, v33;
	v34 =	vld [tilespmem:s25+$0x300];
	_ =	sdelay $0x3  }
0x2b3: {  	s31 =	sor.u32 s1, s1  }
0x2b4: {  	s0 =	sor.u32 $0x380, s31;
	[tilespmem:v39+s20+$0x0] =	vst.idx.msk $0xffff, v34  }
0x2b5: {  	v40 =	vor.u32 v8, v33;
	v34 =	vld [tilespmem:s0+$0x0];
	_ =	sdelay $0x4  }
0x2b6: {  	[tilespmem:v40+s20+$0x0] =	vst.idx.msk $0xffff, v34  }
0x2b7: {  	v41 =	vor.u32 v9, v33;
	v34 =	vld [tilespmem:s25+$0x1000];
	_ =	sdelay $0x4  }
0x2b8: {  	[tilespmem:v41+s20+$0x0] =	vst.idx.msk $0xffff, v34  }
0x2b9: {  	v42 =	vor.u32 v10, v33;
	v34 =	vld [tilespmem:s25+$0x1080];
	_ =	sdelay $0x4  }
0x2ba: {  	[tilespmem:v42+s20+$0x0] =	vst.idx.msk $0xffff, v34  }
0x2bb: {  	v43 =	vor.u32 v11, v33;
	v34 =	vld [tilespmem:s25+$0x1100];
	_ =	sdelay $0x4  }
0x2bc: {  	[tilespmem:v43+s20+$0x0] =	vst.idx.msk $0xffff, v34  }
0x2bd: {  	v44 =	vor.u32 v12, v33;
	v34 =	vld [tilespmem:s25+$0x1180];
	_ =	sdelay $0x4  }
0x2be: {  	[tilespmem:v44+s20+$0x0] =	vst.idx.msk $0xffff, v34  }
0x2bf: {  	v45 =	vor.u32 v13, v33;
	v34 =	vld [tilespmem:s25+$0x1200];
	_ =	sdelay $0x4  }
0x2c0: {  	[tilespmem:v45+s20+$0x0] =	vst.idx.msk $0xffff, v34  }
0x2c1: {  	v46 =	vor.u32 v14, v33;
	v34 =	vld [tilespmem:s25+$0x1280];
	_ =	sdelay $0x4  }
0x2c2: {  	[tilespmem:v46+s20+$0x0] =	vst.idx.msk $0xffff, v34  }
0x2c3: {  	v47 =	vor.u32 v15, v33;
	v34 =	vld [tilespmem:s25+$0x1300];
	_ =	sdelay $0x4  }
0x2c4: {  	[tilespmem:v47+s20+$0x0] =	vst.idx.msk $0xffff, v34  }
0x2c5: {  	v48 =	vor.u32 v16, v33;
	v34 =	vld [tilespmem:s25+$0x1380];
	_ =	sdelay $0x4  }
0x2c6: {  	[tilespmem:v48+s20+$0x0] =	vst.idx.msk $0xffff, v34  }
0x2c7: {  	v49 =	vor.u32 v17, v33;
	v34 =	vld [tilespmem:s25+$0x2000];
	_ =	sdelay $0x4  }
0x2c8: {  	[tilespmem:v49+s20+$0x0] =	vst.idx.msk $0xffff, v34  }
0x2c9: {  	v50 =	vor.u32 v18, v33;
	v34 =	vld [tilespmem:s25+$0x2080];
	_ =	sdelay $0x4  }
0x2ca: {  	[tilespmem:v50+s20+$0x0] =	vst.idx.msk $0xffff, v34  }
0x2cb: {  	v51 =	vor.u32 v19, v33;
	v34 =	vld [tilespmem:s25+$0x2100];
	_ =	sdelay $0x4  }
0x2cc: {  	[tilespmem:v51+s20+$0x0] =	vst.idx.msk $0xffff, v34  }
0x2cd: {  	v52 =	vor.u32 v20, v33;
	v34 =	vld [tilespmem:s25+$0x2180];
	_ =	sdelay $0x4  }
0x2ce: {  	[tilespmem:v52+s20+$0x0] =	vst.idx.msk $0xffff, v34  }
0x2cf: {  	v53 =	vor.u32 v21, v33;
	v34 =	vld [tilespmem:s25+$0x2200];
	_ =	sdelay $0x4  }
0x2d0: {  	[tilespmem:v53+s20+$0x0] =	vst.idx.msk $0xffff, v34  }
0x2d1: {  	v54 =	vor.u32 v22, v33;
	v34 =	vld [tilespmem:s25+$0x2280];
	_ =	sdelay $0x4  }
0x2d2: {  	[tilespmem:v54+s20+$0x0] =	vst.idx.msk $0xffff, v34  }
0x2d3: {  	v55 =	vor.u32 v23, v33;
	v34 =	vld [tilespmem:s25+$0x2300];
	_ =	sdelay $0x4  }
0x2d4: {  	[tilespmem:v55+s20+$0x0] =	vst.idx.msk $0xffff, v34  }
0x2d5: {  	v56 =	vor.u32 v24, v33;
	v34 =	vld [tilespmem:s25+$0x2380];
	_ =	sdelay $0x4  }
0x2d6: {  	[tilespmem:v56+s20+$0x0] =	vst.idx.msk $0xffff, v34  }
0x2d7: {  	v57 =	vor.u32 v25, v33;
	v34 =	vld [tilespmem:s25+$0x3000];
	_ =	sdelay $0x4  }
0x2d8: {  	[tilespmem:v57+s20+$0x0] =	vst.idx.msk $0xffff, v34  }
0x2d9: {  	v58 =	vor.u32 v26, v33;
	v34 =	vld [tilespmem:s25+$0x3080];
	_ =	sdelay $0x4  }
0x2da: {  	[tilespmem:v58+s20+$0x0] =	vst.idx.msk $0xffff, v34  }
0x2db: {  	v59 =	vor.u32 v27, v33;
	v34 =	vld [tilespmem:s25+$0x3100];
	_ =	sdelay $0x4  }
0x2dc: {  	[tilespmem:v59+s20+$0x0] =	vst.idx.msk $0xffff, v34  }
0x2dd: {  	v60 =	vor.u32 v28, v33;
	v34 =	vld [tilespmem:s25+$0x3180];
	_ =	sdelay $0x4  }
0x2de: {  	[tilespmem:v60+s20+$0x0] =	vst.idx.msk $0xffff, v34  }
0x2df: {  	v61 =	vor.u32 v29, v33;
	v34 =	vld [tilespmem:s25+$0x3200];
	_ =	sdelay $0x4  }
0x2e0: {  	[tilespmem:v61+s20+$0x0] =	vst.idx.msk $0xffff, v34  }
0x2e1: {  	v62 =	vor.u32 v30, v33;
	v34 =	vld [tilespmem:s25+$0x3280];
	_ =	sdelay $0x4  }
0x2e2: {  	[tilespmem:v62+s20+$0x0] =	vst.idx.msk $0xffff, v34  }
0x2e3: {  	v63 =	vor.u32 v31, v33;
	v34 =	vld [tilespmem:s25+$0x3300];
	_ =	sdelay $0x4  }
0x2e4: {  	[tilespmem:v63+s20+$0x0] =	vst.idx.msk $0xffff, v34  }
0x2e5: {  	v35 =	vor.u32 v32, v33;
	v34 =	vld [tilespmem:s25+$0x3380]  }
0x2e6: {  	s0 =	simm.s32 $0x10  }
0x2e7: {  	v33 =	vmov s0;
	s25 =	simm.s32 $0x20  }
.LBB2_12:
0x2e8: {  	p1 =	sne.s32 s25, $0x1F0;
	v33 =	vshll.u32 v33, $0x5;
	s1 =	sadd.s32 $0x80, s1  }
0x2e9: {  	s10 =	sand.u32 $0x70, s0;
	s26 =	sand.u32 $0xC00, s1;
	v33 =	vor.u32 v1, v33  }
0x2ea: {  	s26 =	sor.u32 s10, s26;
	v33 =	vand.u32 $0x3F80, v33;
	[tilespmem:v35+s20+$0x0] =	vst.idx.msk $0xffff, v34  }
0x2eb: {  	v34 =	vld [tilespmem:s26+$0x0];
	v35 =	vor.u32 v0, v33;
	_ =	sdelay $0x4  }
0x2ec: {  	[tilespmem:v35+s20+$0x0] =	vst.idx.msk $0xffff, v34  }
0x2ed: {  	v35 =	vor.u32 v2, v33;
	v34 =	vld [tilespmem:s26+$0x80];
	_ =	sdelay $0x4  }
0x2ee: {  	[tilespmem:v35+s20+$0x0] =	vst.idx.msk $0xffff, v34  }
0x2ef: {  	v35 =	vor.u32 v3, v33;
	v34 =	vld [tilespmem:s26+$0x100];
	_ =	sdelay $0x4  }
0x2f0: {  	[tilespmem:v35+s20+$0x0] =	vst.idx.msk $0xffff, v34  }
0x2f1: {  	v35 =	vor.u32 v4, v33;
	v34 =	vld [tilespmem:s26+$0x180];
	_ =	sdelay $0x4  }
0x2f2: {  	[tilespmem:v35+s20+$0x0] =	vst.idx.msk $0xffff, v34  }
0x2f3: {  	v35 =	vor.u32 v5, v33;
	v34 =	vld [tilespmem:s26+$0x200];
	_ =	sdelay $0x4  }
0x2f4: {  	[tilespmem:v35+s20+$0x0] =	vst.idx.msk $0xffff, v34  }
0x2f5: {  	v35 =	vor.u32 v6, v33;
	v34 =	vld [tilespmem:s26+$0x280];
	_ =	sdelay $0x4  }
0x2f6: {  	[tilespmem:v35+s20+$0x0] =	vst.idx.msk $0xffff, v34  }
0x2f7: {  	v35 =	vor.u32 v7, v33;
	v34 =	vld [tilespmem:s26+$0x300];
	_ =	sdelay $0x3  }
0x2f8: {  	s10 =	sor.u32 s1, s0;
	s0 =	smov.u32 s25  }
0x2f9: {  	s10 =	sor.u32 $0x380, s10;
	[tilespmem:v35+s20+$0x0] =	vst.idx.msk $0xffff, v34  }
0x2fa: {  	v35 =	vor.u32 v8, v33;
	v34 =	vld [tilespmem:s10+$0x0];
	_ =	sdelay $0x4  }
0x2fb: {  	[tilespmem:v35+s20+$0x0] =	vst.idx.msk $0xffff, v34  }
0x2fc: {  	v35 =	vor.u32 v9, v33;
	v34 =	vld [tilespmem:s26+$0x1000];
	_ =	sdelay $0x4  }
0x2fd: {  	[tilespmem:v35+s20+$0x0] =	vst.idx.msk $0xffff, v34  }
0x2fe: {  	v35 =	vor.u32 v10, v33;
	v34 =	vld [tilespmem:s26+$0x1080];
	_ =	sdelay $0x4  }
0x2ff: {  	[tilespmem:v35+s20+$0x0] =	vst.idx.msk $0xffff, v34  }
0x300: {  	v35 =	vor.u32 v11, v33;
	v34 =	vld [tilespmem:s26+$0x1100];
	_ =	sdelay $0x4  }
0x301: {  	[tilespmem:v35+s20+$0x0] =	vst.idx.msk $0xffff, v34  }
0x302: {  	v35 =	vor.u32 v12, v33;
	v34 =	vld [tilespmem:s26+$0x1180];
	_ =	sdelay $0x4  }
0x303: {  	[tilespmem:v35+s20+$0x0] =	vst.idx.msk $0xffff, v34  }
0x304: {  	v35 =	vor.u32 v13, v33;
	v34 =	vld [tilespmem:s26+$0x1200];
	_ =	sdelay $0x4  }
0x305: {  	[tilespmem:v35+s20+$0x0] =	vst.idx.msk $0xffff, v34  }
0x306: {  	v35 =	vor.u32 v14, v33;
	v34 =	vld [tilespmem:s26+$0x1280];
	_ =	sdelay $0x4  }
0x307: {  	[tilespmem:v35+s20+$0x0] =	vst.idx.msk $0xffff, v34  }
0x308: {  	v35 =	vor.u32 v15, v33;
	v34 =	vld [tilespmem:s26+$0x1300];
	_ =	sdelay $0x4  }
0x309: {  	[tilespmem:v35+s20+$0x0] =	vst.idx.msk $0xffff, v34  }
0x30a: {  	v35 =	vor.u32 v16, v33;
	v34 =	vld [tilespmem:s26+$0x1380];
	_ =	sdelay $0x4  }
0x30b: {  	[tilespmem:v35+s20+$0x0] =	vst.idx.msk $0xffff, v34  }
0x30c: {  	v35 =	vor.u32 v17, v33;
	v34 =	vld [tilespmem:s26+$0x2000];
	_ =	sdelay $0x4  }
0x30d: {  	[tilespmem:v35+s20+$0x0] =	vst.idx.msk $0xffff, v34  }
0x30e: {  	v35 =	vor.u32 v18, v33;
	v34 =	vld [tilespmem:s26+$0x2080];
	_ =	sdelay $0x4  }
0x30f: {  	[tilespmem:v35+s20+$0x0] =	vst.idx.msk $0xffff, v34  }
0x310: {  	v35 =	vor.u32 v19, v33;
	v34 =	vld [tilespmem:s26+$0x2100];
	_ =	sdelay $0x4  }
0x311: {  	[tilespmem:v35+s20+$0x0] =	vst.idx.msk $0xffff, v34  }
0x312: {  	v35 =	vor.u32 v20, v33;
	v34 =	vld [tilespmem:s26+$0x2180];
	_ =	sdelay $0x4  }
0x313: {  	[tilespmem:v35+s20+$0x0] =	vst.idx.msk $0xffff, v34  }
0x314: {  	v35 =	vor.u32 v21, v33;
	v34 =	vld [tilespmem:s26+$0x2200];
	_ =	sdelay $0x4  }
0x315: {  	[tilespmem:v35+s20+$0x0] =	vst.idx.msk $0xffff, v34  }
0x316: {  	v35 =	vor.u32 v22, v33;
	v34 =	vld [tilespmem:s26+$0x2280];
	_ =	sdelay $0x4  }
0x317: {  	[tilespmem:v35+s20+$0x0] =	vst.idx.msk $0xffff, v34  }
0x318: {  	v35 =	vor.u32 v23, v33;
	v34 =	vld [tilespmem:s26+$0x2300];
	_ =	sdelay $0x4  }
0x319: {  	[tilespmem:v35+s20+$0x0] =	vst.idx.msk $0xffff, v34  }
0x31a: {  	v35 =	vor.u32 v24, v33;
	v34 =	vld [tilespmem:s26+$0x2380];
	_ =	sdelay $0x4  }
0x31b: {  	[tilespmem:v35+s20+$0x0] =	vst.idx.msk $0xffff, v34  }
0x31c: {  	v35 =	vor.u32 v25, v33;
	v34 =	vld [tilespmem:s26+$0x3000];
	_ =	sdelay $0x4  }
0x31d: {  	[tilespmem:v35+s20+$0x0] =	vst.idx.msk $0xffff, v34  }
0x31e: {  	v35 =	vor.u32 v26, v33;
	v34 =	vld [tilespmem:s26+$0x3080];
	_ =	sdelay $0x4  }
0x31f: {  	[tilespmem:v35+s20+$0x0] =	vst.idx.msk $0xffff, v34  }
0x320: {  	v35 =	vor.u32 v27, v33;
	v34 =	vld [tilespmem:s26+$0x3100];
	_ =	sdelay $0x4  }
0x321: {  	[tilespmem:v35+s20+$0x0] =	vst.idx.msk $0xffff, v34  }
0x322: {  	v35 =	vor.u32 v28, v33;
	v34 =	vld [tilespmem:s26+$0x3180];
	_ =	sdelay $0x4  }
0x323: {  	[tilespmem:v35+s20+$0x0] =	vst.idx.msk $0xffff, v34  }
0x324: {  	v35 =	vor.u32 v29, v33;
	v34 =	vld [tilespmem:s26+$0x3200];
	_ =	sdelay $0x4  }
0x325: {  	[tilespmem:v35+s20+$0x0] =	vst.idx.msk $0xffff, v34  }
0x326: {  	v35 =	vor.u32 v30, v33;
	v34 =	vld [tilespmem:s26+$0x3280];
	_ =	sdelay $0x4  }
0x327: {  	[tilespmem:v35+s20+$0x0] =	vst.idx.msk $0xffff, v34  }
0x328: {  	v35 =	vor.u32 v31, v33;
	v34 =	vld [tilespmem:s26+$0x3300];
	_ =	sdelay $0x3  }
.Ltmp8:
0x329: {  	(pc) =	sbr.rel @p1 .LBB2_12-.Ltmp8, $3  }
0x32a: {  	[tilespmem:v35+s20+$0x0] =	vst.idx.msk $0xffff, v34  }
0x32b: {  	v35 =	vor.u32 v32, v33;
	v34 =	vld [tilespmem:s26+$0x3380];
	_ =	sdelay $0x1  }
0x32c: {  	s25 =	sadd.s32 $0x10, s25;
	v33 =	vmov s0  }
0x32d: {  	_ =	sdelay $0x1  }
0x32e: {  	v33 =	vshll.u32 v33, $0x5;
	s10 =	sadd.s32 $0x80, s1  }
0x32f: {  	s31 =	sand.u32 $0x70, s0;
	s25 =	sand.u32 $0xC00, s10;
	v33 =	vor.u32 v1, v33  }
0x330: {  	s1 =	sor.u32 s31, s25;
	v33 =	vand.u32 $0x3F80, v33;
	[tilespmem:v35+s20+$0x0] =	vst.idx.msk $0xffff, v34  }
0x331: {  	v34 =	vld [tilespmem:s1+$0x0];
	v56 =	vor.u32 v0, v33;
	_ =	sdelay $0x4  }
0x332: {  	[tilespmem:v56+s20+$0x0] =	vst.idx.msk $0xffff, v34  }
0x333: {  	v57 =	vor.u32 v2, v33;
	v34 =	vld [tilespmem:s1+$0x80];
	_ =	sdelay $0x4  }
0x334: {  	[tilespmem:v57+s20+$0x0] =	vst.idx.msk $0xffff, v34  }
0x335: {  	v58 =	vor.u32 v3, v33;
	v34 =	vld [tilespmem:s1+$0x100];
	_ =	sdelay $0x4  }
0x336: {  	[tilespmem:v58+s20+$0x0] =	vst.idx.msk $0xffff, v34  }
0x337: {  	v59 =	vor.u32 v4, v33;
	v34 =	vld [tilespmem:s1+$0x180];
	_ =	sdelay $0x4  }
0x338: {  	[tilespmem:v59+s20+$0x0] =	vst.idx.msk $0xffff, v34  }
0x339: {  	v60 =	vor.u32 v5, v33;
	v34 =	vld [tilespmem:s1+$0x200];
	_ =	sdelay $0x4  }
0x33a: {  	[tilespmem:v60+s20+$0x0] =	vst.idx.msk $0xffff, v34  }
0x33b: {  	v61 =	vor.u32 v6, v33;
	v34 =	vld [tilespmem:s1+$0x280];
	_ =	sdelay $0x4  }
0x33c: {  	[tilespmem:v61+s20+$0x0] =	vst.idx.msk $0xffff, v34  }
0x33d: {  	v62 =	vor.u32 v7, v33;
	v34 =	vld [tilespmem:s1+$0x300];
	_ =	sdelay $0x3  }
0x33e: {  	s25 =	sor.u32 s10, s0  }
0x33f: {  	s0 =	sor.u32 $0x380, s25;
	[tilespmem:v62+s20+$0x0] =	vst.idx.msk $0xffff, v34  }
0x340: {  	v63 =	vor.u32 v8, v33;
	v34 =	vld [tilespmem:s0+$0x0];
	_ =	sdelay $0x4  }
0x341: {  	[tilespmem:v63+s20+$0x0] =	vst.idx.msk $0xffff, v34  }
0x342: {  	v36 =	vor.u32 v9, v33;
	v34 =	vld [tilespmem:s1+$0x1000];
	_ =	sdelay $0x4  }
0x343: {  	[tilespmem:v36+s20+$0x0] =	vst.idx.msk $0xffff, v34  }
0x344: {  	v37 =	vor.u32 v10, v33;
	v34 =	vld [tilespmem:s1+$0x1080];
	_ =	sdelay $0x4  }
0x345: {  	[tilespmem:v37+s20+$0x0] =	vst.idx.msk $0xffff, v34  }
0x346: {  	v38 =	vor.u32 v11, v33;
	v34 =	vld [tilespmem:s1+$0x1100];
	_ =	sdelay $0x4  }
0x347: {  	[tilespmem:v38+s20+$0x0] =	vst.idx.msk $0xffff, v34  }
0x348: {  	v39 =	vor.u32 v12, v33;
	v34 =	vld [tilespmem:s1+$0x1180];
	_ =	sdelay $0x4  }
0x349: {  	[tilespmem:v39+s20+$0x0] =	vst.idx.msk $0xffff, v34  }
0x34a: {  	v40 =	vor.u32 v13, v33;
	v34 =	vld [tilespmem:s1+$0x1200];
	_ =	sdelay $0x4  }
0x34b: {  	[tilespmem:v40+s20+$0x0] =	vst.idx.msk $0xffff, v34  }
0x34c: {  	v41 =	vor.u32 v14, v33;
	v34 =	vld [tilespmem:s1+$0x1280];
	_ =	sdelay $0x4  }
0x34d: {  	[tilespmem:v41+s20+$0x0] =	vst.idx.msk $0xffff, v34  }
0x34e: {  	v42 =	vor.u32 v15, v33;
	v34 =	vld [tilespmem:s1+$0x1300];
	_ =	sdelay $0x4  }
0x34f: {  	[tilespmem:v42+s20+$0x0] =	vst.idx.msk $0xffff, v34  }
0x350: {  	v43 =	vor.u32 v16, v33;
	v34 =	vld [tilespmem:s1+$0x1380];
	_ =	sdelay $0x4  }
0x351: {  	[tilespmem:v43+s20+$0x0] =	vst.idx.msk $0xffff, v34  }
0x352: {  	v44 =	vor.u32 v17, v33;
	v34 =	vld [tilespmem:s1+$0x2000];
	_ =	sdelay $0x4  }
0x353: {  	[tilespmem:v44+s20+$0x0] =	vst.idx.msk $0xffff, v34  }
0x354: {  	v45 =	vor.u32 v18, v33;
	v34 =	vld [tilespmem:s1+$0x2080];
	_ =	sdelay $0x4  }
0x355: {  	[tilespmem:v45+s20+$0x0] =	vst.idx.msk $0xffff, v34  }
0x356: {  	v46 =	vor.u32 v19, v33;
	v34 =	vld [tilespmem:s1+$0x2100];
	_ =	sdelay $0x4  }
0x357: {  	[tilespmem:v46+s20+$0x0] =	vst.idx.msk $0xffff, v34  }
0x358: {  	v47 =	vor.u32 v20, v33;
	v34 =	vld [tilespmem:s1+$0x2180];
	_ =	sdelay $0x4  }
0x359: {  	[tilespmem:v47+s20+$0x0] =	vst.idx.msk $0xffff, v34  }
0x35a: {  	v48 =	vor.u32 v21, v33;
	v34 =	vld [tilespmem:s1+$0x2200];
	_ =	sdelay $0x4  }
0x35b: {  	[tilespmem:v48+s20+$0x0] =	vst.idx.msk $0xffff, v34  }
0x35c: {  	v49 =	vor.u32 v22, v33;
	v34 =	vld [tilespmem:s1+$0x2280];
	_ =	sdelay $0x4  }
0x35d: {  	[tilespmem:v49+s20+$0x0] =	vst.idx.msk $0xffff, v34  }
0x35e: {  	v50 =	vor.u32 v23, v33;
	v34 =	vld [tilespmem:s1+$0x2300];
	_ =	sdelay $0x4  }
0x35f: {  	[tilespmem:v50+s20+$0x0] =	vst.idx.msk $0xffff, v34  }
0x360: {  	v51 =	vor.u32 v24, v33;
	v34 =	vld [tilespmem:s1+$0x2380];
	_ =	sdelay $0x4  }
0x361: {  	[tilespmem:v51+s20+$0x0] =	vst.idx.msk $0xffff, v34  }
0x362: {  	v52 =	vor.u32 v25, v33;
	v34 =	vld [tilespmem:s1+$0x3000];
	_ =	sdelay $0x4  }
0x363: {  	[tilespmem:v52+s20+$0x0] =	vst.idx.msk $0xffff, v34  }
0x364: {  	v53 =	vor.u32 v26, v33;
	v34 =	vld [tilespmem:s1+$0x3080];
	_ =	sdelay $0x4  }
0x365: {  	[tilespmem:v53+s20+$0x0] =	vst.idx.msk $0xffff, v34  }
0x366: {  	v54 =	vor.u32 v27, v33;
	v34 =	vld [tilespmem:s1+$0x3100];
	_ =	sdelay $0x4  }
0x367: {  	[tilespmem:v54+s20+$0x0] =	vst.idx.msk $0xffff, v34  }
0x368: {  	v55 =	vor.u32 v28, v33;
	v34 =	vld [tilespmem:s1+$0x3180];
	_ =	sdelay $0x4  }
0x369: {  	[tilespmem:v55+s20+$0x0] =	vst.idx.msk $0xffff, v34  }
0x36a: {  	v56 =	vor.u32 v29, v33;
	v34 =	vld [tilespmem:s1+$0x3200];
	_ =	sdelay $0x4  }
0x36b: {  	[tilespmem:v56+s20+$0x0] =	vst.idx.msk $0xffff, v34  }
0x36c: {  	v57 =	vor.u32 v30, v33;
	v34 =	vld [tilespmem:s1+$0x3280];
	_ =	sdelay $0x4  }
0x36d: {  	[tilespmem:v57+s20+$0x0] =	vst.idx.msk $0xffff, v34  }
0x36e: {  	v58 =	vor.u32 v31, v33;
	v34 =	vld [tilespmem:s1+$0x3300];
	_ =	sdelay $0x4  }
0x36f: {  	[tilespmem:v58+s20+$0x0] =	vst.idx.msk $0xffff, v34  }
0x370: {  	v33 =	vor.u32 v32, v33;
	v34 =	vld [tilespmem:s1+$0x3380];
	_ =	sdelay $0x4  }
0x371: {  	s26 =	simm.s32 $0x0;
	[tilespmem:v33+s20+$0x0] =	vst.idx.msk $0xffff, v34  }
0x372: {  	[hbm4b:s12+s26] =	stream.linear.scatter [tilespmem:s20], [sflag:$0x3], $0x4000, $0x38;
	[tilespmem:$0x11000] =	vst v63  }
0x373: {  	_ =	swait.ge [sflag:s23], $0x4000  }
0x374: {  	[sflag:s23] =	ssyncset.done $0x0  }
0x375: {  	s29 =	simm.s32 $0x400;
	s30 =	simm.s32 $0x8000;
	[sflag:s23] =	ssyncadd.s32 $0xFFFFC000  }
0x376: {  	v59 =	vmov s26;
	[tilespmem:s30], [sflag:$0x1] =	stream.strided.gather [hbm4b:s13+s29], $0x1000, s17, s29, $0x38;
	[tilespmem:$0x11000] =	vst v63  }
0x377: {  	v33 =	vshll.u32 v59, $0x5;
	_ =	swait.ge [sflag:s19], $0x1000  }
0x378: {  	v33 =	vor.u32 v1, v33;
	[sflag:s19] =	ssyncset.done $0x0  }
0x379: {  	s1 =	simm.s32 $0x8800;
	v33 =	vand.u32 $0x780, v33;
	[sflag:s19] =	ssyncadd.s32 $0xFFFFF000  }
0x37a: {  	v61 =	vor.u32 v0, v33;
	v60 =	vld [tilespmem:s1+$0xFFFFF800];
	_ =	sdelay $0x4  }
0x37b: {  	[tilespmem:v61+s20+$0x0] =	vst.idx.msk $0xffff, v60  }
0x37c: {  	v62 =	vor.u32 v2, v33;
	v34 =	vld [tilespmem:s1+$0xFFFFF880];
	_ =	sdelay $0x4  }
0x37d: {  	[tilespmem:v62+s20+$0x0] =	vst.idx.msk $0xffff, v34  }
0x37e: {  	v63 =	vor.u32 v3, v33;
	v34 =	vld [tilespmem:s1+$0xFFFFF900];
	_ =	sdelay $0x4  }
0x37f: {  	[tilespmem:v63+s20+$0x0] =	vst.idx.msk $0xffff, v34  }
0x380: {  	v36 =	vor.u32 v4, v33;
	v34 =	vld [tilespmem:s1+$0xFFFFF980];
	_ =	sdelay $0x4  }
0x381: {  	[tilespmem:v36+s20+$0x0] =	vst.idx.msk $0xffff, v34  }
0x382: {  	v37 =	vor.u32 v5, v33;
	v34 =	vld [tilespmem:s1+$0xFFFFFA00];
	_ =	sdelay $0x4  }
0x383: {  	[tilespmem:v37+s20+$0x0] =	vst.idx.msk $0xffff, v34  }
0x384: {  	v38 =	vor.u32 v6, v33;
	v34 =	vld [tilespmem:s1+$0xFFFFFA80];
	_ =	sdelay $0x4  }
0x385: {  	[tilespmem:v38+s20+$0x0] =	vst.idx.msk $0xffff, v34  }
0x386: {  	v39 =	vor.u32 v7, v33;
	v34 =	vld [tilespmem:s1+$0xFFFFFB00];
	_ =	sdelay $0x4  }
0x387: {  	[tilespmem:v39+s20+$0x0] =	vst.idx.msk $0xffff, v34  }
0x388: {  	v40 =	vor.u32 v8, v33;
	v34 =	vld [tilespmem:s1+$0xFFFFFB80];
	_ =	sdelay $0x4  }
0x389: {  	[tilespmem:v40+s20+$0x0] =	vst.idx.msk $0xffff, v34  }
0x38a: {  	v41 =	vor.u32 v9, v33;
	v34 =	vld [tilespmem:s1+$0xFFFFFC00];
	_ =	sdelay $0x4  }
0x38b: {  	[tilespmem:v41+s20+$0x0] =	vst.idx.msk $0xffff, v34  }
0x38c: {  	v42 =	vor.u32 v10, v33;
	v34 =	vld [tilespmem:s1+$0xFFFFFC80];
	_ =	sdelay $0x4  }
0x38d: {  	[tilespmem:v42+s20+$0x0] =	vst.idx.msk $0xffff, v34  }
0x38e: {  	v43 =	vor.u32 v11, v33;
	v34 =	vld [tilespmem:s1+$0xFFFFFD00];
	_ =	sdelay $0x4  }
0x38f: {  	[tilespmem:v43+s20+$0x0] =	vst.idx.msk $0xffff, v34  }
0x390: {  	v44 =	vor.u32 v12, v33;
	v34 =	vld [tilespmem:s1+$0xFFFFFD80];
	_ =	sdelay $0x4  }
0x391: {  	[tilespmem:v44+s20+$0x0] =	vst.idx.msk $0xffff, v34  }
0x392: {  	v45 =	vor.u32 v13, v33;
	v34 =	vld [tilespmem:s1+$0xFFFFFE00];
	_ =	sdelay $0x4  }
0x393: {  	[tilespmem:v45+s20+$0x0] =	vst.idx.msk $0xffff, v34  }
0x394: {  	v46 =	vor.u32 v14, v33;
	v34 =	vld [tilespmem:s1+$0xFFFFFE80];
	_ =	sdelay $0x4  }
0x395: {  	[tilespmem:v46+s20+$0x0] =	vst.idx.msk $0xffff, v34  }
0x396: {  	v47 =	vor.u32 v15, v33;
	v34 =	vld [tilespmem:s1+$0xFFFFFF00];
	_ =	sdelay $0x4  }
0x397: {  	[tilespmem:v47+s20+$0x0] =	vst.idx.msk $0xffff, v34  }
0x398: {  	v48 =	vor.u32 v16, v33;
	v34 =	vld [tilespmem:s1+$0xFFFFFF80];
	_ =	sdelay $0x4  }
0x399: {  	[tilespmem:v48+s20+$0x0] =	vst.idx.msk $0xffff, v34  }
0x39a: {  	v49 =	vor.u32 v17, v33;
	v34 =	vld [tilespmem:s1+$0x0];
	_ =	sdelay $0x4  }
0x39b: {  	[tilespmem:v49+s20+$0x0] =	vst.idx.msk $0xffff, v34  }
0x39c: {  	v50 =	vor.u32 v18, v33;
	v34 =	vld [tilespmem:s1+$0x80];
	_ =	sdelay $0x4  }
0x39d: {  	[tilespmem:v50+s20+$0x0] =	vst.idx.msk $0xffff, v34  }
0x39e: {  	v51 =	vor.u32 v19, v33;
	v34 =	vld [tilespmem:s1+$0x100];
	_ =	sdelay $0x4  }
0x39f: {  	[tilespmem:v51+s20+$0x0] =	vst.idx.msk $0xffff, v34  }
0x3a0: {  	v52 =	vor.u32 v20, v33;
	v34 =	vld [tilespmem:s1+$0x180];
	_ =	sdelay $0x4  }
0x3a1: {  	[tilespmem:v52+s20+$0x0] =	vst.idx.msk $0xffff, v34  }
0x3a2: {  	v53 =	vor.u32 v21, v33;
	v34 =	vld [tilespmem:s1+$0x200];
	_ =	sdelay $0x4  }
0x3a3: {  	[tilespmem:v53+s20+$0x0] =	vst.idx.msk $0xffff, v34  }
0x3a4: {  	v54 =	vor.u32 v22, v33;
	v34 =	vld [tilespmem:s1+$0x280];
	_ =	sdelay $0x4  }
0x3a5: {  	[tilespmem:v54+s20+$0x0] =	vst.idx.msk $0xffff, v34  }
0x3a6: {  	v55 =	vor.u32 v23, v33;
	v34 =	vld [tilespmem:s1+$0x300];
	_ =	sdelay $0x4  }
0x3a7: {  	[tilespmem:v55+s20+$0x0] =	vst.idx.msk $0xffff, v34  }
0x3a8: {  	v56 =	vor.u32 v24, v33;
	v34 =	vld [tilespmem:s1+$0x380];
	_ =	sdelay $0x4  }
0x3a9: {  	[tilespmem:v56+s20+$0x0] =	vst.idx.msk $0xffff, v34  }
0x3aa: {  	v57 =	vor.u32 v25, v33;
	v34 =	vld [tilespmem:s1+$0x400];
	_ =	sdelay $0x4  }
0x3ab: {  	[tilespmem:v57+s20+$0x0] =	vst.idx.msk $0xffff, v34  }
0x3ac: {  	v58 =	vor.u32 v26, v33;
	v34 =	vld [tilespmem:s1+$0x480];
	_ =	sdelay $0x4  }
0x3ad: {  	[tilespmem:v58+s20+$0x0] =	vst.idx.msk $0xffff, v34  }
0x3ae: {  	v59 =	vor.u32 v27, v33;
	v34 =	vld [tilespmem:s1+$0x500];
	_ =	sdelay $0x4  }
0x3af: {  	[tilespmem:v59+s20+$0x0] =	vst.idx.msk $0xffff, v34  }
0x3b0: {  	v60 =	vor.u32 v28, v33;
	v34 =	vld [tilespmem:s1+$0x580];
	_ =	sdelay $0x4  }
0x3b1: {  	[tilespmem:v60+s20+$0x0] =	vst.idx.msk $0xffff, v34  }
0x3b2: {  	v61 =	vor.u32 v29, v33;
	v34 =	vld [tilespmem:s1+$0x600];
	_ =	sdelay $0x4  }
0x3b3: {  	[tilespmem:v61+s20+$0x0] =	vst.idx.msk $0xffff, v34  }
0x3b4: {  	v62 =	vor.u32 v30, v33;
	v34 =	vld [tilespmem:s1+$0x680];
	_ =	sdelay $0x4  }
0x3b5: {  	[tilespmem:v62+s20+$0x0] =	vst.idx.msk $0xffff, v34  }
0x3b6: {  	v63 =	vor.u32 v31, v33;
	v34 =	vld [tilespmem:s1+$0x700];
	_ =	sdelay $0x4  }
0x3b7: {  	[tilespmem:v63+s20+$0x0] =	vst.idx.msk $0xffff, v34  }
0x3b8: {  	v35 =	vor.u32 v32, v33;
	v34 =	vld [tilespmem:s1+$0x780]  }
0x3b9: {  	s31 =	simm.s32 $0x10  }
0x3ba: {  	s0 =	simm.s32 $0x20;
	v33 =	vmov s31  }
.LBB2_14:
0x3bb: {  	p1 =	sne.s32 s0, $0x30;
	v33 =	vshll.u32 v33, $0x5  }
0x3bc: {  	v33 =	vor.u32 v1, v33  }
0x3bd: {  	s1 =	sadd.s32 $0x10, s1;
	v33 =	vand.u32 $0x780, v33;
	[tilespmem:v35+s20+$0x0] =	vst.idx.msk $0xffff, v34  }
0x3be: {  	v34 =	vld [tilespmem:s1+$0xFFFFF800];
	v35 =	vor.u32 v0, v33;
	_ =	sdelay $0x4  }
0x3bf: {  	[tilespmem:v35+s20+$0x0] =	vst.idx.msk $0xffff, v34  }
0x3c0: {  	v35 =	vor.u32 v2, v33;
	v34 =	vld [tilespmem:s1+$0xFFFFF880];
	_ =	sdelay $0x4  }
0x3c1: {  	[tilespmem:v35+s20+$0x0] =	vst.idx.msk $0xffff, v34  }
0x3c2: {  	v35 =	vor.u32 v3, v33;
	v34 =	vld [tilespmem:s1+$0xFFFFF900];
	_ =	sdelay $0x4  }
0x3c3: {  	[tilespmem:v35+s20+$0x0] =	vst.idx.msk $0xffff, v34  }
0x3c4: {  	v35 =	vor.u32 v4, v33;
	v34 =	vld [tilespmem:s1+$0xFFFFF980];
	_ =	sdelay $0x4  }
0x3c5: {  	[tilespmem:v35+s20+$0x0] =	vst.idx.msk $0xffff, v34  }
0x3c6: {  	v35 =	vor.u32 v5, v33;
	v34 =	vld [tilespmem:s1+$0xFFFFFA00];
	_ =	sdelay $0x4  }
0x3c7: {  	[tilespmem:v35+s20+$0x0] =	vst.idx.msk $0xffff, v34  }
0x3c8: {  	v35 =	vor.u32 v6, v33;
	v34 =	vld [tilespmem:s1+$0xFFFFFA80];
	_ =	sdelay $0x4  }
0x3c9: {  	[tilespmem:v35+s20+$0x0] =	vst.idx.msk $0xffff, v34  }
0x3ca: {  	v35 =	vor.u32 v7, v33;
	v34 =	vld [tilespmem:s1+$0xFFFFFB00];
	_ =	sdelay $0x4  }
0x3cb: {  	[tilespmem:v35+s20+$0x0] =	vst.idx.msk $0xffff, v34  }
0x3cc: {  	v35 =	vor.u32 v8, v33;
	v34 =	vld [tilespmem:s1+$0xFFFFFB80];
	_ =	sdelay $0x4  }
0x3cd: {  	[tilespmem:v35+s20+$0x0] =	vst.idx.msk $0xffff, v34  }
0x3ce: {  	v35 =	vor.u32 v9, v33;
	v34 =	vld [tilespmem:s1+$0xFFFFFC00];
	_ =	sdelay $0x4  }
0x3cf: {  	[tilespmem:v35+s20+$0x0] =	vst.idx.msk $0xffff, v34  }
0x3d0: {  	v35 =	vor.u32 v10, v33;
	v34 =	vld [tilespmem:s1+$0xFFFFFC80];
	_ =	sdelay $0x4  }
0x3d1: {  	[tilespmem:v35+s20+$0x0] =	vst.idx.msk $0xffff, v34  }
0x3d2: {  	v35 =	vor.u32 v11, v33;
	v34 =	vld [tilespmem:s1+$0xFFFFFD00];
	_ =	sdelay $0x4  }
0x3d3: {  	[tilespmem:v35+s20+$0x0] =	vst.idx.msk $0xffff, v34  }
0x3d4: {  	v35 =	vor.u32 v12, v33;
	v34 =	vld [tilespmem:s1+$0xFFFFFD80];
	_ =	sdelay $0x4  }
0x3d5: {  	[tilespmem:v35+s20+$0x0] =	vst.idx.msk $0xffff, v34  }
0x3d6: {  	v35 =	vor.u32 v13, v33;
	v34 =	vld [tilespmem:s1+$0xFFFFFE00];
	_ =	sdelay $0x4  }
0x3d7: {  	[tilespmem:v35+s20+$0x0] =	vst.idx.msk $0xffff, v34  }
0x3d8: {  	v35 =	vor.u32 v14, v33;
	v34 =	vld [tilespmem:s1+$0xFFFFFE80];
	_ =	sdelay $0x4  }
0x3d9: {  	[tilespmem:v35+s20+$0x0] =	vst.idx.msk $0xffff, v34  }
0x3da: {  	v35 =	vor.u32 v15, v33;
	v34 =	vld [tilespmem:s1+$0xFFFFFF00];
	_ =	sdelay $0x4  }
0x3db: {  	[tilespmem:v35+s20+$0x0] =	vst.idx.msk $0xffff, v34  }
0x3dc: {  	v35 =	vor.u32 v16, v33;
	v34 =	vld [tilespmem:s1+$0xFFFFFF80];
	_ =	sdelay $0x4  }
0x3dd: {  	[tilespmem:v35+s20+$0x0] =	vst.idx.msk $0xffff, v34  }
0x3de: {  	v35 =	vor.u32 v17, v33;
	v34 =	vld [tilespmem:s1+$0x0];
	_ =	sdelay $0x4  }
0x3df: {  	[tilespmem:v35+s20+$0x0] =	vst.idx.msk $0xffff, v34  }
0x3e0: {  	v35 =	vor.u32 v18, v33;
	v34 =	vld [tilespmem:s1+$0x80];
	_ =	sdelay $0x4  }
0x3e1: {  	[tilespmem:v35+s20+$0x0] =	vst.idx.msk $0xffff, v34  }
0x3e2: {  	v35 =	vor.u32 v19, v33;
	v34 =	vld [tilespmem:s1+$0x100];
	_ =	sdelay $0x4  }
0x3e3: {  	[tilespmem:v35+s20+$0x0] =	vst.idx.msk $0xffff, v34  }
0x3e4: {  	v35 =	vor.u32 v20, v33;
	v34 =	vld [tilespmem:s1+$0x180];
	_ =	sdelay $0x4  }
0x3e5: {  	[tilespmem:v35+s20+$0x0] =	vst.idx.msk $0xffff, v34  }
0x3e6: {  	v35 =	vor.u32 v21, v33;
	v34 =	vld [tilespmem:s1+$0x200];
	_ =	sdelay $0x4  }
0x3e7: {  	[tilespmem:v35+s20+$0x0] =	vst.idx.msk $0xffff, v34  }
0x3e8: {  	v35 =	vor.u32 v22, v33;
	v34 =	vld [tilespmem:s1+$0x280];
	_ =	sdelay $0x4  }
0x3e9: {  	[tilespmem:v35+s20+$0x0] =	vst.idx.msk $0xffff, v34  }
0x3ea: {  	v35 =	vor.u32 v23, v33;
	v34 =	vld [tilespmem:s1+$0x300];
	_ =	sdelay $0x4  }
0x3eb: {  	[tilespmem:v35+s20+$0x0] =	vst.idx.msk $0xffff, v34  }
0x3ec: {  	v35 =	vor.u32 v24, v33;
	v34 =	vld [tilespmem:s1+$0x380];
	_ =	sdelay $0x4  }
0x3ed: {  	[tilespmem:v35+s20+$0x0] =	vst.idx.msk $0xffff, v34  }
0x3ee: {  	v35 =	vor.u32 v25, v33;
	v34 =	vld [tilespmem:s1+$0x400];
	_ =	sdelay $0x4  }
0x3ef: {  	[tilespmem:v35+s20+$0x0] =	vst.idx.msk $0xffff, v34  }
0x3f0: {  	v35 =	vor.u32 v26, v33;
	v34 =	vld [tilespmem:s1+$0x480];
	_ =	sdelay $0x4  }
0x3f1: {  	[tilespmem:v35+s20+$0x0] =	vst.idx.msk $0xffff, v34  }
0x3f2: {  	v35 =	vor.u32 v27, v33;
	v34 =	vld [tilespmem:s1+$0x500];
	_ =	sdelay $0x4  }
0x3f3: {  	[tilespmem:v35+s20+$0x0] =	vst.idx.msk $0xffff, v34  }
0x3f4: {  	v35 =	vor.u32 v28, v33;
	v34 =	vld [tilespmem:s1+$0x580];
	_ =	sdelay $0x4  }
0x3f5: {  	[tilespmem:v35+s20+$0x0] =	vst.idx.msk $0xffff, v34  }
0x3f6: {  	v35 =	vor.u32 v29, v33;
	v34 =	vld [tilespmem:s1+$0x600];
	_ =	sdelay $0x4  }
0x3f7: {  	[tilespmem:v35+s20+$0x0] =	vst.idx.msk $0xffff, v34  }
0x3f8: {  	v35 =	vor.u32 v30, v33;
	v34 =	vld [tilespmem:s1+$0x680];
	_ =	sdelay $0x4  }
0x3f9: {  	[tilespmem:v35+s20+$0x0] =	vst.idx.msk $0xffff, v34  }
0x3fa: {  	v35 =	vor.u32 v31, v33;
	v34 =	vld [tilespmem:s1+$0x700];
	_ =	sdelay $0x3  }
.Ltmp9:
0x3fb: {  	(pc) =	sbr.rel @p1 .LBB2_14-.Ltmp9, $3  }
0x3fc: {  	[tilespmem:v35+s20+$0x0] =	vst.idx.msk $0xffff, v34  }
0x3fd: {  	v35 =	vor.u32 v32, v33;
	v34 =	vld [tilespmem:s1+$0x780];
	_ =	sdelay $0x1  }
0x3fe: {  	v33 =	vmov s0;
	s0 =	sadd.s32 $0x10, s0  }
0x3ff: {  	_ =	sdelay $0x1  }
0x400: {  	v33 =	vshll.u32 v33, $0x5  }
0x401: {  	v33 =	vor.u32 v1, v33  }
0x402: {  	s0 =	sadd.s32 $0x10, s1;
	v33 =	vand.u32 $0x780, v33;
	[tilespmem:v35+s20+$0x0] =	vst.idx.msk $0xffff, v34  }
0x403: {  	v34 =	vld [tilespmem:s0+$0xFFFFF800];
	v61 =	vor.u32 v0, v33;
	_ =	sdelay $0x4  }
0x404: {  	[tilespmem:v61+s20+$0x0] =	vst.idx.msk $0xffff, v34  }
0x405: {  	v62 =	vor.u32 v2, v33;
	v34 =	vld [tilespmem:s0+$0xFFFFF880];
	_ =	sdelay $0x4  }
0x406: {  	[tilespmem:v62+s20+$0x0] =	vst.idx.msk $0xffff, v34  }
0x407: {  	v63 =	vor.u32 v3, v33;
	v34 =	vld [tilespmem:s0+$0xFFFFF900];
	_ =	sdelay $0x4  }
0x408: {  	[tilespmem:v63+s20+$0x0] =	vst.idx.msk $0xffff, v34  }
0x409: {  	v36 =	vor.u32 v4, v33;
	v34 =	vld [tilespmem:s0+$0xFFFFF980];
	_ =	sdelay $0x4  }
0x40a: {  	[tilespmem:v36+s20+$0x0] =	vst.idx.msk $0xffff, v34  }
0x40b: {  	v37 =	vor.u32 v5, v33;
	v34 =	vld [tilespmem:s0+$0xFFFFFA00];
	_ =	sdelay $0x4  }
0x40c: {  	[tilespmem:v37+s20+$0x0] =	vst.idx.msk $0xffff, v34  }
0x40d: {  	v38 =	vor.u32 v6, v33;
	v34 =	vld [tilespmem:s0+$0xFFFFFA80];
	_ =	sdelay $0x4  }
0x40e: {  	[tilespmem:v38+s20+$0x0] =	vst.idx.msk $0xffff, v34  }
0x40f: {  	v39 =	vor.u32 v7, v33;
	v34 =	vld [tilespmem:s0+$0xFFFFFB00];
	_ =	sdelay $0x4  }
0x410: {  	[tilespmem:v39+s20+$0x0] =	vst.idx.msk $0xffff, v34  }
0x411: {  	v40 =	vor.u32 v8, v33;
	v34 =	vld [tilespmem:s0+$0xFFFFFB80];
	_ =	sdelay $0x4  }
0x412: {  	[tilespmem:v40+s20+$0x0] =	vst.idx.msk $0xffff, v34  }
0x413: {  	v41 =	vor.u32 v9, v33;
	v34 =	vld [tilespmem:s0+$0xFFFFFC00];
	_ =	sdelay $0x4  }
0x414: {  	[tilespmem:v41+s20+$0x0] =	vst.idx.msk $0xffff, v34  }
0x415: {  	v42 =	vor.u32 v10, v33;
	v34 =	vld [tilespmem:s0+$0xFFFFFC80];
	_ =	sdelay $0x4  }
0x416: {  	[tilespmem:v42+s20+$0x0] =	vst.idx.msk $0xffff, v34  }
0x417: {  	v43 =	vor.u32 v11, v33;
	v34 =	vld [tilespmem:s0+$0xFFFFFD00];
	_ =	sdelay $0x4  }
0x418: {  	[tilespmem:v43+s20+$0x0] =	vst.idx.msk $0xffff, v34  }
0x419: {  	v44 =	vor.u32 v12, v33;
	v34 =	vld [tilespmem:s0+$0xFFFFFD80];
	_ =	sdelay $0x4  }
0x41a: {  	[tilespmem:v44+s20+$0x0] =	vst.idx.msk $0xffff, v34  }
0x41b: {  	v45 =	vor.u32 v13, v33;
	v34 =	vld [tilespmem:s0+$0xFFFFFE00];
	_ =	sdelay $0x4  }
0x41c: {  	[tilespmem:v45+s20+$0x0] =	vst.idx.msk $0xffff, v34  }
0x41d: {  	v46 =	vor.u32 v14, v33;
	v34 =	vld [tilespmem:s0+$0xFFFFFE80];
	_ =	sdelay $0x4  }
0x41e: {  	[tilespmem:v46+s20+$0x0] =	vst.idx.msk $0xffff, v34  }
0x41f: {  	v47 =	vor.u32 v15, v33;
	v34 =	vld [tilespmem:s0+$0xFFFFFF00];
	_ =	sdelay $0x4  }
0x420: {  	[tilespmem:v47+s20+$0x0] =	vst.idx.msk $0xffff, v34  }
0x421: {  	v48 =	vor.u32 v16, v33;
	v34 =	vld [tilespmem:s0+$0xFFFFFF80];
	_ =	sdelay $0x4  }
0x422: {  	[tilespmem:v48+s20+$0x0] =	vst.idx.msk $0xffff, v34  }
0x423: {  	v49 =	vor.u32 v17, v33;
	v34 =	vld [tilespmem:s0+$0x0];
	_ =	sdelay $0x4  }
0x424: {  	[tilespmem:v49+s20+$0x0] =	vst.idx.msk $0xffff, v34  }
0x425: {  	v50 =	vor.u32 v18, v33;
	v34 =	vld [tilespmem:s0+$0x80];
	_ =	sdelay $0x4  }
0x426: {  	[tilespmem:v50+s20+$0x0] =	vst.idx.msk $0xffff, v34  }
0x427: {  	v51 =	vor.u32 v19, v33;
	v34 =	vld [tilespmem:s0+$0x100];
	_ =	sdelay $0x4  }
0x428: {  	[tilespmem:v51+s20+$0x0] =	vst.idx.msk $0xffff, v34  }
0x429: {  	v52 =	vor.u32 v20, v33;
	v34 =	vld [tilespmem:s0+$0x180];
	_ =	sdelay $0x4  }
0x42a: {  	[tilespmem:v52+s20+$0x0] =	vst.idx.msk $0xffff, v34  }
0x42b: {  	v53 =	vor.u32 v21, v33;
	v34 =	vld [tilespmem:s0+$0x200];
	_ =	sdelay $0x4  }
0x42c: {  	[tilespmem:v53+s20+$0x0] =	vst.idx.msk $0xffff, v34  }
0x42d: {  	v54 =	vor.u32 v22, v33;
	v34 =	vld [tilespmem:s0+$0x280];
	_ =	sdelay $0x4  }
0x42e: {  	[tilespmem:v54+s20+$0x0] =	vst.idx.msk $0xffff, v34  }
0x42f: {  	v55 =	vor.u32 v23, v33;
	v34 =	vld [tilespmem:s0+$0x300];
	_ =	sdelay $0x4  }
0x430: {  	[tilespmem:v55+s20+$0x0] =	vst.idx.msk $0xffff, v34  }
0x431: {  	v56 =	vor.u32 v24, v33;
	v34 =	vld [tilespmem:s0+$0x380];
	_ =	sdelay $0x4  }
0x432: {  	[tilespmem:v56+s20+$0x0] =	vst.idx.msk $0xffff, v34  }
0x433: {  	v57 =	vor.u32 v25, v33;
	v34 =	vld [tilespmem:s0+$0x400];
	_ =	sdelay $0x4  }
0x434: {  	[tilespmem:v57+s20+$0x0] =	vst.idx.msk $0xffff, v34  }
0x435: {  	v58 =	vor.u32 v26, v33;
	v34 =	vld [tilespmem:s0+$0x480];
	_ =	sdelay $0x4  }
0x436: {  	[tilespmem:v58+s20+$0x0] =	vst.idx.msk $0xffff, v34  }
0x437: {  	v59 =	vor.u32 v27, v33;
	v34 =	vld [tilespmem:s0+$0x500];
	_ =	sdelay $0x4  }
0x438: {  	[tilespmem:v59+s20+$0x0] =	vst.idx.msk $0xffff, v34  }
0x439: {  	v60 =	vor.u32 v28, v33;
	v34 =	vld [tilespmem:s0+$0x580];
	_ =	sdelay $0x4  }
0x43a: {  	[tilespmem:v60+s20+$0x0] =	vst.idx.msk $0xffff, v34  }
0x43b: {  	v61 =	vor.u32 v29, v33;
	v34 =	vld [tilespmem:s0+$0x600];
	_ =	sdelay $0x4  }
0x43c: {  	[tilespmem:v61+s20+$0x0] =	vst.idx.msk $0xffff, v34  }
0x43d: {  	v62 =	vor.u32 v30, v33;
	v34 =	vld [tilespmem:s0+$0x680];
	_ =	sdelay $0x4  }
0x43e: {  	[tilespmem:v62+s20+$0x0] =	vst.idx.msk $0xffff, v34  }
0x43f: {  	v63 =	vor.u32 v31, v33;
	v34 =	vld [tilespmem:s0+$0x700];
	_ =	sdelay $0x4  }
0x440: {  	[tilespmem:v63+s20+$0x0] =	vst.idx.msk $0xffff, v34  }
0x441: {  	v33 =	vor.u32 v32, v33;
	v34 =	vld [tilespmem:s0+$0x780];
	_ =	sdelay $0x4  }
.Ltmp10:
0x442: {  	[tilespmem:v33+s20+$0x0] =	vst.idx.msk $0xffff, v34;
	(pc) =	sbr.rel .LBB2_16-.Ltmp10, $4  }
0x443: {  	[hbm4b:s14+s2] =	stream.linear.scatter [tilespmem:s20], [sflag:$0x3], $0x800, $0x38;
	[tilespmem:$0x11000] =	vst v63  }
0x444: {  	_ =	swait.ge [sflag:s23], $0x800  }
0x445: {  	[sflag:s23] =	ssyncset.done $0x0  }
0x446: {  	[sflag:s23] =	ssyncadd.s32 $0xFFFFF800  }
.LBB2_17:
0x447: {  	_ =	sfence.sel $0x180000  }
0x448: {  	[bflag:$0x0] =	sbarrier.arrive $0xFFFF  }
0x449: {  	_ =	strace $0x90000047  }
0x44a: {  	s0 =	stileid.u32;
	[bflag:$0x2] =	sbarrier.arrive $0xFFFF  }
0x44b: {  	p0 =	sne.s32 s0, $0x0;
	s0 =	rddreg [dreg:$0x2]  }
0x44c: {  	s0 =	sadd.s32 @!p0 $0x100000, s0  }
0x44d: {  	[sflag:s0] =	ssyncadd.tile.s32 @!p0 $0x1;
	_ =	shalt  }
.Lfunc_end2:
_tile_overlayer_lowered:
.L_overlay_start_2:
0x44e: {  	(tag) =	ssettag $0x2  }
0x44f: {  	s0 =	rddreg [dreg:$0x0];
	s2 =	stileid.u32  }
0x450: {  	s1 =	rddreg [dreg:$0x1];
	p0 =	sne.s32 s2, $0x0  }
0x451: {  	s3 =	rddreg [dreg:$0x2];
	[bflag:$0x3] =	sbarrier.arrive $0xFFFF;
	s2 =	simm.s32 @!p0 $0x1C05  }
0x452: {  	[timem:s3], [sflag:s2] =	dma.local @!p0 [hbm:s0], s1  }
0x453: {  	s0 =	simm.s32 @!p0 $0x5  }
0x454: {  	_ =	swait.ge @!p0 [sflag:s0], s1  }
0x455: {  	s1 =	ssub.s32 @!p0 $0x0, s1;
	[sflag:s0] =	ssyncset.done @!p0 $0x0  }
0x456: {  	[sflag:s0] =	ssyncadd.s32 @!p0 s1  }
0x457: {  	[bflag:$0x3] =	sbarrier.arrive $0xFFFF  }
0x458: {  	_ =	shalt  }

// kernel: kernel.7.cloned.1.call-start
scs
__scs_entry_jumppad:
0x0: {  	(pc) =	sbr.rel $0x88, $3  }
0x1: {  	(tag) =	ssettag $0x0;
	lr =	simm.s32 $0x1  }
0x2: {  	[smem:$0x3F9F] =	sst lr;
	_ =	strace $0xD0000000  }
0x3: {  	_ = 	snop  }
0x4: {  	_ = 	snop  }
0x5: {  	_ = 	snop  }
0x6: {  	_ = 	snop  }
0x7: {  	_ = 	snop  }
__scs_overlays_trampoline_lowered:
0x8: {  	[smem:$0x3FAE] =	sst s0  }
0x9: {  	[smem:$0x3FAF] =	sst s1  }
0xa: {  	[smem:$0x3FB0] =	sst s2  }
0xb: {  	[smem:$0x3FB1] =	sst s3  }
0xc: {  	[smem:$0x3FB2] =	sst s4  }
0xd: {  	[smem:$0x3FB3] =	sst s5  }
0xe: {  	[smem:$0x3FB4] =	sst s6  }
0xf: {  	[smem:$0x3FB5] =	sst s7  }
0x10: {  	[smem:$0x3FB6] =	sst s8  }
0x11: {  	[smem:$0x3FB7] =	sst s9;
	s0 =	simm.s32 @!p0 $0x0  }
0x12: {  	s1 =	sld [smem:$0x3F9D];
	s0 =	simm.s32 @p0 $0x1  }
0x13: {  	[smem:$0x3FB8] =	sst s0;
	s0 =	simm.s32 @!p1 $0x0  }
0x14: {  	s2 =	sld [smem:$0x3F9C];
	s0 =	simm.s32 @p1 $0x1  }
0x15: {  	[smem:$0x3FB9] =	sst s0;
	s0 =	simm.s32 @!p2 $0x0  }
0x16: {  	s3 =	sld [smem:$0x3FDB];
	s0 =	simm.s32 @p2 $0x1  }
0x17: {  	s4 =	simm.s32 $0x1BF5;
	[smem:$0x3FBB] =	sst s0  }
0x18: {  	s0 =	sld [smem:$0x3F9E];
	_ =	swait.ge [sflag:s4], $0x0  }
0x19: {  	s7 =	sld [smem:$0x3F9F]  }
0x1a: {  	s8 =	sadd.s32 $0xFFFFE003, lr  }
0x1b: {  	s9 =	sadd.s32 $0xFFFFFEF7, lr;
	s5 =	simm.s32 $0xFFFFFFFF;
	p2 =	slt.u32 s8, $0xFFFFF086  }
0x1c: {  	p1 =	slt.u32 s9, $0xF7A;
	s5 =	simm.s32 @!p2 $0x0  }
0x1d: {  	s5 =	simm.s32 @p1 $0x1;
	p0 =	seq.s32 s7, s2  }
0x1e: {  	s7 =	smul.u32 @!p0 $0xF7A, s2;
	p2 =	seq.s32 @!p0 s5, $0x0  }
0x1f: {  	s9 =	smul.u32 $0xF7A, s1;
	s8 =	simm.s32 @!p0 $0x1BF5;
	p2 =	por !p2, p0  }
0x20: {  	[sflag:s8] =	ssyncset.s32 @!p0 $0xFFFFF086;
	s6 =	sadd.s32 @!p0 s3, s7;
	s7 =	simm.s32 @!p0 $0x108  }
0x21: {  	s3 =	sadd.s32 s3, s9;
	s6 =	sadd.s32 @!p0 $0x88, s6;
	s7 =	simm.s32 @p2 $0x1082  }
0x22: {  	[simem:s7], [sflag:s8] =	dma.local @!p0 [hbm:s6], $0xF7A  }
0x23: {  	s9 =	sor.u32 $0xD0000000, s2;
	s6 =	simm.s32 $0x108;
	_ =	swait.ge @!p0 [sflag:s8], $0x0  }
0x24: {  	s3 =	sadd.s32 $0x88, s3;
	s6 =	simm.s32 @!p1 $0x1082;
	[sflag:s4] =	ssyncset.s32 $0xFFFFF086  }
0x25: {  	[simem:s6], [sflag:s4] =	dma.local [hbm:s3], $0xF7A  }
0x26: {  	[smem:$0x3F9F] =	sst s1;
	(tag) =	ssettag s2;
	_ =	strace s9  }
0x27: {  	s1 =	sld [smem:$0x3FAF]  }
0x28: {  	s2 =	sld [smem:$0x3FB0]  }
0x29: {  	s4 =	sld [smem:$0x3FB2]  }
0x2a: {  	p0 =	seq.s32 s5, $0x0;
	s5 =	sld [smem:$0x3FB3]  }
0x2b: {  	s6 =	sld [smem:$0x3FB4]  }
0x2c: {  	s7 =	sld [smem:$0x3FB5]  }
0x2d: {  	s3 =	simm.s32 $0x108;
	s8 =	sld [smem:$0x3FB6]  }
0x2e: {  	s3 =	simm.s32 @!p0 $0x1082;
	s9 =	sld [smem:$0x3FB7]  }
0x2f: {  	lr =	sadd.s32 s0, s3;
	s0 =	sld [smem:$0x3FAE]  }
0x30: {  	s3 =	sld [smem:$0x3FB1]  }
0x31: {  	[smem:$0x3FBA] =	sst s10  }
0x32: {  	s10 =	sld [smem:$0x3FB8];
	_ =	sdelay $0x3  }
0x33: {  	p0 =	seq.s32 s10, $0x1;
	s10 =	sld [smem:$0x3FBA];
	_ =	sdelay $0x3  }
0x34: {  	[smem:$0x3FBA] =	sst s10  }
0x35: {  	s10 =	sld [smem:$0x3FB9];
	_ =	sdelay $0x3  }
0x36: {  	p1 =	seq.s32 s10, $0x1;
	s10 =	sld [smem:$0x3FBA];
	_ =	sdelay $0x3  }
0x37: {  	[smem:$0x3FBA] =	sst s10  }
0x38: {  	s10 =	sld [smem:$0x3FBB]  }
0x39: {  	_ = 	snop;
	(pc) =	sbr.ind lr, $3  }
0x3a: {  	_ = 	snop  }
0x3b: {  	_ = 	snop  }
0x3c: {  	p2 =	seq.s32 s10, $0x1;
	s10 =	sld [smem:$0x3FBA]  }
0x3d: {  	_ =	shalt  }
0x3e: {  	_ =	shalt  }
0x3f: {  	_ =	shalt  }
0x40: {  	_ =	shalt  }
0x41: {  	_ =	shalt  }
0x42: {  	_ =	shalt  }
0x43: {  	_ =	shalt  }
0x44: {  	_ =	shalt  }
0x45: {  	_ =	shalt  }
0x46: {  	_ =	shalt  }
0x47: {  	_ =	shalt  }
0x48: {  	_ =	shalt  }
0x49: {  	_ =	shalt  }
0x4a: {  	_ =	shalt  }
0x4b: {  	_ =	shalt  }
0x4c: {  	_ =	shalt  }
0x4d: {  	_ =	shalt  }
0x4e: {  	_ =	shalt  }
0x4f: {  	_ =	shalt  }
0x50: {  	_ =	shalt  }
0x51: {  	_ =	shalt  }
0x52: {  	_ =	shalt  }
0x53: {  	_ =	shalt  }
0x54: {  	_ =	shalt  }
0x55: {  	_ =	shalt  }
0x56: {  	_ =	shalt  }
0x57: {  	_ =	shalt  }
0x58: {  	_ =	shalt  }
0x59: {  	_ =	shalt  }
0x5a: {  	_ =	shalt  }
0x5b: {  	_ =	shalt  }
0x5c: {  	_ =	shalt  }
0x5d: {  	_ =	shalt  }
0x5e: {  	_ =	shalt  }
0x5f: {  	_ =	shalt  }
0x60: {  	_ =	shalt  }
0x61: {  	_ =	shalt  }
0x62: {  	_ =	shalt  }
0x63: {  	_ =	shalt  }
0x64: {  	_ =	shalt  }
0x65: {  	_ =	shalt  }
0x66: {  	_ =	shalt  }
0x67: {  	_ =	shalt  }
0x68: {  	_ =	shalt  }
0x69: {  	_ =	shalt  }
0x6a: {  	_ =	shalt  }
0x6b: {  	_ =	shalt  }
0x6c: {  	_ =	shalt  }
0x6d: {  	_ =	shalt  }
0x6e: {  	_ =	shalt  }
0x6f: {  	_ =	shalt  }
0x70: {  	_ =	shalt  }
0x71: {  	_ =	shalt  }
0x72: {  	_ =	shalt  }
0x73: {  	_ =	shalt  }
0x74: {  	_ =	shalt  }
0x75: {  	_ =	shalt  }
0x76: {  	_ =	shalt  }
0x77: {  	_ =	shalt  }
0x78: {  	_ =	shalt  }
0x79: {  	_ =	shalt  }
0x7a: {  	_ =	shalt  }
0x7b: {  	_ =	shalt  }
0x7c: {  	_ =	shalt  }
0x7d: {  	_ =	shalt  }
0x7e: {  	_ =	shalt  }
0x7f: {  	_ =	shalt  }
0x80: {  	_ =	shalt  }
0x81: {  	_ =	shalt  }
0x82: {  	_ =	shalt  }
0x83: {  	_ =	shalt  }
0x84: {  	_ =	shalt  }
0x85: {  	_ =	shalt  }
0x86: {  	_ =	shalt  }
0x87: {  	_ =	shalt  }
.Lfunc_end0:
.L_simem_size_0:
called_computation.2_lowered:
.L_overlay_start_0:
0x88: {  	s2 =	sld [smem:$0x3FD9]  }
0x89: {  	s3 =	sld [smem:$0x3FFE];
	_ =	sdelay $0x1  }
0x8a: {  	s1 =	srdreg.scid  }
0x8b: {  	s0 =	sand.u32 $0x1, s1  }
0x8c: {  	s17 =	sshll.u32 s0, $0xA;
	s2 =	sadd.s32 s3, s2  }
0x8d: {  	s2 =	sadd.s32 s2, s17  }
0x8e: {  	[smem:$0x3FC6] =	sst s2  }
0x8f: {  	_ = 	snop  }
0x90: {  	s2 =	sld [smem:$0x3FD0];
	(tm) =	ssettm $0x1  }
0x91: {  	s18 =	sld [smem:$0x3FFB];
	_ =	sdelay $0x3  }
0x92: {  	_ =	strace s18  }
0x93: {  	s3 =	sld [smem:$0x3FFC];
	_ =	sdelay $0x3  }
0x94: {  	_ =	strace s3  }
0x95: {  	s3 =	sld [smem:$0x3FFD];
	_ =	sdelay $0x3  }
0x96: {  	_ =	strace s3  }
0x97: {  	_ =	strace $0x8FFFFFFF  }
0x98: {  	s19 =	sld [smem:$0x3FDB];
	_ =	sdelay $0x1  }
0x99: {  	s4 =	simm.s32 $_scs_section_size  }
0x9a: {  	s5 =	simm.s32 $_size__tile_overlayer_lowered;
	s6 =	simm.s32 $_tile_overlayer_lowered  }
0x9b: {  	s22 =	simm.s32 $0x1BFF;
	s21 =	sshll.u32 s6, $0x1;
	s3 =	sadd.s32 s4, s19  }
0x9c: {  	s7 =	simm.s32 $0x0;
	s20 =	sshll.u32 s5, $0x1;
	s5 =	sadd.s32 s21, s3  }
0x9d: {  	[timem:s7], [sflag:s22] =	dma.local [hbm:s5], s20  }
0x9e: {  	_ =	swait.ge [sflag:s22], s20  }
0x9f: {  	s4 =	ssub.s32 $0x0, s20;
	[sflag:s22] =	ssyncset.done $0x0  }
0xa0: {  	[sflag:s22] =	ssyncadd.s32 s4;
	_ =	sdelay $0x1  }
0xa1: {  	s23 =	simm.s32 $0x1B8B  }
0xa2: {  	_ =	swait.ge [sflag:s23], $0x1  }
0xa3: {  	[sflag:s23] =	ssyncset.done $0x0  }
0xa4: {  	s25 =	simm.s32 $0x1B8E;
	s24 =	sld [smem:$0x3FFE];
	[sflag:s23] =	ssyncadd.s32 $0xFFFFFFFF  }
0xa5: {  	s26 =	simm.s32 $execute0_lowered;
	[smem:$0x3FD2] =	sst s25  }
0xa6: {  	s5 =	sshll.u32 s26, $0x1;
	_ =	strace $0x80000049;
	[dreg:$0x1] =	wrdreg $0xFFFFFFFF  }
0xa7: {  	s28 =	simm.s32 $_size_execute0_lowered;
	s3 =	sadd.s32 s3, s5;
	[dreg:$0x0] =	wrdreg $0x0  }
0xa8: {  	s5 =	sshll.u32 s28, $0x1;
	[dreg:$0x2] =	wrdreg s3  }
0xa9: {  	[dreg:$0x3] =	wrdreg s5  }
0xaa: {  	[dreg:$0x4] =	wrdreg $0xC0  }
0xab: {  	_ =	task [dreg:s7], $0x5FFFF  }
0xac: {  	[dreg:$0x1] =	wrdreg $0xFFFFFFFF  }
0xad: {  	[dreg:$0x0] =	wrdreg $0x60  }
0xae: {  	[dreg:$0x2] =	wrdreg s24  }
0xaf: {  	[dreg:$0x3] =	wrdreg s2  }
0xb0: {  	[dreg:$0x4] =	wrdreg $0x9  }
0xb1: {  	_ =	task.clear_ibuf [dreg:s7], $0x5FFFF;
	_ =	strace $0x90000049  }
0xb2: {  	s29 =	simm.s32 $0x9;
	_ =	strace $0x8000004B  }
0xb3: {  	_ =	swait.ge [sflag:s29], $0x1  }
0xb4: {  	[sflag:s29] =	ssyncadd.s32 $0xFFFFFFFF  }
0xb5: {  	_ =	strace $0x9000004B  }
0xb6: {  	_ =	sfence  }
0xb7: {  	s30 =	sld [smem:$0x0];
	_ =	sdelay $0x2  }
0xb8: {  	s31 =	sshll.u32 s1, $0xD;
	s1 =	sshrl.u32 s1, $0x2  }
0xb9: {  	s3 =	sand.u32 $0x4000, s31;
	s1 =	sadd.s32 s1, s30  }
0xba: {  	s0 =	sor.u32 s3, s0;
	s1 =	sshll.u32 s1, $0x11  }
0xbb: {  	s0 =	sor.u32 s1, s0  }
0xbc: {  	s0 =	sadd.s32 $0x8F2B, s0  }
0xbd: {  	[sflag:s0] =	ssyncadd.remote.s32 $0x1  }
0xbe: {  	_ =	sfence.sel $0xFFFF  }
0xbf: {  	[dreg:$0x0] =	wrdreg $0xFFFFFFFF;
	(pc) =	sbr.abs _section_cstart, $3  }
0xc0: {  	[dreg:$0x1] =	wrdreg $0xFFFFFFFF  }
0xc1: {  	_ =	task.clear_ibuf [dreg:s7], $0x2FFFF;
	_ =	strace $0x9FFFFFFF  }
0xc2: {  	(tm) =	ssettm $0x7FFFFFFF  }
0xc3: {  	_ =	shalt  }
tec
execute0_lowered:
.L_overlay_start_1:
0x0: {  	(tag) =	ssettag $0x1  }
0x1: {  	s1 =	srdreg.scid  }
0x2: {  	s0 =	stileid.u32;
	s5 =	rddreg [dreg:$0x0]  }
0x3: {  	s7 =	rddreg [dreg:$0x1];
	s2 =	simm.s32 $0x0;
	s11 =	simm.s32 $0x5400  }
0x4: {  	s12 =	simm.s32 $0x180;
	s13 =	simm.s32 $0x6400;
	s14 =	simm.s32 $0x1  }
0x5: {  	s15 =	simm.s32 $0x7400;
	s16 =	simm.s32 $0x8400;
	s6 =	smul.u32 $0xD0000, s0  }
0x6: {  	s4 =	sand.u32 $0x1, s1;
	s17 =	sshll.u32 s0, $0x1;
	s9 =	smul.u32 $0x6800, s0  }
0x7: {  	[smem:$0x7FF] =	sst s2;
	s1 =	sor.u32 s4, s17;
	s8 =	smul.u32 $0x68000, s4  }
0x8: {  	s10 =	smul.u32 $0x3400, s4;
	_ =	strace $0x8000004A;
	s4 =	ssub.s32 $0x2, s4  }
0x9: {  	s17 =	simm.s32 $0x9400;
	s3 =	smul.u32 $0x3400, s1;
	s25 =	sshrl.u32 s4, $0x1  }
0xa: {  	s6 =	sadd.s32 s8, s6;
	s18 =	sadd.s32 s10, s9;
	s28 =	ssub.s32 s4, s25  }
0xb: {  	s9 =	simm.s32 $0x4400;
	s10 =	simm.s32 $0x100;
	s3 =	sshrl.u32 s3, $0x3  }
0xc: {  	s20 =	sshrl.u32 s6, $0x3;
	s8 =	sshll.u32 s18, $0x2;
	s6 =	sor.u32 $0x4000, s6  }
0xd: {  	s18 =	simm.s32 $0xA400;
	s19 =	sadd.s32 s3, s5;
	s3 =	sadd.s32 $0xE00, s5  }
0xe: {  	s21 =	sadd.s32 s20, s7;
	s8 =	sadd.s32 s8, s7;
	s6 =	sshrl.u32 s6, $0x3  }
0xf: {  	s5 =	smax.u32 s28, $0x1;
	[dreg:$0x3] =	wrdreg s21;
	s22 =	sadd.s32 $0x600, s8  }
0x10: {  	s20 =	simm.s32 $0x3;
	s23 =	sadd.s32 $0x400, s8;
	[dreg:$0x4] =	wrdreg s22  }
0x11: {  	s24 =	sadd.s32 $0x200, s8;
	s26 =	sadd.s32 s6, s7;
	[dreg:$0x5] =	wrdreg s23  }
0x12: {  	s29 =	sadd.s32 $0xC00, s8;
	s4 =	sadd.s32 $0x3D1800, s19;
	[dreg:$0x6] =	wrdreg s24  }
0x13: {  	s30 =	sadd.s32 $0xA00, s8;
	s31 =	sadd.s32 $0xE00, s8;
	[dreg:$0x7] =	wrdreg s26  }
0x14: {  	s6 =	simm.s32 $0x5;
	s7 =	simm.s32 $0x80;
	[dreg:$0x8] =	wrdreg s29  }
0x15: {  	s8 =	simm.s32 $0x3400;
	s19 =	simm.s32 $0x2;
	[dreg:$0x9] =	wrdreg s30  }
0x16: {  	s21 =	simm.s32 $0x4;
	[dreg:$0xa] =	wrdreg s31;
	s22 =	simm.s32 $0x0  }
.LBB2_1:
0x17: {  	[tilespmem:s2], [sflag:$0x5] =	stream.linear.gather [hbm4b:s4+s2], $0x3400, $0x38;
	[tilespmem:$0xB400] =	vst v63  }
0x18: {  	_ =	swait.ge [sflag:s6], $0x3400  }
0x19: {  	[sflag:s6] =	ssyncset.done $0x0  }
0x1a: {  	[sflag:s6] =	ssyncadd.s32 $0xFFFFCC00  }
0x1b: {  	[tilespmem:s8], [sflag:$0x1] =	stream.indirect.gather [hbm4b:s3+s7], $0x20, s2, s7, $0xb8;
	[tilespmem:$0xB400] =	vst v63  }
0x1c: {  	_ = 	snop  }
0x1d: {  	[tilespmem:s9], [sflag:$0x1] =	stream.indirect.gather [hbm4b:s3+s7], $0x20, s7, s7, $0xb8;
	[tilespmem:$0xB400] =	vst v63  }
0x1e: {  	_ = 	snop  }
0x1f: {  	[tilespmem:s11], [sflag:$0x1] =	stream.indirect.gather [hbm4b:s3+s7], $0x20, s10, s7, $0xb8;
	[tilespmem:$0xB400] =	vst v63  }
0x20: {  	_ = 	snop  }
0x21: {  	[tilespmem:s13], [sflag:$0x1] =	stream.indirect.gather [hbm4b:s3+s7], $0x20, s12, s7, $0xb8;
	[tilespmem:$0xB400] =	vst v63  }
0x22: {  	_ =	swait.ge [sflag:s14], $0x1000  }
0x23: {  	[sflag:s14] =	ssyncset.done $0x0  }
0x24: {  	[sflag:s14] =	ssyncadd.s32 $0xFFFFF000  }
0x25: {  	_ =	swait.ge [sflag:s14], $0x1000  }
0x26: {  	[sflag:s14] =	ssyncset.done $0x0  }
0x27: {  	[sflag:s14] =	ssyncadd.s32 $0xFFFFF000  }
0x28: {  	_ =	swait.ge [sflag:s14], $0x1000  }
0x29: {  	[sflag:s14] =	ssyncset.done $0x0  }
0x2a: {  	[sflag:s14] =	ssyncadd.s32 $0xFFFFF000  }
0x2b: {  	_ =	swait.ge [sflag:s14], $0x1000  }
0x2c: {  	p0 =	por $0x1, $0x1;
	[sflag:s14] =	ssyncset.done $0x0  }
0x2d: {  	s23 =	simm.s32 @!p0 $0x4;
	[sflag:s14] =	ssyncadd.s32 $0xFFFFF000  }
0x2e: {  	_ =	swait.ge @!p0 [sflag:s23], $0x1000  }
0x2f: {  	[sflag:s23] =	ssyncset.done @!p0 $0x0  }
0x30: {  	[sflag:s23] =	ssyncadd.s32 @!p0 $0xFFFFF000  }
0x31: {  	_ =	swait.ge @!p0 [sflag:s23], $0x1000  }
0x32: {  	[sflag:s23] =	ssyncset.done @!p0 $0x0  }
0x33: {  	[sflag:s23] =	ssyncadd.s32 @!p0 $0xFFFFF000  }
0x34: {  	_ =	swait.ge @!p0 [sflag:s23], $0x1000  }
0x35: {  	[sflag:s23] =	ssyncset.done @!p0 $0x0  }
0x36: {  	[sflag:s23] =	ssyncadd.s32 @!p0 $0xFFFFF000  }
0x37: {  	_ =	swait.ge @!p0 [sflag:s23], $0x1000  }
0x38: {  	[sflag:s23] =	ssyncset.done @!p0 $0x0  }
0x39: {  	s26 =	simm.s32 $0x200;
	[sflag:s23] =	ssyncadd.s32 @!p0 $0xFFFFF000  }
0x3a: {  	[tilespmem:s15], [sflag:$0x2] =	stream.indirect.gather [hbm4b:s3+s7], $0x20, s26, s7, $0xb8;
	[tilespmem:$0xB400] =	vst v63  }
0x3b: {  	s28 =	simm.s32 $0x280  }
0x3c: {  	[tilespmem:s16], [sflag:$0x2] =	stream.indirect.gather [hbm4b:s3+s7], $0x20, s28, s7, $0xb8;
	[tilespmem:$0xB400] =	vst v63  }
0x3d: {  	s29 =	simm.s32 $0x300  }
0x3e: {  	[tilespmem:s17], [sflag:$0x2] =	stream.indirect.gather [hbm4b:s3+s7], $0x20, s29, s7, $0xb8;
	[tilespmem:$0xB400] =	vst v63  }
0x3f: {  	s30 =	simm.s32 $0x380;
	s24 =	rddreg [dreg:$0x3]  }
0x40: {  	[tilespmem:s18], [sflag:$0x2] =	stream.indirect.gather [hbm4b:s3+s7], $0x20, s30, s7, $0xb8;
	[tilespmem:$0xB400] =	vst v63  }
0x41: {  	s25 =	rddreg [dreg:$0x6];
	s31 =	sadd.s32 $0x0, s24  }
0x42: {  	[hbm4b:s31+s2] =	stream.linear.scatter [tilespmem:s8], [sflag:$0x3], $0x1000, $0x38;
	[tilespmem:$0xB400] =	vst v63  }
0x43: {  	s1 =	rddreg [dreg:$0x5];
	s26 =	sadd.s32 $0x0, s25  }
0x44: {  	[hbm4b:s26+s2] =	stream.linear.scatter [tilespmem:s9], [sflag:$0x3], $0x1000, $0x38;
	[tilespmem:$0xB400] =	vst v63  }
0x45: {  	s28 =	rddreg [dreg:$0x4];
	s29 =	sadd.s32 $0x0, s1  }
0x46: {  	[hbm4b:s29+s2] =	stream.linear.scatter [tilespmem:s11], [sflag:$0x3], $0x1000, $0x38;
	[tilespmem:$0xB400] =	vst v63  }
0x47: {  	s30 =	sadd.s32 $0x0, s28  }
0x48: {  	[hbm4b:s30+s2] =	stream.linear.scatter [tilespmem:s13], [sflag:$0x3], $0x1000, $0x38;
	[tilespmem:$0xB400] =	vst v63  }
0x49: {  	_ =	swait.ge [sflag:s19], $0x1000  }
0x4a: {  	[sflag:s19] =	ssyncset.done $0x0  }
0x4b: {  	[sflag:s19] =	ssyncadd.s32 $0xFFFFF000  }
0x4c: {  	_ =	swait.ge [sflag:s19], $0x1000  }
0x4d: {  	[sflag:s19] =	ssyncset.done $0x0  }
0x4e: {  	[sflag:s19] =	ssyncadd.s32 $0xFFFFF000  }
0x4f: {  	_ =	swait.ge [sflag:s19], $0x1000  }
0x50: {  	[sflag:s19] =	ssyncset.done $0x0  }
0x51: {  	[sflag:s19] =	ssyncadd.s32 $0xFFFFF000  }
0x52: {  	_ =	swait.ge [sflag:s19], $0x1000  }
0x53: {  	[sflag:s19] =	ssyncset.done $0x0  }
0x54: {  	[sflag:s19] =	ssyncadd.s32 $0xFFFFF000  }
0x55: {  	_ =	swait.ge [sflag:s20], $0x1000  }
0x56: {  	[sflag:s20] =	ssyncset.done $0x0  }
0x57: {  	[sflag:s20] =	ssyncadd.s32 $0xFFFFF000  }
0x58: {  	_ =	swait.ge [sflag:s20], $0x1000  }
0x59: {  	[sflag:s20] =	ssyncset.done $0x0  }
0x5a: {  	[sflag:s20] =	ssyncadd.s32 $0xFFFFF000  }
0x5b: {  	_ =	swait.ge [sflag:s20], $0x1000  }
0x5c: {  	[sflag:s20] =	ssyncset.done $0x0  }
0x5d: {  	[sflag:s20] =	ssyncadd.s32 $0xFFFFF000  }
0x5e: {  	p0 =	por $0x0, $0x0;
	_ =	swait.ge [sflag:s20], $0x1000  }
0x5f: {  	s23 =	simm.s32 @!p0 $0x3400;
	[sflag:s20] =	ssyncset.done $0x0  }
0x60: {  	s24 =	simm.s32 @!p0 $0x400;
	s25 =	simm.s32 @!p0 $0x80;
	[sflag:s20] =	ssyncadd.s32 $0xFFFFF000  }
0x61: {  	[tilespmem:s23], [sflag:$0x1] =	stream.indirect.gather @!p0 [hbm4b:s3+s25], $0x20, s24, s25, $0xb8;
	[tilespmem:$0xB400] =	vst v63  }
0x62: {  	s23 =	simm.s32 @!p0 $0x480;
	s24 =	simm.s32 @!p0 $0x4400  }
0x63: {  	[tilespmem:s24], [sflag:$0x1] =	stream.indirect.gather @!p0 [hbm4b:s3+s25], $0x20, s23, s25, $0xb8;
	[tilespmem:$0xB400] =	vst v63  }
0x64: {  	s26 =	simm.s32 @!p0 $0x5400;
	s31 =	rddreg [dreg:$0x7];
	s24 =	simm.s32 @!p0 $0x500  }
0x65: {  	[tilespmem:s26], [sflag:$0x1] =	stream.indirect.gather @!p0 [hbm4b:s3+s25], $0x20, s24, s25, $0xb8;
	[tilespmem:$0xB400] =	vst v63  }
0x66: {  	s28 =	simm.s32 @!p0 $0x6400;
	s1 =	rddreg [dreg:$0x9];
	s26 =	simm.s32 @!p0 $0x580  }
0x67: {  	[tilespmem:s28], [sflag:$0x1] =	stream.indirect.gather @!p0 [hbm4b:s3+s25], $0x20, s26, s25, $0xb8;
	[tilespmem:$0xB400] =	vst v63  }
0x68: {  	s30 =	rddreg [dreg:$0xa];
	s23 =	sadd.s32 $0x0, s31  }
0x69: {  	[hbm4b:s23+s2] =	stream.linear.scatter [tilespmem:s15], [sflag:$0x4], $0x1000, $0x38;
	[tilespmem:$0xB400] =	vst v63  }
0x6a: {  	s29 =	sadd.s32 $0x0, s1;
	s28 =	rddreg [dreg:$0x8]  }
0x6b: {  	[hbm4b:s29+s2] =	stream.linear.scatter [tilespmem:s16], [sflag:$0x4], $0x1000, $0x38;
	[tilespmem:$0xB400] =	vst v63  }
0x6c: {  	s25 =	sadd.s32 $0x0, s30;
	s31 =	sadd.s32 $0x0, s28;
	s23 =	simm.s32 $0x1000  }
0x6d: {  	[hbm4b:s31+s2] =	stream.linear.scatter [tilespmem:s17], [sflag:$0x4], $0x1000, $0x38;
	[tilespmem:$0xB400] =	vst v63  }
.LBB2_2:
0x6e: {  	[hbm4b:s25+s2] =	stream.linear.scatter [tilespmem:s18], [sflag:$0x4], $0x1000, $0x38;
	[tilespmem:$0xB400] =	vst v63  }
0x6f: {  	_ =	swait.ge [sflag:s14], $0x1000  }
0x70: {  	[sflag:s14] =	ssyncset.done $0x0  }
0x71: {  	[sflag:s14] =	ssyncadd.s32 $0xFFFFF000  }
0x72: {  	_ =	swait.ge [sflag:s14], $0x1000  }
0x73: {  	[sflag:s14] =	ssyncset.done $0x0  }
0x74: {  	[sflag:s14] =	ssyncadd.s32 $0xFFFFF000  }
0x75: {  	_ =	swait.ge [sflag:s14], $0x1000  }
0x76: {  	[sflag:s14] =	ssyncset.done $0x0  }
0x77: {  	[sflag:s14] =	ssyncadd.s32 $0xFFFFF000  }
0x78: {  	s24 =	smov.u32 s23;
	_ =	swait.ge [sflag:s14], $0x1000  }
0x79: {  	p1 =	seq.s32 s24, $0x0;
	[sflag:s14] =	ssyncset.done $0x0  }
0x7a: {  	s25 =	simm.s32 @!p1 $0x4;
	[sflag:s14] =	ssyncadd.s32 $0xFFFFF000  }
0x7b: {  	_ =	swait.ge @!p1 [sflag:s25], $0x1000  }
0x7c: {  	[sflag:s25] =	ssyncset.done @!p1 $0x0  }
0x7d: {  	[sflag:s25] =	ssyncadd.s32 @!p1 $0xFFFFF000  }
0x7e: {  	_ =	swait.ge @!p1 [sflag:s25], $0x1000  }
0x7f: {  	[sflag:s25] =	ssyncset.done @!p1 $0x0  }
0x80: {  	[sflag:s25] =	ssyncadd.s32 @!p1 $0xFFFFF000  }
0x81: {  	_ =	swait.ge @!p1 [sflag:s25], $0x1000  }
0x82: {  	[sflag:s25] =	ssyncset.done @!p1 $0x0  }
0x83: {  	[sflag:s25] =	ssyncadd.s32 @!p1 $0xFFFFF000  }
0x84: {  	_ =	swait.ge @!p1 [sflag:s25], $0x1000  }
0x85: {  	s26 =	sshra.s32 s24, $0x2;
	[sflag:s25] =	ssyncset.done @!p1 $0x0  }
0x86: {  	s1 =	sadd.s32 $0x200, s26;
	[sflag:s25] =	ssyncadd.s32 @!p1 $0xFFFFF000  }
0x87: {  	[tilespmem:s15], [sflag:$0x2] =	stream.indirect.gather [hbm4b:s3+s7], $0x20, s1, s7, $0xb8;
	[tilespmem:$0xB400] =	vst v63  }
0x88: {  	s28 =	sadd.s32 $0x280, s26  }
0x89: {  	[tilespmem:s16], [sflag:$0x2] =	stream.indirect.gather [hbm4b:s3+s7], $0x20, s28, s7, $0xb8;
	[tilespmem:$0xB400] =	vst v63  }
0x8a: {  	s29 =	sadd.s32 $0x300, s26  }
0x8b: {  	[tilespmem:s17], [sflag:$0x2] =	stream.indirect.gather [hbm4b:s3+s7], $0x20, s29, s7, $0xb8;
	[tilespmem:$0xB400] =	vst v63  }
0x8c: {  	s30 =	sadd.s32 $0x380, s26;
	s28 =	rddreg [dreg:$0x3]  }
0x8d: {  	[tilespmem:s18], [sflag:$0x2] =	stream.indirect.gather [hbm4b:s3+s7], $0x20, s30, s7, $0xb8;
	[tilespmem:$0xB400] =	vst v63  }
0x8e: {  	s31 =	rddreg [dreg:$0x6];
	s1 =	sadd.s32 s24, s28  }
0x8f: {  	[hbm4b:s1+s2] =	stream.linear.scatter [tilespmem:s8], [sflag:$0x3], $0x1000, $0x38;
	[tilespmem:$0xB400] =	vst v63  }
0x90: {  	s29 =	rddreg [dreg:$0x5];
	s30 =	sadd.s32 s24, s31  }
0x91: {  	[hbm4b:s30+s2] =	stream.linear.scatter [tilespmem:s9], [sflag:$0x3], $0x1000, $0x38;
	[tilespmem:$0xB400] =	vst v63  }
0x92: {  	s31 =	rddreg [dreg:$0x4];
	s1 =	sadd.s32 s24, s29  }
0x93: {  	[hbm4b:s1+s2] =	stream.linear.scatter [tilespmem:s11], [sflag:$0x3], $0x1000, $0x38;
	[tilespmem:$0xB400] =	vst v63  }
0x94: {  	s26 =	sadd.s32 s24, s31  }
0x95: {  	[hbm4b:s26+s2] =	stream.linear.scatter [tilespmem:s13], [sflag:$0x3], $0x1000, $0x38;
	[tilespmem:$0xB400] =	vst v63  }
0x96: {  	_ =	swait.ge [sflag:s19], $0x1000  }
0x97: {  	[sflag:s19] =	ssyncset.done $0x0  }
0x98: {  	[sflag:s19] =	ssyncadd.s32 $0xFFFFF000  }
0x99: {  	_ =	swait.ge [sflag:s19], $0x1000  }
0x9a: {  	[sflag:s19] =	ssyncset.done $0x0  }
0x9b: {  	[sflag:s19] =	ssyncadd.s32 $0xFFFFF000  }
0x9c: {  	_ =	swait.ge [sflag:s19], $0x1000  }
0x9d: {  	[sflag:s19] =	ssyncset.done $0x0  }
0x9e: {  	[sflag:s19] =	ssyncadd.s32 $0xFFFFF000  }
0x9f: {  	_ =	swait.ge [sflag:s19], $0x1000  }
0xa0: {  	[sflag:s19] =	ssyncset.done $0x0  }
0xa1: {  	[sflag:s19] =	ssyncadd.s32 $0xFFFFF000  }
0xa2: {  	_ =	swait.ge [sflag:s20], $0x1000  }
0xa3: {  	[sflag:s20] =	ssyncset.done $0x0  }
0xa4: {  	[sflag:s20] =	ssyncadd.s32 $0xFFFFF000  }
0xa5: {  	_ =	swait.ge [sflag:s20], $0x1000  }
0xa6: {  	[sflag:s20] =	ssyncset.done $0x0  }
0xa7: {  	[sflag:s20] =	ssyncadd.s32 $0xFFFFF000  }
0xa8: {  	_ =	swait.ge [sflag:s20], $0x1000  }
0xa9: {  	[sflag:s20] =	ssyncset.done $0x0  }
0xaa: {  	[sflag:s20] =	ssyncadd.s32 $0xFFFFF000  }
0xab: {  	p1 =	seq.s32 s24, $0xC000;
	_ =	swait.ge [sflag:s20], $0x1000  }
0xac: {  	s25 =	simm.s32 @!p1 $0x3400;
	s28 =	sshra.s32 @!p1 s24, $0x2;
	[sflag:s20] =	ssyncset.done $0x0  }
0xad: {  	s31 =	simm.s32 @!p1 $0x80;
	s30 =	sadd.s32 @!p1 $0x400, s28;
	[sflag:s20] =	ssyncadd.s32 $0xFFFFF000  }
0xae: {  	[tilespmem:s25], [sflag:$0x1] =	stream.indirect.gather @!p1 [hbm4b:s3+s31], $0x20, s30, s31, $0xb8;
	[tilespmem:$0xB400] =	vst v63  }
0xaf: {  	s25 =	sadd.s32 @!p1 $0x480, s28;
	s30 =	simm.s32 @!p1 $0x4400  }
0xb0: {  	[tilespmem:s30], [sflag:$0x1] =	stream.indirect.gather @!p1 [hbm4b:s3+s31], $0x20, s25, s31, $0xb8;
	[tilespmem:$0xB400] =	vst v63  }
0xb1: {  	s23 =	sadd.s32 $0x1000, s23;
	s1 =	sadd.s32 @!p1 $0x500, s28;
	s25 =	simm.s32 @!p1 $0x5400  }
0xb2: {  	[tilespmem:s25], [sflag:$0x1] =	stream.indirect.gather @!p1 [hbm4b:s3+s31], $0x20, s1, s31, $0xb8;
	[tilespmem:$0xB400] =	vst v63  }
0xb3: {  	s26 =	rddreg [dreg:$0x7];
	s28 =	sadd.s32 @!p1 $0x580, s28;
	s1 =	simm.s32 @!p1 $0x6400  }
0xb4: {  	[tilespmem:s1], [sflag:$0x1] =	stream.indirect.gather @!p1 [hbm4b:s3+s31], $0x20, s28, s31, $0xb8;
	[tilespmem:$0xB400] =	vst v63  }
0xb5: {  	p0 =	sne.s32 s23, $0xD000;
	s29 =	rddreg [dreg:$0x9];
	s28 =	sadd.s32 s24, s26  }
0xb6: {  	[hbm4b:s28+s2] =	stream.linear.scatter [tilespmem:s15], [sflag:$0x4], $0x1000, $0x38;
	[tilespmem:$0xB400] =	vst v63  }
.Ltmp0:
0xb7: {  	s30 =	rddreg [dreg:$0x8];
	(pc) =	sbr.rel @p0 .LBB2_2-.Ltmp0, $4  }
0xb8: {  	s29 =	sadd.s32 s24, s29;
	s25 =	rddreg [dreg:$0xa]  }
0xb9: {  	[hbm4b:s29+s2] =	stream.linear.scatter [tilespmem:s16], [sflag:$0x4], $0x1000, $0x38;
	[tilespmem:$0xB400] =	vst v63  }
0xba: {  	s25 =	sadd.s32 s24, s25;
	s31 =	sadd.s32 s24, s30  }
0xbb: {  	[hbm4b:s31+s2] =	stream.linear.scatter [tilespmem:s17], [sflag:$0x4], $0x1000, $0x38;
	[tilespmem:$0xB400] =	vst v63  }
0xbc: {  	[hbm4b:s25+s2] =	stream.linear.scatter [tilespmem:s18], [sflag:$0x4], $0x1000, $0x38;
	[tilespmem:$0xB400] =	vst v63  }
0xbd: {  	_ =	swait.ge [sflag:s21], $0x1000  }
0xbe: {  	[sflag:s21] =	ssyncset.done $0x0  }
0xbf: {  	[sflag:s21] =	ssyncadd.s32 $0xFFFFF000  }
0xc0: {  	_ =	swait.ge [sflag:s21], $0x1000  }
0xc1: {  	[sflag:s21] =	ssyncset.done $0x0  }
0xc2: {  	s22 =	sadd.s32 $0x1, s22;
	[sflag:s21] =	ssyncadd.s32 $0xFFFFF000  }
0xc3: {  	p0 =	sne.s32 s22, s5;
	_ =	swait.ge [sflag:s21], $0x1000  }
.Ltmp1:
0xc4: {  	[sflag:s21] =	ssyncset.done $0x0;
	(pc) =	sbr.rel @p0 .LBB2_1-.Ltmp1, $4  }
0xc5: {  	[sflag:s21] =	ssyncadd.s32 $0xFFFFF000  }
0xc6: {  	_ =	swait.ge [sflag:s21], $0x1000  }
0xc7: {  	[sflag:s21] =	ssyncset.done $0x0  }
0xc8: {  	[sflag:s21] =	ssyncadd.s32 $0xFFFFF000  }
0xc9: {  	_ =	sfence.sel $0x180000  }
0xca: {  	[bflag:$0x0] =	sbarrier.arrive $0xFFFF  }
0xcb: {  	_ =	strace $0x9000004A  }
0xcc: {  	[bflag:$0x2] =	sbarrier.arrive $0xFFFF  }
0xcd: {  	p0 =	sne.s32 s0, $0x0;
	s0 =	rddreg [dreg:$0x2]  }
0xce: {  	s0 =	sadd.s32 @!p0 $0x100000, s0  }
0xcf: {  	[sflag:s0] =	ssyncadd.tile.s32 @!p0 $0x1;
	_ =	shalt  }
.Lfunc_end2:
_tile_overlayer_lowered:
.L_overlay_start_2:
0xd0: {  	(tag) =	ssettag $0x2  }
0xd1: {  	s0 =	rddreg [dreg:$0x0];
	s2 =	stileid.u32  }
0xd2: {  	s1 =	rddreg [dreg:$0x1];
	p0 =	sne.s32 s2, $0x0  }
0xd3: {  	s3 =	rddreg [dreg:$0x2];
	[bflag:$0x3] =	sbarrier.arrive $0xFFFF;
	s2 =	simm.s32 @!p0 $0x1C05  }
0xd4: {  	[timem:s3], [sflag:s2] =	dma.local @!p0 [hbm:s0], s1  }
0xd5: {  	s0 =	simm.s32 @!p0 $0x5  }
0xd6: {  	_ =	swait.ge @!p0 [sflag:s0], s1  }
0xd7: {  	s1 =	ssub.s32 @!p0 $0x0, s1;
	[sflag:s0] =	ssyncset.done @!p0 $0x0  }
0xd8: {  	[sflag:s0] =	ssyncadd.s32 @!p0 s1  }
0xd9: {  	[bflag:$0x3] =	sbarrier.arrive $0xFFFF  }
0xda: {  	_ =	shalt  }

// kernel: sparse-core-data-format-call.cloned.1.call-start
scs
called_computation_lowered:
.L_overlay_start_0:
0x0: {  	s2 =	sld [smem:$0x3FD9]  }
0x1: {  	s3 =	sld [smem:$0x3FFE];
	_ =	sdelay $0x1  }
0x2: {  	s1 =	srdreg.scid  }
0x3: {  	s0 =	sand.u32 $0x1, s1  }
0x4: {  	s18 =	sshll.u32 s0, $0xA;
	s2 =	sadd.s32 s3, s2  }
0x5: {  	s2 =	sadd.s32 s2, s18  }
0x6: {  	[smem:$0x3FC6] =	sst s2  }
0x7: {  	_ = 	snop  }
0x8: {  	s2 =	sld [smem:$0x3FD0];
	(tm) =	ssettm $0x1  }
0x9: {  	s19 =	sld [smem:$0x3FFB];
	_ =	sdelay $0x3  }
0xa: {  	_ =	strace s19  }
0xb: {  	s3 =	sld [smem:$0x3FFC];
	_ =	sdelay $0x3  }
0xc: {  	_ =	strace s3  }
0xd: {  	s3 =	sld [smem:$0x3FFD];
	_ =	sdelay $0x3  }
0xe: {  	_ =	strace s3  }
0xf: {  	_ =	strace $0x8FFFFFFF  }
0x10: {  	s20 =	sld [smem:$0x3FDB];
	_ =	sdelay $0x1  }
0x11: {  	s4 =	simm.s32 $_scs_section_size  }
0x12: {  	s5 =	simm.s32 $_size__tile_overlayer_lowered;
	s6 =	simm.s32 $_tile_overlayer_lowered  }
0x13: {  	s23 =	simm.s32 $0x1BFF;
	s22 =	sshll.u32 s6, $0x1;
	s3 =	sadd.s32 s4, s20  }
0x14: {  	s7 =	simm.s32 $0x0;
	s21 =	sshll.u32 s5, $0x1;
	s5 =	sadd.s32 s22, s3  }
0x15: {  	[timem:s7], [sflag:s23] =	dma.local [hbm:s5], s21  }
0x16: {  	_ =	swait.ge [sflag:s23], s21  }
0x17: {  	s4 =	ssub.s32 $0x0, s21;
	[sflag:s23] =	ssyncset.done $0x0  }
0x18: {  	[sflag:s23] =	ssyncadd.s32 s4;
	_ =	sdelay $0x1  }
0x19: {  	s24 =	simm.s32 $0x1B8B  }
0x1a: {  	_ =	swait.ge [sflag:s24], $0x1  }
0x1b: {  	[sflag:s24] =	ssyncset.done $0x0  }
0x1c: {  	s26 =	simm.s32 $0x1B8E;
	s25 =	sld [smem:$0x3FFE];
	[sflag:s24] =	ssyncadd.s32 $0xFFFFFFFF  }
0x1d: {  	s27 =	simm.s32 $execute0_lowered;
	[smem:$0x3FD2] =	sst s26  }
0x1e: {  	s5 =	sshll.u32 s27, $0x1;
	_ =	strace $0x8000004C;
	[dreg:$0x1] =	wrdreg $0xFFFFFFFF  }
0x1f: {  	s28 =	simm.s32 $_size_execute0_lowered;
	s3 =	sadd.s32 s3, s5;
	[dreg:$0x0] =	wrdreg $0x0  }
0x20: {  	s5 =	sshll.u32 s28, $0x1;
	[dreg:$0x2] =	wrdreg s3  }
0x21: {  	[dreg:$0x3] =	wrdreg s5  }
0x22: {  	[dreg:$0x4] =	wrdreg $0xC0  }
0x23: {  	_ =	task [dreg:s7], $0x5FFFF  }
0x24: {  	[dreg:$0x1] =	wrdreg $0xFFFFFFFF  }
0x25: {  	[dreg:$0x0] =	wrdreg $0x60  }
0x26: {  	[dreg:$0x2] =	wrdreg s25  }
0x27: {  	[dreg:$0x3] =	wrdreg s2  }
0x28: {  	[dreg:$0x4] =	wrdreg $0x9  }
0x29: {  	_ =	task.clear_ibuf [dreg:s7], $0x5FFFF;
	_ =	strace $0x9000004C  }
0x2a: {  	s29 =	simm.s32 $0x9;
	_ =	strace $0x8000004E  }
0x2b: {  	_ =	swait.ge [sflag:s29], $0x1  }
0x2c: {  	[sflag:s29] =	ssyncadd.s32 $0xFFFFFFFF  }
0x2d: {  	_ =	strace $0x9000004E  }
0x2e: {  	_ =	sfence  }
0x2f: {  	s30 =	sld [smem:$0x0];
	_ =	sdelay $0x2  }
0x30: {  	s31 =	sshll.u32 s1, $0xD;
	s1 =	sshrl.u32 s1, $0x2  }
0x31: {  	s3 =	sand.u32 $0x4000, s31;
	s1 =	sadd.s32 s1, s30  }
0x32: {  	s0 =	sor.u32 s3, s0;
	s1 =	sshll.u32 s1, $0x11  }
0x33: {  	s0 =	sor.u32 s1, s0  }
0x34: {  	s0 =	sadd.s32 $0x8F2B, s0  }
0x35: {  	[sflag:s0] =	ssyncadd.remote.s32 $0x1  }
0x36: {  	_ =	sfence.sel $0xFFFF  }
0x37: {  	[dreg:$0x0] =	wrdreg $0xFFFFFFFF;
	(pc) =	sbr.abs _section_cstart, $3  }
0x38: {  	[dreg:$0x1] =	wrdreg $0xFFFFFFFF  }
0x39: {  	_ =	task.clear_ibuf [dreg:s7], $0x2FFFF;
	_ =	strace $0x9FFFFFFF  }
0x3a: {  	(tm) =	ssettm $0x7FFFFFFF  }
0x3b: {  	_ =	shalt  }
tec
execute0_lowered:
.L_overlay_start_1:
0x0: {  	(tag) =	ssettag $0x1  }
0x1: {  	s0 =	srdreg.scid  }
0x2: {  	s1 =	sshll.u32 s0, $0x4  }
0x3: {  	s0 =	stileid.u32;
	s1 =	sand.u32 $0x10, s1  }
0x4: {  	s7 =	rddreg [dreg:$0x0];
	s1 =	sor.u32 s0, s1  }
0x5: {  	s4 =	simm.s32 $0x1;
	s8 =	simm.s32 $0x2;
	s2 =	sshll.u32 s1, $0x7  }
0x6: {  	s13 =	simm.s32 $0x0;
	s9 =	simm.s32 $0x20000;
	s1 =	ssub.s32 $0x4000, s2  }
0x7: {  	s14 =	simm.s32 $0x0;
	s11 =	simm.s32 $0x0;
	s3 =	sand.u32 $0xF80, s1  }
0x8: {  	s12 =	simm.s32 $0x0;
	s5 =	sshrl.u32 s1, $0xC;
	p0 =	sne.s32 s3, $0x0  }
.Ltmp0:
0x9: {  	s1 =	rddreg [dreg:$0x2];
	s4 =	simm.s32 @!p0 $0x0;
	(pc) =	sbr.rel .LBB1_1-.Ltmp0, $4  }
0xa: {  	s6 =	sadd.s32 $0xE00, s7;
	s3 =	rddreg [dreg:$0x1];
	s5 =	sadd.s32 s4, s5  }
0xb: {  	_ =	strace $0x8000004D;
	s4 =	simm.s32 $0x1;
	s5 =	smul.u32 $0xD, s5  }
0xc: {  	s7 =	sadd.s32 $0x40E00, s7;
	s10 =	smov.u32 s2;
	[sflag:s4] =	ssyncpa.u1 $0x0  }
0xd: {  	p0 =	por $0x0, $0x0;
	[sflag:s8] =	ssyncpa.u1 $0x0;
	s8 =	sadd.s32 $0x1, s5  }
.LBB1_7:
0xe: {  	s15 =	sadd.s32 $0x1000, s10  }
0xf: {  	s13 =	sadd.s32 $0x2, s11;
	s17 =	smov.u32 s11;
	p2 =	sgt.s32 s15, $0x3FFF  }
0x10: {  	s17 =	smov.u32 @p2 s13  }
0x11: {  	s15 =	smov.u32 @p2 s2;
	p2 =	sgt.s32 s17, $0x19  }
0x12: {  	s17 =	simm.s32 @p2 $0x0;
	p2 =	sne.s32 s12, s8  }
.Ltmp1:
0x13: {  	p1 =	slt.u32 s12, $0x2;
	(pc) =	sbr.rel @!p2 .LBB1_8-.Ltmp1, $4  }
0x14: {  	s16 =	simm.s32 @!p1 $0x2  }
0x15: {  	s14 =	smov.u32 s11;
	p0 =	por !p0, !p0;
	_ =	swait.ge @!p1 [sflag:s16], $0x2000  }
0x16: {  	s13 =	smov.u32 s10;
	[sflag:s16] =	ssyncset.done @!p1 $0x0;
	s10 =	smov.u32 s15  }
0x17: {  	s12 =	sadd.s32 $0x1, s12;
	[sflag:s16] =	ssyncadd.s32 @!p1 $0xFFFFE000;
	s11 =	smov.u32 s17  }
.LBB1_1:
0x18: {  	p1 =	sge.u32 s12, s5  }
0x19: {  	s15 =	sxor.u32 @!p1 $0xFFFFFFFF, s12;
	s16 =	sshll.u32 @!p1 s11, $0x12  }
0x1a: {  	s17 =	sshll.u32 @!p1 s10, $0x4;
	s19 =	simm.s32 @!p1 $0x20;
	s20 =	simm.s32 @!p1 $0x80  }
0x1b: {  	s15 =	sshll.u32 @!p1 s15, $0xD;
	s17 =	sand.u32 @!p1 $0x3FFF0, s17;
	s18 =	sadd.s32 @!p1 s6, s16  }
0x1c: {  	s16 =	sadd.s32 @!p1 s16, s7;
	s15 =	sand.u32 @!p1 $0x2000, s15;
	s18 =	sadd.s32 @!p1 s17, s18  }
0x1d: {  	[tilespmem:s15], [sflag:$0x1] =	stream.strided.gather @!p1 [hbm4b:s18+s19], $0x1000, s20, s19, $0x38;
	[tilespmem:$0x8080] =	vst v63  }
0x1e: {  	s31 =	sadd.s32 $0xFFFFFFFF, s12;
	s16 =	sadd.s32 @!p1 s17, s16;
	s15 =	sor.u32 @!p1 $0x1000, s15  }
0x1f: {  	[tilespmem:s15], [sflag:$0x1] =	stream.strided.gather @!p1 [hbm4b:s16+s19], $0x1000, s20, s19, $0x38;
	[tilespmem:$0x8080] =	vst v63  }
0x20: {  	p1 =	sge.u32 s31, s5  }
.Ltmp2:
0x21: {  	_ = 	snop;
	(pc) =	sbr.rel @p1 .LBB1_7-.Ltmp2, $1  }
0x22: {  	_ =	sdelay $0x3  }
0x23: {  	s15 =	simm.s32 $0x1;
	s17 =	sand.u32 $0x1, s12  }
0x24: {  	_ =	swait.ge [sflag:s4], $0x2000;
	s15 =	simm.s32 @!p0 $0x0;
	s17 =	smul.u32 $0x8100, s17  }
0x25: {  	p2 =	por $0x1, $0x1;
	[sflag:s4] =	ssyncset.done $0x0;
	s16 =	smul.u32 $0x8100, s15  }
0x26: {  	s18 =	sshll.u32 s15, $0xF;
	[sflag:s4] =	ssyncadd.s32 $0xFFFFE000;
	s30 =	sshrl.u32 s17, $0x2  }
0x27: {  	s31 =	sshrl.u32 s18, $0x2;
	s18 =	simm.s32 $0x0;
	s16 =	sshrl.u32 s16, $0x2  }
0x28: {  	s15 =	sor.u32 $0x4000, s30;
	s17 =	sadd.s32 $0x10, s31;
	s16 =	sor.u32 $0x4000, s16  }
.LBB1_3:
0x29: {  	s19 =	sshll.u32 s18, $0xC  }
0x2a: {  	s19 =	sand.u32 $0x3FFFF000, s19  }
0x2b: {  	s20 =	sadd.s32 s19, s17  }
0x2c: {  	s31 =	smul.u32 $0x4080, s18;
	v1 =	vld [tilespmem:s20+$0x0]  }
0x2d: {  	v0 =	vld [tilespmem:s20+$0xFFFFFFF0]  }
0x2e: {  	s18 =	sshra.s32 s31, $0x2  }
0x2f: {  	s18 =	sadd.s32 s18, s16  }
0x30: {  	s21 =	sadd.s32 $0x0, s18  }
0x31: {  	p1 =	por p2, p2;
	s19 =	simm.s32 $0x4;
	s20 =	sadd.s32 $0x20, s20;
	[tilespmem:s21+$0x810 ss:$0x81] =	vst.msk $0xffff, v1  }
.LBB1_4:
0x32: {  	v1 =	vld [tilespmem:s20+$0x0];
	p2 =	sne.s32 s19, $0x1FC;
	[tilespmem:s21+$0x0 ss:$0x81] =	vst.msk $0xffff, v0;
	s21 =	smov.u32 s19;
	s19 =	sadd.s32 $0x4, s19  }
.Ltmp3:
0x33: {  	v0 =	vld [tilespmem:s20+$0xFFFFFFF0];
	(pc) =	sbr.rel @p2 .LBB1_4-.Ltmp3, $4  }
0x34: {  	_ = 	snop  }
0x35: {  	s21 =	sshra.s32 s21, $0x2  }
0x36: {  	s21 =	sadd.s32 s21, s18  }
0x37: {  	s20 =	sadd.s32 $0x20, s20;
	[tilespmem:s21+$0x810 ss:$0x81] =	vst.msk $0xffff, v1  }
.Ltmp4:
0x38: {  	(pc) =	sbr.rel @p1 .LBB1_3-.Ltmp4, $2  }
0x39: {  	_ =	sdelay $0x2  }
0x3a: {  	[tilespmem:s21+$0x0 ss:$0x81] =	vst.msk $0xffff, v0;
	s18 =	simm.s32 $0x1;
	p2 =	por $0x0, $0x0  }
0x3b: {  	s16 =	sshll.u32 s13, $0x3;
	s17 =	sand.u32 $0x78, s13;
	s14 =	sshll.u32 s14, $0x10  }
.Ltmp5:
0x3c: {  	s30 =	sand.u32 $0xF800, s13;
	s16 =	sand.u32 $0x3C00, s16;
	(pc) =	sbr.rel .LBB1_7-.Ltmp5, $4  }
0x3d: {  	s31 =	sand.u32 $0x7, s13;
	s14 =	sadd.s32 s3, s14;
	s16 =	sor.u32 s17, s16  }
0x3e: {  	s13 =	sshll.u32 s31, $0x12;
	s14 =	sadd.s32 s30, s14;
	s16 =	sshrl.u32 s16, $0x3  }
0x3f: {  	s13 =	sor.u32 $0x400, s13;
	s14 =	sadd.s32 s16, s14  }
0x40: {  	[hbm4b:s14+s13] =	stream.strided.scatter [tilespmem:s15], [sflag:$0x2], $0x2000, s9, s13, $0x20;
	[tilespmem:$0x8080] =	vst v63  }
.LBB1_8:
0x41: {  	_ =	sfence.sel $0x180000  }
0x42: {  	s2 =	simm.s32 $0x1;
	[bflag:$0x0] =	sbarrier.arrive $0xFFFF  }
0x43: {  	s31 =	simm.s32 $0x2;
	[sflag:s2] =	ssyncpa.u1 $0x1  }
0x44: {  	[sflag:s31] =	ssyncpa.u1 $0x1  }
0x45: {  	p0 =	sne.s32 s0, $0x0;
	_ =	strace $0x9000004D  }
0x46: {  	s0 =	sadd.s32 @!p0 $0x100000, s1;
	[bflag:$0x2] =	sbarrier.arrive $0xFFFF  }
0x47: {  	[sflag:s0] =	ssyncadd.tile.s32 @!p0 $0x1;
	_ =	shalt  }
.Lfunc_end1:
_tile_overlayer_lowered:
.L_overlay_start_2:
0x48: {  	(tag) =	ssettag $0x2  }
0x49: {  	s0 =	rddreg [dreg:$0x0];
	s2 =	stileid.u32  }
0x4a: {  	s1 =	rddreg [dreg:$0x1];
	p0 =	sne.s32 s2, $0x0  }
0x4b: {  	s3 =	rddreg [dreg:$0x2];
	[bflag:$0x3] =	sbarrier.arrive $0xFFFF;
	s2 =	simm.s32 @!p0 $0x1C01  }
0x4c: {  	[timem:s3], [sflag:s2] =	dma.local @!p0 [hbm:s0], s1  }
0x4d: {  	s0 =	simm.s32 @!p0 $0x1  }
0x4e: {  	_ =	swait.ge @!p0 [sflag:s0], s1  }
0x4f: {  	s1 =	ssub.s32 @!p0 $0x0, s1;
	[sflag:s0] =	ssyncset.done @!p0 $0x0  }
0x50: {  	[sflag:s0] =	ssyncadd.s32 @!p0 s1  }
0x51: {  	[bflag:$0x3] =	sbarrier.arrive $0xFFFF  }
0x52: {  	_ =	shalt  }

</sc_bundles>
